<compile_context>
chip_gen: v7x
topology: tpu7x:2x2x1
jax: 0.10.2.dev20260603
libtpu: 0.0.44.dev20260713+nightly
codegen_flags: <defaults>
</compile_context>

<pallas_src>
import functools
import jax
import jax.numpy as jnp
from jax import lax
from jax.experimental import pallas as pl
from jax.experimental.pallas import tpu as pltpu
from jax.experimental.pallas import tpu_sc as plsc

_POOL_SIZE = 200
_HALF = 128
_B = 16384
_K = 64
_NC, _NS = 2, 16
_NW = _NC * _NS
_ROWS_PER_W = _B // _NW
_CHUNK = 128
_NCHUNK = _ROWS_PER_W // _CHUNK
_NBUF = 2
_L = 16


@functools.cache
def _build_neg_sample():
    @functools.partial(
        pl.kernel,
        out_type=jax.ShapeDtypeStruct((_K, _B), jnp.int32),
        mesh=plsc.VectorSubcoreMesh(core_axis_name="c", subcore_axis_name="s",
                                    num_cores=_NC, num_subcores=_NS),
        scratch_types=[
            pltpu.VMEM((_ROWS_PER_W,), jnp.int32),
            pltpu.VMEM((_NBUF, _CHUNK, _HALF), jnp.int32),
            pltpu.VMEM((_NBUF, _CHUNK, _HALF), jnp.int32),
            pltpu.VMEM((_NBUF, _K, _CHUNK), jnp.int32),
            pltpu.VMEM((_NBUF, _K, _CHUNK), jnp.int32),
            pltpu.SemaphoreType.DMA,
            pltpu.SemaphoreType.DMA,
        ],
        compiler_params=pltpu.CompilerParams(use_tc_tiling_on_sc=True,
                                             needs_layout_passes=False,
                                             disable_bounds_checks=True),
    )
    def _neg_sample(uid_hbm, pool_hbm, idxt_hbm, outt_hbm,
                    uid_v, lo_v, hi_v, idx_v, out_v, sem_in, sem_out):
        wid = lax.axis_index("s") * _NC + lax.axis_index("c")
        base_w = wid * _ROWS_PER_W
        pltpu.sync_copy(uid_hbm.at[pl.ds(base_w, _ROWS_PER_W)], uid_v)
        hi_start = pl.multiple_of(wid * 0 + _HALF, _HALF)

        def fire(c):
            buf = c % _NBUF
            base = base_w + c * _CHUNK
            uids = uid_v.at[pl.ds(c * _CHUNK, _CHUNK)]
            pltpu.async_copy(
                pool_hbm.at[uids, pl.ds(0, _HALF)], lo_v.at[buf], sem_in)
            pltpu.async_copy(
                pool_hbm.at[uids, pl.ds(hi_start, _HALF)], hi_v.at[buf],
                sem_in)
            pltpu.async_copy(
                idxt_hbm.at[:, pl.ds(base, _CHUNK)], idx_v.at[buf], sem_in)

        def drain_in(c):
            buf = c % _NBUF
            base = base_w + c * _CHUNK
            uids = uid_v.at[pl.ds(c * _CHUNK, _CHUNK)]
            pltpu.make_async_copy(
                pool_hbm.at[uids, pl.ds(0, _HALF)], lo_v.at[buf],
                sem_in).wait()
            pltpu.make_async_copy(
                pool_hbm.at[uids, pl.ds(hi_start, _HALF)], hi_v.at[buf],
                sem_in).wait()
            pltpu.make_async_copy(
                idxt_hbm.at[:, pl.ds(base, _CHUNK)], idx_v.at[buf],
                sem_in).wait()

        fire(0)
        for c in range(_NCHUNK):
            if c + 1 < _NCHUNK:
                fire(c + 1)
            drain_in(c)
            buf = c % _NBUF
            if c >= _NBUF:
                pltpu.make_async_copy(
                    out_v.at[buf],
                    outt_hbm.at[:, pl.ds(base_w + (c - _NBUF) * _CHUNK,
                                         _CHUNK)], sem_out).wait()

            @plsc.parallel_loop(0, _K * (_CHUNK // _L), unroll=8)
            def row_body(t):
                j = lax.shift_right_logical(t, 3)
                bb = jnp.bitwise_and(t, (_CHUNK // _L) - 1) * _L
                brows = lax.iota(jnp.int32, _L) + bb
                cols = idx_v[buf, j, pl.ds(bb, _L)]
                in_lo = cols < _HALF
                cols_mod = jnp.bitwise_and(cols, _HALF - 1)
                vals_lo = plsc.load_gather(lo_v.at[buf], [brows, cols_mod])
                vals_hi = plsc.load_gather(hi_v.at[buf], [brows, cols_mod])
                out_v[buf, j, pl.ds(bb, _L)] = jnp.where(
                    in_lo, vals_lo, vals_hi)
            pltpu.async_copy(
                out_v.at[buf],
                outt_hbm.at[:, pl.ds(base_w + c * _CHUNK, _CHUNK)], sem_out)
        for c in range(max(_NCHUNK - _NBUF, 0), _NCHUNK):
            pltpu.make_async_copy(
                out_v.at[c % _NBUF],
                outt_hbm.at[:, pl.ds(base_w + c * _CHUNK, _CHUNK)],
                sem_out).wait()

    return _neg_sample


def kernel(user_id, pool, idx_k, ones_base):
    neg_t = _build_neg_sample()(user_id, pool, idx_k.T)
    log_q = -jnp.log(_POOL_SIZE * ones_base)
    return neg_t.T, log_q

# --- scband reference (transcript-rebuilt; emitter-appended) ---
"""Pipeline reference for scband-two-pass-33432025432256 (READ-ONLY COPY).

The authoritative reference and input builder live on the scoring server;
editing this copy changes nothing except your own understanding.
"""

import jax, jax.numpy as jnp
import numpy as np

POOL_SIZE = 200

def setup_inputs(seed: int = 0) -> dict:
    key = jax.random.key(seed)
    k1, k2, k3 = jax.random.split(key, 3)
    user_id = jax.random.randint(k1, (16384,), 0, 100000, dtype=jnp.int32)
    pool = jax.random.randint(k2, (100000, POOL_SIZE), 0, 1000000, dtype=jnp.int32)
    idx_k = jax.random.randint(k3, (16384, 64), 0, POOL_SIZE, dtype=jnp.int32)
    ones_base = jnp.ones((16384, 64), dtype=jnp.float32)
    return {"user_id": user_id, "pool": pool, "idx_k": idx_k, "ones_base": ones_base}

def reference(user_id, pool, idx_k, ones_base):
    # two_pass.forward: candidates = self.pool[user_id]
    candidates = jnp.take(pool, user_id, axis=0)            # [B, pool_size]
    # idx_k ~ randint(0, pool_size, (B, num_neg)) materialized as input
    neg_items = jnp.take_along_axis(candidates, idx_k, axis=1)  # [B, num_neg]
    log_q = -jnp.log(POOL_SIZE * ones_base)                  # [B, num_neg]
    return neg_items, log_q

if __name__ == "__main__":
    import jax
    _d = setup_inputs()
    print(jax.jit(kernel)(*tuple(_d.values())))

</pallas_src>

<mosaic_0001>
#map = affine_map<(d0, d1) -> (0)>
#map1 = affine_map<(d0, d1) -> (0, 0)>
module attributes {stable_mosaic.version = 14 : i64} {
  func.func @_neg_sample(%arg0: i32, %arg1: i32, %arg2: memref<16384xi32, #tpu.memory_space<hbm>>, %arg3: memref<100000x200xi32, #tpu.memory_space<hbm>>, %arg4: memref<64x16384xi32, #tpu.memory_space<hbm>>, %arg5: memref<64x16384xi32, #tpu.memory_space<hbm>>, %arg6: memref<512xi32, #tpu.memory_space<vmem>>, %arg7: memref<2x128x128xi32, #tpu.memory_space<vmem>>, %arg8: memref<2x128x128xi32, #tpu.memory_space<vmem>>, %arg9: memref<2x64x128xi32, #tpu.memory_space<vmem>>, %arg10: memref<2x64x128xi32, #tpu.memory_space<vmem>>, %arg11: memref<!tpu.dma_semaphore, #tpu.memory_space<semaphore_mem>>, %arg12: memref<!tpu.dma_semaphore, #tpu.memory_space<semaphore_mem>>) attributes {dimension_semantics = [#tpu.dimension_semantics<core_parallel>, #tpu.dimension_semantics<subcore_parallel>], iteration_bounds = array<i64: 2, 16>, scalar_prefetch = 0 : i64, scratch_operands = 7 : i64, tpu.core_type = #tpu.core_type<sc_vector_subcore>, window_params = [{transform_indices = #map}, {transform_indices = #map1}, {transform_indices = #map1}, {transform_indices = #map1}]} {
    %mul3A = arith.constant 2 : i32
    %mul3A_0 = arith.muli %arg1, %mul3A : i32
    %add3A = arith.addi %mul3A_0, %arg0 : i32
    %mul3A_1 = arith.constant 512 : i32
    %mul3A_2 = arith.muli %add3A, %mul3A_1 : i32
    "tpu.region"() ({
      %run_scoped3A = tpu.sem_alloc : memref<!tpu.dma_semaphore, #tpu.memory_space<semaphore_mem>>
      %dma_start3A_408 = tpu.memref_slice %arg2[%mul3A_2] : memref<16384xi32, #tpu.memory_space<hbm>> -> memref<512xi32, #tpu.memory_space<hbm>>
      %dma_start3A_409 = tpu.memref_slice %arg2[%mul3A_2] : memref<16384xi32, #tpu.memory_space<hbm>> -> memref<512xi32, #tpu.memory_space<hbm>>
      tpu.enqueue_dma source(%dma_start3A_409 : memref<512xi32, #tpu.memory_space<hbm>>) target(%arg6 : memref<512xi32, #tpu.memory_space<vmem>>) target_semaphore(%run_scoped3A : memref<!tpu.dma_semaphore, #tpu.memory_space<semaphore_mem>>)
      %dma_wait3A_410 = tpu.memref_slice %arg2[%mul3A_2] : memref<16384xi32, #tpu.memory_space<hbm>> -> memref<512xi32, #tpu.memory_space<hbm>>
      %dma_wait3A_411 = tpu.memref_slice %arg2[%mul3A_2] : memref<16384xi32, #tpu.memory_space<hbm>> -> memref<512xi32, #tpu.memory_space<hbm>>
      tpu.wait_dma2 semaphore(%run_scoped3A : memref<!tpu.dma_semaphore, #tpu.memory_space<semaphore_mem>>) src(%dma_wait3A_411 : memref<512xi32, #tpu.memory_space<hbm>>) dst(%arg6 : memref<512xi32, #tpu.memory_space<vmem>>)
      tpu.yield
    }) : () -> ()
    %mul3A_3 = arith.constant 0 : i32
    %mul3A_4 = arith.muli %add3A, %mul3A_3 : i32
    %add3A_5 = arith.constant 128 : i32
    %add3A_6 = arith.addi %mul3A_4, %add3A_5 : i32
    %multiple_of3A = tpu.assume_multiple %add3A_6, 128 : i32
    %add3A_7 = arith.constant 0 : i32
    %add3A_8 = arith.addi %mul3A_2, %add3A_7 : i32
    %dma_start3A = arith.constant 0 : i32
    %dma_start3A_9 = arith.constant 0 : i32
    %dma_start3A_10 = arith.constant 0 : i32
    %dma_start3A_11 = tpu.memref_slice %arg7[%dma_start3A, %dma_start3A_9, %dma_start3A_10] : memref<2x128x128xi32, #tpu.memory_space<vmem>> -> memref<1x128x128xi32, #tpu.memory_space<vmem>>
    %dma_start3A_12 = tpu.memref_squeeze %dma_start3A_11 : memref<1x128x128xi32, #tpu.memory_space<vmem>> -> memref<128x128xi32, #tpu.memory_space<vmem>>
    %dma_start3A_13 = arith.constant 0 : i32
    %dma_start3A_14 = tpu.memref_slice %arg6[%dma_start3A_13] : memref<512xi32, #tpu.memory_space<vmem>> -> memref<128xi32, #tpu.memory_space<vmem>>
    %dma_start3A_15 = arith.constant 0 : i32
    %dma_start3A_16 = arith.constant 0 : i32
    %dma_start3A_17 = tpu.memref_slice %arg3[%dma_start3A_15, %dma_start3A_16] : memref<100000x200xi32, #tpu.memory_space<hbm>> -> memref<100000x128xi32, #tpu.memory_space<hbm>>
    tpu.enqueue_indirect_dma source(%dma_start3A_17 : memref<100000x128xi32, #tpu.memory_space<hbm>>) target(%dma_start3A_12 : memref<128x128xi32, #tpu.memory_space<vmem>>) offsets(%dma_start3A_14 : memref<128xi32, #tpu.memory_space<vmem>>) semaphore(%arg11 : memref<!tpu.dma_semaphore, #tpu.memory_space<semaphore_mem>>)
    %dma_start3A_18 = arith.constant 0 : i32
    %dma_start3A_19 = arith.constant 0 : i32
    %dma_start3A_20 = arith.constant 0 : i32
    %dma_start3A_21 = tpu.memref_slice %arg8[%dma_start3A_18, %dma_start3A_19, %dma_start3A_20] : memref<2x128x128xi32, #tpu.memory_space<vmem>> -> memref<1x128x128xi32, #tpu.memory_space<vmem>>
    %dma_start3A_22 = tpu.memref_squeeze %dma_start3A_21 : memref<1x128x128xi32, #tpu.memory_space<vmem>> -> memref<128x128xi32, #tpu.memory_space<vmem>>
    %dma_start3A_23 = arith.constant 0 : i32
    %dma_start3A_24 = tpu.memref_slice %arg6[%dma_start3A_23] : memref<512xi32, #tpu.memory_space<vmem>> -> memref<128xi32, #tpu.memory_space<vmem>>
    %dma_start3A_25 = arith.constant 0 : i32
    %dma_start3A_26 = tpu.memref_slice %arg3[%dma_start3A_25, %multiple_of3A] : memref<100000x200xi32, #tpu.memory_space<hbm>> -> memref<100000x128xi32, #tpu.memory_space<hbm>>
    tpu.enqueue_indirect_dma source(%dma_start3A_26 : memref<100000x128xi32, #tpu.memory_space<hbm>>) target(%dma_start3A_22 : memref<128x128xi32, #tpu.memory_space<vmem>>) offsets(%dma_start3A_24 : memref<128xi32, #tpu.memory_space<vmem>>) semaphore(%arg11 : memref<!tpu.dma_semaphore, #tpu.memory_space<semaphore_mem>>)
    %dma_start3A_27 = arith.constant 0 : i32
    %dma_start3A_28 = arith.constant 0 : i32
    %dma_start3A_29 = arith.constant 0 : i32
    %dma_start3A_30 = tpu.memref_slice %arg9[%dma_start3A_27, %dma_start3A_28, %dma_start3A_29] : memref<2x64x128xi32, #tpu.memory_space<vmem>> -> memref<1x64x128xi32, #tpu.memory_space<vmem>>
    %dma_start3A_31 = tpu.memref_squeeze %dma_start3A_30 : memref<1x64x128xi32, #tpu.memory_space<vmem>> -> memref<64x128xi32, #tpu.memory_space<vmem>>
    %dma_start3A_32 = arith.constant 0 : i32
    %dma_start3A_33 = tpu.memref_slice %arg4[%dma_start3A_32, %add3A_8] : memref<64x16384xi32, #tpu.memory_space<hbm>> -> memref<64x128xi32, #tpu.memory_space<hbm>>
    %dma_start3A_34 = arith.constant 0 : i32
    %dma_start3A_35 = arith.constant 0 : i32
    %dma_start3A_36 = tpu.memref_slice %arg9[%dma_start3A_27, %dma_start3A_34, %dma_start3A_35] : memref<2x64x128xi32, #tpu.memory_space<vmem>> -> memref<1x64x128xi32, #tpu.memory_space<vmem>>
    %dma_start3A_37 = tpu.memref_squeeze %dma_start3A_36 : memref<1x64x128xi32, #tpu.memory_space<vmem>> -> memref<64x128xi32, #tpu.memory_space<vmem>>
    %dma_start3A_38 = arith.constant 0 : i32
    %dma_start3A_39 = tpu.memref_slice %arg4[%dma_start3A_38, %add3A_8] : memref<64x16384xi32, #tpu.memory_space<hbm>> -> memref<64x128xi32, #tpu.memory_space<hbm>>
    tpu.enqueue_dma source(%dma_start3A_39 : memref<64x128xi32, #tpu.memory_space<hbm>>) target(%dma_start3A_37 : memref<64x128xi32, #tpu.memory_space<vmem>>) target_semaphore(%arg11 : memref<!tpu.dma_semaphore, #tpu.memory_space<semaphore_mem>>)
    %add3A_40 = arith.constant 128 : i32
    %add3A_41 = arith.addi %mul3A_2, %add3A_40 : i32
    %dma_start3A_42 = arith.constant 1 : i32
    %dma_start3A_43 = arith.constant 0 : i32
    %dma_start3A_44 = arith.constant 0 : i32
    %dma_start3A_45 = tpu.memref_slice %arg7[%dma_start3A_42, %dma_start3A_43, %dma_start3A_44] : memref<2x128x128xi32, #tpu.memory_space<vmem>> -> memref<1x128x128xi32, #tpu.memory_space<vmem>>
    %dma_start3A_46 = tpu.memref_squeeze %dma_start3A_45 : memref<1x128x128xi32, #tpu.memory_space<vmem>> -> memref<128x128xi32, #tpu.memory_space<vmem>>
    %dma_start3A_47 = arith.constant 128 : i32
    %dma_start3A_48 = tpu.memref_slice %arg6[%dma_start3A_47] : memref<512xi32, #tpu.memory_space<vmem>> -> memref<128xi32, #tpu.memory_space<vmem>>
    %dma_start3A_49 = arith.constant 0 : i32
    %dma_start3A_50 = arith.constant 0 : i32
    %dma_start3A_51 = tpu.memref_slice %arg3[%dma_start3A_49, %dma_start3A_50] : memref<100000x200xi32, #tpu.memory_space<hbm>> -> memref<100000x128xi32, #tpu.memory_space<hbm>>
    tpu.enqueue_indirect_dma source(%dma_start3A_51 : memref<100000x128xi32, #tpu.memory_space<hbm>>) target(%dma_start3A_46 : memref<128x128xi32, #tpu.memory_space<vmem>>) offsets(%dma_start3A_48 : memref<128xi32, #tpu.memory_space<vmem>>) semaphore(%arg11 : memref<!tpu.dma_semaphore, #tpu.memory_space<semaphore_mem>>)
    %dma_start3A_52 = arith.constant 1 : i32
    %dma_start3A_53 = arith.constant 0 : i32
    %dma_start3A_54 = arith.constant 0 : i32
    %dma_start3A_55 = tpu.memref_slice %arg8[%dma_start3A_52, %dma_start3A_53, %dma_start3A_54] : memref<2x128x128xi32, #tpu.memory_space<vmem>> -> memref<1x128x128xi32, #tpu.memory_space<vmem>>
    %dma_start3A_56 = tpu.memref_squeeze %dma_start3A_55 : memref<1x128x128xi32, #tpu.memory_space<vmem>> -> memref<128x128xi32, #tpu.memory_space<vmem>>
    %dma_start3A_57 = arith.constant 128 : i32
    %dma_start3A_58 = tpu.memref_slice %arg6[%dma_start3A_57] : memref<512xi32, #tpu.memory_space<vmem>> -> memref<128xi32, #tpu.memory_space<vmem>>
    %dma_start3A_59 = arith.constant 0 : i32
    %dma_start3A_60 = tpu.memref_slice %arg3[%dma_start3A_59, %multiple_of3A] : memref<100000x200xi32, #tpu.memory_space<hbm>> -> memref<100000x128xi32, #tpu.memory_space<hbm>>
    tpu.enqueue_indirect_dma source(%dma_start3A_60 : memref<100000x128xi32, #tpu.memory_space<hbm>>) target(%dma_start3A_56 : memref<128x128xi32, #tpu.memory_space<vmem>>) offsets(%dma_start3A_58 : memref<128xi32, #tpu.memory_space<vmem>>) semaphore(%arg11 : memref<!tpu.dma_semaphore, #tpu.memory_space<semaphore_mem>>)
    %dma_start3A_61 = arith.constant 1 : i32
    %dma_start3A_62 = arith.constant 0 : i32
    %dma_start3A_63 = arith.constant 0 : i32
    %dma_start3A_64 = tpu.memref_slice %arg9[%dma_start3A_61, %dma_start3A_62, %dma_start3A_63] : memref<2x64x128xi32, #tpu.memory_space<vmem>> -> memref<1x64x128xi32, #tpu.memory_space<vmem>>
    %dma_start3A_65 = tpu.memref_squeeze %dma_start3A_64 : memref<1x64x128xi32, #tpu.memory_space<vmem>> -> memref<64x128xi32, #tpu.memory_space<vmem>>
    %dma_start3A_66 = arith.constant 0 : i32
    %dma_start3A_67 = tpu.memref_slice %arg4[%dma_start3A_66, %add3A_41] : memref<64x16384xi32, #tpu.memory_space<hbm>> -> memref<64x128xi32, #tpu.memory_space<hbm>>
    %dma_start3A_68 = arith.constant 0 : i32
    %dma_start3A_69 = arith.constant 0 : i32
    %dma_start3A_70 = tpu.memref_slice %arg9[%dma_start3A_61, %dma_start3A_68, %dma_start3A_69] : memref<2x64x128xi32, #tpu.memory_space<vmem>> -> memref<1x64x128xi32, #tpu.memory_space<vmem>>
    %dma_start3A_71 = tpu.memref_squeeze %dma_start3A_70 : memref<1x64x128xi32, #tpu.memory_space<vmem>> -> memref<64x128xi32, #tpu.memory_space<vmem>>
    %dma_start3A_72 = arith.constant 0 : i32
    %dma_start3A_73 = tpu.memref_slice %arg4[%dma_start3A_72, %add3A_41] : memref<64x16384xi32, #tpu.memory_space<hbm>> -> memref<64x128xi32, #tpu.memory_space<hbm>>
    tpu.enqueue_dma source(%dma_start3A_73 : memref<64x128xi32, #tpu.memory_space<hbm>>) target(%dma_start3A_71 : memref<64x128xi32, #tpu.memory_space<vmem>>) target_semaphore(%arg11 : memref<!tpu.dma_semaphore, #tpu.memory_space<semaphore_mem>>)
    %add3A_74 = arith.constant 0 : i32
    %add3A_75 = arith.addi %mul3A_2, %add3A_74 : i32
    %dma_wait3A = arith.constant 0 : i32
    %dma_wait3A_76 = arith.constant 0 : i32
    %dma_wait3A_77 = arith.constant 0 : i32
    %dma_wait3A_78 = tpu.memref_slice %arg7[%dma_wait3A, %dma_wait3A_76, %dma_wait3A_77] : memref<2x128x128xi32, #tpu.memory_space<vmem>> -> memref<1x128x128xi32, #tpu.memory_space<vmem>>
    %dma_wait3A_79 = tpu.memref_squeeze %dma_wait3A_78 : memref<1x128x128xi32, #tpu.memory_space<vmem>> -> memref<128x128xi32, #tpu.memory_space<vmem>>
    %dma_wait3A_80 = arith.constant 0 : i32
    %dma_wait3A_81 = tpu.memref_slice %arg6[%dma_wait3A_80] : memref<512xi32, #tpu.memory_space<vmem>> -> memref<128xi32, #tpu.memory_space<vmem>>
    %dma_wait3A_82 = arith.constant 0 : i32
    %dma_wait3A_83 = arith.constant 0 : i32
    %dma_wait3A_84 = tpu.memref_slice %arg3[%dma_wait3A_82, %dma_wait3A_83] : memref<100000x200xi32, #tpu.memory_space<hbm>> -> memref<100000x128xi32, #tpu.memory_space<hbm>>
    tpu.wait_indirect_dma semaphore(%arg11 : memref<!tpu.dma_semaphore, #tpu.memory_space<semaphore_mem>>) src(%dma_wait3A_84 : memref<100000x128xi32, #tpu.memory_space<hbm>>) dst(%dma_wait3A_79 : memref<128x128xi32, #tpu.memory_space<vmem>>)
    %dma_wait3A_85 = arith.constant 0 : i32
    %dma_wait3A_86 = arith.constant 0 : i32
    %dma_wait3A_87 = arith.constant 0 : i32
    %dma_wait3A_88 = tpu.memref_slice %arg8[%dma_wait3A_85, %dma_wait3A_86, %dma_wait3A_87] : memref<2x128x128xi32, #tpu.memory_space<vmem>> -> memref<1x128x128xi32, #tpu.memory_space<vmem>>
    %dma_wait3A_89 = tpu.memref_squeeze %dma_wait3A_88 : memref<1x128x128xi32, #tpu.memory_space<vmem>> -> memref<128x128xi32, #tpu.memory_space<vmem>>
    %dma_wait3A_90 = arith.constant 0 : i32
    %dma_wait3A_91 = tpu.memref_slice %arg6[%dma_wait3A_90] : memref<512xi32, #tpu.memory_space<vmem>> -> memref<128xi32, #tpu.memory_space<vmem>>
    %dma_wait3A_92 = arith.constant 0 : i32
    %dma_wait3A_93 = tpu.memref_slice %arg3[%dma_wait3A_92, %multiple_of3A] : memref<100000x200xi32, #tpu.memory_space<hbm>> -> memref<100000x128xi32, #tpu.memory_space<hbm>>
    tpu.wait_indirect_dma semaphore(%arg11 : memref<!tpu.dma_semaphore, #tpu.memory_space<semaphore_mem>>) src(%dma_wait3A_93 : memref<100000x128xi32, #tpu.memory_space<hbm>>) dst(%dma_wait3A_89 : memref<128x128xi32, #tpu.memory_space<vmem>>)
    %dma_wait3A_94 = arith.constant 0 : i32
    %dma_wait3A_95 = arith.constant 0 : i32
    %dma_wait3A_96 = arith.constant 0 : i32
    %dma_wait3A_97 = tpu.memref_slice %arg9[%dma_wait3A_94, %dma_wait3A_95, %dma_wait3A_96] : memref<2x64x128xi32, #tpu.memory_space<vmem>> -> memref<1x64x128xi32, #tpu.memory_space<vmem>>
    %dma_wait3A_98 = tpu.memref_squeeze %dma_wait3A_97 : memref<1x64x128xi32, #tpu.memory_space<vmem>> -> memref<64x128xi32, #tpu.memory_space<vmem>>
    %dma_wait3A_99 = arith.constant 0 : i32
    %dma_wait3A_100 = tpu.memref_slice %arg4[%dma_wait3A_99, %add3A_75] : memref<64x16384xi32, #tpu.memory_space<hbm>> -> memref<64x128xi32, #tpu.memory_space<hbm>>
    %dma_wait3A_101 = arith.constant 0 : i32
    %dma_wait3A_102 = arith.constant 0 : i32
    %dma_wait3A_103 = tpu.memref_slice %arg9[%dma_wait3A_94, %dma_wait3A_101, %dma_wait3A_102] : memref<2x64x128xi32, #tpu.memory_space<vmem>> -> memref<1x64x128xi32, #tpu.memory_space<vmem>>
    %dma_wait3A_104 = tpu.memref_squeeze %dma_wait3A_103 : memref<1x64x128xi32, #tpu.memory_space<vmem>> -> memref<64x128xi32, #tpu.memory_space<vmem>>
    %dma_wait3A_105 = arith.constant 0 : i32
    %dma_wait3A_106 = tpu.memref_slice %arg4[%dma_wait3A_105, %add3A_75] : memref<64x16384xi32, #tpu.memory_space<hbm>> -> memref<64x128xi32, #tpu.memory_space<hbm>>
    tpu.wait_dma2 semaphore(%arg11 : memref<!tpu.dma_semaphore, #tpu.memory_space<semaphore_mem>>) src(%dma_wait3A_106 : memref<64x128xi32, #tpu.memory_space<hbm>>) dst(%dma_wait3A_104 : memref<64x128xi32, #tpu.memory_space<vmem>>)
    %parallel_loop3A = arith.constant 0 : i32
    %parallel_loop3A_107 = arith.constant 512 : i32
    %parallel_loop3A_108 = arith.constant 1 : i32
    scf.for %parallel_loop3A_408 = %parallel_loop3A to %parallel_loop3A_107 step %parallel_loop3A_108  : i32 {
      %parallel_loop3A_409 = arith.constant 3 : i32
      %parallel_loop3A_410 = arith.shrui %parallel_loop3A_408, %parallel_loop3A_409 : i32
      %parallel_loop3A_411 = arith.constant 7 : i32
      %parallel_loop3A_412 = arith.andi %parallel_loop3A_408, %parallel_loop3A_411 : i32
      %parallel_loop3A_413 = arith.constant 16 : i32
      %parallel_loop3A_414 = arith.muli %parallel_loop3A_412, %parallel_loop3A_413 : i32
      %parallel_loop3A_415 = tpu.iota {dimensions = array<i32: 0>} : vector<16xi32>
      %parallel_loop3A_416 = vector.broadcast %parallel_loop3A_414 : i32 to vector<16xi32>
      %parallel_loop3A_417 = arith.addi %parallel_loop3A_415, %parallel_loop3A_416 : vector<16xi32>
      %parallel_loop3A_418 = arith.constant 0 : i32
      %parallel_loop3A_419 = arith.index_cast %parallel_loop3A_418 : i32 to index
      %parallel_loop3A_420 = arith.index_cast %parallel_loop3A_410 : i32 to index
      %parallel_loop3A_421 = arith.index_cast %parallel_loop3A_414 : i32 to index
      %parallel_loop3A_422 = tpu.vector_load %arg9[%parallel_loop3A_419, %parallel_loop3A_420, %parallel_loop3A_421] {strides = array<i32>} : memref<2x64x128xi32, #tpu.memory_space<vmem>>, vector<16xi32>,
      %parallel_loop3A_423 = arith.constant 128 : i32
      %parallel_loop3A_424 = vector.broadcast %parallel_loop3A_423 : i32 to vector<16xi32>
      %parallel_loop3A_425 = arith.cmpi slt, %parallel_loop3A_422, %parallel_loop3A_424 : vector<16xi32>
      %parallel_loop3A_426 = arith.constant 127 : i32
      %parallel_loop3A_427 = vector.broadcast %parallel_loop3A_426 : i32 to vector<16xi32>
      %parallel_loop3A_428 = arith.andi %parallel_loop3A_422, %parallel_loop3A_427 : vector<16xi32>
      %parallel_loop3A_429 = arith.constant 0 : i32
      %parallel_loop3A_430 = arith.constant 0 : i32
      %parallel_loop3A_431 = arith.constant 0 : i32
      %parallel_loop3A_432 = tpu.memref_slice %arg7[%parallel_loop3A_429, %parallel_loop3A_430, %parallel_loop3A_431] : memref<2x128x128xi32, #tpu.memory_space<vmem>> -> memref<1x128x128xi32, #tpu.memory_space<vmem>>
      %parallel_loop3A_433 = tpu.memref_squeeze %parallel_loop3A_432 : memref<1x128x128xi32, #tpu.memory_space<vmem>> -> memref<128x128xi32, #tpu.memory_space<vmem>>
      %parallel_loop3A_434 = tpu.vector_load_idx %parallel_loop3A_433[%parallel_loop3A_417, %parallel_loop3A_428] : memref<128x128xi32, #tpu.memory_space<vmem>>[vector<16xi32>, vector<16xi32>], vector<16xi32>,
      %parallel_loop3A_435 = arith.constant 0 : i32
      %parallel_loop3A_436 = arith.constant 0 : i32
      %parallel_loop3A_437 = arith.constant 0 : i32
      %parallel_loop3A_438 = tpu.memref_slice %arg8[%parallel_loop3A_435, %parallel_loop3A_436, %parallel_loop3A_437] : memref<2x128x128xi32, #tpu.memory_space<vmem>> -> memref<1x128x128xi32, #tpu.memory_space<vmem>>
      %parallel_loop3A_439 = tpu.memref_squeeze %parallel_loop3A_438 : memref<1x128x128xi32, #tpu.memory_space<vmem>> -> memref<128x128xi32, #tpu.memory_space<vmem>>
      %parallel_loop3A_440 = tpu.vector_load_idx %parallel_loop3A_439[%parallel_loop3A_417, %parallel_loop3A_428] : memref<128x128xi32, #tpu.memory_space<vmem>>[vector<16xi32>, vector<16xi32>], vector<16xi32>,
      %parallel_loop3A_441 = arith.select %parallel_loop3A_425, %parallel_loop3A_434, %parallel_loop3A_440 : vector<16xi1>, vector<16xi32>
      %parallel_loop3A_442 = arith.constant 0 : i32
      %parallel_loop3A_443 = arith.index_cast %parallel_loop3A_442 : i32 to index
      %parallel_loop3A_444 = arith.index_cast %parallel_loop3A_410 : i32 to index
      %parallel_loop3A_445 = arith.index_cast %parallel_loop3A_414 : i32 to index
      %parallel_loop3A_446 = tpu.vector_load %arg10[%parallel_loop3A_443, %parallel_loop3A_444, %parallel_loop3A_445] {strides = array<i32>} : memref<2x64x128xi32, #tpu.memory_space<vmem>>, vector<16xi32>,
      tpu.vector_store %arg10[%parallel_loop3A_443, %parallel_loop3A_444, %parallel_loop3A_445], %parallel_loop3A_441 {strides = array<i32>} : memref<2x64x128xi32, #tpu.memory_space<vmem>>, vector<16xi32>,
    } {sc.loop_unroll_factor = 8 : i64, sc.parallel_access}
    %add3A_109 = arith.constant 0 : i32
    %add3A_110 = arith.addi %mul3A_2, %add3A_109 : i32
    %dma_start3A_111 = arith.constant 0 : i32
    %dma_start3A_112 = arith.constant 0 : i32
    %dma_start3A_113 = arith.constant 0 : i32
    %dma_start3A_114 = tpu.memref_slice %arg10[%dma_start3A_111, %dma_start3A_112, %dma_start3A_113] : memref<2x64x128xi32, #tpu.memory_space<vmem>> -> memref<1x64x128xi32, #tpu.memory_space<vmem>>
    %dma_start3A_115 = tpu.memref_squeeze %dma_start3A_114 : memref<1x64x128xi32, #tpu.memory_space<vmem>> -> memref<64x128xi32, #tpu.memory_space<vmem>>
    %dma_start3A_116 = arith.constant 0 : i32
    %dma_start3A_117 = tpu.memref_slice %arg5[%dma_start3A_116, %add3A_110] : memref<64x16384xi32, #tpu.memory_space<hbm>> -> memref<64x128xi32, #tpu.memory_space<hbm>>
    %dma_start3A_118 = arith.constant 0 : i32
    %dma_start3A_119 = tpu.memref_slice %arg5[%dma_start3A_118, %add3A_110] : memref<64x16384xi32, #tpu.memory_space<hbm>> -> memref<64x128xi32, #tpu.memory_space<hbm>>
    %dma_start3A_120 = arith.constant 0 : i32
    %dma_start3A_121 = arith.constant 0 : i32
    %dma_start3A_122 = tpu.memref_slice %arg10[%dma_start3A_111, %dma_start3A_120, %dma_start3A_121] : memref<2x64x128xi32, #tpu.memory_space<vmem>> -> memref<1x64x128xi32, #tpu.memory_space<vmem>>
    %dma_start3A_123 = tpu.memref_squeeze %dma_start3A_122 : memref<1x64x128xi32, #tpu.memory_space<vmem>> -> memref<64x128xi32, #tpu.memory_space<vmem>>
    tpu.enqueue_dma source(%dma_start3A_123 : memref<64x128xi32, #tpu.memory_space<vmem>>) target(%dma_start3A_119 : memref<64x128xi32, #tpu.memory_space<hbm>>) target_semaphore(%arg12 : memref<!tpu.dma_semaphore, #tpu.memory_space<semaphore_mem>>)
    %add3A_124 = arith.constant 256 : i32
    %add3A_125 = arith.addi %mul3A_2, %add3A_124 : i32
    %dma_start3A_126 = arith.constant 0 : i32
    %dma_start3A_127 = arith.constant 0 : i32
    %dma_start3A_128 = arith.constant 0 : i32
    %dma_start3A_129 = tpu.memref_slice %arg7[%dma_start3A_126, %dma_start3A_127, %dma_start3A_128] : memref<2x128x128xi32, #tpu.memory_space<vmem>> -> memref<1x128x128xi32, #tpu.memory_space<vmem>>
    %dma_start3A_130 = tpu.memref_squeeze %dma_start3A_129 : memref<1x128x128xi32, #tpu.memory_space<vmem>> -> memref<128x128xi32, #tpu.memory_space<vmem>>
    %dma_start3A_131 = arith.constant 256 : i32
    %dma_start3A_132 = tpu.memref_slice %arg6[%dma_start3A_131] : memref<512xi32, #tpu.memory_space<vmem>> -> memref<128xi32, #tpu.memory_space<vmem>>
    %dma_start3A_133 = arith.constant 0 : i32
    %dma_start3A_134 = arith.constant 0 : i32
    %dma_start3A_135 = tpu.memref_slice %arg3[%dma_start3A_133, %dma_start3A_134] : memref<100000x200xi32, #tpu.memory_space<hbm>> -> memref<100000x128xi32, #tpu.memory_space<hbm>>
    tpu.enqueue_indirect_dma source(%dma_start3A_135 : memref<100000x128xi32, #tpu.memory_space<hbm>>) target(%dma_start3A_130 : memref<128x128xi32, #tpu.memory_space<vmem>>) offsets(%dma_start3A_132 : memref<128xi32, #tpu.memory_space<vmem>>) semaphore(%arg11 : memref<!tpu.dma_semaphore, #tpu.memory_space<semaphore_mem>>)
    %dma_start3A_136 = arith.constant 0 : i32
    %dma_start3A_137 = arith.constant 0 : i32
    %dma_start3A_138 = arith.constant 0 : i32
    %dma_start3A_139 = tpu.memref_slice %arg8[%dma_start3A_136, %dma_start3A_137, %dma_start3A_138] : memref<2x128x128xi32, #tpu.memory_space<vmem>> -> memref<1x128x128xi32, #tpu.memory_space<vmem>>
    %dma_start3A_140 = tpu.memref_squeeze %dma_start3A_139 : memref<1x128x128xi32, #tpu.memory_space<vmem>> -> memref<128x128xi32, #tpu.memory_space<vmem>>
    %dma_start3A_141 = arith.constant 256 : i32
    %dma_start3A_142 = tpu.memref_slice %arg6[%dma_start3A_141] : memref<512xi32, #tpu.memory_space<vmem>> -> memref<128xi32, #tpu.memory_space<vmem>>
    %dma_start3A_143 = arith.constant 0 : i32
    %dma_start3A_144 = tpu.memref_slice %arg3[%dma_start3A_143, %multiple_of3A] : memref<100000x200xi32, #tpu.memory_space<hbm>> -> memref<100000x128xi32, #tpu.memory_space<hbm>>
    tpu.enqueue_indirect_dma source(%dma_start3A_144 : memref<100000x128xi32, #tpu.memory_space<hbm>>) target(%dma_start3A_140 : memref<128x128xi32, #tpu.memory_space<vmem>>) offsets(%dma_start3A_142 : memref<128xi32, #tpu.memory_space<vmem>>) semaphore(%arg11 : memref<!tpu.dma_semaphore, #tpu.memory_space<semaphore_mem>>)
    %dma_start3A_145 = arith.constant 0 : i32
    %dma_start3A_146 = arith.constant 0 : i32
    %dma_start3A_147 = arith.constant 0 : i32
    %dma_start3A_148 = tpu.memref_slice %arg9[%dma_start3A_145, %dma_start3A_146, %dma_start3A_147] : memref<2x64x128xi32, #tpu.memory_space<vmem>> -> memref<1x64x128xi32, #tpu.memory_space<vmem>>
    %dma_start3A_149 = tpu.memref_squeeze %dma_start3A_148 : memref<1x64x128xi32, #tpu.memory_space<vmem>> -> memref<64x128xi32, #tpu.memory_space<vmem>>
    %dma_start3A_150 = arith.constant 0 : i32
    %dma_start3A_151 = tpu.memref_slice %arg4[%dma_start3A_150, %add3A_125] : memref<64x16384xi32, #tpu.memory_space<hbm>> -> memref<64x128xi32, #tpu.memory_space<hbm>>
    %dma_start3A_152 = arith.constant 0 : i32
    %dma_start3A_153 = arith.constant 0 : i32
    %dma_start3A_154 = tpu.memref_slice %arg9[%dma_start3A_145, %dma_start3A_152, %dma_start3A_153] : memref<2x64x128xi32, #tpu.memory_space<vmem>> -> memref<1x64x128xi32, #tpu.memory_space<vmem>>
    %dma_start3A_155 = tpu.memref_squeeze %dma_start3A_154 : memref<1x64x128xi32, #tpu.memory_space<vmem>> -> memref<64x128xi32, #tpu.memory_space<vmem>>
    %dma_start3A_156 = arith.constant 0 : i32
    %dma_start3A_157 = tpu.memref_slice %arg4[%dma_start3A_156, %add3A_125] : memref<64x16384xi32, #tpu.memory_space<hbm>> -> memref<64x128xi32, #tpu.memory_space<hbm>>
    tpu.enqueue_dma source(%dma_start3A_157 : memref<64x128xi32, #tpu.memory_space<hbm>>) target(%dma_start3A_155 : memref<64x128xi32, #tpu.memory_space<vmem>>) target_semaphore(%arg11 : memref<!tpu.dma_semaphore, #tpu.memory_space<semaphore_mem>>)
    %add3A_158 = arith.constant 128 : i32
    %add3A_159 = arith.addi %mul3A_2, %add3A_158 : i32
    %dma_wait3A_160 = arith.constant 1 : i32
    %dma_wait3A_161 = arith.constant 0 : i32
    %dma_wait3A_162 = arith.constant 0 : i32
    %dma_wait3A_163 = tpu.memref_slice %arg7[%dma_wait3A_160, %dma_wait3A_161, %dma_wait3A_162] : memref<2x128x128xi32, #tpu.memory_space<vmem>> -> memref<1x128x128xi32, #tpu.memory_space<vmem>>
    %dma_wait3A_164 = tpu.memref_squeeze %dma_wait3A_163 : memref<1x128x128xi32, #tpu.memory_space<vmem>> -> memref<128x128xi32, #tpu.memory_space<vmem>>
    %dma_wait3A_165 = arith.constant 128 : i32
    %dma_wait3A_166 = tpu.memref_slice %arg6[%dma_wait3A_165] : memref<512xi32, #tpu.memory_space<vmem>> -> memref<128xi32, #tpu.memory_space<vmem>>
    %dma_wait3A_167 = arith.constant 0 : i32
    %dma_wait3A_168 = arith.constant 0 : i32
    %dma_wait3A_169 = tpu.memref_slice %arg3[%dma_wait3A_167, %dma_wait3A_168] : memref<100000x200xi32, #tpu.memory_space<hbm>> -> memref<100000x128xi32, #tpu.memory_space<hbm>>
    tpu.wait_indirect_dma semaphore(%arg11 : memref<!tpu.dma_semaphore, #tpu.memory_space<semaphore_mem>>) src(%dma_wait3A_169 : memref<100000x128xi32, #tpu.memory_space<hbm>>) dst(%dma_wait3A_164 : memref<128x128xi32, #tpu.memory_space<vmem>>)
    %dma_wait3A_170 = arith.constant 1 : i32
    %dma_wait3A_171 = arith.constant 0 : i32
    %dma_wait3A_172 = arith.constant 0 : i32
    %dma_wait3A_173 = tpu.memref_slice %arg8[%dma_wait3A_170, %dma_wait3A_171, %dma_wait3A_172] : memref<2x128x128xi32, #tpu.memory_space<vmem>> -> memref<1x128x128xi32, #tpu.memory_space<vmem>>
    %dma_wait3A_174 = tpu.memref_squeeze %dma_wait3A_173 : memref<1x128x128xi32, #tpu.memory_space<vmem>> -> memref<128x128xi32, #tpu.memory_space<vmem>>
    %dma_wait3A_175 = arith.constant 128 : i32
    %dma_wait3A_176 = tpu.memref_slice %arg6[%dma_wait3A_175] : memref<512xi32, #tpu.memory_space<vmem>> -> memref<128xi32, #tpu.memory_space<vmem>>
    %dma_wait3A_177 = arith.constant 0 : i32
    %dma_wait3A_178 = tpu.memref_slice %arg3[%dma_wait3A_177, %multiple_of3A] : memref<100000x200xi32, #tpu.memory_space<hbm>> -> memref<100000x128xi32, #tpu.memory_space<hbm>>
    tpu.wait_indirect_dma semaphore(%arg11 : memref<!tpu.dma_semaphore, #tpu.memory_space<semaphore_mem>>) src(%dma_wait3A_178 : memref<100000x128xi32, #tpu.memory_space<hbm>>) dst(%dma_wait3A_174 : memref<128x128xi32, #tpu.memory_space<vmem>>)
    %dma_wait3A_179 = arith.constant 1 : i32
    %dma_wait3A_180 = arith.constant 0 : i32
    %dma_wait3A_181 = arith.constant 0 : i32
    %dma_wait3A_182 = tpu.memref_slice %arg9[%dma_wait3A_179, %dma_wait3A_180, %dma_wait3A_181] : memref<2x64x128xi32, #tpu.memory_space<vmem>> -> memref<1x64x128xi32, #tpu.memory_space<vmem>>
    %dma_wait3A_183 = tpu.memref_squeeze %dma_wait3A_182 : memref<1x64x128xi32, #tpu.memory_space<vmem>> -> memref<64x128xi32, #tpu.memory_space<vmem>>
    %dma_wait3A_184 = arith.constant 0 : i32
    %dma_wait3A_185 = tpu.memref_slice %arg4[%dma_wait3A_184, %add3A_159] : memref<64x16384xi32, #tpu.memory_space<hbm>> -> memref<64x128xi32, #tpu.memory_space<hbm>>
    %dma_wait3A_186 = arith.constant 0 : i32
    %dma_wait3A_187 = arith.constant 0 : i32
    %dma_wait3A_188 = tpu.memref_slice %arg9[%dma_wait3A_179, %dma_wait3A_186, %dma_wait3A_187] : memref<2x64x128xi32, #tpu.memory_space<vmem>> -> memref<1x64x128xi32, #tpu.memory_space<vmem>>
    %dma_wait3A_189 = tpu.memref_squeeze %dma_wait3A_188 : memref<1x64x128xi32, #tpu.memory_space<vmem>> -> memref<64x128xi32, #tpu.memory_space<vmem>>
    %dma_wait3A_190 = arith.constant 0 : i32
    %dma_wait3A_191 = tpu.memref_slice %arg4[%dma_wait3A_190, %add3A_159] : memref<64x16384xi32, #tpu.memory_space<hbm>> -> memref<64x128xi32, #tpu.memory_space<hbm>>
    tpu.wait_dma2 semaphore(%arg11 : memref<!tpu.dma_semaphore, #tpu.memory_space<semaphore_mem>>) src(%dma_wait3A_191 : memref<64x128xi32, #tpu.memory_space<hbm>>) dst(%dma_wait3A_189 : memref<64x128xi32, #tpu.memory_space<vmem>>)
    %parallel_loop3A_192 = arith.constant 0 : i32
    %parallel_loop3A_193 = arith.constant 512 : i32
    %parallel_loop3A_194 = arith.constant 1 : i32
    scf.for %parallel_loop3A_408 = %parallel_loop3A_192 to %parallel_loop3A_193 step %parallel_loop3A_194  : i32 {
      %parallel_loop3A_409 = arith.constant 3 : i32
      %parallel_loop3A_410 = arith.shrui %parallel_loop3A_408, %parallel_loop3A_409 : i32
      %parallel_loop3A_411 = arith.constant 7 : i32
      %parallel_loop3A_412 = arith.andi %parallel_loop3A_408, %parallel_loop3A_411 : i32
      %parallel_loop3A_413 = arith.constant 16 : i32
      %parallel_loop3A_414 = arith.muli %parallel_loop3A_412, %parallel_loop3A_413 : i32
      %parallel_loop3A_415 = tpu.iota {dimensions = array<i32: 0>} : vector<16xi32>
      %parallel_loop3A_416 = vector.broadcast %parallel_loop3A_414 : i32 to vector<16xi32>
      %parallel_loop3A_417 = arith.addi %parallel_loop3A_415, %parallel_loop3A_416 : vector<16xi32>
      %parallel_loop3A_418 = arith.constant 1 : i32
      %parallel_loop3A_419 = arith.index_cast %parallel_loop3A_418 : i32 to index
      %parallel_loop3A_420 = arith.index_cast %parallel_loop3A_410 : i32 to index
      %parallel_loop3A_421 = arith.index_cast %parallel_loop3A_414 : i32 to index
      %parallel_loop3A_422 = tpu.vector_load %arg9[%parallel_loop3A_419, %parallel_loop3A_420, %parallel_loop3A_421] {strides = array<i32>} : memref<2x64x128xi32, #tpu.memory_space<vmem>>, vector<16xi32>,
      %parallel_loop3A_423 = arith.constant 128 : i32
      %parallel_loop3A_424 = vector.broadcast %parallel_loop3A_423 : i32 to vector<16xi32>
      %parallel_loop3A_425 = arith.cmpi slt, %parallel_loop3A_422, %parallel_loop3A_424 : vector<16xi32>
      %parallel_loop3A_426 = arith.constant 127 : i32
      %parallel_loop3A_427 = vector.broadcast %parallel_loop3A_426 : i32 to vector<16xi32>
      %parallel_loop3A_428 = arith.andi %parallel_loop3A_422, %parallel_loop3A_427 : vector<16xi32>
      %parallel_loop3A_429 = arith.constant 1 : i32
      %parallel_loop3A_430 = arith.constant 0 : i32
      %parallel_loop3A_431 = arith.constant 0 : i32
      %parallel_loop3A_432 = tpu.memref_slice %arg7[%parallel_loop3A_429, %parallel_loop3A_430, %parallel_loop3A_431] : memref<2x128x128xi32, #tpu.memory_space<vmem>> -> memref<1x128x128xi32, #tpu.memory_space<vmem>>
      %parallel_loop3A_433 = tpu.memref_squeeze %parallel_loop3A_432 : memref<1x128x128xi32, #tpu.memory_space<vmem>> -> memref<128x128xi32, #tpu.memory_space<vmem>>
      %parallel_loop3A_434 = tpu.vector_load_idx %parallel_loop3A_433[%parallel_loop3A_417, %parallel_loop3A_428] : memref<128x128xi32, #tpu.memory_space<vmem>>[vector<16xi32>, vector<16xi32>], vector<16xi32>,
      %parallel_loop3A_435 = arith.constant 1 : i32
      %parallel_loop3A_436 = arith.constant 0 : i32
      %parallel_loop3A_437 = arith.constant 0 : i32
      %parallel_loop3A_438 = tpu.memref_slice %arg8[%parallel_loop3A_435, %parallel_loop3A_436, %parallel_loop3A_437] : memref<2x128x128xi32, #tpu.memory_space<vmem>> -> memref<1x128x128xi32, #tpu.memory_space<vmem>>
      %parallel_loop3A_439 = tpu.memref_squeeze %parallel_loop3A_438 : memref<1x128x128xi32, #tpu.memory_space<vmem>> -> memref<128x128xi32, #tpu.memory_space<vmem>>
      %parallel_loop3A_440 = tpu.vector_load_idx %parallel_loop3A_439[%parallel_loop3A_417, %parallel_loop3A_428] : memref<128x128xi32, #tpu.memory_space<vmem>>[vector<16xi32>, vector<16xi32>], vector<16xi32>,
      %parallel_loop3A_441 = arith.select %parallel_loop3A_425, %parallel_loop3A_434, %parallel_loop3A_440 : vector<16xi1>, vector<16xi32>
      %parallel_loop3A_442 = arith.constant 1 : i32
      %parallel_loop3A_443 = arith.index_cast %parallel_loop3A_442 : i32 to index
      %parallel_loop3A_444 = arith.index_cast %parallel_loop3A_410 : i32 to index
      %parallel_loop3A_445 = arith.index_cast %parallel_loop3A_414 : i32 to index
      %parallel_loop3A_446 = tpu.vector_load %arg10[%parallel_loop3A_443, %parallel_loop3A_444, %parallel_loop3A_445] {strides = array<i32>} : memref<2x64x128xi32, #tpu.memory_space<vmem>>, vector<16xi32>,
      tpu.vector_store %arg10[%parallel_loop3A_443, %parallel_loop3A_444, %parallel_loop3A_445], %parallel_loop3A_441 {strides = array<i32>} : memref<2x64x128xi32, #tpu.memory_space<vmem>>, vector<16xi32>,
    } {sc.loop_unroll_factor = 8 : i64, sc.parallel_access}
    %add3A_195 = arith.constant 128 : i32
    %add3A_196 = arith.addi %mul3A_2, %add3A_195 : i32
    %dma_start3A_197 = arith.constant 1 : i32
    %dma_start3A_198 = arith.constant 0 : i32
    %dma_start3A_199 = arith.constant 0 : i32
    %dma_start3A_200 = tpu.memref_slice %arg10[%dma_start3A_197, %dma_start3A_198, %dma_start3A_199] : memref<2x64x128xi32, #tpu.memory_space<vmem>> -> memref<1x64x128xi32, #tpu.memory_space<vmem>>
    %dma_start3A_201 = tpu.memref_squeeze %dma_start3A_200 : memref<1x64x128xi32, #tpu.memory_space<vmem>> -> memref<64x128xi32, #tpu.memory_space<vmem>>
    %dma_start3A_202 = arith.constant 0 : i32
    %dma_start3A_203 = tpu.memref_slice %arg5[%dma_start3A_202, %add3A_196] : memref<64x16384xi32, #tpu.memory_space<hbm>> -> memref<64x128xi32, #tpu.memory_space<hbm>>
    %dma_start3A_204 = arith.constant 0 : i32
    %dma_start3A_205 = tpu.memref_slice %arg5[%dma_start3A_204, %add3A_196] : memref<64x16384xi32, #tpu.memory_space<hbm>> -> memref<64x128xi32, #tpu.memory_space<hbm>>
    %dma_start3A_206 = arith.constant 0 : i32
    %dma_start3A_207 = arith.constant 0 : i32
    %dma_start3A_208 = tpu.memref_slice %arg10[%dma_start3A_197, %dma_start3A_206, %dma_start3A_207] : memref<2x64x128xi32, #tpu.memory_space<vmem>> -> memref<1x64x128xi32, #tpu.memory_space<vmem>>
    %dma_start3A_209 = tpu.memref_squeeze %dma_start3A_208 : memref<1x64x128xi32, #tpu.memory_space<vmem>> -> memref<64x128xi32, #tpu.memory_space<vmem>>
    tpu.enqueue_dma source(%dma_start3A_209 : memref<64x128xi32, #tpu.memory_space<vmem>>) target(%dma_start3A_205 : memref<64x128xi32, #tpu.memory_space<hbm>>) target_semaphore(%arg12 : memref<!tpu.dma_semaphore, #tpu.memory_space<semaphore_mem>>)
    %add3A_210 = arith.constant 384 : i32
    %add3A_211 = arith.addi %mul3A_2, %add3A_210 : i32
    %dma_start3A_212 = arith.constant 1 : i32
    %dma_start3A_213 = arith.constant 0 : i32
    %dma_start3A_214 = arith.constant 0 : i32
    %dma_start3A_215 = tpu.memref_slice %arg7[%dma_start3A_212, %dma_start3A_213, %dma_start3A_214] : memref<2x128x128xi32, #tpu.memory_space<vmem>> -> memref<1x128x128xi32, #tpu.memory_space<vmem>>
    %dma_start3A_216 = tpu.memref_squeeze %dma_start3A_215 : memref<1x128x128xi32, #tpu.memory_space<vmem>> -> memref<128x128xi32, #tpu.memory_space<vmem>>
    %dma_start3A_217 = arith.constant 384 : i32
    %dma_start3A_218 = tpu.memref_slice %arg6[%dma_start3A_217] : memref<512xi32, #tpu.memory_space<vmem>> -> memref<128xi32, #tpu.memory_space<vmem>>
    %dma_start3A_219 = arith.constant 0 : i32
    %dma_start3A_220 = arith.constant 0 : i32
    %dma_start3A_221 = tpu.memref_slice %arg3[%dma_start3A_219, %dma_start3A_220] : memref<100000x200xi32, #tpu.memory_space<hbm>> -> memref<100000x128xi32, #tpu.memory_space<hbm>>
    tpu.enqueue_indirect_dma source(%dma_start3A_221 : memref<100000x128xi32, #tpu.memory_space<hbm>>) target(%dma_start3A_216 : memref<128x128xi32, #tpu.memory_space<vmem>>) offsets(%dma_start3A_218 : memref<128xi32, #tpu.memory_space<vmem>>) semaphore(%arg11 : memref<!tpu.dma_semaphore, #tpu.memory_space<semaphore_mem>>)
    %dma_start3A_222 = arith.constant 1 : i32
    %dma_start3A_223 = arith.constant 0 : i32
    %dma_start3A_224 = arith.constant 0 : i32
    %dma_start3A_225 = tpu.memref_slice %arg8[%dma_start3A_222, %dma_start3A_223, %dma_start3A_224] : memref<2x128x128xi32, #tpu.memory_space<vmem>> -> memref<1x128x128xi32, #tpu.memory_space<vmem>>
    %dma_start3A_226 = tpu.memref_squeeze %dma_start3A_225 : memref<1x128x128xi32, #tpu.memory_space<vmem>> -> memref<128x128xi32, #tpu.memory_space<vmem>>
    %dma_start3A_227 = arith.constant 384 : i32
    %dma_start3A_228 = tpu.memref_slice %arg6[%dma_start3A_227] : memref<512xi32, #tpu.memory_space<vmem>> -> memref<128xi32, #tpu.memory_space<vmem>>
    %dma_start3A_229 = arith.constant 0 : i32
    %dma_start3A_230 = tpu.memref_slice %arg3[%dma_start3A_229, %multiple_of3A] : memref<100000x200xi32, #tpu.memory_space<hbm>> -> memref<100000x128xi32, #tpu.memory_space<hbm>>
    tpu.enqueue_indirect_dma source(%dma_start3A_230 : memref<100000x128xi32, #tpu.memory_space<hbm>>) target(%dma_start3A_226 : memref<128x128xi32, #tpu.memory_space<vmem>>) offsets(%dma_start3A_228 : memref<128xi32, #tpu.memory_space<vmem>>) semaphore(%arg11 : memref<!tpu.dma_semaphore, #tpu.memory_space<semaphore_mem>>)
    %dma_start3A_231 = arith.constant 1 : i32
    %dma_start3A_232 = arith.constant 0 : i32
    %dma_start3A_233 = arith.constant 0 : i32
    %dma_start3A_234 = tpu.memref_slice %arg9[%dma_start3A_231, %dma_start3A_232, %dma_start3A_233] : memref<2x64x128xi32, #tpu.memory_space<vmem>> -> memref<1x64x128xi32, #tpu.memory_space<vmem>>
    %dma_start3A_235 = tpu.memref_squeeze %dma_start3A_234 : memref<1x64x128xi32, #tpu.memory_space<vmem>> -> memref<64x128xi32, #tpu.memory_space<vmem>>
    %dma_start3A_236 = arith.constant 0 : i32
    %dma_start3A_237 = tpu.memref_slice %arg4[%dma_start3A_236, %add3A_211] : memref<64x16384xi32, #tpu.memory_space<hbm>> -> memref<64x128xi32, #tpu.memory_space<hbm>>
    %dma_start3A_238 = arith.constant 0 : i32
    %dma_start3A_239 = arith.constant 0 : i32
    %dma_start3A_240 = tpu.memref_slice %arg9[%dma_start3A_231, %dma_start3A_238, %dma_start3A_239] : memref<2x64x128xi32, #tpu.memory_space<vmem>> -> memref<1x64x128xi32, #tpu.memory_space<vmem>>
    %dma_start3A_241 = tpu.memref_squeeze %dma_start3A_240 : memref<1x64x128xi32, #tpu.memory_space<vmem>> -> memref<64x128xi32, #tpu.memory_space<vmem>>
    %dma_start3A_242 = arith.constant 0 : i32
    %dma_start3A_243 = tpu.memref_slice %arg4[%dma_start3A_242, %add3A_211] : memref<64x16384xi32, #tpu.memory_space<hbm>> -> memref<64x128xi32, #tpu.memory_space<hbm>>
    tpu.enqueue_dma source(%dma_start3A_243 : memref<64x128xi32, #tpu.memory_space<hbm>>) target(%dma_start3A_241 : memref<64x128xi32, #tpu.memory_space<vmem>>) target_semaphore(%arg11 : memref<!tpu.dma_semaphore, #tpu.memory_space<semaphore_mem>>)
    %add3A_244 = arith.constant 256 : i32
    %add3A_245 = arith.addi %mul3A_2, %add3A_244 : i32
    %dma_wait3A_246 = arith.constant 0 : i32
    %dma_wait3A_247 = arith.constant 0 : i32
    %dma_wait3A_248 = arith.constant 0 : i32
    %dma_wait3A_249 = tpu.memref_slice %arg7[%dma_wait3A_246, %dma_wait3A_247, %dma_wait3A_248] : memref<2x128x128xi32, #tpu.memory_space<vmem>> -> memref<1x128x128xi32, #tpu.memory_space<vmem>>
    %dma_wait3A_250 = tpu.memref_squeeze %dma_wait3A_249 : memref<1x128x128xi32, #tpu.memory_space<vmem>> -> memref<128x128xi32, #tpu.memory_space<vmem>>
    %dma_wait3A_251 = arith.constant 256 : i32
    %dma_wait3A_252 = tpu.memref_slice %arg6[%dma_wait3A_251] : memref<512xi32, #tpu.memory_space<vmem>> -> memref<128xi32, #tpu.memory_space<vmem>>
    %dma_wait3A_253 = arith.constant 0 : i32
    %dma_wait3A_254 = arith.constant 0 : i32
    %dma_wait3A_255 = tpu.memref_slice %arg3[%dma_wait3A_253, %dma_wait3A_254] : memref<100000x200xi32, #tpu.memory_space<hbm>> -> memref<100000x128xi32, #tpu.memory_space<hbm>>
    tpu.wait_indirect_dma semaphore(%arg11 : memref<!tpu.dma_semaphore, #tpu.memory_space<semaphore_mem>>) src(%dma_wait3A_255 : memref<100000x128xi32, #tpu.memory_space<hbm>>) dst(%dma_wait3A_250 : memref<128x128xi32, #tpu.memory_space<vmem>>)
    %dma_wait3A_256 = arith.constant 0 : i32
    %dma_wait3A_257 = arith.constant 0 : i32
    %dma_wait3A_258 = arith.constant 0 : i32
    %dma_wait3A_259 = tpu.memref_slice %arg8[%dma_wait3A_256, %dma_wait3A_257, %dma_wait3A_258] : memref<2x128x128xi32, #tpu.memory_space<vmem>> -> memref<1x128x128xi32, #tpu.memory_space<vmem>>
    %dma_wait3A_260 = tpu.memref_squeeze %dma_wait3A_259 : memref<1x128x128xi32, #tpu.memory_space<vmem>> -> memref<128x128xi32, #tpu.memory_space<vmem>>
    %dma_wait3A_261 = arith.constant 256 : i32
    %dma_wait3A_262 = tpu.memref_slice %arg6[%dma_wait3A_261] : memref<512xi32, #tpu.memory_space<vmem>> -> memref<128xi32, #tpu.memory_space<vmem>>
    %dma_wait3A_263 = arith.constant 0 : i32
    %dma_wait3A_264 = tpu.memref_slice %arg3[%dma_wait3A_263, %multiple_of3A] : memref<100000x200xi32, #tpu.memory_space<hbm>> -> memref<100000x128xi32, #tpu.memory_space<hbm>>
    tpu.wait_indirect_dma semaphore(%arg11 : memref<!tpu.dma_semaphore, #tpu.memory_space<semaphore_mem>>) src(%dma_wait3A_264 : memref<100000x128xi32, #tpu.memory_space<hbm>>) dst(%dma_wait3A_260 : memref<128x128xi32, #tpu.memory_space<vmem>>)
    %dma_wait3A_265 = arith.constant 0 : i32
    %dma_wait3A_266 = arith.constant 0 : i32
    %dma_wait3A_267 = arith.constant 0 : i32
    %dma_wait3A_268 = tpu.memref_slice %arg9[%dma_wait3A_265, %dma_wait3A_266, %dma_wait3A_267] : memref<2x64x128xi32, #tpu.memory_space<vmem>> -> memref<1x64x128xi32, #tpu.memory_space<vmem>>
    %dma_wait3A_269 = tpu.memref_squeeze %dma_wait3A_268 : memref<1x64x128xi32, #tpu.memory_space<vmem>> -> memref<64x128xi32, #tpu.memory_space<vmem>>
    %dma_wait3A_270 = arith.constant 0 : i32
    %dma_wait3A_271 = tpu.memref_slice %arg4[%dma_wait3A_270, %add3A_245] : memref<64x16384xi32, #tpu.memory_space<hbm>> -> memref<64x128xi32, #tpu.memory_space<hbm>>
    %dma_wait3A_272 = arith.constant 0 : i32
    %dma_wait3A_273 = arith.constant 0 : i32
    %dma_wait3A_274 = tpu.memref_slice %arg9[%dma_wait3A_265, %dma_wait3A_272, %dma_wait3A_273] : memref<2x64x128xi32, #tpu.memory_space<vmem>> -> memref<1x64x128xi32, #tpu.memory_space<vmem>>
    %dma_wait3A_275 = tpu.memref_squeeze %dma_wait3A_274 : memref<1x64x128xi32, #tpu.memory_space<vmem>> -> memref<64x128xi32, #tpu.memory_space<vmem>>
    %dma_wait3A_276 = arith.constant 0 : i32
    %dma_wait3A_277 = tpu.memref_slice %arg4[%dma_wait3A_276, %add3A_245] : memref<64x16384xi32, #tpu.memory_space<hbm>> -> memref<64x128xi32, #tpu.memory_space<hbm>>
    tpu.wait_dma2 semaphore(%arg11 : memref<!tpu.dma_semaphore, #tpu.memory_space<semaphore_mem>>) src(%dma_wait3A_277 : memref<64x128xi32, #tpu.memory_space<hbm>>) dst(%dma_wait3A_275 : memref<64x128xi32, #tpu.memory_space<vmem>>)
    %add3A_278 = arith.constant 0 : i32
    %add3A_279 = arith.addi %mul3A_2, %add3A_278 : i32
    %dma_wait3A_280 = arith.constant 0 : i32
    %dma_wait3A_281 = arith.constant 0 : i32
    %dma_wait3A_282 = arith.constant 0 : i32
    %dma_wait3A_283 = tpu.memref_slice %arg10[%dma_wait3A_280, %dma_wait3A_281, %dma_wait3A_282] : memref<2x64x128xi32, #tpu.memory_space<vmem>> -> memref<1x64x128xi32, #tpu.memory_space<vmem>>
    %dma_wait3A_284 = tpu.memref_squeeze %dma_wait3A_283 : memref<1x64x128xi32, #tpu.memory_space<vmem>> -> memref<64x128xi32, #tpu.memory_space<vmem>>
    %dma_wait3A_285 = arith.constant 0 : i32
    %dma_wait3A_286 = tpu.memref_slice %arg5[%dma_wait3A_285, %add3A_279] : memref<64x16384xi32, #tpu.memory_space<hbm>> -> memref<64x128xi32, #tpu.memory_space<hbm>>
    %dma_wait3A_287 = arith.constant 0 : i32
    %dma_wait3A_288 = tpu.memref_slice %arg5[%dma_wait3A_287, %add3A_279] : memref<64x16384xi32, #tpu.memory_space<hbm>> -> memref<64x128xi32, #tpu.memory_space<hbm>>
    %dma_wait3A_289 = arith.constant 0 : i32
    %dma_wait3A_290 = arith.constant 0 : i32
    %dma_wait3A_291 = tpu.memref_slice %arg10[%dma_wait3A_280, %dma_wait3A_289, %dma_wait3A_290] : memref<2x64x128xi32, #tpu.memory_space<vmem>> -> memref<1x64x128xi32, #tpu.memory_space<vmem>>
    %dma_wait3A_292 = tpu.memref_squeeze %dma_wait3A_291 : memref<1x64x128xi32, #tpu.memory_space<vmem>> -> memref<64x128xi32, #tpu.memory_space<vmem>>
    tpu.wait_dma2 semaphore(%arg12 : memref<!tpu.dma_semaphore, #tpu.memory_space<semaphore_mem>>) src(%dma_wait3A_292 : memref<64x128xi32, #tpu.memory_space<vmem>>) dst(%dma_wait3A_288 : memref<64x128xi32, #tpu.memory_space<hbm>>)
    %parallel_loop3A_293 = arith.constant 0 : i32
    %parallel_loop3A_294 = arith.constant 512 : i32
    %parallel_loop3A_295 = arith.constant 1 : i32
    scf.for %parallel_loop3A_408 = %parallel_loop3A_293 to %parallel_loop3A_294 step %parallel_loop3A_295  : i32 {
      %parallel_loop3A_409 = arith.constant 3 : i32
      %parallel_loop3A_410 = arith.shrui %parallel_loop3A_408, %parallel_loop3A_409 : i32
      %parallel_loop3A_411 = arith.constant 7 : i32
      %parallel_loop3A_412 = arith.andi %parallel_loop3A_408, %parallel_loop3A_411 : i32
      %parallel_loop3A_413 = arith.constant 16 : i32
      %parallel_loop3A_414 = arith.muli %parallel_loop3A_412, %parallel_loop3A_413 : i32
      %parallel_loop3A_415 = tpu.iota {dimensions = array<i32: 0>} : vector<16xi32>
      %parallel_loop3A_416 = vector.broadcast %parallel_loop3A_414 : i32 to vector<16xi32>
      %parallel_loop3A_417 = arith.addi %parallel_loop3A_415, %parallel_loop3A_416 : vector<16xi32>
      %parallel_loop3A_418 = arith.constant 0 : i32
      %parallel_loop3A_419 = arith.index_cast %parallel_loop3A_418 : i32 to index
      %parallel_loop3A_420 = arith.index_cast %parallel_loop3A_410 : i32 to index
      %parallel_loop3A_421 = arith.index_cast %parallel_loop3A_414 : i32 to index
      %parallel_loop3A_422 = tpu.vector_load %arg9[%parallel_loop3A_419, %parallel_loop3A_420, %parallel_loop3A_421] {strides = array<i32>} : memref<2x64x128xi32, #tpu.memory_space<vmem>>, vector<16xi32>,
      %parallel_loop3A_423 = arith.constant 128 : i32
      %parallel_loop3A_424 = vector.broadcast %parallel_loop3A_423 : i32 to vector<16xi32>
      %parallel_loop3A_425 = arith.cmpi slt, %parallel_loop3A_422, %parallel_loop3A_424 : vector<16xi32>
      %parallel_loop3A_426 = arith.constant 127 : i32
      %parallel_loop3A_427 = vector.broadcast %parallel_loop3A_426 : i32 to vector<16xi32>
      %parallel_loop3A_428 = arith.andi %parallel_loop3A_422, %parallel_loop3A_427 : vector<16xi32>
      %parallel_loop3A_429 = arith.constant 0 : i32
      %parallel_loop3A_430 = arith.constant 0 : i32
      %parallel_loop3A_431 = arith.constant 0 : i32
      %parallel_loop3A_432 = tpu.memref_slice %arg7[%parallel_loop3A_429, %parallel_loop3A_430, %parallel_loop3A_431] : memref<2x128x128xi32, #tpu.memory_space<vmem>> -> memref<1x128x128xi32, #tpu.memory_space<vmem>>
      %parallel_loop3A_433 = tpu.memref_squeeze %parallel_loop3A_432 : memref<1x128x128xi32, #tpu.memory_space<vmem>> -> memref<128x128xi32, #tpu.memory_space<vmem>>
      %parallel_loop3A_434 = tpu.vector_load_idx %parallel_loop3A_433[%parallel_loop3A_417, %parallel_loop3A_428] : memref<128x128xi32, #tpu.memory_space<vmem>>[vector<16xi32>, vector<16xi32>], vector<16xi32>,
      %parallel_loop3A_435 = arith.constant 0 : i32
      %parallel_loop3A_436 = arith.constant 0 : i32
      %parallel_loop3A_437 = arith.constant 0 : i32
      %parallel_loop3A_438 = tpu.memref_slice %arg8[%parallel_loop3A_435, %parallel_loop3A_436, %parallel_loop3A_437] : memref<2x128x128xi32, #tpu.memory_space<vmem>> -> memref<1x128x128xi32, #tpu.memory_space<vmem>>
      %parallel_loop3A_439 = tpu.memref_squeeze %parallel_loop3A_438 : memref<1x128x128xi32, #tpu.memory_space<vmem>> -> memref<128x128xi32, #tpu.memory_space<vmem>>
      %parallel_loop3A_440 = tpu.vector_load_idx %parallel_loop3A_439[%parallel_loop3A_417, %parallel_loop3A_428] : memref<128x128xi32, #tpu.memory_space<vmem>>[vector<16xi32>, vector<16xi32>], vector<16xi32>,
      %parallel_loop3A_441 = arith.select %parallel_loop3A_425, %parallel_loop3A_434, %parallel_loop3A_440 : vector<16xi1>, vector<16xi32>
      %parallel_loop3A_442 = arith.constant 0 : i32
      %parallel_loop3A_443 = arith.index_cast %parallel_loop3A_442 : i32 to index
      %parallel_loop3A_444 = arith.index_cast %parallel_loop3A_410 : i32 to index
      %parallel_loop3A_445 = arith.index_cast %parallel_loop3A_414 : i32 to index
      %parallel_loop3A_446 = tpu.vector_load %arg10[%parallel_loop3A_443, %parallel_loop3A_444, %parallel_loop3A_445] {strides = array<i32>} : memref<2x64x128xi32, #tpu.memory_space<vmem>>, vector<16xi32>,
      tpu.vector_store %arg10[%parallel_loop3A_443, %parallel_loop3A_444, %parallel_loop3A_445], %parallel_loop3A_441 {strides = array<i32>} : memref<2x64x128xi32, #tpu.memory_space<vmem>>, vector<16xi32>,
    } {sc.loop_unroll_factor = 8 : i64, sc.parallel_access}
    %add3A_296 = arith.constant 256 : i32
    %add3A_297 = arith.addi %mul3A_2, %add3A_296 : i32
    %dma_start3A_298 = arith.constant 0 : i32
    %dma_start3A_299 = arith.constant 0 : i32
    %dma_start3A_300 = arith.constant 0 : i32
    %dma_start3A_301 = tpu.memref_slice %arg10[%dma_start3A_298, %dma_start3A_299, %dma_start3A_300] : memref<2x64x128xi32, #tpu.memory_space<vmem>> -> memref<1x64x128xi32, #tpu.memory_space<vmem>>
    %dma_start3A_302 = tpu.memref_squeeze %dma_start3A_301 : memref<1x64x128xi32, #tpu.memory_space<vmem>> -> memref<64x128xi32, #tpu.memory_space<vmem>>
    %dma_start3A_303 = arith.constant 0 : i32
    %dma_start3A_304 = tpu.memref_slice %arg5[%dma_start3A_303, %add3A_297] : memref<64x16384xi32, #tpu.memory_space<hbm>> -> memref<64x128xi32, #tpu.memory_space<hbm>>
    %dma_start3A_305 = arith.constant 0 : i32
    %dma_start3A_306 = tpu.memref_slice %arg5[%dma_start3A_305, %add3A_297] : memref<64x16384xi32, #tpu.memory_space<hbm>> -> memref<64x128xi32, #tpu.memory_space<hbm>>
    %dma_start3A_307 = arith.constant 0 : i32
    %dma_start3A_308 = arith.constant 0 : i32
    %dma_start3A_309 = tpu.memref_slice %arg10[%dma_start3A_298, %dma_start3A_307, %dma_start3A_308] : memref<2x64x128xi32, #tpu.memory_space<vmem>> -> memref<1x64x128xi32, #tpu.memory_space<vmem>>
    %dma_start3A_310 = tpu.memref_squeeze %dma_start3A_309 : memref<1x64x128xi32, #tpu.memory_space<vmem>> -> memref<64x128xi32, #tpu.memory_space<vmem>>
    tpu.enqueue_dma source(%dma_start3A_310 : memref<64x128xi32, #tpu.memory_space<vmem>>) target(%dma_start3A_306 : memref<64x128xi32, #tpu.memory_space<hbm>>) target_semaphore(%arg12 : memref<!tpu.dma_semaphore, #tpu.memory_space<semaphore_mem>>)
    %add3A_311 = arith.constant 384 : i32
    %add3A_312 = arith.addi %mul3A_2, %add3A_311 : i32
    %dma_wait3A_313 = arith.constant 1 : i32
    %dma_wait3A_314 = arith.constant 0 : i32
    %dma_wait3A_315 = arith.constant 0 : i32
    %dma_wait3A_316 = tpu.memref_slice %arg7[%dma_wait3A_313, %dma_wait3A_314, %dma_wait3A_315] : memref<2x128x128xi32, #tpu.memory_space<vmem>> -> memref<1x128x128xi32, #tpu.memory_space<vmem>>
    %dma_wait3A_317 = tpu.memref_squeeze %dma_wait3A_316 : memref<1x128x128xi32, #tpu.memory_space<vmem>> -> memref<128x128xi32, #tpu.memory_space<vmem>>
    %dma_wait3A_318 = arith.constant 384 : i32
    %dma_wait3A_319 = tpu.memref_slice %arg6[%dma_wait3A_318] : memref<512xi32, #tpu.memory_space<vmem>> -> memref<128xi32, #tpu.memory_space<vmem>>
    %dma_wait3A_320 = arith.constant 0 : i32
    %dma_wait3A_321 = arith.constant 0 : i32
    %dma_wait3A_322 = tpu.memref_slice %arg3[%dma_wait3A_320, %dma_wait3A_321] : memref<100000x200xi32, #tpu.memory_space<hbm>> -> memref<100000x128xi32, #tpu.memory_space<hbm>>
    tpu.wait_indirect_dma semaphore(%arg11 : memref<!tpu.dma_semaphore, #tpu.memory_space<semaphore_mem>>) src(%dma_wait3A_322 : memref<100000x128xi32, #tpu.memory_space<hbm>>) dst(%dma_wait3A_317 : memref<128x128xi32, #tpu.memory_space<vmem>>)
    %dma_wait3A_323 = arith.constant 1 : i32
    %dma_wait3A_324 = arith.constant 0 : i32
    %dma_wait3A_325 = arith.constant 0 : i32
    %dma_wait3A_326 = tpu.memref_slice %arg8[%dma_wait3A_323, %dma_wait3A_324, %dma_wait3A_325] : memref<2x128x128xi32, #tpu.memory_space<vmem>> -> memref<1x128x128xi32, #tpu.memory_space<vmem>>
    %dma_wait3A_327 = tpu.memref_squeeze %dma_wait3A_326 : memref<1x128x128xi32, #tpu.memory_space<vmem>> -> memref<128x128xi32, #tpu.memory_space<vmem>>
    %dma_wait3A_328 = arith.constant 384 : i32
    %dma_wait3A_329 = tpu.memref_slice %arg6[%dma_wait3A_328] : memref<512xi32, #tpu.memory_space<vmem>> -> memref<128xi32, #tpu.memory_space<vmem>>
    %dma_wait3A_330 = arith.constant 0 : i32
    %dma_wait3A_331 = tpu.memref_slice %arg3[%dma_wait3A_330, %multiple_of3A] : memref<100000x200xi32, #tpu.memory_space<hbm>> -> memref<100000x128xi32, #tpu.memory_space<hbm>>
    tpu.wait_indirect_dma semaphore(%arg11 : memref<!tpu.dma_semaphore, #tpu.memory_space<semaphore_mem>>) src(%dma_wait3A_331 : memref<100000x128xi32, #tpu.memory_space<hbm>>) dst(%dma_wait3A_327 : memref<128x128xi32, #tpu.memory_space<vmem>>)
    %dma_wait3A_332 = arith.constant 1 : i32
    %dma_wait3A_333 = arith.constant 0 : i32
    %dma_wait3A_334 = arith.constant 0 : i32
    %dma_wait3A_335 = tpu.memref_slice %arg9[%dma_wait3A_332, %dma_wait3A_333, %dma_wait3A_334] : memref<2x64x128xi32, #tpu.memory_space<vmem>> -> memref<1x64x128xi32, #tpu.memory_space<vmem>>
    %dma_wait3A_336 = tpu.memref_squeeze %dma_wait3A_335 : memref<1x64x128xi32, #tpu.memory_space<vmem>> -> memref<64x128xi32, #tpu.memory_space<vmem>>
    %dma_wait3A_337 = arith.constant 0 : i32
    %dma_wait3A_338 = tpu.memref_slice %arg4[%dma_wait3A_337, %add3A_312] : memref<64x16384xi32, #tpu.memory_space<hbm>> -> memref<64x128xi32, #tpu.memory_space<hbm>>
    %dma_wait3A_339 = arith.constant 0 : i32
    %dma_wait3A_340 = arith.constant 0 : i32
    %dma_wait3A_341 = tpu.memref_slice %arg9[%dma_wait3A_332, %dma_wait3A_339, %dma_wait3A_340] : memref<2x64x128xi32, #tpu.memory_space<vmem>> -> memref<1x64x128xi32, #tpu.memory_space<vmem>>
    %dma_wait3A_342 = tpu.memref_squeeze %dma_wait3A_341 : memref<1x64x128xi32, #tpu.memory_space<vmem>> -> memref<64x128xi32, #tpu.memory_space<vmem>>
    %dma_wait3A_343 = arith.constant 0 : i32
    %dma_wait3A_344 = tpu.memref_slice %arg4[%dma_wait3A_343, %add3A_312] : memref<64x16384xi32, #tpu.memory_space<hbm>> -> memref<64x128xi32, #tpu.memory_space<hbm>>
    tpu.wait_dma2 semaphore(%arg11 : memref<!tpu.dma_semaphore, #tpu.memory_space<semaphore_mem>>) src(%dma_wait3A_344 : memref<64x128xi32, #tpu.memory_space<hbm>>) dst(%dma_wait3A_342 : memref<64x128xi32, #tpu.memory_space<vmem>>)
    %add3A_345 = arith.constant 128 : i32
    %add3A_346 = arith.addi %mul3A_2, %add3A_345 : i32
    %dma_wait3A_347 = arith.constant 1 : i32
    %dma_wait3A_348 = arith.constant 0 : i32
    %dma_wait3A_349 = arith.constant 0 : i32
    %dma_wait3A_350 = tpu.memref_slice %arg10[%dma_wait3A_347, %dma_wait3A_348, %dma_wait3A_349] : memref<2x64x128xi32, #tpu.memory_space<vmem>> -> memref<1x64x128xi32, #tpu.memory_space<vmem>>
    %dma_wait3A_351 = tpu.memref_squeeze %dma_wait3A_350 : memref<1x64x128xi32, #tpu.memory_space<vmem>> -> memref<64x128xi32, #tpu.memory_space<vmem>>
    %dma_wait3A_352 = arith.constant 0 : i32
    %dma_wait3A_353 = tpu.memref_slice %arg5[%dma_wait3A_352, %add3A_346] : memref<64x16384xi32, #tpu.memory_space<hbm>> -> memref<64x128xi32, #tpu.memory_space<hbm>>
    %dma_wait3A_354 = arith.constant 0 : i32
    %dma_wait3A_355 = tpu.memref_slice %arg5[%dma_wait3A_354, %add3A_346] : memref<64x16384xi32, #tpu.memory_space<hbm>> -> memref<64x128xi32, #tpu.memory_space<hbm>>
    %dma_wait3A_356 = arith.constant 0 : i32
    %dma_wait3A_357 = arith.constant 0 : i32
    %dma_wait3A_358 = tpu.memref_slice %arg10[%dma_wait3A_347, %dma_wait3A_356, %dma_wait3A_357] : memref<2x64x128xi32, #tpu.memory_space<vmem>> -> memref<1x64x128xi32, #tpu.memory_space<vmem>>
    %dma_wait3A_359 = tpu.memref_squeeze %dma_wait3A_358 : memref<1x64x128xi32, #tpu.memory_space<vmem>> -> memref<64x128xi32, #tpu.memory_space<vmem>>
    tpu.wait_dma2 semaphore(%arg12 : memref<!tpu.dma_semaphore, #tpu.memory_space<semaphore_mem>>) src(%dma_wait3A_359 : memref<64x128xi32, #tpu.memory_space<vmem>>) dst(%dma_wait3A_355 : memref<64x128xi32, #tpu.memory_space<hbm>>)
    %parallel_loop3A_360 = arith.constant 0 : i32
    %parallel_loop3A_361 = arith.constant 512 : i32
    %parallel_loop3A_362 = arith.constant 1 : i32
    scf.for %parallel_loop3A_408 = %parallel_loop3A_360 to %parallel_loop3A_361 step %parallel_loop3A_362  : i32 {
      %parallel_loop3A_409 = arith.constant 3 : i32
      %parallel_loop3A_410 = arith.shrui %parallel_loop3A_408, %parallel_loop3A_409 : i32
      %parallel_loop3A_411 = arith.constant 7 : i32
      %parallel_loop3A_412 = arith.andi %parallel_loop3A_408, %parallel_loop3A_411 : i32
      %parallel_loop3A_413 = arith.constant 16 : i32
      %parallel_loop3A_414 = arith.muli %parallel_loop3A_412, %parallel_loop3A_413 : i32
      %parallel_loop3A_415 = tpu.iota {dimensions = array<i32: 0>} : vector<16xi32>
      %parallel_loop3A_416 = vector.broadcast %parallel_loop3A_414 : i32 to vector<16xi32>
      %parallel_loop3A_417 = arith.addi %parallel_loop3A_415, %parallel_loop3A_416 : vector<16xi32>
      %parallel_loop3A_418 = arith.constant 1 : i32
      %parallel_loop3A_419 = arith.index_cast %parallel_loop3A_418 : i32 to index
      %parallel_loop3A_420 = arith.index_cast %parallel_loop3A_410 : i32 to index
      %parallel_loop3A_421 = arith.index_cast %parallel_loop3A_414 : i32 to index
      %parallel_loop3A_422 = tpu.vector_load %arg9[%parallel_loop3A_419, %parallel_loop3A_420, %parallel_loop3A_421] {strides = array<i32>} : memref<2x64x128xi32, #tpu.memory_space<vmem>>, vector<16xi32>,
      %parallel_loop3A_423 = arith.constant 128 : i32
      %parallel_loop3A_424 = vector.broadcast %parallel_loop3A_423 : i32 to vector<16xi32>
      %parallel_loop3A_425 = arith.cmpi slt, %parallel_loop3A_422, %parallel_loop3A_424 : vector<16xi32>
      %parallel_loop3A_426 = arith.constant 127 : i32
      %parallel_loop3A_427 = vector.broadcast %parallel_loop3A_426 : i32 to vector<16xi32>
      %parallel_loop3A_428 = arith.andi %parallel_loop3A_422, %parallel_loop3A_427 : vector<16xi32>
      %parallel_loop3A_429 = arith.constant 1 : i32
      %parallel_loop3A_430 = arith.constant 0 : i32
      %parallel_loop3A_431 = arith.constant 0 : i32
      %parallel_loop3A_432 = tpu.memref_slice %arg7[%parallel_loop3A_429, %parallel_loop3A_430, %parallel_loop3A_431] : memref<2x128x128xi32, #tpu.memory_space<vmem>> -> memref<1x128x128xi32, #tpu.memory_space<vmem>>
      %parallel_loop3A_433 = tpu.memref_squeeze %parallel_loop3A_432 : memref<1x128x128xi32, #tpu.memory_space<vmem>> -> memref<128x128xi32, #tpu.memory_space<vmem>>
      %parallel_loop3A_434 = tpu.vector_load_idx %parallel_loop3A_433[%parallel_loop3A_417, %parallel_loop3A_428] : memref<128x128xi32, #tpu.memory_space<vmem>>[vector<16xi32>, vector<16xi32>], vector<16xi32>,
      %parallel_loop3A_435 = arith.constant 1 : i32
      %parallel_loop3A_436 = arith.constant 0 : i32
      %parallel_loop3A_437 = arith.constant 0 : i32
      %parallel_loop3A_438 = tpu.memref_slice %arg8[%parallel_loop3A_435, %parallel_loop3A_436, %parallel_loop3A_437] : memref<2x128x128xi32, #tpu.memory_space<vmem>> -> memref<1x128x128xi32, #tpu.memory_space<vmem>>
      %parallel_loop3A_439 = tpu.memref_squeeze %parallel_loop3A_438 : memref<1x128x128xi32, #tpu.memory_space<vmem>> -> memref<128x128xi32, #tpu.memory_space<vmem>>
      %parallel_loop3A_440 = tpu.vector_load_idx %parallel_loop3A_439[%parallel_loop3A_417, %parallel_loop3A_428] : memref<128x128xi32, #tpu.memory_space<vmem>>[vector<16xi32>, vector<16xi32>], vector<16xi32>,
      %parallel_loop3A_441 = arith.select %parallel_loop3A_425, %parallel_loop3A_434, %parallel_loop3A_440 : vector<16xi1>, vector<16xi32>
      %parallel_loop3A_442 = arith.constant 1 : i32
      %parallel_loop3A_443 = arith.index_cast %parallel_loop3A_442 : i32 to index
      %parallel_loop3A_444 = arith.index_cast %parallel_loop3A_410 : i32 to index
      %parallel_loop3A_445 = arith.index_cast %parallel_loop3A_414 : i32 to index
      %parallel_loop3A_446 = tpu.vector_load %arg10[%parallel_loop3A_443, %parallel_loop3A_444, %parallel_loop3A_445] {strides = array<i32>} : memref<2x64x128xi32, #tpu.memory_space<vmem>>, vector<16xi32>,
      tpu.vector_store %arg10[%parallel_loop3A_443, %parallel_loop3A_444, %parallel_loop3A_445], %parallel_loop3A_441 {strides = array<i32>} : memref<2x64x128xi32, #tpu.memory_space<vmem>>, vector<16xi32>,
    } {sc.loop_unroll_factor = 8 : i64, sc.parallel_access}
    %add3A_363 = arith.constant 384 : i32
    %add3A_364 = arith.addi %mul3A_2, %add3A_363 : i32
    %dma_start3A_365 = arith.constant 1 : i32
    %dma_start3A_366 = arith.constant 0 : i32
    %dma_start3A_367 = arith.constant 0 : i32
    %dma_start3A_368 = tpu.memref_slice %arg10[%dma_start3A_365, %dma_start3A_366, %dma_start3A_367] : memref<2x64x128xi32, #tpu.memory_space<vmem>> -> memref<1x64x128xi32, #tpu.memory_space<vmem>>
    %dma_start3A_369 = tpu.memref_squeeze %dma_start3A_368 : memref<1x64x128xi32, #tpu.memory_space<vmem>> -> memref<64x128xi32, #tpu.memory_space<vmem>>
    %dma_start3A_370 = arith.constant 0 : i32
    %dma_start3A_371 = tpu.memref_slice %arg5[%dma_start3A_370, %add3A_364] : memref<64x16384xi32, #tpu.memory_space<hbm>> -> memref<64x128xi32, #tpu.memory_space<hbm>>
    %dma_start3A_372 = arith.constant 0 : i32
    %dma_start3A_373 = tpu.memref_slice %arg5[%dma_start3A_372, %add3A_364] : memref<64x16384xi32, #tpu.memory_space<hbm>> -> memref<64x128xi32, #tpu.memory_space<hbm>>
    %dma_start3A_374 = arith.constant 0 : i32
    %dma_start3A_375 = arith.constant 0 : i32
    %dma_start3A_376 = tpu.memref_slice %arg10[%dma_start3A_365, %dma_start3A_374, %dma_start3A_375] : memref<2x64x128xi32, #tpu.memory_space<vmem>> -> memref<1x64x128xi32, #tpu.memory_space<vmem>>
    %dma_start3A_377 = tpu.memref_squeeze %dma_start3A_376 : memref<1x64x128xi32, #tpu.memory_space<vmem>> -> memref<64x128xi32, #tpu.memory_space<vmem>>
    tpu.enqueue_dma source(%dma_start3A_377 : memref<64x128xi32, #tpu.memory_space<vmem>>) target(%dma_start3A_373 : memref<64x128xi32, #tpu.memory_space<hbm>>) target_semaphore(%arg12 : memref<!tpu.dma_semaphore, #tpu.memory_space<semaphore_mem>>)
    %add3A_378 = arith.constant 256 : i32
    %add3A_379 = arith.addi %mul3A_2, %add3A_378 : i32
    %dma_wait3A_380 = arith.constant 0 : i32
    %dma_wait3A_381 = arith.constant 0 : i32
    %dma_wait3A_382 = arith.constant 0 : i32
    %dma_wait3A_383 = tpu.memref_slice %arg10[%dma_wait3A_380, %dma_wait3A_381, %dma_wait3A_382] : memref<2x64x128xi32, #tpu.memory_space<vmem>> -> memref<1x64x128xi32, #tpu.memory_space<vmem>>
    %dma_wait3A_384 = tpu.memref_squeeze %dma_wait3A_383 : memref<1x64x128xi32, #tpu.memory_space<vmem>> -> memref<64x128xi32, #tpu.memory_space<vmem>>
    %dma_wait3A_385 = arith.constant 0 : i32
    %dma_wait3A_386 = tpu.memref_slice %arg5[%dma_wait3A_385, %add3A_379] : memref<64x16384xi32, #tpu.memory_space<hbm>> -> memref<64x128xi32, #tpu.memory_space<hbm>>
    %dma_wait3A_387 = arith.constant 0 : i32
    %dma_wait3A_388 = tpu.memref_slice %arg5[%dma_wait3A_387, %add3A_379] : memref<64x16384xi32, #tpu.memory_space<hbm>> -> memref<64x128xi32, #tpu.memory_space<hbm>>
    %dma_wait3A_389 = arith.constant 0 : i32
    %dma_wait3A_390 = arith.constant 0 : i32
    %dma_wait3A_391 = tpu.memref_slice %arg10[%dma_wait3A_380, %dma_wait3A_389, %dma_wait3A_390] : memref<2x64x128xi32, #tpu.memory_space<vmem>> -> memref<1x64x128xi32, #tpu.memory_space<vmem>>
    %dma_wait3A_392 = tpu.memref_squeeze %dma_wait3A_391 : memref<1x64x128xi32, #tpu.memory_space<vmem>> -> memref<64x128xi32, #tpu.memory_space<vmem>>
    tpu.wait_dma2 semaphore(%arg12 : memref<!tpu.dma_semaphore, #tpu.memory_space<semaphore_mem>>) src(%dma_wait3A_392 : memref<64x128xi32, #tpu.memory_space<vmem>>) dst(%dma_wait3A_388 : memref<64x128xi32, #tpu.memory_space<hbm>>)
    %add3A_393 = arith.constant 384 : i32
    %add3A_394 = arith.addi %mul3A_2, %add3A_393 : i32
    %dma_wait3A_395 = arith.constant 1 : i32
    %dma_wait3A_396 = arith.constant 0 : i32
    %dma_wait3A_397 = arith.constant 0 : i32
    %dma_wait3A_398 = tpu.memref_slice %arg10[%dma_wait3A_395, %dma_wait3A_396, %dma_wait3A_397] : memref<2x64x128xi32, #tpu.memory_space<vmem>> -> memref<1x64x128xi32, #tpu.memory_space<vmem>>
    %dma_wait3A_399 = tpu.memref_squeeze %dma_wait3A_398 : memref<1x64x128xi32, #tpu.memory_space<vmem>> -> memref<64x128xi32, #tpu.memory_space<vmem>>
    %dma_wait3A_400 = arith.constant 0 : i32
    %dma_wait3A_401 = tpu.memref_slice %arg5[%dma_wait3A_400, %add3A_394] : memref<64x16384xi32, #tpu.memory_space<hbm>> -> memref<64x128xi32, #tpu.memory_space<hbm>>
    %dma_wait3A_402 = arith.constant 0 : i32
    %dma_wait3A_403 = tpu.memref_slice %arg5[%dma_wait3A_402, %add3A_394] : memref<64x16384xi32, #tpu.memory_space<hbm>> -> memref<64x128xi32, #tpu.memory_space<hbm>>
    %dma_wait3A_404 = arith.constant 0 : i32
    %dma_wait3A_405 = arith.constant 0 : i32
    %dma_wait3A_406 = tpu.memref_slice %arg10[%dma_wait3A_395, %dma_wait3A_404, %dma_wait3A_405] : memref<2x64x128xi32, #tpu.memory_space<vmem>> -> memref<1x64x128xi32, #tpu.memory_space<vmem>>
    %dma_wait3A_407 = tpu.memref_squeeze %dma_wait3A_406 : memref<1x64x128xi32, #tpu.memory_space<vmem>> -> memref<64x128xi32, #tpu.memory_space<vmem>>
    tpu.wait_dma2 semaphore(%arg12 : memref<!tpu.dma_semaphore, #tpu.memory_space<semaphore_mem>>) src(%dma_wait3A_407 : memref<64x128xi32, #tpu.memory_space<vmem>>) dst(%dma_wait3A_403 : memref<64x128xi32, #tpu.memory_space<hbm>>)
    return
  }
}

</mosaic_0001>

<sc_bundles>
// kernel: kernel.3.cloned.1.call-start
scs
__scs_entry_jumppad:
0x0: {  	(pc) =	sbr.rel $0x88, $3  }
0x1: {  	(tag) =	ssettag $0x0;
	lr =	simm.s32 $0x1  }
0x2: {  	[smem:$0x3F9D] =	sst lr;
	_ =	strace $0xD0000000  }
0x3: {  	_ = 	snop  }
0x4: {  	_ = 	snop  }
0x5: {  	_ = 	snop  }
0x6: {  	_ = 	snop  }
0x7: {  	_ = 	snop  }
__scs_overlays_trampoline_lowered:
0x8: {  	[smem:$0x3FAC] =	sst s0  }
0x9: {  	[smem:$0x3FAD] =	sst s1  }
0xa: {  	[smem:$0x3FAE] =	sst s2  }
0xb: {  	[smem:$0x3FAF] =	sst s3  }
0xc: {  	[smem:$0x3FB0] =	sst s4  }
0xd: {  	[smem:$0x3FB1] =	sst s5  }
0xe: {  	[smem:$0x3FB2] =	sst s6  }
0xf: {  	[smem:$0x3FB3] =	sst s7  }
0x10: {  	[smem:$0x3FB4] =	sst s8  }
0x11: {  	[smem:$0x3FB5] =	sst s9;
	s0 =	simm.s32 @!p0 $0x0  }
0x12: {  	s1 =	sld [smem:$0x3F9B];
	s0 =	simm.s32 @p0 $0x1  }
0x13: {  	[smem:$0x3FB6] =	sst s0;
	s0 =	simm.s32 @!p1 $0x0  }
0x14: {  	s2 =	sld [smem:$0x3F9A];
	s0 =	simm.s32 @p1 $0x1  }
0x15: {  	[smem:$0x3FB7] =	sst s0;
	s0 =	simm.s32 @!p2 $0x0  }
0x16: {  	s3 =	sld [smem:$0x3FDB];
	s0 =	simm.s32 @p2 $0x1  }
0x17: {  	s4 =	simm.s32 $0x1BF5;
	[smem:$0x3FB9] =	sst s0  }
0x18: {  	s0 =	sld [smem:$0x3F9C];
	_ =	swait.ge [sflag:s4], $0x0  }
0x19: {  	s7 =	sld [smem:$0x3F9D]  }
0x1a: {  	s8 =	sadd.s32 $0xFFFFE003, lr  }
0x1b: {  	s9 =	sadd.s32 $0xFFFFFEF7, lr;
	s5 =	simm.s32 $0xFFFFFFFF;
	p2 =	slt.u32 s8, $0xFFFFF086  }
0x1c: {  	p1 =	slt.u32 s9, $0xF7A;
	s5 =	simm.s32 @!p2 $0x0  }
0x1d: {  	s5 =	simm.s32 @p1 $0x1;
	p0 =	seq.s32 s7, s2  }
0x1e: {  	s7 =	smul.u32 @!p0 $0xF7A, s2;
	p2 =	seq.s32 @!p0 s5, $0x0  }
0x1f: {  	s9 =	smul.u32 $0xF7A, s1;
	s8 =	simm.s32 @!p0 $0x1BF5;
	p2 =	por !p2, p0  }
0x20: {  	[sflag:s8] =	ssyncset.s32 @!p0 $0xFFFFF086;
	s6 =	sadd.s32 @!p0 s3, s7;
	s7 =	simm.s32 @!p0 $0x108  }
0x21: {  	s3 =	sadd.s32 s3, s9;
	s6 =	sadd.s32 @!p0 $0x88, s6;
	s7 =	simm.s32 @p2 $0x1082  }
0x22: {  	[simem:s7], [sflag:s8] =	dma.local @!p0 [hbm:s6], $0xF7A  }
0x23: {  	s9 =	sor.u32 $0xD0000000, s2;
	s6 =	simm.s32 $0x108;
	_ =	swait.ge @!p0 [sflag:s8], $0x0  }
0x24: {  	s3 =	sadd.s32 $0x88, s3;
	s6 =	simm.s32 @!p1 $0x1082;
	[sflag:s4] =	ssyncset.s32 $0xFFFFF086  }
0x25: {  	[simem:s6], [sflag:s4] =	dma.local [hbm:s3], $0xF7A  }
0x26: {  	[smem:$0x3F9D] =	sst s1;
	(tag) =	ssettag s2;
	_ =	strace s9  }
0x27: {  	s1 =	sld [smem:$0x3FAD]  }
0x28: {  	s2 =	sld [smem:$0x3FAE]  }
0x29: {  	s4 =	sld [smem:$0x3FB0]  }
0x2a: {  	p0 =	seq.s32 s5, $0x0;
	s5 =	sld [smem:$0x3FB1]  }
0x2b: {  	s6 =	sld [smem:$0x3FB2]  }
0x2c: {  	s7 =	sld [smem:$0x3FB3]  }
0x2d: {  	s3 =	simm.s32 $0x108;
	s8 =	sld [smem:$0x3FB4]  }
0x2e: {  	s3 =	simm.s32 @!p0 $0x1082;
	s9 =	sld [smem:$0x3FB5]  }
0x2f: {  	lr =	sadd.s32 s0, s3;
	s0 =	sld [smem:$0x3FAC]  }
0x30: {  	s3 =	sld [smem:$0x3FAF]  }
0x31: {  	[smem:$0x3FB8] =	sst s10  }
0x32: {  	s10 =	sld [smem:$0x3FB6];
	_ =	sdelay $0x3  }
0x33: {  	p0 =	seq.s32 s10, $0x1;
	s10 =	sld [smem:$0x3FB8];
	_ =	sdelay $0x3  }
0x34: {  	[smem:$0x3FB8] =	sst s10  }
0x35: {  	s10 =	sld [smem:$0x3FB7];
	_ =	sdelay $0x3  }
0x36: {  	p1 =	seq.s32 s10, $0x1;
	s10 =	sld [smem:$0x3FB8];
	_ =	sdelay $0x3  }
0x37: {  	[smem:$0x3FB8] =	sst s10  }
0x38: {  	s10 =	sld [smem:$0x3FB9]  }
0x39: {  	_ = 	snop;
	(pc) =	sbr.ind lr, $3  }
0x3a: {  	_ = 	snop  }
0x3b: {  	_ = 	snop  }
0x3c: {  	p2 =	seq.s32 s10, $0x1;
	s10 =	sld [smem:$0x3FB8]  }
0x3d: {  	_ =	shalt  }
0x3e: {  	_ =	shalt  }
0x3f: {  	_ =	shalt  }
0x40: {  	_ =	shalt  }
0x41: {  	_ =	shalt  }
0x42: {  	_ =	shalt  }
0x43: {  	_ =	shalt  }
0x44: {  	_ =	shalt  }
0x45: {  	_ =	shalt  }
0x46: {  	_ =	shalt  }
0x47: {  	_ =	shalt  }
0x48: {  	_ =	shalt  }
0x49: {  	_ =	shalt  }
0x4a: {  	_ =	shalt  }
0x4b: {  	_ =	shalt  }
0x4c: {  	_ =	shalt  }
0x4d: {  	_ =	shalt  }
0x4e: {  	_ =	shalt  }
0x4f: {  	_ =	shalt  }
0x50: {  	_ =	shalt  }
0x51: {  	_ =	shalt  }
0x52: {  	_ =	shalt  }
0x53: {  	_ =	shalt  }
0x54: {  	_ =	shalt  }
0x55: {  	_ =	shalt  }
0x56: {  	_ =	shalt  }
0x57: {  	_ =	shalt  }
0x58: {  	_ =	shalt  }
0x59: {  	_ =	shalt  }
0x5a: {  	_ =	shalt  }
0x5b: {  	_ =	shalt  }
0x5c: {  	_ =	shalt  }
0x5d: {  	_ =	shalt  }
0x5e: {  	_ =	shalt  }
0x5f: {  	_ =	shalt  }
0x60: {  	_ =	shalt  }
0x61: {  	_ =	shalt  }
0x62: {  	_ =	shalt  }
0x63: {  	_ =	shalt  }
0x64: {  	_ =	shalt  }
0x65: {  	_ =	shalt  }
0x66: {  	_ =	shalt  }
0x67: {  	_ =	shalt  }
0x68: {  	_ =	shalt  }
0x69: {  	_ =	shalt  }
0x6a: {  	_ =	shalt  }
0x6b: {  	_ =	shalt  }
0x6c: {  	_ =	shalt  }
0x6d: {  	_ =	shalt  }
0x6e: {  	_ =	shalt  }
0x6f: {  	_ =	shalt  }
0x70: {  	_ =	shalt  }
0x71: {  	_ =	shalt  }
0x72: {  	_ =	shalt  }
0x73: {  	_ =	shalt  }
0x74: {  	_ =	shalt  }
0x75: {  	_ =	shalt  }
0x76: {  	_ =	shalt  }
0x77: {  	_ =	shalt  }
0x78: {  	_ =	shalt  }
0x79: {  	_ =	shalt  }
0x7a: {  	_ =	shalt  }
0x7b: {  	_ =	shalt  }
0x7c: {  	_ =	shalt  }
0x7d: {  	_ =	shalt  }
0x7e: {  	_ =	shalt  }
0x7f: {  	_ =	shalt  }
0x80: {  	_ =	shalt  }
0x81: {  	_ =	shalt  }
0x82: {  	_ =	shalt  }
0x83: {  	_ =	shalt  }
0x84: {  	_ =	shalt  }
0x85: {  	_ =	shalt  }
0x86: {  	_ =	shalt  }
0x87: {  	_ =	shalt  }
.Lfunc_end0:
.L_simem_size_0:
called_computation_lowered:
.L_overlay_start_0:
0x88: {  	s2 =	sld [smem:$0x3FD9]  }
0x89: {  	s3 =	sld [smem:$0x3FFE];
	_ =	sdelay $0x1  }
0x8a: {  	s1 =	srdreg.scid  }
0x8b: {  	s0 =	sand.u32 $0x1, s1  }
0x8c: {  	s14 =	sshll.u32 s0, $0xA;
	s2 =	sadd.s32 s3, s2  }
0x8d: {  	s2 =	sadd.s32 s2, s14  }
0x8e: {  	[smem:$0x3FC4] =	sst s2  }
0x8f: {  	_ = 	snop  }
0x90: {  	s2 =	sld [smem:$0x3FD0];
	_ =	sdelay $0x1  }
0x91: {  	s15 =	sld [smem:$0x3FC9]  }
0x92: {  	s5 =	simm.s32 $0xA;
	s6 =	simm.s32 $0x10;
	s4 =	sld [smem:$0x3FC7]  }
0x93: {  	[smem:s6], [sflag:s5] =	dma.local [hbm:s2], $0x1  }
0x94: {  	_ =	swait.eq [sflag:s5], $0x1  }
0x95: {  	[sflag:s5] =	ssyncset.done $0x0  }
0x96: {  	[sflag:s5] =	ssyncadd.s32 $0xFFFFFFFF  }
0x97: {  	s16 =	sld [smem:$0x10];
	(tm) =	ssettm $0x1  }
0x98: {  	s17 =	sld [smem:$0x3FFB];
	_ =	sdelay $0x3  }
0x99: {  	_ =	strace s17  }
0x9a: {  	s5 =	sld [smem:$0x3FFC];
	_ =	sdelay $0x3  }
0x9b: {  	_ =	strace s5  }
0x9c: {  	s5 =	sld [smem:$0x3FFD];
	_ =	sdelay $0x3  }
0x9d: {  	_ =	strace s5  }
0x9e: {  	_ =	strace $0x8FFFFFFF  }
0x9f: {  	s18 =	sld [smem:$0x3FDB];
	_ =	sdelay $0x1  }
0xa0: {  	s19 =	simm.s32 $_scs_section_size  }
0xa1: {  	s7 =	simm.s32 $_size__tile_overlayer_lowered;
	s8 =	simm.s32 $_tile_overlayer_lowered  }
0xa2: {  	s22 =	simm.s32 $0x1BFF;
	s21 =	sshll.u32 s8, $0x1;
	s5 =	sadd.s32 s19, s18  }
0xa3: {  	s9 =	simm.s32 $0x0;
	s20 =	sshll.u32 s7, $0x1;
	s7 =	sadd.s32 s21, s5  }
0xa4: {  	[timem:s9], [sflag:s22] =	dma.local [hbm:s7], s20  }
0xa5: {  	_ =	swait.ge [sflag:s22], s20  }
0xa6: {  	s6 =	ssub.s32 $0x0, s20;
	[sflag:s22] =	ssyncset.done $0x0  }
0xa7: {  	[sflag:s22] =	ssyncadd.s32 s6;
	_ =	sdelay $0x1  }
0xa8: {  	s23 =	simm.s32 $0x1B8B  }
0xa9: {  	_ =	swait.ge [sflag:s23], $0x1  }
0xaa: {  	[sflag:s23] =	ssyncset.done $0x0  }
0xab: {  	s25 =	simm.s32 $0x1B8E;
	s24 =	sld [smem:$0x3FFE];
	[sflag:s23] =	ssyncadd.s32 $0xFFFFFFFF  }
0xac: {  	s26 =	simm.s32 $execute0_lowered;
	[smem:$0x3FD2] =	sst s25  }
0xad: {  	s7 =	sshll.u32 s26, $0x1;
	_ =	strace $0x80000046;
	[dreg:$0x1] =	wrdreg $0xFFFFFFFF  }
0xae: {  	s28 =	simm.s32 $_size_execute0_lowered;
	s5 =	sadd.s32 s5, s7;
	[dreg:$0x0] =	wrdreg $0x0  }
0xaf: {  	s7 =	sshll.u32 s28, $0x1;
	[dreg:$0x2] =	wrdreg s5  }
0xb0: {  	[dreg:$0x3] =	wrdreg s7  }
0xb1: {  	[dreg:$0x4] =	wrdreg $0xC0  }
0xb2: {  	_ =	task [dreg:s9], $0x5FFFF  }
0xb3: {  	[dreg:$0x1] =	wrdreg $0xFFFFFFFF  }
0xb4: {  	[dreg:$0x0] =	wrdreg $0x60  }
0xb5: {  	[dreg:$0x2] =	wrdreg s15  }
0xb6: {  	[dreg:$0x3] =	wrdreg s24  }
0xb7: {  	[dreg:$0x4] =	wrdreg s4  }
0xb8: {  	[dreg:$0x5] =	wrdreg s16  }
0xb9: {  	[dreg:$0x6] =	wrdreg $0x9  }
0xba: {  	_ =	task.clear_ibuf [dreg:s9], $0x7FFFF;
	_ =	strace $0x90000046  }
0xbb: {  	s29 =	simm.s32 $0x9;
	_ =	strace $0x80000048  }
0xbc: {  	_ =	swait.ge [sflag:s29], $0x1  }
0xbd: {  	[sflag:s29] =	ssyncadd.s32 $0xFFFFFFFF  }
0xbe: {  	_ =	strace $0x90000048  }
0xbf: {  	_ =	sfence  }
0xc0: {  	s30 =	sld [smem:$0x0];
	_ =	sdelay $0x2  }
0xc1: {  	s31 =	sshll.u32 s1, $0xD;
	s1 =	sshrl.u32 s1, $0x2  }
0xc2: {  	s3 =	sand.u32 $0x4000, s31;
	s1 =	sadd.s32 s1, s30  }
0xc3: {  	s0 =	sor.u32 s3, s0;
	s1 =	sshll.u32 s1, $0x11  }
0xc4: {  	s0 =	sor.u32 s1, s0  }
0xc5: {  	s0 =	sadd.s32 $0x8F2B, s0  }
0xc6: {  	[sflag:s0] =	ssyncadd.remote.s32 $0x1  }
0xc7: {  	_ =	sfence.sel $0xFFFF  }
0xc8: {  	[dreg:$0x0] =	wrdreg $0xFFFFFFFF;
	(pc) =	sbr.abs _section_cstart, $3  }
0xc9: {  	[dreg:$0x1] =	wrdreg $0xFFFFFFFF  }
0xca: {  	_ =	task.clear_ibuf [dreg:s9], $0x2FFFF;
	_ =	strace $0x9FFFFFFF  }
0xcb: {  	(tm) =	ssettm $0x7FFFFFFF  }
tec
execute0_lowered:
.L_overlay_start_1:
0x0: {  	(tag) =	ssettag $0x1  }
0x1: {  	s0 =	rddreg [dreg:$0x0]  }
0x2: {  	s1 =	rddreg [dreg:$0x1]  }
0x3: {  	s4 =	rddreg [dreg:$0x2]  }
0x4: {  	s6 =	rddreg [dreg:$0x3]  }
0x5: {  	s2 =	srdreg.scid;
	s5 =	stileid.u32;
	s15 =	simm.s32 $0x3  }
0x6: {  	s16 =	simm.s32 $0x200;
	s28 =	simm.s32 $0x280;
	s30 =	simm.s32 $0x4200  }
0x7: {  	s31 =	simm.s32 $0x20000;
	s11 =	simm.s32 $0x1;
	s29 =	simm.s32 $0xFC00  }
0x8: {  	s17 =	simm.s32 $0xFC80;
	s10 =	simm.s32 $0xF980;
	s12 =	simm.s32 $0x16200  }
0x9: {  	s13 =	simm.s32 $0x0;
	s3 =	sand.u32 $0x1, s2;
	s2 =	simm.s32 $0x0  }
0xa: {  	s5 =	sshll.u32 s5, $0xA;
	s7 =	sshll.u32 s3, $0x9;
	[smem:$0x7FF] =	sst s2  }
0xb: {  	s8 =	ssub.s32 $0x2, s3;
	s3 =	sadd.s32 $0x600, s1;
	s7 =	sor.u32 s7, s5  }
0xc: {  	_ =	strace $0x80000047;
	s18 =	sshrl.u32 s8, $0x1;
	s5 =	sadd.s32 $0x680, s1  }
0xd: {  	s9 =	sshrl.u32 s7, $0x3;
	s8 =	ssub.s32 s8, s18;
	s19 =	sadd.s32 s4, s7  }
0xe: {  	s20 =	sor.u32 $0x80, s7;
	s22 =	sadd.s32 s6, s7;
	s23 =	sor.u32 $0x100, s7  }
0xf: {  	s25 =	sor.u32 $0x180, s7;
	s7 =	simm.s32 $0x8200;
	[dreg:$0x6] =	wrdreg s19  }
0x10: {  	s18 =	simm.s32 $0xF880;
	s0 =	sadd.s32 s0, s9;
	[dreg:$0x8] =	wrdreg s22  }
0x11: {  	s21 =	sadd.s32 s4, s20;
	s24 =	sadd.s32 s4, s23;
	[dreg:$0x5] =	wrdreg s0  }
0x12: {  	s4 =	sadd.s32 s4, s25;
	s1 =	sadd.s32 s6, s23;
	[dreg:$0x7] =	wrdreg s21  }
0x13: {  	v0 =	vimm.s32 $0x7;
	s26 =	smax.u32 s8, $0x1;
	s19 =	simm.s32 $0xC200;
	[dreg:$0x9] =	wrdreg s24  }
0x14: {  	v1 =	vimm.s32 $0x1;
	v2 =	vimm.s32 $0x0;
	v3 =	vlaneseq.u32;
	s8 =	simm.s32 $0xFD00;
	s9 =	simm.s32 $0xF900;
	[dreg:$0xb] =	wrdreg s4  }
0x15: {  	vm0 =	vmmov $0x1;
	v5 =	vimm.s32 $0x2;
	v6 =	vimm.s32 $0x3;
	s22 =	simm.s32 $0xFA80;
	s23 =	simm.s32 $0xFB00;
	[dreg:$0xc] =	wrdreg s1  }
0x16: {  	v7 =	vimm.s32 $0x4;
	v8 =	vimm.s32 $0x5;
	v9 =	vimm.s32 $0x6;
	s0 =	sadd.s32 s6, s20;
	[dreg:$0xe] =	wrdreg s26;
	s20 =	simm.s32 $0x400  }
0x17: {  	v10 =	vimm.s32 $0x8;
	v11 =	vimm.s32 $0x9;
	v12 =	vimm.s32 $0xA;
	s4 =	simm.s32 $0xFF80;
	s1 =	simm.s32 $0xFD80;
	s21 =	simm.s32 $0xFA00  }
0x18: {  	v13 =	vimm.s32 $0xB;
	v14 =	vimm.s32 $0xC;
	v15 =	vimm.s32 $0xD;
	s24 =	simm.s32 $0x2;
	[dreg:$0xa] =	wrdreg s0;
	s0 =	sadd.s32 s6, s25  }
0x19: {  	v16 =	vimm.s32 $0xE;
	v17 =	vimm.s32 $0xF;
	v4 =	vmul.u32 $0x8, v3;
	s6 =	simm.s32 $0xFE80;
	[dreg:$0xd] =	wrdreg s0;
	s0 =	simm.s32 $0xFE00  }
.LBB2_1:
0x1a: {  	s14 =	rddreg [dreg:$0x5]  }
0x1b: {  	[tilespmem:s2], [sflag:$0x3] =	stream.linear.gather [hbm4b:s14+s2], $0x200, $0x38;
	[tilespmem:$0x18200] =	vst v63  }
0x1c: {  	_ =	swait.ge [sflag:s15], $0x200  }
0x1d: {  	[sflag:s15] =	ssyncset.done $0x0  }
0x1e: {  	[sflag:s15] =	ssyncadd.s32 $0xFFFFFE00  }
0x1f: {  	v18 =	vld [tilespmem:$0x0];
	_ =	sdelay $0x4  }
0x20: {  	v19 =	vshll.u32 v18, $0x1  }
0x21: {  	v18 =	vand.u32 $0x7, v18;
	v19 =	vand.u32 $0xFFFFFFF0, v19  }
0x22: {  	v18 =	vor.u32 v18, v19  }
0x23: {  	v19 =	vperm.xlane v18, v2;
	_ =	sdelay $0x1  }
0x24: {  	v20 =	vperm.xlane v18, v1;
	v19 =	vadd.s32 v4, v19;
	_ =	sdelay $0x1  }
0x25: {  	v21 =	vperm.xlane v18, v5;
	v20 =	vadd.s32 v4, v20;
	_ =	sdelay $0x1  }
0x26: {  	v22 =	vperm.xlane v18, v6;
	v21 =	vadd.s32 v4, v21  }
0x27: {  	[tilespmem:s16], [sflag:$0x1] =	stream.indirect_vreg.gather [hbm4b:s3+s2], $0x80, v19, vm0, $0xb8;
	[tilespmem:$0x18200] =	vst v63  }
0x28: {  	v19 =	vadd.s32 v4, v22;
	v22 =	vperm.xlane v18, v7  }
0x29: {  	[tilespmem:s28], [sflag:$0x1] =	stream.indirect_vreg.gather [hbm4b:s3+s2], $0x80, v20, vm0, $0xb8;
	[tilespmem:$0x18200] =	vst v63  }
0x2a: {  	s26 =	simm.s32 $0x300;
	v20 =	vadd.s32 v4, v22;
	v22 =	vperm.xlane v18, v8  }
0x2b: {  	[tilespmem:s26], [sflag:$0x1] =	stream.indirect_vreg.gather [hbm4b:s3+s2], $0x80, v21, vm0, $0xb8;
	[tilespmem:$0x18200] =	vst v63  }
0x2c: {  	s25 =	simm.s32 $0x380;
	v21 =	vadd.s32 v4, v22;
	v22 =	vperm.xlane v18, v9  }
0x2d: {  	[tilespmem:s25], [sflag:$0x1] =	stream.indirect_vreg.gather [hbm4b:s3+s2], $0x80, v19, vm0, $0xb8;
	[tilespmem:$0x18200] =	vst v63  }
0x2e: {  	v19 =	vadd.s32 v4, v22;
	v22 =	vperm.xlane v18, v0  }
0x2f: {  	[tilespmem:s20], [sflag:$0x1] =	stream.indirect_vreg.gather [hbm4b:s3+s2], $0x80, v20, vm0, $0xb8;
	[tilespmem:$0x18200] =	vst v63  }
0x30: {  	s26 =	simm.s32 $0x480;
	v20 =	vadd.s32 v4, v22;
	v22 =	vperm.xlane v18, v10  }
0x31: {  	[tilespmem:s26], [sflag:$0x1] =	stream.indirect_vreg.gather [hbm4b:s3+s2], $0x80, v21, vm0, $0xb8;
	[tilespmem:$0x18200] =	vst v63  }
0x32: {  	s25 =	simm.s32 $0x500;
	v21 =	vadd.s32 v4, v22;
	v22 =	vperm.xlane v18, v11  }
0x33: {  	[tilespmem:s25], [sflag:$0x1] =	stream.indirect_vreg.gather [hbm4b:s3+s2], $0x80, v19, vm0, $0xb8;
	[tilespmem:$0x18200] =	vst v63  }
0x34: {  	s26 =	simm.s32 $0x580;
	v19 =	vadd.s32 v4, v22;
	v22 =	vperm.xlane v18, v12  }
0x35: {  	[tilespmem:s26], [sflag:$0x1] =	stream.indirect_vreg.gather [hbm4b:s3+s2], $0x80, v20, vm0, $0xb8;
	[tilespmem:$0x18200] =	vst v63  }
0x36: {  	s25 =	simm.s32 $0x600;
	v20 =	vadd.s32 v4, v22;
	v22 =	vperm.xlane v18, v13  }
0x37: {  	[tilespmem:s25], [sflag:$0x1] =	stream.indirect_vreg.gather [hbm4b:s3+s2], $0x80, v21, vm0, $0xb8;
	[tilespmem:$0x18200] =	vst v63  }
0x38: {  	s26 =	simm.s32 $0x680;
	v21 =	vadd.s32 v4, v22;
	v22 =	vperm.xlane v18, v14  }
0x39: {  	[tilespmem:s26], [sflag:$0x1] =	stream.indirect_vreg.gather [hbm4b:s3+s2], $0x80, v19, vm0, $0xb8;
	[tilespmem:$0x18200] =	vst v63  }
0x3a: {  	s25 =	simm.s32 $0x700;
	v19 =	vadd.s32 v4, v22;
	v22 =	vperm.xlane v18, v15  }
0x3b: {  	[tilespmem:s25], [sflag:$0x1] =	stream.indirect_vreg.gather [hbm4b:s3+s2], $0x80, v20, vm0, $0xb8;
	[tilespmem:$0x18200] =	vst v63  }
0x3c: {  	s26 =	simm.s32 $0x780;
	v20 =	vadd.s32 v4, v22;
	v22 =	vperm.xlane v18, v16  }
0x3d: {  	[tilespmem:s26], [sflag:$0x1] =	stream.indirect_vreg.gather [hbm4b:s3+s2], $0x80, v21, vm0, $0xb8;
	[tilespmem:$0x18200] =	vst v63  }
0x3e: {  	v18 =	vperm.xlane v18, v17;
	s25 =	simm.s32 $0x800;
	v21 =	vadd.s32 v4, v22  }
0x3f: {  	[tilespmem:s25], [sflag:$0x1] =	stream.indirect_vreg.gather [hbm4b:s3+s2], $0x80, v19, vm0, $0xb8;
	[tilespmem:$0x18200] =	vst v63  }
0x40: {  	v18 =	vadd.s32 v4, v18;
	s26 =	simm.s32 $0x880  }
0x41: {  	[tilespmem:s26], [sflag:$0x1] =	stream.indirect_vreg.gather [hbm4b:s3+s2], $0x80, v20, vm0, $0xb8;
	[tilespmem:$0x18200] =	vst v63  }
0x42: {  	s25 =	simm.s32 $0x900  }
0x43: {  	[tilespmem:s25], [sflag:$0x1] =	stream.indirect_vreg.gather [hbm4b:s3+s2], $0x80, v21, vm0, $0xb8;
	[tilespmem:$0x18200] =	vst v63  }
0x44: {  	s26 =	simm.s32 $0x980  }
0x45: {  	[tilespmem:s26], [sflag:$0x1] =	stream.indirect_vreg.gather [hbm4b:s3+s2], $0x80, v18, vm0, $0xb8;
	[tilespmem:$0x18200] =	vst v63  }
0x46: {  	v18 =	vld [tilespmem:$0x10];
	_ =	sdelay $0x4  }
0x47: {  	v19 =	vshll.u32 v18, $0x1  }
0x48: {  	v18 =	vand.u32 $0x7, v18;
	v19 =	vand.u32 $0xFFFFFFF0, v19  }
0x49: {  	v18 =	vor.u32 v18, v19  }
0x4a: {  	v19 =	vperm.xlane v18, v2;
	_ =	sdelay $0x1  }
0x4b: {  	v20 =	vperm.xlane v18, v1;
	v19 =	vadd.s32 v4, v19;
	_ =	sdelay $0x1  }
0x4c: {  	v21 =	vperm.xlane v18, v5;
	v20 =	vadd.s32 v4, v20;
	_ =	sdelay $0x1  }
0x4d: {  	s25 =	simm.s32 $0xA00;
	v22 =	vperm.xlane v18, v6;
	v21 =	vadd.s32 v4, v21  }
0x4e: {  	[tilespmem:s25], [sflag:$0x1] =	stream.indirect_vreg.gather [hbm4b:s3+s2], $0x80, v19, vm0, $0xb8;
	[tilespmem:$0x18200] =	vst v63  }
0x4f: {  	s26 =	simm.s32 $0xA80;
	v19 =	vadd.s32 v4, v22;
	v22 =	vperm.xlane v18, v7  }
0x50: {  	[tilespmem:s26], [sflag:$0x1] =	stream.indirect_vreg.gather [hbm4b:s3+s2], $0x80, v20, vm0, $0xb8;
	[tilespmem:$0x18200] =	vst v63  }
0x51: {  	s25 =	simm.s32 $0xB00;
	v20 =	vadd.s32 v4, v22;
	v22 =	vperm.xlane v18, v8  }
0x52: {  	[tilespmem:s25], [sflag:$0x1] =	stream.indirect_vreg.gather [hbm4b:s3+s2], $0x80, v21, vm0, $0xb8;
	[tilespmem:$0x18200] =	vst v63  }
0x53: {  	s26 =	simm.s32 $0xB80;
	v21 =	vadd.s32 v4, v22;
	v22 =	vperm.xlane v18, v9  }
0x54: {  	[tilespmem:s26], [sflag:$0x1] =	stream.indirect_vreg.gather [hbm4b:s3+s2], $0x80, v19, vm0, $0xb8;
	[tilespmem:$0x18200] =	vst v63  }
0x55: {  	s25 =	simm.s32 $0xC00;
	v19 =	vadd.s32 v4, v22;
	v22 =	vperm.xlane v18, v0  }
0x56: {  	[tilespmem:s25], [sflag:$0x1] =	stream.indirect_vreg.gather [hbm4b:s3+s2], $0x80, v20, vm0, $0xb8;
	[tilespmem:$0x18200] =	vst v63  }
0x57: {  	s26 =	simm.s32 $0xC80;
	v20 =	vadd.s32 v4, v22;
	v22 =	vperm.xlane v18, v10  }
0x58: {  	[tilespmem:s26], [sflag:$0x1] =	stream.indirect_vreg.gather [hbm4b:s3+s2], $0x80, v21, vm0, $0xb8;
	[tilespmem:$0x18200] =	vst v63  }
0x59: {  	s25 =	simm.s32 $0xD00;
	v21 =	vadd.s32 v4, v22;
	v22 =	vperm.xlane v18, v11  }
0x5a: {  	[tilespmem:s25], [sflag:$0x1] =	stream.indirect_vreg.gather [hbm4b:s3+s2], $0x80, v19, vm0, $0xb8;
	[tilespmem:$0x18200] =	vst v63  }
0x5b: {  	s26 =	simm.s32 $0xD80;
	v19 =	vadd.s32 v4, v22;
	v22 =	vperm.xlane v18, v12  }
0x5c: {  	[tilespmem:s26], [sflag:$0x1] =	stream.indirect_vreg.gather [hbm4b:s3+s2], $0x80, v20, vm0, $0xb8;
	[tilespmem:$0x18200] =	vst v63  }
0x5d: {  	s25 =	simm.s32 $0xE00;
	v20 =	vadd.s32 v4, v22;
	v22 =	vperm.xlane v18, v13  }
0x5e: {  	[tilespmem:s25], [sflag:$0x1] =	stream.indirect_vreg.gather [hbm4b:s3+s2], $0x80, v21, vm0, $0xb8;
	[tilespmem:$0x18200] =	vst v63  }
0x5f: {  	s26 =	simm.s32 $0xE80;
	v21 =	vadd.s32 v4, v22;
	v22 =	vperm.xlane v18, v14  }
0x60: {  	[tilespmem:s26], [sflag:$0x1] =	stream.indirect_vreg.gather [hbm4b:s3+s2], $0x80, v19, vm0, $0xb8;
	[tilespmem:$0x18200] =	vst v63  }
0x61: {  	s25 =	simm.s32 $0xF00;
	v19 =	vadd.s32 v4, v22;
	v22 =	vperm.xlane v18, v15  }
0x62: {  	[tilespmem:s25], [sflag:$0x1] =	stream.indirect_vreg.gather [hbm4b:s3+s2], $0x80, v20, vm0, $0xb8;
	[tilespmem:$0x18200] =	vst v63  }
0x63: {  	s26 =	simm.s32 $0xF80;
	v20 =	vadd.s32 v4, v22;
	v22 =	vperm.xlane v18, v16  }
0x64: {  	[tilespmem:s26], [sflag:$0x1] =	stream.indirect_vreg.gather [hbm4b:s3+s2], $0x80, v21, vm0, $0xb8;
	[tilespmem:$0x18200] =	vst v63  }
0x65: {  	v18 =	vperm.xlane v18, v17;
	s25 =	simm.s32 $0x1000;
	v21 =	vadd.s32 v4, v22  }
0x66: {  	[tilespmem:s25], [sflag:$0x1] =	stream.indirect_vreg.gather [hbm4b:s3+s2], $0x80, v19, vm0, $0xb8;
	[tilespmem:$0x18200] =	vst v63  }
0x67: {  	v18 =	vadd.s32 v4, v18;
	s26 =	simm.s32 $0x1080  }
0x68: {  	[tilespmem:s26], [sflag:$0x1] =	stream.indirect_vreg.gather [hbm4b:s3+s2], $0x80, v20, vm0, $0xb8;
	[tilespmem:$0x18200] =	vst v63  }
0x69: {  	s25 =	simm.s32 $0x1100  }
0x6a: {  	[tilespmem:s25], [sflag:$0x1] =	stream.indirect_vreg.gather [hbm4b:s3+s2], $0x80, v21, vm0, $0xb8;
	[tilespmem:$0x18200] =	vst v63  }
0x6b: {  	s26 =	simm.s32 $0x1180  }
0x6c: {  	[tilespmem:s26], [sflag:$0x1] =	stream.indirect_vreg.gather [hbm4b:s3+s2], $0x80, v18, vm0, $0xb8;
	[tilespmem:$0x18200] =	vst v63  }
0x6d: {  	v18 =	vld [tilespmem:$0x20];
	_ =	sdelay $0x4  }
0x6e: {  	v19 =	vshll.u32 v18, $0x1  }
0x6f: {  	v18 =	vand.u32 $0x7, v18;
	v19 =	vand.u32 $0xFFFFFFF0, v19  }
0x70: {  	v18 =	vor.u32 v18, v19  }
0x71: {  	v19 =	vperm.xlane v18, v2;
	_ =	sdelay $0x1  }
0x72: {  	v20 =	vperm.xlane v18, v1;
	v19 =	vadd.s32 v4, v19;
	_ =	sdelay $0x1  }
0x73: {  	v21 =	vperm.xlane v18, v5;
	v20 =	vadd.s32 v4, v20;
	_ =	sdelay $0x1  }
0x74: {  	s25 =	simm.s32 $0x1200;
	v22 =	vperm.xlane v18, v6;
	v21 =	vadd.s32 v4, v21  }
0x75: {  	[tilespmem:s25], [sflag:$0x1] =	stream.indirect_vreg.gather [hbm4b:s3+s2], $0x80, v19, vm0, $0xb8;
	[tilespmem:$0x18200] =	vst v63  }
0x76: {  	s26 =	simm.s32 $0x1280;
	v19 =	vadd.s32 v4, v22;
	v22 =	vperm.xlane v18, v7  }
0x77: {  	[tilespmem:s26], [sflag:$0x1] =	stream.indirect_vreg.gather [hbm4b:s3+s2], $0x80, v20, vm0, $0xb8;
	[tilespmem:$0x18200] =	vst v63  }
0x78: {  	s25 =	simm.s32 $0x1300;
	v20 =	vadd.s32 v4, v22;
	v22 =	vperm.xlane v18, v8  }
0x79: {  	[tilespmem:s25], [sflag:$0x1] =	stream.indirect_vreg.gather [hbm4b:s3+s2], $0x80, v21, vm0, $0xb8;
	[tilespmem:$0x18200] =	vst v63  }
0x7a: {  	s26 =	simm.s32 $0x1380;
	v21 =	vadd.s32 v4, v22;
	v22 =	vperm.xlane v18, v9  }
0x7b: {  	[tilespmem:s26], [sflag:$0x1] =	stream.indirect_vreg.gather [hbm4b:s3+s2], $0x80, v19, vm0, $0xb8;
	[tilespmem:$0x18200] =	vst v63  }
0x7c: {  	s25 =	simm.s32 $0x1400;
	v19 =	vadd.s32 v4, v22;
	v22 =	vperm.xlane v18, v0  }
0x7d: {  	[tilespmem:s25], [sflag:$0x1] =	stream.indirect_vreg.gather [hbm4b:s3+s2], $0x80, v20, vm0, $0xb8;
	[tilespmem:$0x18200] =	vst v63  }
0x7e: {  	s26 =	simm.s32 $0x1480;
	v20 =	vadd.s32 v4, v22;
	v22 =	vperm.xlane v18, v10  }
0x7f: {  	[tilespmem:s26], [sflag:$0x1] =	stream.indirect_vreg.gather [hbm4b:s3+s2], $0x80, v21, vm0, $0xb8;
	[tilespmem:$0x18200] =	vst v63  }
0x80: {  	s25 =	simm.s32 $0x1500;
	v21 =	vadd.s32 v4, v22;
	v22 =	vperm.xlane v18, v11  }
0x81: {  	[tilespmem:s25], [sflag:$0x1] =	stream.indirect_vreg.gather [hbm4b:s3+s2], $0x80, v19, vm0, $0xb8;
	[tilespmem:$0x18200] =	vst v63  }
0x82: {  	s26 =	simm.s32 $0x1580;
	v19 =	vadd.s32 v4, v22;
	v22 =	vperm.xlane v18, v12  }
0x83: {  	[tilespmem:s26], [sflag:$0x1] =	stream.indirect_vreg.gather [hbm4b:s3+s2], $0x80, v20, vm0, $0xb8;
	[tilespmem:$0x18200] =	vst v63  }
0x84: {  	s25 =	simm.s32 $0x1600;
	v20 =	vadd.s32 v4, v22;
	v22 =	vperm.xlane v18, v13  }
0x85: {  	[tilespmem:s25], [sflag:$0x1] =	stream.indirect_vreg.gather [hbm4b:s3+s2], $0x80, v21, vm0, $0xb8;
	[tilespmem:$0x18200] =	vst v63  }
0x86: {  	s26 =	simm.s32 $0x1680;
	v21 =	vadd.s32 v4, v22;
	v22 =	vperm.xlane v18, v14  }
0x87: {  	[tilespmem:s26], [sflag:$0x1] =	stream.indirect_vreg.gather [hbm4b:s3+s2], $0x80, v19, vm0, $0xb8;
	[tilespmem:$0x18200] =	vst v63  }
0x88: {  	s25 =	simm.s32 $0x1700;
	v19 =	vadd.s32 v4, v22;
	v22 =	vperm.xlane v18, v15  }
0x89: {  	[tilespmem:s25], [sflag:$0x1] =	stream.indirect_vreg.gather [hbm4b:s3+s2], $0x80, v20, vm0, $0xb8;
	[tilespmem:$0x18200] =	vst v63  }
0x8a: {  	s26 =	simm.s32 $0x1780;
	v20 =	vadd.s32 v4, v22;
	v22 =	vperm.xlane v18, v16  }
0x8b: {  	[tilespmem:s26], [sflag:$0x1] =	stream.indirect_vreg.gather [hbm4b:s3+s2], $0x80, v21, vm0, $0xb8;
	[tilespmem:$0x18200] =	vst v63  }
0x8c: {  	v18 =	vperm.xlane v18, v17;
	s25 =	simm.s32 $0x1800;
	v21 =	vadd.s32 v4, v22  }
0x8d: {  	[tilespmem:s25], [sflag:$0x1] =	stream.indirect_vreg.gather [hbm4b:s3+s2], $0x80, v19, vm0, $0xb8;
	[tilespmem:$0x18200] =	vst v63  }
0x8e: {  	v18 =	vadd.s32 v4, v18;
	s26 =	simm.s32 $0x1880  }
0x8f: {  	[tilespmem:s26], [sflag:$0x1] =	stream.indirect_vreg.gather [hbm4b:s3+s2], $0x80, v20, vm0, $0xb8;
	[tilespmem:$0x18200] =	vst v63  }
0x90: {  	s25 =	simm.s32 $0x1900  }
0x91: {  	[tilespmem:s25], [sflag:$0x1] =	stream.indirect_vreg.gather [hbm4b:s3+s2], $0x80, v21, vm0, $0xb8;
	[tilespmem:$0x18200] =	vst v63  }
0x92: {  	s26 =	simm.s32 $0x1980  }
0x93: {  	[tilespmem:s26], [sflag:$0x1] =	stream.indirect_vreg.gather [hbm4b:s3+s2], $0x80, v18, vm0, $0xb8;
	[tilespmem:$0x18200] =	vst v63  }
0x94: {  	v18 =	vld [tilespmem:$0x30];
	_ =	sdelay $0x4  }
0x95: {  	v19 =	vshll.u32 v18, $0x1  }
0x96: {  	v18 =	vand.u32 $0x7, v18;
	v19 =	vand.u32 $0xFFFFFFF0, v19  }
0x97: {  	v18 =	vor.u32 v18, v19  }
0x98: {  	v19 =	vperm.xlane v18, v2;
	_ =	sdelay $0x1  }
0x99: {  	v20 =	vperm.xlane v18, v1;
	v19 =	vadd.s32 v4, v19;
	_ =	sdelay $0x1  }
0x9a: {  	v21 =	vperm.xlane v18, v5;
	v20 =	vadd.s32 v4, v20;
	_ =	sdelay $0x1  }
0x9b: {  	s25 =	simm.s32 $0x1A00;
	v22 =	vperm.xlane v18, v6;
	v21 =	vadd.s32 v4, v21  }
0x9c: {  	[tilespmem:s25], [sflag:$0x1] =	stream.indirect_vreg.gather [hbm4b:s3+s2], $0x80, v19, vm0, $0xb8;
	[tilespmem:$0x18200] =	vst v63  }
0x9d: {  	s26 =	simm.s32 $0x1A80;
	v19 =	vadd.s32 v4, v22;
	v22 =	vperm.xlane v18, v7  }
0x9e: {  	[tilespmem:s26], [sflag:$0x1] =	stream.indirect_vreg.gather [hbm4b:s3+s2], $0x80, v20, vm0, $0xb8;
	[tilespmem:$0x18200] =	vst v63  }
0x9f: {  	s25 =	simm.s32 $0x1B00;
	v20 =	vadd.s32 v4, v22;
	v22 =	vperm.xlane v18, v8  }
0xa0: {  	[tilespmem:s25], [sflag:$0x1] =	stream.indirect_vreg.gather [hbm4b:s3+s2], $0x80, v21, vm0, $0xb8;
	[tilespmem:$0x18200] =	vst v63  }
0xa1: {  	s26 =	simm.s32 $0x1B80;
	v21 =	vadd.s32 v4, v22;
	v22 =	vperm.xlane v18, v9  }
0xa2: {  	[tilespmem:s26], [sflag:$0x1] =	stream.indirect_vreg.gather [hbm4b:s3+s2], $0x80, v19, vm0, $0xb8;
	[tilespmem:$0x18200] =	vst v63  }
0xa3: {  	s25 =	simm.s32 $0x1C00;
	v19 =	vadd.s32 v4, v22;
	v22 =	vperm.xlane v18, v0  }
0xa4: {  	[tilespmem:s25], [sflag:$0x1] =	stream.indirect_vreg.gather [hbm4b:s3+s2], $0x80, v20, vm0, $0xb8;
	[tilespmem:$0x18200] =	vst v63  }
0xa5: {  	s26 =	simm.s32 $0x1C80;
	v20 =	vadd.s32 v4, v22;
	v22 =	vperm.xlane v18, v10  }
0xa6: {  	[tilespmem:s26], [sflag:$0x1] =	stream.indirect_vreg.gather [hbm4b:s3+s2], $0x80, v21, vm0, $0xb8;
	[tilespmem:$0x18200] =	vst v63  }
0xa7: {  	s25 =	simm.s32 $0x1D00;
	v21 =	vadd.s32 v4, v22;
	v22 =	vperm.xlane v18, v11  }
0xa8: {  	[tilespmem:s25], [sflag:$0x1] =	stream.indirect_vreg.gather [hbm4b:s3+s2], $0x80, v19, vm0, $0xb8;
	[tilespmem:$0x18200] =	vst v63  }
0xa9: {  	s26 =	simm.s32 $0x1D80;
	v19 =	vadd.s32 v4, v22;
	v22 =	vperm.xlane v18, v12  }
0xaa: {  	[tilespmem:s26], [sflag:$0x1] =	stream.indirect_vreg.gather [hbm4b:s3+s2], $0x80, v20, vm0, $0xb8;
	[tilespmem:$0x18200] =	vst v63  }
0xab: {  	s25 =	simm.s32 $0x1E00;
	v20 =	vadd.s32 v4, v22;
	v22 =	vperm.xlane v18, v13  }
0xac: {  	[tilespmem:s25], [sflag:$0x1] =	stream.indirect_vreg.gather [hbm4b:s3+s2], $0x80, v21, vm0, $0xb8;
	[tilespmem:$0x18200] =	vst v63  }
0xad: {  	s26 =	simm.s32 $0x1E80;
	v21 =	vadd.s32 v4, v22;
	v22 =	vperm.xlane v18, v14  }
0xae: {  	[tilespmem:s26], [sflag:$0x1] =	stream.indirect_vreg.gather [hbm4b:s3+s2], $0x80, v19, vm0, $0xb8;
	[tilespmem:$0x18200] =	vst v63  }
0xaf: {  	s25 =	simm.s32 $0x1F00;
	v19 =	vadd.s32 v4, v22;
	v22 =	vperm.xlane v18, v15  }
0xb0: {  	[tilespmem:s25], [sflag:$0x1] =	stream.indirect_vreg.gather [hbm4b:s3+s2], $0x80, v20, vm0, $0xb8;
	[tilespmem:$0x18200] =	vst v63  }
0xb1: {  	s26 =	simm.s32 $0x1F80;
	v20 =	vadd.s32 v4, v22;
	v22 =	vperm.xlane v18, v16  }
0xb2: {  	[tilespmem:s26], [sflag:$0x1] =	stream.indirect_vreg.gather [hbm4b:s3+s2], $0x80, v21, vm0, $0xb8;
	[tilespmem:$0x18200] =	vst v63  }
0xb3: {  	v18 =	vperm.xlane v18, v17;
	s25 =	simm.s32 $0x2000;
	v21 =	vadd.s32 v4, v22  }
0xb4: {  	[tilespmem:s25], [sflag:$0x1] =	stream.indirect_vreg.gather [hbm4b:s3+s2], $0x80, v19, vm0, $0xb8;
	[tilespmem:$0x18200] =	vst v63  }
0xb5: {  	v18 =	vadd.s32 v4, v18;
	s26 =	simm.s32 $0x2080  }
0xb6: {  	[tilespmem:s26], [sflag:$0x1] =	stream.indirect_vreg.gather [hbm4b:s3+s2], $0x80, v20, vm0, $0xb8;
	[tilespmem:$0x18200] =	vst v63  }
0xb7: {  	s25 =	simm.s32 $0x2100  }
0xb8: {  	[tilespmem:s25], [sflag:$0x1] =	stream.indirect_vreg.gather [hbm4b:s3+s2], $0x80, v21, vm0, $0xb8;
	[tilespmem:$0x18200] =	vst v63  }
0xb9: {  	s26 =	simm.s32 $0x2180  }
0xba: {  	[tilespmem:s26], [sflag:$0x1] =	stream.indirect_vreg.gather [hbm4b:s3+s2], $0x80, v18, vm0, $0xb8;
	[tilespmem:$0x18200] =	vst v63  }
0xbb: {  	v18 =	vld [tilespmem:$0x40];
	_ =	sdelay $0x4  }
0xbc: {  	v19 =	vshll.u32 v18, $0x1  }
0xbd: {  	v18 =	vand.u32 $0x7, v18;
	v19 =	vand.u32 $0xFFFFFFF0, v19  }
0xbe: {  	v18 =	vor.u32 v18, v19  }
0xbf: {  	v19 =	vperm.xlane v18, v2;
	_ =	sdelay $0x1  }
0xc0: {  	v20 =	vperm.xlane v18, v1;
	v19 =	vadd.s32 v4, v19;
	_ =	sdelay $0x1  }
0xc1: {  	v21 =	vperm.xlane v18, v5;
	v20 =	vadd.s32 v4, v20;
	_ =	sdelay $0x1  }
0xc2: {  	s25 =	simm.s32 $0x2200;
	v22 =	vperm.xlane v18, v6;
	v21 =	vadd.s32 v4, v21  }
0xc3: {  	[tilespmem:s25], [sflag:$0x1] =	stream.indirect_vreg.gather [hbm4b:s3+s2], $0x80, v19, vm0, $0xb8;
	[tilespmem:$0x18200] =	vst v63  }
0xc4: {  	s26 =	simm.s32 $0x2280;
	v19 =	vadd.s32 v4, v22;
	v22 =	vperm.xlane v18, v7  }
0xc5: {  	[tilespmem:s26], [sflag:$0x1] =	stream.indirect_vreg.gather [hbm4b:s3+s2], $0x80, v20, vm0, $0xb8;
	[tilespmem:$0x18200] =	vst v63  }
0xc6: {  	s25 =	simm.s32 $0x2300;
	v20 =	vadd.s32 v4, v22;
	v22 =	vperm.xlane v18, v8  }
0xc7: {  	[tilespmem:s25], [sflag:$0x1] =	stream.indirect_vreg.gather [hbm4b:s3+s2], $0x80, v21, vm0, $0xb8;
	[tilespmem:$0x18200] =	vst v63  }
0xc8: {  	s26 =	simm.s32 $0x2380;
	v21 =	vadd.s32 v4, v22;
	v22 =	vperm.xlane v18, v9  }
0xc9: {  	[tilespmem:s26], [sflag:$0x1] =	stream.indirect_vreg.gather [hbm4b:s3+s2], $0x80, v19, vm0, $0xb8;
	[tilespmem:$0x18200] =	vst v63  }
0xca: {  	s25 =	simm.s32 $0x2400;
	v19 =	vadd.s32 v4, v22;
	v22 =	vperm.xlane v18, v0  }
0xcb: {  	[tilespmem:s25], [sflag:$0x1] =	stream.indirect_vreg.gather [hbm4b:s3+s2], $0x80, v20, vm0, $0xb8;
	[tilespmem:$0x18200] =	vst v63  }
0xcc: {  	s26 =	simm.s32 $0x2480;
	v20 =	vadd.s32 v4, v22;
	v22 =	vperm.xlane v18, v10  }
0xcd: {  	[tilespmem:s26], [sflag:$0x1] =	stream.indirect_vreg.gather [hbm4b:s3+s2], $0x80, v21, vm0, $0xb8;
	[tilespmem:$0x18200] =	vst v63  }
0xce: {  	s25 =	simm.s32 $0x2500;
	v21 =	vadd.s32 v4, v22;
	v22 =	vperm.xlane v18, v11  }
0xcf: {  	[tilespmem:s25], [sflag:$0x1] =	stream.indirect_vreg.gather [hbm4b:s3+s2], $0x80, v19, vm0, $0xb8;
	[tilespmem:$0x18200] =	vst v63  }
0xd0: {  	s26 =	simm.s32 $0x2580;
	v19 =	vadd.s32 v4, v22;
	v22 =	vperm.xlane v18, v12  }
0xd1: {  	[tilespmem:s26], [sflag:$0x1] =	stream.indirect_vreg.gather [hbm4b:s3+s2], $0x80, v20, vm0, $0xb8;
	[tilespmem:$0x18200] =	vst v63  }
0xd2: {  	s25 =	simm.s32 $0x2600;
	v20 =	vadd.s32 v4, v22;
	v22 =	vperm.xlane v18, v13  }
0xd3: {  	[tilespmem:s25], [sflag:$0x1] =	stream.indirect_vreg.gather [hbm4b:s3+s2], $0x80, v21, vm0, $0xb8;
	[tilespmem:$0x18200] =	vst v63  }
0xd4: {  	s26 =	simm.s32 $0x2680;
	v21 =	vadd.s32 v4, v22;
	v22 =	vperm.xlane v18, v14  }
0xd5: {  	[tilespmem:s26], [sflag:$0x1] =	stream.indirect_vreg.gather [hbm4b:s3+s2], $0x80, v19, vm0, $0xb8;
	[tilespmem:$0x18200] =	vst v63  }
0xd6: {  	s25 =	simm.s32 $0x2700;
	v19 =	vadd.s32 v4, v22;
	v22 =	vperm.xlane v18, v15  }
0xd7: {  	[tilespmem:s25], [sflag:$0x1] =	stream.indirect_vreg.gather [hbm4b:s3+s2], $0x80, v20, vm0, $0xb8;
	[tilespmem:$0x18200] =	vst v63  }
0xd8: {  	s26 =	simm.s32 $0x2780;
	v20 =	vadd.s32 v4, v22;
	v22 =	vperm.xlane v18, v16  }
0xd9: {  	[tilespmem:s26], [sflag:$0x1] =	stream.indirect_vreg.gather [hbm4b:s3+s2], $0x80, v21, vm0, $0xb8;
	[tilespmem:$0x18200] =	vst v63  }
0xda: {  	v18 =	vperm.xlane v18, v17;
	s25 =	simm.s32 $0x2800;
	v21 =	vadd.s32 v4, v22  }
0xdb: {  	[tilespmem:s25], [sflag:$0x1] =	stream.indirect_vreg.gather [hbm4b:s3+s2], $0x80, v19, vm0, $0xb8;
	[tilespmem:$0x18200] =	vst v63  }
0xdc: {  	v18 =	vadd.s32 v4, v18;
	s26 =	simm.s32 $0x2880  }
0xdd: {  	[tilespmem:s26], [sflag:$0x1] =	stream.indirect_vreg.gather [hbm4b:s3+s2], $0x80, v20, vm0, $0xb8;
	[tilespmem:$0x18200] =	vst v63  }
0xde: {  	s25 =	simm.s32 $0x2900  }
0xdf: {  	[tilespmem:s25], [sflag:$0x1] =	stream.indirect_vreg.gather [hbm4b:s3+s2], $0x80, v21, vm0, $0xb8;
	[tilespmem:$0x18200] =	vst v63  }
0xe0: {  	s26 =	simm.s32 $0x2980  }
0xe1: {  	[tilespmem:s26], [sflag:$0x1] =	stream.indirect_vreg.gather [hbm4b:s3+s2], $0x80, v18, vm0, $0xb8;
	[tilespmem:$0x18200] =	vst v63  }
0xe2: {  	v18 =	vld [tilespmem:$0x50];
	_ =	sdelay $0x4  }
0xe3: {  	v19 =	vshll.u32 v18, $0x1  }
0xe4: {  	v18 =	vand.u32 $0x7, v18;
	v19 =	vand.u32 $0xFFFFFFF0, v19  }
0xe5: {  	v18 =	vor.u32 v18, v19  }
0xe6: {  	v19 =	vperm.xlane v18, v2;
	_ =	sdelay $0x1  }
0xe7: {  	v20 =	vperm.xlane v18, v1;
	v19 =	vadd.s32 v4, v19;
	_ =	sdelay $0x1  }
0xe8: {  	v21 =	vperm.xlane v18, v5;
	v20 =	vadd.s32 v4, v20;
	_ =	sdelay $0x1  }
0xe9: {  	s25 =	simm.s32 $0x2A00;
	v22 =	vperm.xlane v18, v6;
	v21 =	vadd.s32 v4, v21  }
0xea: {  	[tilespmem:s25], [sflag:$0x1] =	stream.indirect_vreg.gather [hbm4b:s3+s2], $0x80, v19, vm0, $0xb8;
	[tilespmem:$0x18200] =	vst v63  }
0xeb: {  	s26 =	simm.s32 $0x2A80;
	v19 =	vadd.s32 v4, v22;
	v22 =	vperm.xlane v18, v7  }
0xec: {  	[tilespmem:s26], [sflag:$0x1] =	stream.indirect_vreg.gather [hbm4b:s3+s2], $0x80, v20, vm0, $0xb8;
	[tilespmem:$0x18200] =	vst v63  }
0xed: {  	s25 =	simm.s32 $0x2B00;
	v20 =	vadd.s32 v4, v22;
	v22 =	vperm.xlane v18, v8  }
0xee: {  	[tilespmem:s25], [sflag:$0x1] =	stream.indirect_vreg.gather [hbm4b:s3+s2], $0x80, v21, vm0, $0xb8;
	[tilespmem:$0x18200] =	vst v63  }
0xef: {  	s26 =	simm.s32 $0x2B80;
	v21 =	vadd.s32 v4, v22;
	v22 =	vperm.xlane v18, v9  }
0xf0: {  	[tilespmem:s26], [sflag:$0x1] =	stream.indirect_vreg.gather [hbm4b:s3+s2], $0x80, v19, vm0, $0xb8;
	[tilespmem:$0x18200] =	vst v63  }
0xf1: {  	s25 =	simm.s32 $0x2C00;
	v19 =	vadd.s32 v4, v22;
	v22 =	vperm.xlane v18, v0  }
0xf2: {  	[tilespmem:s25], [sflag:$0x1] =	stream.indirect_vreg.gather [hbm4b:s3+s2], $0x80, v20, vm0, $0xb8;
	[tilespmem:$0x18200] =	vst v63  }
0xf3: {  	s26 =	simm.s32 $0x2C80;
	v20 =	vadd.s32 v4, v22;
	v22 =	vperm.xlane v18, v10  }
0xf4: {  	[tilespmem:s26], [sflag:$0x1] =	stream.indirect_vreg.gather [hbm4b:s3+s2], $0x80, v21, vm0, $0xb8;
	[tilespmem:$0x18200] =	vst v63  }
0xf5: {  	s25 =	simm.s32 $0x2D00;
	v21 =	vadd.s32 v4, v22;
	v22 =	vperm.xlane v18, v11  }
0xf6: {  	[tilespmem:s25], [sflag:$0x1] =	stream.indirect_vreg.gather [hbm4b:s3+s2], $0x80, v19, vm0, $0xb8;
	[tilespmem:$0x18200] =	vst v63  }
0xf7: {  	s26 =	simm.s32 $0x2D80;
	v19 =	vadd.s32 v4, v22;
	v22 =	vperm.xlane v18, v12  }
0xf8: {  	[tilespmem:s26], [sflag:$0x1] =	stream.indirect_vreg.gather [hbm4b:s3+s2], $0x80, v20, vm0, $0xb8;
	[tilespmem:$0x18200] =	vst v63  }
0xf9: {  	s25 =	simm.s32 $0x2E00;
	v20 =	vadd.s32 v4, v22;
	v22 =	vperm.xlane v18, v13  }
0xfa: {  	[tilespmem:s25], [sflag:$0x1] =	stream.indirect_vreg.gather [hbm4b:s3+s2], $0x80, v21, vm0, $0xb8;
	[tilespmem:$0x18200] =	vst v63  }
0xfb: {  	s26 =	simm.s32 $0x2E80;
	v21 =	vadd.s32 v4, v22;
	v22 =	vperm.xlane v18, v14  }
0xfc: {  	[tilespmem:s26], [sflag:$0x1] =	stream.indirect_vreg.gather [hbm4b:s3+s2], $0x80, v19, vm0, $0xb8;
	[tilespmem:$0x18200] =	vst v63  }
0xfd: {  	s25 =	simm.s32 $0x2F00;
	v19 =	vadd.s32 v4, v22;
	v22 =	vperm.xlane v18, v15  }
0xfe: {  	[tilespmem:s25], [sflag:$0x1] =	stream.indirect_vreg.gather [hbm4b:s3+s2], $0x80, v20, vm0, $0xb8;
	[tilespmem:$0x18200] =	vst v63  }
0xff: {  	s26 =	simm.s32 $0x2F80;
	v20 =	vadd.s32 v4, v22;
	v22 =	vperm.xlane v18, v16  }
0x100: {  	[tilespmem:s26], [sflag:$0x1] =	stream.indirect_vreg.gather [hbm4b:s3+s2], $0x80, v21, vm0, $0xb8;
	[tilespmem:$0x18200] =	vst v63  }
0x101: {  	v18 =	vperm.xlane v18, v17;
	s25 =	simm.s32 $0x3000;
	v21 =	vadd.s32 v4, v22  }
0x102: {  	[tilespmem:s25], [sflag:$0x1] =	stream.indirect_vreg.gather [hbm4b:s3+s2], $0x80, v19, vm0, $0xb8;
	[tilespmem:$0x18200] =	vst v63  }
0x103: {  	v18 =	vadd.s32 v4, v18;
	s26 =	simm.s32 $0x3080  }
0x104: {  	[tilespmem:s26], [sflag:$0x1] =	stream.indirect_vreg.gather [hbm4b:s3+s2], $0x80, v20, vm0, $0xb8;
	[tilespmem:$0x18200] =	vst v63  }
0x105: {  	s25 =	simm.s32 $0x3100  }
0x106: {  	[tilespmem:s25], [sflag:$0x1] =	stream.indirect_vreg.gather [hbm4b:s3+s2], $0x80, v21, vm0, $0xb8;
	[tilespmem:$0x18200] =	vst v63  }
0x107: {  	s26 =	simm.s32 $0x3180  }
0x108: {  	[tilespmem:s26], [sflag:$0x1] =	stream.indirect_vreg.gather [hbm4b:s3+s2], $0x80, v18, vm0, $0xb8;
	[tilespmem:$0x18200] =	vst v63  }
0x109: {  	v18 =	vld [tilespmem:$0x60];
	_ =	sdelay $0x4  }
0x10a: {  	v19 =	vshll.u32 v18, $0x1  }
0x10b: {  	v18 =	vand.u32 $0x7, v18;
	v19 =	vand.u32 $0xFFFFFFF0, v19  }
0x10c: {  	v18 =	vor.u32 v18, v19  }
0x10d: {  	v19 =	vperm.xlane v18, v2;
	_ =	sdelay $0x1  }
0x10e: {  	v20 =	vperm.xlane v18, v1;
	v19 =	vadd.s32 v4, v19;
	_ =	sdelay $0x1  }
0x10f: {  	v21 =	vperm.xlane v18, v5;
	v20 =	vadd.s32 v4, v20;
	_ =	sdelay $0x1  }
0x110: {  	s25 =	simm.s32 $0x3200;
	v22 =	vperm.xlane v18, v6;
	v21 =	vadd.s32 v4, v21  }
0x111: {  	[tilespmem:s25], [sflag:$0x1] =	stream.indirect_vreg.gather [hbm4b:s3+s2], $0x80, v19, vm0, $0xb8;
	[tilespmem:$0x18200] =	vst v63  }
0x112: {  	s26 =	simm.s32 $0x3280;
	v19 =	vadd.s32 v4, v22;
	v22 =	vperm.xlane v18, v7  }
0x113: {  	[tilespmem:s26], [sflag:$0x1] =	stream.indirect_vreg.gather [hbm4b:s3+s2], $0x80, v20, vm0, $0xb8;
	[tilespmem:$0x18200] =	vst v63  }
0x114: {  	s25 =	simm.s32 $0x3300;
	v20 =	vadd.s32 v4, v22;
	v22 =	vperm.xlane v18, v8  }
0x115: {  	[tilespmem:s25], [sflag:$0x1] =	stream.indirect_vreg.gather [hbm4b:s3+s2], $0x80, v21, vm0, $0xb8;
	[tilespmem:$0x18200] =	vst v63  }
0x116: {  	s26 =	simm.s32 $0x3380;
	v21 =	vadd.s32 v4, v22;
	v22 =	vperm.xlane v18, v9  }
0x117: {  	[tilespmem:s26], [sflag:$0x1] =	stream.indirect_vreg.gather [hbm4b:s3+s2], $0x80, v19, vm0, $0xb8;
	[tilespmem:$0x18200] =	vst v63  }
0x118: {  	s25 =	simm.s32 $0x3400;
	v19 =	vadd.s32 v4, v22;
	v22 =	vperm.xlane v18, v0  }
0x119: {  	[tilespmem:s25], [sflag:$0x1] =	stream.indirect_vreg.gather [hbm4b:s3+s2], $0x80, v20, vm0, $0xb8;
	[tilespmem:$0x18200] =	vst v63  }
0x11a: {  	s26 =	simm.s32 $0x3480;
	v20 =	vadd.s32 v4, v22;
	v22 =	vperm.xlane v18, v10  }
0x11b: {  	[tilespmem:s26], [sflag:$0x1] =	stream.indirect_vreg.gather [hbm4b:s3+s2], $0x80, v21, vm0, $0xb8;
	[tilespmem:$0x18200] =	vst v63  }
0x11c: {  	s25 =	simm.s32 $0x3500;
	v21 =	vadd.s32 v4, v22;
	v22 =	vperm.xlane v18, v11  }
0x11d: {  	[tilespmem:s25], [sflag:$0x1] =	stream.indirect_vreg.gather [hbm4b:s3+s2], $0x80, v19, vm0, $0xb8;
	[tilespmem:$0x18200] =	vst v63  }
0x11e: {  	s26 =	simm.s32 $0x3580;
	v19 =	vadd.s32 v4, v22;
	v22 =	vperm.xlane v18, v12  }
0x11f: {  	[tilespmem:s26], [sflag:$0x1] =	stream.indirect_vreg.gather [hbm4b:s3+s2], $0x80, v20, vm0, $0xb8;
	[tilespmem:$0x18200] =	vst v63  }
0x120: {  	s25 =	simm.s32 $0x3600;
	v20 =	vadd.s32 v4, v22;
	v22 =	vperm.xlane v18, v13  }
0x121: {  	[tilespmem:s25], [sflag:$0x1] =	stream.indirect_vreg.gather [hbm4b:s3+s2], $0x80, v21, vm0, $0xb8;
	[tilespmem:$0x18200] =	vst v63  }
0x122: {  	s26 =	simm.s32 $0x3680;
	v21 =	vadd.s32 v4, v22;
	v22 =	vperm.xlane v18, v14  }
0x123: {  	[tilespmem:s26], [sflag:$0x1] =	stream.indirect_vreg.gather [hbm4b:s3+s2], $0x80, v19, vm0, $0xb8;
	[tilespmem:$0x18200] =	vst v63  }
0x124: {  	s25 =	simm.s32 $0x3700;
	v19 =	vadd.s32 v4, v22;
	v22 =	vperm.xlane v18, v15  }
0x125: {  	[tilespmem:s25], [sflag:$0x1] =	stream.indirect_vreg.gather [hbm4b:s3+s2], $0x80, v20, vm0, $0xb8;
	[tilespmem:$0x18200] =	vst v63  }
0x126: {  	s26 =	simm.s32 $0x3780;
	v20 =	vadd.s32 v4, v22;
	v22 =	vperm.xlane v18, v16  }
0x127: {  	[tilespmem:s26], [sflag:$0x1] =	stream.indirect_vreg.gather [hbm4b:s3+s2], $0x80, v21, vm0, $0xb8;
	[tilespmem:$0x18200] =	vst v63  }
0x128: {  	v18 =	vperm.xlane v18, v17;
	s25 =	simm.s32 $0x3800;
	v21 =	vadd.s32 v4, v22  }
0x129: {  	[tilespmem:s25], [sflag:$0x1] =	stream.indirect_vreg.gather [hbm4b:s3+s2], $0x80, v19, vm0, $0xb8;
	[tilespmem:$0x18200] =	vst v63  }
0x12a: {  	v18 =	vadd.s32 v4, v18;
	s26 =	simm.s32 $0x3880  }
0x12b: {  	[tilespmem:s26], [sflag:$0x1] =	stream.indirect_vreg.gather [hbm4b:s3+s2], $0x80, v20, vm0, $0xb8;
	[tilespmem:$0x18200] =	vst v63  }
0x12c: {  	s25 =	simm.s32 $0x3900  }
0x12d: {  	[tilespmem:s25], [sflag:$0x1] =	stream.indirect_vreg.gather [hbm4b:s3+s2], $0x80, v21, vm0, $0xb8;
	[tilespmem:$0x18200] =	vst v63  }
0x12e: {  	s26 =	simm.s32 $0x3980  }
0x12f: {  	[tilespmem:s26], [sflag:$0x1] =	stream.indirect_vreg.gather [hbm4b:s3+s2], $0x80, v18, vm0, $0xb8;
	[tilespmem:$0x18200] =	vst v63  }
0x130: {  	v18 =	vld [tilespmem:$0x70];
	_ =	sdelay $0x4  }
0x131: {  	v19 =	vshll.u32 v18, $0x1  }
0x132: {  	v18 =	vand.u32 $0x7, v18;
	v19 =	vand.u32 $0xFFFFFFF0, v19  }
0x133: {  	v18 =	vor.u32 v18, v19  }
0x134: {  	v19 =	vperm.xlane v18, v2;
	_ =	sdelay $0x1  }
0x135: {  	v20 =	vperm.xlane v18, v1;
	v19 =	vadd.s32 v4, v19;
	_ =	sdelay $0x1  }
0x136: {  	v21 =	vperm.xlane v18, v5;
	v20 =	vadd.s32 v4, v20;
	_ =	sdelay $0x1  }
0x137: {  	s25 =	simm.s32 $0x3A00;
	v22 =	vperm.xlane v18, v6;
	v21 =	vadd.s32 v4, v21  }
0x138: {  	[tilespmem:s25], [sflag:$0x1] =	stream.indirect_vreg.gather [hbm4b:s3+s2], $0x80, v19, vm0, $0xb8;
	[tilespmem:$0x18200] =	vst v63  }
0x139: {  	s26 =	simm.s32 $0x3A80;
	v19 =	vadd.s32 v4, v22;
	v22 =	vperm.xlane v18, v7  }
0x13a: {  	[tilespmem:s26], [sflag:$0x1] =	stream.indirect_vreg.gather [hbm4b:s3+s2], $0x80, v20, vm0, $0xb8;
	[tilespmem:$0x18200] =	vst v63  }
0x13b: {  	s25 =	simm.s32 $0x3B00;
	v20 =	vadd.s32 v4, v22;
	v22 =	vperm.xlane v18, v8  }
0x13c: {  	[tilespmem:s25], [sflag:$0x1] =	stream.indirect_vreg.gather [hbm4b:s3+s2], $0x80, v21, vm0, $0xb8;
	[tilespmem:$0x18200] =	vst v63  }
0x13d: {  	s26 =	simm.s32 $0x3B80;
	v21 =	vadd.s32 v4, v22;
	v22 =	vperm.xlane v18, v9  }
0x13e: {  	[tilespmem:s26], [sflag:$0x1] =	stream.indirect_vreg.gather [hbm4b:s3+s2], $0x80, v19, vm0, $0xb8;
	[tilespmem:$0x18200] =	vst v63  }
0x13f: {  	s25 =	simm.s32 $0x3C00;
	v19 =	vadd.s32 v4, v22;
	v22 =	vperm.xlane v18, v0  }
0x140: {  	[tilespmem:s25], [sflag:$0x1] =	stream.indirect_vreg.gather [hbm4b:s3+s2], $0x80, v20, vm0, $0xb8;
	[tilespmem:$0x18200] =	vst v63  }
0x141: {  	s26 =	simm.s32 $0x3C80;
	v20 =	vadd.s32 v4, v22;
	v22 =	vperm.xlane v18, v10  }
0x142: {  	[tilespmem:s26], [sflag:$0x1] =	stream.indirect_vreg.gather [hbm4b:s3+s2], $0x80, v21, vm0, $0xb8;
	[tilespmem:$0x18200] =	vst v63  }
0x143: {  	s25 =	simm.s32 $0x3D00;
	v21 =	vadd.s32 v4, v22;
	v22 =	vperm.xlane v18, v11  }
0x144: {  	[tilespmem:s25], [sflag:$0x1] =	stream.indirect_vreg.gather [hbm4b:s3+s2], $0x80, v19, vm0, $0xb8;
	[tilespmem:$0x18200] =	vst v63  }
0x145: {  	s26 =	simm.s32 $0x3D80;
	v19 =	vadd.s32 v4, v22;
	v22 =	vperm.xlane v18, v12  }
0x146: {  	[tilespmem:s26], [sflag:$0x1] =	stream.indirect_vreg.gather [hbm4b:s3+s2], $0x80, v20, vm0, $0xb8;
	[tilespmem:$0x18200] =	vst v63  }
0x147: {  	s25 =	simm.s32 $0x3E00;
	v20 =	vadd.s32 v4, v22;
	v22 =	vperm.xlane v18, v13  }
0x148: {  	[tilespmem:s25], [sflag:$0x1] =	stream.indirect_vreg.gather [hbm4b:s3+s2], $0x80, v21, vm0, $0xb8;
	[tilespmem:$0x18200] =	vst v63  }
0x149: {  	s26 =	simm.s32 $0x3E80;
	v21 =	vadd.s32 v4, v22;
	v22 =	vperm.xlane v18, v14  }
0x14a: {  	[tilespmem:s26], [sflag:$0x1] =	stream.indirect_vreg.gather [hbm4b:s3+s2], $0x80, v19, vm0, $0xb8;
	[tilespmem:$0x18200] =	vst v63  }
0x14b: {  	s25 =	simm.s32 $0x3F00;
	v19 =	vadd.s32 v4, v22;
	v22 =	vperm.xlane v18, v15  }
0x14c: {  	[tilespmem:s25], [sflag:$0x1] =	stream.indirect_vreg.gather [hbm4b:s3+s2], $0x80, v20, vm0, $0xb8;
	[tilespmem:$0x18200] =	vst v63  }
0x14d: {  	s26 =	simm.s32 $0x3F80;
	v20 =	vadd.s32 v4, v22;
	v22 =	vperm.xlane v18, v16  }
0x14e: {  	[tilespmem:s26], [sflag:$0x1] =	stream.indirect_vreg.gather [hbm4b:s3+s2], $0x80, v21, vm0, $0xb8;
	[tilespmem:$0x18200] =	vst v63  }
0x14f: {  	v18 =	vperm.xlane v18, v17;
	s25 =	simm.s32 $0x4000;
	v21 =	vadd.s32 v4, v22  }
0x150: {  	[tilespmem:s25], [sflag:$0x1] =	stream.indirect_vreg.gather [hbm4b:s3+s2], $0x80, v19, vm0, $0xb8;
	[tilespmem:$0x18200] =	vst v63  }
0x151: {  	v18 =	vadd.s32 v4, v18;
	s26 =	simm.s32 $0x4080  }
0x152: {  	[tilespmem:s26], [sflag:$0x1] =	stream.indirect_vreg.gather [hbm4b:s3+s2], $0x80, v20, vm0, $0xb8;
	[tilespmem:$0x18200] =	vst v63  }
0x153: {  	s25 =	simm.s32 $0x4100  }
0x154: {  	[tilespmem:s25], [sflag:$0x1] =	stream.indirect_vreg.gather [hbm4b:s3+s2], $0x80, v21, vm0, $0xb8;
	[tilespmem:$0x18200] =	vst v63  }
0x155: {  	s26 =	simm.s32 $0x4180  }
0x156: {  	[tilespmem:s26], [sflag:$0x1] =	stream.indirect_vreg.gather [hbm4b:s3+s2], $0x80, v18, vm0, $0xb8;
	[tilespmem:$0x18200] =	vst v63  }
0x157: {  	v18 =	vld [tilespmem:$0x0];
	_ =	sdelay $0x4  }
0x158: {  	v19 =	vshll.u32 v18, $0x1  }
0x159: {  	v18 =	vand.u32 $0x7, v18;
	v19 =	vand.u32 $0xFFFFFFF0, v19  }
0x15a: {  	v18 =	vor.u32 v18, v19  }
0x15b: {  	v19 =	vperm.xlane v18, v2;
	_ =	sdelay $0x1  }
0x15c: {  	v20 =	vperm.xlane v18, v1;
	v19 =	vadd.s32 v4, v19;
	_ =	sdelay $0x1  }
0x15d: {  	v21 =	vperm.xlane v18, v5;
	v20 =	vadd.s32 v4, v20;
	_ =	sdelay $0x1  }
0x15e: {  	v22 =	vperm.xlane v18, v6;
	v21 =	vadd.s32 v4, v21  }
0x15f: {  	[tilespmem:s7], [sflag:$0x1] =	stream.indirect_vreg.gather [hbm4b:s5+s2], $0x80, v19, vm0, $0xb8;
	[tilespmem:$0x18200] =	vst v63  }
0x160: {  	s25 =	simm.s32 $0x8280;
	v19 =	vadd.s32 v4, v22;
	v22 =	vperm.xlane v18, v7  }
0x161: {  	[tilespmem:s25], [sflag:$0x1] =	stream.indirect_vreg.gather [hbm4b:s5+s2], $0x80, v20, vm0, $0xb8;
	[tilespmem:$0x18200] =	vst v63  }
0x162: {  	s26 =	simm.s32 $0x8300;
	v20 =	vadd.s32 v4, v22;
	v22 =	vperm.xlane v18, v8  }
0x163: {  	[tilespmem:s26], [sflag:$0x1] =	stream.indirect_vreg.gather [hbm4b:s5+s2], $0x80, v21, vm0, $0xb8;
	[tilespmem:$0x18200] =	vst v63  }
0x164: {  	s25 =	simm.s32 $0x8380;
	v21 =	vadd.s32 v4, v22;
	v22 =	vperm.xlane v18, v9  }
0x165: {  	[tilespmem:s25], [sflag:$0x1] =	stream.indirect_vreg.gather [hbm4b:s5+s2], $0x80, v19, vm0, $0xb8;
	[tilespmem:$0x18200] =	vst v63  }
0x166: {  	s26 =	simm.s32 $0x8400;
	v19 =	vadd.s32 v4, v22;
	v22 =	vperm.xlane v18, v0  }
0x167: {  	[tilespmem:s26], [sflag:$0x1] =	stream.indirect_vreg.gather [hbm4b:s5+s2], $0x80, v20, vm0, $0xb8;
	[tilespmem:$0x18200] =	vst v63  }
0x168: {  	s25 =	simm.s32 $0x8480;
	v20 =	vadd.s32 v4, v22;
	v22 =	vperm.xlane v18, v10  }
0x169: {  	[tilespmem:s25], [sflag:$0x1] =	stream.indirect_vreg.gather [hbm4b:s5+s2], $0x80, v21, vm0, $0xb8;
	[tilespmem:$0x18200] =	vst v63  }
0x16a: {  	s26 =	simm.s32 $0x8500;
	v21 =	vadd.s32 v4, v22;
	v22 =	vperm.xlane v18, v11  }
0x16b: {  	[tilespmem:s26], [sflag:$0x1] =	stream.indirect_vreg.gather [hbm4b:s5+s2], $0x80, v19, vm0, $0xb8;
	[tilespmem:$0x18200] =	vst v63  }
0x16c: {  	s25 =	simm.s32 $0x8580;
	v19 =	vadd.s32 v4, v22;
	v22 =	vperm.xlane v18, v12  }
0x16d: {  	[tilespmem:s25], [sflag:$0x1] =	stream.indirect_vreg.gather [hbm4b:s5+s2], $0x80, v20, vm0, $0xb8;
	[tilespmem:$0x18200] =	vst v63  }
0x16e: {  	s26 =	simm.s32 $0x8600;
	v20 =	vadd.s32 v4, v22;
	v22 =	vperm.xlane v18, v13  }
0x16f: {  	[tilespmem:s26], [sflag:$0x1] =	stream.indirect_vreg.gather [hbm4b:s5+s2], $0x80, v21, vm0, $0xb8;
	[tilespmem:$0x18200] =	vst v63  }
0x170: {  	s25 =	simm.s32 $0x8680;
	v21 =	vadd.s32 v4, v22;
	v22 =	vperm.xlane v18, v14  }
0x171: {  	[tilespmem:s25], [sflag:$0x1] =	stream.indirect_vreg.gather [hbm4b:s5+s2], $0x80, v19, vm0, $0xb8;
	[tilespmem:$0x18200] =	vst v63  }
0x172: {  	s26 =	simm.s32 $0x8700;
	v19 =	vadd.s32 v4, v22;
	v22 =	vperm.xlane v18, v15  }
0x173: {  	[tilespmem:s26], [sflag:$0x1] =	stream.indirect_vreg.gather [hbm4b:s5+s2], $0x80, v20, vm0, $0xb8;
	[tilespmem:$0x18200] =	vst v63  }
0x174: {  	s25 =	simm.s32 $0x8780;
	v20 =	vadd.s32 v4, v22;
	v22 =	vperm.xlane v18, v16  }
0x175: {  	[tilespmem:s25], [sflag:$0x1] =	stream.indirect_vreg.gather [hbm4b:s5+s2], $0x80, v21, vm0, $0xb8;
	[tilespmem:$0x18200] =	vst v63  }
0x176: {  	v18 =	vperm.xlane v18, v17;
	s26 =	simm.s32 $0x8800;
	v21 =	vadd.s32 v4, v22  }
0x177: {  	[tilespmem:s26], [sflag:$0x1] =	stream.indirect_vreg.gather [hbm4b:s5+s2], $0x80, v19, vm0, $0xb8;
	[tilespmem:$0x18200] =	vst v63  }
0x178: {  	v18 =	vadd.s32 v4, v18;
	s25 =	simm.s32 $0x8880  }
0x179: {  	[tilespmem:s25], [sflag:$0x1] =	stream.indirect_vreg.gather [hbm4b:s5+s2], $0x80, v20, vm0, $0xb8;
	[tilespmem:$0x18200] =	vst v63  }
0x17a: {  	s26 =	simm.s32 $0x8900  }
0x17b: {  	[tilespmem:s26], [sflag:$0x1] =	stream.indirect_vreg.gather [hbm4b:s5+s2], $0x80, v21, vm0, $0xb8;
	[tilespmem:$0x18200] =	vst v63  }
0x17c: {  	s25 =	simm.s32 $0x8980  }
0x17d: {  	[tilespmem:s25], [sflag:$0x1] =	stream.indirect_vreg.gather [hbm4b:s5+s2], $0x80, v18, vm0, $0xb8;
	[tilespmem:$0x18200] =	vst v63  }
0x17e: {  	v18 =	vld [tilespmem:$0x10];
	_ =	sdelay $0x4  }
0x17f: {  	v19 =	vshll.u32 v18, $0x1  }
0x180: {  	v18 =	vand.u32 $0x7, v18;
	v19 =	vand.u32 $0xFFFFFFF0, v19  }
0x181: {  	v18 =	vor.u32 v18, v19  }
0x182: {  	v19 =	vperm.xlane v18, v2;
	_ =	sdelay $0x1  }
0x183: {  	v20 =	vperm.xlane v18, v1;
	v19 =	vadd.s32 v4, v19;
	_ =	sdelay $0x1  }
0x184: {  	v21 =	vperm.xlane v18, v5;
	v20 =	vadd.s32 v4, v20;
	_ =	sdelay $0x1  }
0x185: {  	s26 =	simm.s32 $0x8A00;
	v22 =	vperm.xlane v18, v6;
	v21 =	vadd.s32 v4, v21  }
0x186: {  	[tilespmem:s26], [sflag:$0x1] =	stream.indirect_vreg.gather [hbm4b:s5+s2], $0x80, v19, vm0, $0xb8;
	[tilespmem:$0x18200] =	vst v63  }
0x187: {  	s25 =	simm.s32 $0x8A80;
	v19 =	vadd.s32 v4, v22;
	v22 =	vperm.xlane v18, v7  }
0x188: {  	[tilespmem:s25], [sflag:$0x1] =	stream.indirect_vreg.gather [hbm4b:s5+s2], $0x80, v20, vm0, $0xb8;
	[tilespmem:$0x18200] =	vst v63  }
0x189: {  	s26 =	simm.s32 $0x8B00;
	v20 =	vadd.s32 v4, v22;
	v22 =	vperm.xlane v18, v8  }
0x18a: {  	[tilespmem:s26], [sflag:$0x1] =	stream.indirect_vreg.gather [hbm4b:s5+s2], $0x80, v21, vm0, $0xb8;
	[tilespmem:$0x18200] =	vst v63  }
0x18b: {  	s25 =	simm.s32 $0x8B80;
	v21 =	vadd.s32 v4, v22;
	v22 =	vperm.xlane v18, v9  }
0x18c: {  	[tilespmem:s25], [sflag:$0x1] =	stream.indirect_vreg.gather [hbm4b:s5+s2], $0x80, v19, vm0, $0xb8;
	[tilespmem:$0x18200] =	vst v63  }
0x18d: {  	s26 =	simm.s32 $0x8C00;
	v19 =	vadd.s32 v4, v22;
	v22 =	vperm.xlane v18, v0  }
0x18e: {  	[tilespmem:s26], [sflag:$0x1] =	stream.indirect_vreg.gather [hbm4b:s5+s2], $0x80, v20, vm0, $0xb8;
	[tilespmem:$0x18200] =	vst v63  }
0x18f: {  	s25 =	simm.s32 $0x8C80;
	v20 =	vadd.s32 v4, v22;
	v22 =	vperm.xlane v18, v10  }
0x190: {  	[tilespmem:s25], [sflag:$0x1] =	stream.indirect_vreg.gather [hbm4b:s5+s2], $0x80, v21, vm0, $0xb8;
	[tilespmem:$0x18200] =	vst v63  }
0x191: {  	s26 =	simm.s32 $0x8D00;
	v21 =	vadd.s32 v4, v22;
	v22 =	vperm.xlane v18, v11  }
0x192: {  	[tilespmem:s26], [sflag:$0x1] =	stream.indirect_vreg.gather [hbm4b:s5+s2], $0x80, v19, vm0, $0xb8;
	[tilespmem:$0x18200] =	vst v63  }
0x193: {  	s25 =	simm.s32 $0x8D80;
	v19 =	vadd.s32 v4, v22;
	v22 =	vperm.xlane v18, v12  }
0x194: {  	[tilespmem:s25], [sflag:$0x1] =	stream.indirect_vreg.gather [hbm4b:s5+s2], $0x80, v20, vm0, $0xb8;
	[tilespmem:$0x18200] =	vst v63  }
0x195: {  	s26 =	simm.s32 $0x8E00;
	v20 =	vadd.s32 v4, v22;
	v22 =	vperm.xlane v18, v13  }
0x196: {  	[tilespmem:s26], [sflag:$0x1] =	stream.indirect_vreg.gather [hbm4b:s5+s2], $0x80, v21, vm0, $0xb8;
	[tilespmem:$0x18200] =	vst v63  }
0x197: {  	s25 =	simm.s32 $0x8E80;
	v21 =	vadd.s32 v4, v22;
	v22 =	vperm.xlane v18, v14  }
0x198: {  	[tilespmem:s25], [sflag:$0x1] =	stream.indirect_vreg.gather [hbm4b:s5+s2], $0x80, v19, vm0, $0xb8;
	[tilespmem:$0x18200] =	vst v63  }
0x199: {  	s26 =	simm.s32 $0x8F00;
	v19 =	vadd.s32 v4, v22;
	v22 =	vperm.xlane v18, v15  }
0x19a: {  	[tilespmem:s26], [sflag:$0x1] =	stream.indirect_vreg.gather [hbm4b:s5+s2], $0x80, v20, vm0, $0xb8;
	[tilespmem:$0x18200] =	vst v63  }
0x19b: {  	s25 =	simm.s32 $0x8F80;
	v20 =	vadd.s32 v4, v22;
	v22 =	vperm.xlane v18, v16  }
0x19c: {  	[tilespmem:s25], [sflag:$0x1] =	stream.indirect_vreg.gather [hbm4b:s5+s2], $0x80, v21, vm0, $0xb8;
	[tilespmem:$0x18200] =	vst v63  }
0x19d: {  	v18 =	vperm.xlane v18, v17;
	s26 =	simm.s32 $0x9000;
	v21 =	vadd.s32 v4, v22  }
0x19e: {  	[tilespmem:s26], [sflag:$0x1] =	stream.indirect_vreg.gather [hbm4b:s5+s2], $0x80, v19, vm0, $0xb8;
	[tilespmem:$0x18200] =	vst v63  }
0x19f: {  	v18 =	vadd.s32 v4, v18;
	s25 =	simm.s32 $0x9080  }
0x1a0: {  	[tilespmem:s25], [sflag:$0x1] =	stream.indirect_vreg.gather [hbm4b:s5+s2], $0x80, v20, vm0, $0xb8;
	[tilespmem:$0x18200] =	vst v63  }
0x1a1: {  	s26 =	simm.s32 $0x9100  }
0x1a2: {  	[tilespmem:s26], [sflag:$0x1] =	stream.indirect_vreg.gather [hbm4b:s5+s2], $0x80, v21, vm0, $0xb8;
	[tilespmem:$0x18200] =	vst v63  }
0x1a3: {  	s25 =	simm.s32 $0x9180  }
0x1a4: {  	[tilespmem:s25], [sflag:$0x1] =	stream.indirect_vreg.gather [hbm4b:s5+s2], $0x80, v18, vm0, $0xb8;
	[tilespmem:$0x18200] =	vst v63  }
0x1a5: {  	v18 =	vld [tilespmem:$0x20];
	_ =	sdelay $0x4  }
0x1a6: {  	v19 =	vshll.u32 v18, $0x1  }
0x1a7: {  	v18 =	vand.u32 $0x7, v18;
	v19 =	vand.u32 $0xFFFFFFF0, v19  }
0x1a8: {  	v18 =	vor.u32 v18, v19  }
0x1a9: {  	v19 =	vperm.xlane v18, v2;
	_ =	sdelay $0x1  }
0x1aa: {  	v20 =	vperm.xlane v18, v1;
	v19 =	vadd.s32 v4, v19;
	_ =	sdelay $0x1  }
0x1ab: {  	v21 =	vperm.xlane v18, v5;
	v20 =	vadd.s32 v4, v20;
	_ =	sdelay $0x1  }
0x1ac: {  	s26 =	simm.s32 $0x9200;
	v22 =	vperm.xlane v18, v6;
	v21 =	vadd.s32 v4, v21  }
0x1ad: {  	[tilespmem:s26], [sflag:$0x1] =	stream.indirect_vreg.gather [hbm4b:s5+s2], $0x80, v19, vm0, $0xb8;
	[tilespmem:$0x18200] =	vst v63  }
0x1ae: {  	s25 =	simm.s32 $0x9280;
	v19 =	vadd.s32 v4, v22;
	v22 =	vperm.xlane v18, v7  }
0x1af: {  	[tilespmem:s25], [sflag:$0x1] =	stream.indirect_vreg.gather [hbm4b:s5+s2], $0x80, v20, vm0, $0xb8;
	[tilespmem:$0x18200] =	vst v63  }
0x1b0: {  	s26 =	simm.s32 $0x9300;
	v20 =	vadd.s32 v4, v22;
	v22 =	vperm.xlane v18, v8  }
0x1b1: {  	[tilespmem:s26], [sflag:$0x1] =	stream.indirect_vreg.gather [hbm4b:s5+s2], $0x80, v21, vm0, $0xb8;
	[tilespmem:$0x18200] =	vst v63  }
0x1b2: {  	s25 =	simm.s32 $0x9380;
	v21 =	vadd.s32 v4, v22;
	v22 =	vperm.xlane v18, v9  }
0x1b3: {  	[tilespmem:s25], [sflag:$0x1] =	stream.indirect_vreg.gather [hbm4b:s5+s2], $0x80, v19, vm0, $0xb8;
	[tilespmem:$0x18200] =	vst v63  }
0x1b4: {  	s26 =	simm.s32 $0x9400;
	v19 =	vadd.s32 v4, v22;
	v22 =	vperm.xlane v18, v0  }
0x1b5: {  	[tilespmem:s26], [sflag:$0x1] =	stream.indirect_vreg.gather [hbm4b:s5+s2], $0x80, v20, vm0, $0xb8;
	[tilespmem:$0x18200] =	vst v63  }
0x1b6: {  	s25 =	simm.s32 $0x9480;
	v20 =	vadd.s32 v4, v22;
	v22 =	vperm.xlane v18, v10  }
0x1b7: {  	[tilespmem:s25], [sflag:$0x1] =	stream.indirect_vreg.gather [hbm4b:s5+s2], $0x80, v21, vm0, $0xb8;
	[tilespmem:$0x18200] =	vst v63  }
0x1b8: {  	s26 =	simm.s32 $0x9500;
	v21 =	vadd.s32 v4, v22;
	v22 =	vperm.xlane v18, v11  }
0x1b9: {  	[tilespmem:s26], [sflag:$0x1] =	stream.indirect_vreg.gather [hbm4b:s5+s2], $0x80, v19, vm0, $0xb8;
	[tilespmem:$0x18200] =	vst v63  }
0x1ba: {  	s25 =	simm.s32 $0x9580;
	v19 =	vadd.s32 v4, v22;
	v22 =	vperm.xlane v18, v12  }
0x1bb: {  	[tilespmem:s25], [sflag:$0x1] =	stream.indirect_vreg.gather [hbm4b:s5+s2], $0x80, v20, vm0, $0xb8;
	[tilespmem:$0x18200] =	vst v63  }
0x1bc: {  	s26 =	simm.s32 $0x9600;
	v20 =	vadd.s32 v4, v22;
	v22 =	vperm.xlane v18, v13  }
0x1bd: {  	[tilespmem:s26], [sflag:$0x1] =	stream.indirect_vreg.gather [hbm4b:s5+s2], $0x80, v21, vm0, $0xb8;
	[tilespmem:$0x18200] =	vst v63  }
0x1be: {  	s25 =	simm.s32 $0x9680;
	v21 =	vadd.s32 v4, v22;
	v22 =	vperm.xlane v18, v14  }
0x1bf: {  	[tilespmem:s25], [sflag:$0x1] =	stream.indirect_vreg.gather [hbm4b:s5+s2], $0x80, v19, vm0, $0xb8;
	[tilespmem:$0x18200] =	vst v63  }
0x1c0: {  	s26 =	simm.s32 $0x9700;
	v19 =	vadd.s32 v4, v22;
	v22 =	vperm.xlane v18, v15  }
0x1c1: {  	[tilespmem:s26], [sflag:$0x1] =	stream.indirect_vreg.gather [hbm4b:s5+s2], $0x80, v20, vm0, $0xb8;
	[tilespmem:$0x18200] =	vst v63  }
0x1c2: {  	s25 =	simm.s32 $0x9780;
	v20 =	vadd.s32 v4, v22;
	v22 =	vperm.xlane v18, v16  }
0x1c3: {  	[tilespmem:s25], [sflag:$0x1] =	stream.indirect_vreg.gather [hbm4b:s5+s2], $0x80, v21, vm0, $0xb8;
	[tilespmem:$0x18200] =	vst v63  }
0x1c4: {  	v18 =	vperm.xlane v18, v17;
	s26 =	simm.s32 $0x9800;
	v21 =	vadd.s32 v4, v22  }
0x1c5: {  	[tilespmem:s26], [sflag:$0x1] =	stream.indirect_vreg.gather [hbm4b:s5+s2], $0x80, v19, vm0, $0xb8;
	[tilespmem:$0x18200] =	vst v63  }
0x1c6: {  	v18 =	vadd.s32 v4, v18;
	s25 =	simm.s32 $0x9880  }
0x1c7: {  	[tilespmem:s25], [sflag:$0x1] =	stream.indirect_vreg.gather [hbm4b:s5+s2], $0x80, v20, vm0, $0xb8;
	[tilespmem:$0x18200] =	vst v63  }
0x1c8: {  	s26 =	simm.s32 $0x9900  }
0x1c9: {  	[tilespmem:s26], [sflag:$0x1] =	stream.indirect_vreg.gather [hbm4b:s5+s2], $0x80, v21, vm0, $0xb8;
	[tilespmem:$0x18200] =	vst v63  }
0x1ca: {  	s25 =	simm.s32 $0x9980  }
0x1cb: {  	[tilespmem:s25], [sflag:$0x1] =	stream.indirect_vreg.gather [hbm4b:s5+s2], $0x80, v18, vm0, $0xb8;
	[tilespmem:$0x18200] =	vst v63  }
0x1cc: {  	v18 =	vld [tilespmem:$0x30];
	_ =	sdelay $0x4  }
0x1cd: {  	v19 =	vshll.u32 v18, $0x1  }
0x1ce: {  	v18 =	vand.u32 $0x7, v18;
	v19 =	vand.u32 $0xFFFFFFF0, v19  }
0x1cf: {  	v18 =	vor.u32 v18, v19  }
0x1d0: {  	v19 =	vperm.xlane v18, v2;
	_ =	sdelay $0x1  }
0x1d1: {  	v20 =	vperm.xlane v18, v1;
	v19 =	vadd.s32 v4, v19;
	_ =	sdelay $0x1  }
0x1d2: {  	v21 =	vperm.xlane v18, v5;
	v20 =	vadd.s32 v4, v20;
	_ =	sdelay $0x1  }
0x1d3: {  	s26 =	simm.s32 $0x9A00;
	v22 =	vperm.xlane v18, v6;
	v21 =	vadd.s32 v4, v21  }
0x1d4: {  	[tilespmem:s26], [sflag:$0x1] =	stream.indirect_vreg.gather [hbm4b:s5+s2], $0x80, v19, vm0, $0xb8;
	[tilespmem:$0x18200] =	vst v63  }
0x1d5: {  	s25 =	simm.s32 $0x9A80;
	v19 =	vadd.s32 v4, v22;
	v22 =	vperm.xlane v18, v7  }
0x1d6: {  	[tilespmem:s25], [sflag:$0x1] =	stream.indirect_vreg.gather [hbm4b:s5+s2], $0x80, v20, vm0, $0xb8;
	[tilespmem:$0x18200] =	vst v63  }
0x1d7: {  	s26 =	simm.s32 $0x9B00;
	v20 =	vadd.s32 v4, v22;
	v22 =	vperm.xlane v18, v8  }
0x1d8: {  	[tilespmem:s26], [sflag:$0x1] =	stream.indirect_vreg.gather [hbm4b:s5+s2], $0x80, v21, vm0, $0xb8;
	[tilespmem:$0x18200] =	vst v63  }
0x1d9: {  	s25 =	simm.s32 $0x9B80;
	v21 =	vadd.s32 v4, v22;
	v22 =	vperm.xlane v18, v9  }
0x1da: {  	[tilespmem:s25], [sflag:$0x1] =	stream.indirect_vreg.gather [hbm4b:s5+s2], $0x80, v19, vm0, $0xb8;
	[tilespmem:$0x18200] =	vst v63  }
0x1db: {  	s26 =	simm.s32 $0x9C00;
	v19 =	vadd.s32 v4, v22;
	v22 =	vperm.xlane v18, v0  }
0x1dc: {  	[tilespmem:s26], [sflag:$0x1] =	stream.indirect_vreg.gather [hbm4b:s5+s2], $0x80, v20, vm0, $0xb8;
	[tilespmem:$0x18200] =	vst v63  }
0x1dd: {  	s25 =	simm.s32 $0x9C80;
	v20 =	vadd.s32 v4, v22;
	v22 =	vperm.xlane v18, v10  }
0x1de: {  	[tilespmem:s25], [sflag:$0x1] =	stream.indirect_vreg.gather [hbm4b:s5+s2], $0x80, v21, vm0, $0xb8;
	[tilespmem:$0x18200] =	vst v63  }
0x1df: {  	s26 =	simm.s32 $0x9D00;
	v21 =	vadd.s32 v4, v22;
	v22 =	vperm.xlane v18, v11  }
0x1e0: {  	[tilespmem:s26], [sflag:$0x1] =	stream.indirect_vreg.gather [hbm4b:s5+s2], $0x80, v19, vm0, $0xb8;
	[tilespmem:$0x18200] =	vst v63  }
0x1e1: {  	s25 =	simm.s32 $0x9D80;
	v19 =	vadd.s32 v4, v22;
	v22 =	vperm.xlane v18, v12  }
0x1e2: {  	[tilespmem:s25], [sflag:$0x1] =	stream.indirect_vreg.gather [hbm4b:s5+s2], $0x80, v20, vm0, $0xb8;
	[tilespmem:$0x18200] =	vst v63  }
0x1e3: {  	s26 =	simm.s32 $0x9E00;
	v20 =	vadd.s32 v4, v22;
	v22 =	vperm.xlane v18, v13  }
0x1e4: {  	[tilespmem:s26], [sflag:$0x1] =	stream.indirect_vreg.gather [hbm4b:s5+s2], $0x80, v21, vm0, $0xb8;
	[tilespmem:$0x18200] =	vst v63  }
0x1e5: {  	s25 =	simm.s32 $0x9E80;
	v21 =	vadd.s32 v4, v22;
	v22 =	vperm.xlane v18, v14  }
0x1e6: {  	[tilespmem:s25], [sflag:$0x1] =	stream.indirect_vreg.gather [hbm4b:s5+s2], $0x80, v19, vm0, $0xb8;
	[tilespmem:$0x18200] =	vst v63  }
0x1e7: {  	s26 =	simm.s32 $0x9F00;
	v19 =	vadd.s32 v4, v22;
	v22 =	vperm.xlane v18, v15  }
0x1e8: {  	[tilespmem:s26], [sflag:$0x1] =	stream.indirect_vreg.gather [hbm4b:s5+s2], $0x80, v20, vm0, $0xb8;
	[tilespmem:$0x18200] =	vst v63  }
0x1e9: {  	s25 =	simm.s32 $0x9F80;
	v20 =	vadd.s32 v4, v22;
	v22 =	vperm.xlane v18, v16  }
0x1ea: {  	[tilespmem:s25], [sflag:$0x1] =	stream.indirect_vreg.gather [hbm4b:s5+s2], $0x80, v21, vm0, $0xb8;
	[tilespmem:$0x18200] =	vst v63  }
0x1eb: {  	v18 =	vperm.xlane v18, v17;
	s26 =	simm.s32 $0xA000;
	v21 =	vadd.s32 v4, v22  }
0x1ec: {  	[tilespmem:s26], [sflag:$0x1] =	stream.indirect_vreg.gather [hbm4b:s5+s2], $0x80, v19, vm0, $0xb8;
	[tilespmem:$0x18200] =	vst v63  }
0x1ed: {  	v18 =	vadd.s32 v4, v18;
	s25 =	simm.s32 $0xA080  }
0x1ee: {  	[tilespmem:s25], [sflag:$0x1] =	stream.indirect_vreg.gather [hbm4b:s5+s2], $0x80, v20, vm0, $0xb8;
	[tilespmem:$0x18200] =	vst v63  }
0x1ef: {  	s26 =	simm.s32 $0xA100  }
0x1f0: {  	[tilespmem:s26], [sflag:$0x1] =	stream.indirect_vreg.gather [hbm4b:s5+s2], $0x80, v21, vm0, $0xb8;
	[tilespmem:$0x18200] =	vst v63  }
0x1f1: {  	s25 =	simm.s32 $0xA180  }
0x1f2: {  	[tilespmem:s25], [sflag:$0x1] =	stream.indirect_vreg.gather [hbm4b:s5+s2], $0x80, v18, vm0, $0xb8;
	[tilespmem:$0x18200] =	vst v63  }
0x1f3: {  	v18 =	vld [tilespmem:$0x40];
	_ =	sdelay $0x4  }
0x1f4: {  	v19 =	vshll.u32 v18, $0x1  }
0x1f5: {  	v18 =	vand.u32 $0x7, v18;
	v19 =	vand.u32 $0xFFFFFFF0, v19  }
0x1f6: {  	v18 =	vor.u32 v18, v19  }
0x1f7: {  	v19 =	vperm.xlane v18, v2;
	_ =	sdelay $0x1  }
0x1f8: {  	v20 =	vperm.xlane v18, v1;
	v19 =	vadd.s32 v4, v19;
	_ =	sdelay $0x1  }
0x1f9: {  	v21 =	vperm.xlane v18, v5;
	v20 =	vadd.s32 v4, v20;
	_ =	sdelay $0x1  }
0x1fa: {  	s26 =	simm.s32 $0xA200;
	v22 =	vperm.xlane v18, v6;
	v21 =	vadd.s32 v4, v21  }
0x1fb: {  	[tilespmem:s26], [sflag:$0x1] =	stream.indirect_vreg.gather [hbm4b:s5+s2], $0x80, v19, vm0, $0xb8;
	[tilespmem:$0x18200] =	vst v63  }
0x1fc: {  	s25 =	simm.s32 $0xA280;
	v19 =	vadd.s32 v4, v22;
	v22 =	vperm.xlane v18, v7  }
0x1fd: {  	[tilespmem:s25], [sflag:$0x1] =	stream.indirect_vreg.gather [hbm4b:s5+s2], $0x80, v20, vm0, $0xb8;
	[tilespmem:$0x18200] =	vst v63  }
0x1fe: {  	s26 =	simm.s32 $0xA300;
	v20 =	vadd.s32 v4, v22;
	v22 =	vperm.xlane v18, v8  }
0x1ff: {  	[tilespmem:s26], [sflag:$0x1] =	stream.indirect_vreg.gather [hbm4b:s5+s2], $0x80, v21, vm0, $0xb8;
	[tilespmem:$0x18200] =	vst v63  }
0x200: {  	s25 =	simm.s32 $0xA380;
	v21 =	vadd.s32 v4, v22;
	v22 =	vperm.xlane v18, v9  }
0x201: {  	[tilespmem:s25], [sflag:$0x1] =	stream.indirect_vreg.gather [hbm4b:s5+s2], $0x80, v19, vm0, $0xb8;
	[tilespmem:$0x18200] =	vst v63  }
0x202: {  	s26 =	simm.s32 $0xA400;
	v19 =	vadd.s32 v4, v22;
	v22 =	vperm.xlane v18, v0  }
0x203: {  	[tilespmem:s26], [sflag:$0x1] =	stream.indirect_vreg.gather [hbm4b:s5+s2], $0x80, v20, vm0, $0xb8;
	[tilespmem:$0x18200] =	vst v63  }
0x204: {  	s25 =	simm.s32 $0xA480;
	v20 =	vadd.s32 v4, v22;
	v22 =	vperm.xlane v18, v10  }
0x205: {  	[tilespmem:s25], [sflag:$0x1] =	stream.indirect_vreg.gather [hbm4b:s5+s2], $0x80, v21, vm0, $0xb8;
	[tilespmem:$0x18200] =	vst v63  }
0x206: {  	s26 =	simm.s32 $0xA500;
	v21 =	vadd.s32 v4, v22;
	v22 =	vperm.xlane v18, v11  }
0x207: {  	[tilespmem:s26], [sflag:$0x1] =	stream.indirect_vreg.gather [hbm4b:s5+s2], $0x80, v19, vm0, $0xb8;
	[tilespmem:$0x18200] =	vst v63  }
0x208: {  	s25 =	simm.s32 $0xA580;
	v19 =	vadd.s32 v4, v22;
	v22 =	vperm.xlane v18, v12  }
0x209: {  	[tilespmem:s25], [sflag:$0x1] =	stream.indirect_vreg.gather [hbm4b:s5+s2], $0x80, v20, vm0, $0xb8;
	[tilespmem:$0x18200] =	vst v63  }
0x20a: {  	s26 =	simm.s32 $0xA600;
	v20 =	vadd.s32 v4, v22;
	v22 =	vperm.xlane v18, v13  }
0x20b: {  	[tilespmem:s26], [sflag:$0x1] =	stream.indirect_vreg.gather [hbm4b:s5+s2], $0x80, v21, vm0, $0xb8;
	[tilespmem:$0x18200] =	vst v63  }
0x20c: {  	s25 =	simm.s32 $0xA680;
	v21 =	vadd.s32 v4, v22;
	v22 =	vperm.xlane v18, v14  }
0x20d: {  	[tilespmem:s25], [sflag:$0x1] =	stream.indirect_vreg.gather [hbm4b:s5+s2], $0x80, v19, vm0, $0xb8;
	[tilespmem:$0x18200] =	vst v63  }
0x20e: {  	s26 =	simm.s32 $0xA700;
	v19 =	vadd.s32 v4, v22;
	v22 =	vperm.xlane v18, v15  }
0x20f: {  	[tilespmem:s26], [sflag:$0x1] =	stream.indirect_vreg.gather [hbm4b:s5+s2], $0x80, v20, vm0, $0xb8;
	[tilespmem:$0x18200] =	vst v63  }
0x210: {  	s25 =	simm.s32 $0xA780;
	v20 =	vadd.s32 v4, v22;
	v22 =	vperm.xlane v18, v16  }
0x211: {  	[tilespmem:s25], [sflag:$0x1] =	stream.indirect_vreg.gather [hbm4b:s5+s2], $0x80, v21, vm0, $0xb8;
	[tilespmem:$0x18200] =	vst v63  }
0x212: {  	v18 =	vperm.xlane v18, v17;
	s26 =	simm.s32 $0xA800;
	v21 =	vadd.s32 v4, v22  }
0x213: {  	[tilespmem:s26], [sflag:$0x1] =	stream.indirect_vreg.gather [hbm4b:s5+s2], $0x80, v19, vm0, $0xb8;
	[tilespmem:$0x18200] =	vst v63  }
0x214: {  	v18 =	vadd.s32 v4, v18;
	s25 =	simm.s32 $0xA880  }
0x215: {  	[tilespmem:s25], [sflag:$0x1] =	stream.indirect_vreg.gather [hbm4b:s5+s2], $0x80, v20, vm0, $0xb8;
	[tilespmem:$0x18200] =	vst v63  }
0x216: {  	s26 =	simm.s32 $0xA900  }
0x217: {  	[tilespmem:s26], [sflag:$0x1] =	stream.indirect_vreg.gather [hbm4b:s5+s2], $0x80, v21, vm0, $0xb8;
	[tilespmem:$0x18200] =	vst v63  }
0x218: {  	s25 =	simm.s32 $0xA980  }
0x219: {  	[tilespmem:s25], [sflag:$0x1] =	stream.indirect_vreg.gather [hbm4b:s5+s2], $0x80, v18, vm0, $0xb8;
	[tilespmem:$0x18200] =	vst v63  }
0x21a: {  	v18 =	vld [tilespmem:$0x50];
	_ =	sdelay $0x4  }
0x21b: {  	v19 =	vshll.u32 v18, $0x1  }
0x21c: {  	v18 =	vand.u32 $0x7, v18;
	v19 =	vand.u32 $0xFFFFFFF0, v19  }
0x21d: {  	v18 =	vor.u32 v18, v19  }
0x21e: {  	v19 =	vperm.xlane v18, v2;
	_ =	sdelay $0x1  }
0x21f: {  	v20 =	vperm.xlane v18, v1;
	v19 =	vadd.s32 v4, v19;
	_ =	sdelay $0x1  }
0x220: {  	v21 =	vperm.xlane v18, v5;
	v20 =	vadd.s32 v4, v20;
	_ =	sdelay $0x1  }
0x221: {  	s26 =	simm.s32 $0xAA00;
	v22 =	vperm.xlane v18, v6;
	v21 =	vadd.s32 v4, v21  }
0x222: {  	[tilespmem:s26], [sflag:$0x1] =	stream.indirect_vreg.gather [hbm4b:s5+s2], $0x80, v19, vm0, $0xb8;
	[tilespmem:$0x18200] =	vst v63  }
0x223: {  	s25 =	simm.s32 $0xAA80;
	v19 =	vadd.s32 v4, v22;
	v22 =	vperm.xlane v18, v7  }
0x224: {  	[tilespmem:s25], [sflag:$0x1] =	stream.indirect_vreg.gather [hbm4b:s5+s2], $0x80, v20, vm0, $0xb8;
	[tilespmem:$0x18200] =	vst v63  }
0x225: {  	s26 =	simm.s32 $0xAB00;
	v20 =	vadd.s32 v4, v22;
	v22 =	vperm.xlane v18, v8  }
0x226: {  	[tilespmem:s26], [sflag:$0x1] =	stream.indirect_vreg.gather [hbm4b:s5+s2], $0x80, v21, vm0, $0xb8;
	[tilespmem:$0x18200] =	vst v63  }
0x227: {  	s25 =	simm.s32 $0xAB80;
	v21 =	vadd.s32 v4, v22;
	v22 =	vperm.xlane v18, v9  }
0x228: {  	[tilespmem:s25], [sflag:$0x1] =	stream.indirect_vreg.gather [hbm4b:s5+s2], $0x80, v19, vm0, $0xb8;
	[tilespmem:$0x18200] =	vst v63  }
0x229: {  	s26 =	simm.s32 $0xAC00;
	v19 =	vadd.s32 v4, v22;
	v22 =	vperm.xlane v18, v0  }
0x22a: {  	[tilespmem:s26], [sflag:$0x1] =	stream.indirect_vreg.gather [hbm4b:s5+s2], $0x80, v20, vm0, $0xb8;
	[tilespmem:$0x18200] =	vst v63  }
0x22b: {  	s25 =	simm.s32 $0xAC80;
	v20 =	vadd.s32 v4, v22;
	v22 =	vperm.xlane v18, v10  }
0x22c: {  	[tilespmem:s25], [sflag:$0x1] =	stream.indirect_vreg.gather [hbm4b:s5+s2], $0x80, v21, vm0, $0xb8;
	[tilespmem:$0x18200] =	vst v63  }
0x22d: {  	s26 =	simm.s32 $0xAD00;
	v21 =	vadd.s32 v4, v22;
	v22 =	vperm.xlane v18, v11  }
0x22e: {  	[tilespmem:s26], [sflag:$0x1] =	stream.indirect_vreg.gather [hbm4b:s5+s2], $0x80, v19, vm0, $0xb8;
	[tilespmem:$0x18200] =	vst v63  }
0x22f: {  	s25 =	simm.s32 $0xAD80;
	v19 =	vadd.s32 v4, v22;
	v22 =	vperm.xlane v18, v12  }
0x230: {  	[tilespmem:s25], [sflag:$0x1] =	stream.indirect_vreg.gather [hbm4b:s5+s2], $0x80, v20, vm0, $0xb8;
	[tilespmem:$0x18200] =	vst v63  }
0x231: {  	s26 =	simm.s32 $0xAE00;
	v20 =	vadd.s32 v4, v22;
	v22 =	vperm.xlane v18, v13  }
0x232: {  	[tilespmem:s26], [sflag:$0x1] =	stream.indirect_vreg.gather [hbm4b:s5+s2], $0x80, v21, vm0, $0xb8;
	[tilespmem:$0x18200] =	vst v63  }
0x233: {  	s25 =	simm.s32 $0xAE80;
	v21 =	vadd.s32 v4, v22;
	v22 =	vperm.xlane v18, v14  }
0x234: {  	[tilespmem:s25], [sflag:$0x1] =	stream.indirect_vreg.gather [hbm4b:s5+s2], $0x80, v19, vm0, $0xb8;
	[tilespmem:$0x18200] =	vst v63  }
0x235: {  	s26 =	simm.s32 $0xAF00;
	v19 =	vadd.s32 v4, v22;
	v22 =	vperm.xlane v18, v15  }
0x236: {  	[tilespmem:s26], [sflag:$0x1] =	stream.indirect_vreg.gather [hbm4b:s5+s2], $0x80, v20, vm0, $0xb8;
	[tilespmem:$0x18200] =	vst v63  }
0x237: {  	s25 =	simm.s32 $0xAF80;
	v20 =	vadd.s32 v4, v22;
	v22 =	vperm.xlane v18, v16  }
0x238: {  	[tilespmem:s25], [sflag:$0x1] =	stream.indirect_vreg.gather [hbm4b:s5+s2], $0x80, v21, vm0, $0xb8;
	[tilespmem:$0x18200] =	vst v63  }
0x239: {  	v18 =	vperm.xlane v18, v17;
	s26 =	simm.s32 $0xB000;
	v21 =	vadd.s32 v4, v22  }
0x23a: {  	[tilespmem:s26], [sflag:$0x1] =	stream.indirect_vreg.gather [hbm4b:s5+s2], $0x80, v19, vm0, $0xb8;
	[tilespmem:$0x18200] =	vst v63  }
0x23b: {  	v18 =	vadd.s32 v4, v18;
	s25 =	simm.s32 $0xB080  }
0x23c: {  	[tilespmem:s25], [sflag:$0x1] =	stream.indirect_vreg.gather [hbm4b:s5+s2], $0x80, v20, vm0, $0xb8;
	[tilespmem:$0x18200] =	vst v63  }
0x23d: {  	s26 =	simm.s32 $0xB100  }
0x23e: {  	[tilespmem:s26], [sflag:$0x1] =	stream.indirect_vreg.gather [hbm4b:s5+s2], $0x80, v21, vm0, $0xb8;
	[tilespmem:$0x18200] =	vst v63  }
0x23f: {  	s25 =	simm.s32 $0xB180  }
0x240: {  	[tilespmem:s25], [sflag:$0x1] =	stream.indirect_vreg.gather [hbm4b:s5+s2], $0x80, v18, vm0, $0xb8;
	[tilespmem:$0x18200] =	vst v63  }
0x241: {  	v18 =	vld [tilespmem:$0x60];
	_ =	sdelay $0x4  }
0x242: {  	v19 =	vshll.u32 v18, $0x1  }
0x243: {  	v18 =	vand.u32 $0x7, v18;
	v19 =	vand.u32 $0xFFFFFFF0, v19  }
0x244: {  	v18 =	vor.u32 v18, v19  }
0x245: {  	v19 =	vperm.xlane v18, v2;
	_ =	sdelay $0x1  }
0x246: {  	v20 =	vperm.xlane v18, v1;
	v19 =	vadd.s32 v4, v19;
	_ =	sdelay $0x1  }
0x247: {  	v21 =	vperm.xlane v18, v5;
	v20 =	vadd.s32 v4, v20;
	_ =	sdelay $0x1  }
0x248: {  	s26 =	simm.s32 $0xB200;
	v22 =	vperm.xlane v18, v6;
	v21 =	vadd.s32 v4, v21  }
0x249: {  	[tilespmem:s26], [sflag:$0x1] =	stream.indirect_vreg.gather [hbm4b:s5+s2], $0x80, v19, vm0, $0xb8;
	[tilespmem:$0x18200] =	vst v63  }
0x24a: {  	s25 =	simm.s32 $0xB280;
	v19 =	vadd.s32 v4, v22;
	v22 =	vperm.xlane v18, v7  }
0x24b: {  	[tilespmem:s25], [sflag:$0x1] =	stream.indirect_vreg.gather [hbm4b:s5+s2], $0x80, v20, vm0, $0xb8;
	[tilespmem:$0x18200] =	vst v63  }
0x24c: {  	s26 =	simm.s32 $0xB300;
	v20 =	vadd.s32 v4, v22;
	v22 =	vperm.xlane v18, v8  }
0x24d: {  	[tilespmem:s26], [sflag:$0x1] =	stream.indirect_vreg.gather [hbm4b:s5+s2], $0x80, v21, vm0, $0xb8;
	[tilespmem:$0x18200] =	vst v63  }
0x24e: {  	s25 =	simm.s32 $0xB380;
	v21 =	vadd.s32 v4, v22;
	v22 =	vperm.xlane v18, v9  }
0x24f: {  	[tilespmem:s25], [sflag:$0x1] =	stream.indirect_vreg.gather [hbm4b:s5+s2], $0x80, v19, vm0, $0xb8;
	[tilespmem:$0x18200] =	vst v63  }
0x250: {  	s26 =	simm.s32 $0xB400;
	v19 =	vadd.s32 v4, v22;
	v22 =	vperm.xlane v18, v0  }
0x251: {  	[tilespmem:s26], [sflag:$0x1] =	stream.indirect_vreg.gather [hbm4b:s5+s2], $0x80, v20, vm0, $0xb8;
	[tilespmem:$0x18200] =	vst v63  }
0x252: {  	s25 =	simm.s32 $0xB480;
	v20 =	vadd.s32 v4, v22;
	v22 =	vperm.xlane v18, v10  }
0x253: {  	[tilespmem:s25], [sflag:$0x1] =	stream.indirect_vreg.gather [hbm4b:s5+s2], $0x80, v21, vm0, $0xb8;
	[tilespmem:$0x18200] =	vst v63  }
0x254: {  	s26 =	simm.s32 $0xB500;
	v21 =	vadd.s32 v4, v22;
	v22 =	vperm.xlane v18, v11  }
0x255: {  	[tilespmem:s26], [sflag:$0x1] =	stream.indirect_vreg.gather [hbm4b:s5+s2], $0x80, v19, vm0, $0xb8;
	[tilespmem:$0x18200] =	vst v63  }
0x256: {  	s25 =	simm.s32 $0xB580;
	v19 =	vadd.s32 v4, v22;
	v22 =	vperm.xlane v18, v12  }
0x257: {  	[tilespmem:s25], [sflag:$0x1] =	stream.indirect_vreg.gather [hbm4b:s5+s2], $0x80, v20, vm0, $0xb8;
	[tilespmem:$0x18200] =	vst v63  }
0x258: {  	s26 =	simm.s32 $0xB600;
	v20 =	vadd.s32 v4, v22;
	v22 =	vperm.xlane v18, v13  }
0x259: {  	[tilespmem:s26], [sflag:$0x1] =	stream.indirect_vreg.gather [hbm4b:s5+s2], $0x80, v21, vm0, $0xb8;
	[tilespmem:$0x18200] =	vst v63  }
0x25a: {  	s25 =	simm.s32 $0xB680;
	v21 =	vadd.s32 v4, v22;
	v22 =	vperm.xlane v18, v14  }
0x25b: {  	[tilespmem:s25], [sflag:$0x1] =	stream.indirect_vreg.gather [hbm4b:s5+s2], $0x80, v19, vm0, $0xb8;
	[tilespmem:$0x18200] =	vst v63  }
0x25c: {  	s26 =	simm.s32 $0xB700;
	v19 =	vadd.s32 v4, v22;
	v22 =	vperm.xlane v18, v15  }
0x25d: {  	[tilespmem:s26], [sflag:$0x1] =	stream.indirect_vreg.gather [hbm4b:s5+s2], $0x80, v20, vm0, $0xb8;
	[tilespmem:$0x18200] =	vst v63  }
0x25e: {  	s25 =	simm.s32 $0xB780;
	v20 =	vadd.s32 v4, v22;
	v22 =	vperm.xlane v18, v16  }
0x25f: {  	[tilespmem:s25], [sflag:$0x1] =	stream.indirect_vreg.gather [hbm4b:s5+s2], $0x80, v21, vm0, $0xb8;
	[tilespmem:$0x18200] =	vst v63  }
0x260: {  	v18 =	vperm.xlane v18, v17;
	s26 =	simm.s32 $0xB800;
	v21 =	vadd.s32 v4, v22  }
0x261: {  	[tilespmem:s26], [sflag:$0x1] =	stream.indirect_vreg.gather [hbm4b:s5+s2], $0x80, v19, vm0, $0xb8;
	[tilespmem:$0x18200] =	vst v63  }
0x262: {  	v18 =	vadd.s32 v4, v18;
	s25 =	simm.s32 $0xB880  }
0x263: {  	[tilespmem:s25], [sflag:$0x1] =	stream.indirect_vreg.gather [hbm4b:s5+s2], $0x80, v20, vm0, $0xb8;
	[tilespmem:$0x18200] =	vst v63  }
0x264: {  	s26 =	simm.s32 $0xB900  }
0x265: {  	[tilespmem:s26], [sflag:$0x1] =	stream.indirect_vreg.gather [hbm4b:s5+s2], $0x80, v21, vm0, $0xb8;
	[tilespmem:$0x18200] =	vst v63  }
0x266: {  	s25 =	simm.s32 $0xB980  }
0x267: {  	[tilespmem:s25], [sflag:$0x1] =	stream.indirect_vreg.gather [hbm4b:s5+s2], $0x80, v18, vm0, $0xb8;
	[tilespmem:$0x18200] =	vst v63  }
0x268: {  	v18 =	vld [tilespmem:$0x70];
	_ =	sdelay $0x4  }
0x269: {  	v19 =	vshll.u32 v18, $0x1  }
0x26a: {  	v18 =	vand.u32 $0x7, v18;
	v19 =	vand.u32 $0xFFFFFFF0, v19  }
0x26b: {  	v18 =	vor.u32 v18, v19  }
0x26c: {  	v19 =	vperm.xlane v18, v2;
	_ =	sdelay $0x1  }
0x26d: {  	v20 =	vperm.xlane v18, v1;
	v19 =	vadd.s32 v4, v19;
	_ =	sdelay $0x1  }
0x26e: {  	v21 =	vperm.xlane v18, v5;
	v20 =	vadd.s32 v4, v20;
	_ =	sdelay $0x1  }
0x26f: {  	s26 =	simm.s32 $0xBA00;
	v22 =	vperm.xlane v18, v6;
	v21 =	vadd.s32 v4, v21  }
0x270: {  	[tilespmem:s26], [sflag:$0x1] =	stream.indirect_vreg.gather [hbm4b:s5+s2], $0x80, v19, vm0, $0xb8;
	[tilespmem:$0x18200] =	vst v63  }
0x271: {  	s25 =	simm.s32 $0xBA80;
	v19 =	vadd.s32 v4, v22;
	v22 =	vperm.xlane v18, v7  }
0x272: {  	[tilespmem:s25], [sflag:$0x1] =	stream.indirect_vreg.gather [hbm4b:s5+s2], $0x80, v20, vm0, $0xb8;
	[tilespmem:$0x18200] =	vst v63  }
0x273: {  	s26 =	simm.s32 $0xBB00;
	v20 =	vadd.s32 v4, v22;
	v22 =	vperm.xlane v18, v8  }
0x274: {  	[tilespmem:s26], [sflag:$0x1] =	stream.indirect_vreg.gather [hbm4b:s5+s2], $0x80, v21, vm0, $0xb8;
	[tilespmem:$0x18200] =	vst v63  }
0x275: {  	s25 =	simm.s32 $0xBB80;
	v21 =	vadd.s32 v4, v22;
	v22 =	vperm.xlane v18, v9  }
0x276: {  	[tilespmem:s25], [sflag:$0x1] =	stream.indirect_vreg.gather [hbm4b:s5+s2], $0x80, v19, vm0, $0xb8;
	[tilespmem:$0x18200] =	vst v63  }
0x277: {  	s26 =	simm.s32 $0xBC00;
	v19 =	vadd.s32 v4, v22;
	v22 =	vperm.xlane v18, v0  }
0x278: {  	[tilespmem:s26], [sflag:$0x1] =	stream.indirect_vreg.gather [hbm4b:s5+s2], $0x80, v20, vm0, $0xb8;
	[tilespmem:$0x18200] =	vst v63  }
0x279: {  	s25 =	simm.s32 $0xBC80;
	v20 =	vadd.s32 v4, v22;
	v22 =	vperm.xlane v18, v10  }
0x27a: {  	[tilespmem:s25], [sflag:$0x1] =	stream.indirect_vreg.gather [hbm4b:s5+s2], $0x80, v21, vm0, $0xb8;
	[tilespmem:$0x18200] =	vst v63  }
0x27b: {  	s26 =	simm.s32 $0xBD00;
	v21 =	vadd.s32 v4, v22;
	v22 =	vperm.xlane v18, v11  }
0x27c: {  	[tilespmem:s26], [sflag:$0x1] =	stream.indirect_vreg.gather [hbm4b:s5+s2], $0x80, v19, vm0, $0xb8;
	[tilespmem:$0x18200] =	vst v63  }
0x27d: {  	s25 =	simm.s32 $0xBD80;
	v19 =	vadd.s32 v4, v22;
	v22 =	vperm.xlane v18, v12  }
0x27e: {  	[tilespmem:s25], [sflag:$0x1] =	stream.indirect_vreg.gather [hbm4b:s5+s2], $0x80, v20, vm0, $0xb8;
	[tilespmem:$0x18200] =	vst v63  }
0x27f: {  	s26 =	simm.s32 $0xBE00;
	v20 =	vadd.s32 v4, v22;
	v22 =	vperm.xlane v18, v13  }
0x280: {  	[tilespmem:s26], [sflag:$0x1] =	stream.indirect_vreg.gather [hbm4b:s5+s2], $0x80, v21, vm0, $0xb8;
	[tilespmem:$0x18200] =	vst v63  }
0x281: {  	s25 =	simm.s32 $0xBE80;
	v21 =	vadd.s32 v4, v22;
	v22 =	vperm.xlane v18, v14  }
0x282: {  	[tilespmem:s25], [sflag:$0x1] =	stream.indirect_vreg.gather [hbm4b:s5+s2], $0x80, v19, vm0, $0xb8;
	[tilespmem:$0x18200] =	vst v63  }
0x283: {  	s26 =	simm.s32 $0xBF00;
	v19 =	vadd.s32 v4, v22;
	v22 =	vperm.xlane v18, v15  }
0x284: {  	[tilespmem:s26], [sflag:$0x1] =	stream.indirect_vreg.gather [hbm4b:s5+s2], $0x80, v20, vm0, $0xb8;
	[tilespmem:$0x18200] =	vst v63  }
0x285: {  	s25 =	simm.s32 $0xBF80;
	v20 =	vadd.s32 v4, v22;
	v22 =	vperm.xlane v18, v16  }
0x286: {  	[tilespmem:s25], [sflag:$0x1] =	stream.indirect_vreg.gather [hbm4b:s5+s2], $0x80, v21, vm0, $0xb8;
	[tilespmem:$0x18200] =	vst v63  }
0x287: {  	v18 =	vperm.xlane v18, v17;
	s26 =	simm.s32 $0xC000;
	v21 =	vadd.s32 v4, v22  }
0x288: {  	[tilespmem:s26], [sflag:$0x1] =	stream.indirect_vreg.gather [hbm4b:s5+s2], $0x80, v19, vm0, $0xb8;
	[tilespmem:$0x18200] =	vst v63  }
0x289: {  	v18 =	vadd.s32 v4, v18;
	s25 =	simm.s32 $0xC080  }
0x28a: {  	[tilespmem:s25], [sflag:$0x1] =	stream.indirect_vreg.gather [hbm4b:s5+s2], $0x80, v20, vm0, $0xb8;
	[tilespmem:$0x18200] =	vst v63  }
0x28b: {  	s26 =	simm.s32 $0xC100  }
0x28c: {  	[tilespmem:s26], [sflag:$0x1] =	stream.indirect_vreg.gather [hbm4b:s5+s2], $0x80, v21, vm0, $0xb8;
	[tilespmem:$0x18200] =	vst v63  }
0x28d: {  	s25 =	simm.s32 $0xC180  }
0x28e: {  	[tilespmem:s25], [sflag:$0x1] =	stream.indirect_vreg.gather [hbm4b:s5+s2], $0x80, v18, vm0, $0xb8;
	[tilespmem:$0x18200] =	vst v63  }
0x28f: {  	s26 =	rddreg [dreg:$0x6];
	s25 =	simm.s32 $0x10200  }
0x290: {  	[tilespmem:s25], [sflag:$0x1] =	stream.strided.gather [hbm4b:s26+s20], $0x2000, s31, s20, $0x38;
	[tilespmem:$0x18200] =	vst v63  }
0x291: {  	v18 =	vld [tilespmem:$0x80];
	_ =	sdelay $0x4  }
0x292: {  	v19 =	vshll.u32 v18, $0x1  }
0x293: {  	v18 =	vand.u32 $0x7, v18;
	v19 =	vand.u32 $0xFFFFFFF0, v19  }
0x294: {  	v18 =	vor.u32 v18, v19  }
0x295: {  	v19 =	vperm.xlane v18, v2;
	_ =	sdelay $0x1  }
0x296: {  	v20 =	vperm.xlane v18, v1;
	v19 =	vadd.s32 v4, v19;
	_ =	sdelay $0x1  }
0x297: {  	v21 =	vperm.xlane v18, v5;
	v20 =	vadd.s32 v4, v20;
	_ =	sdelay $0x1  }
0x298: {  	v22 =	vperm.xlane v18, v6;
	v21 =	vadd.s32 v4, v21  }
0x299: {  	[tilespmem:s30], [sflag:$0x1] =	stream.indirect_vreg.gather [hbm4b:s3+s2], $0x80, v19, vm0, $0xb8;
	[tilespmem:$0x18200] =	vst v63  }
0x29a: {  	s26 =	simm.s32 $0x4280;
	v19 =	vadd.s32 v4, v22;
	v22 =	vperm.xlane v18, v7  }
0x29b: {  	[tilespmem:s26], [sflag:$0x1] =	stream.indirect_vreg.gather [hbm4b:s3+s2], $0x80, v20, vm0, $0xb8;
	[tilespmem:$0x18200] =	vst v63  }
0x29c: {  	s25 =	simm.s32 $0x4300;
	v20 =	vadd.s32 v4, v22;
	v22 =	vperm.xlane v18, v8  }
0x29d: {  	[tilespmem:s25], [sflag:$0x1] =	stream.indirect_vreg.gather [hbm4b:s3+s2], $0x80, v21, vm0, $0xb8;
	[tilespmem:$0x18200] =	vst v63  }
0x29e: {  	s26 =	simm.s32 $0x4380;
	v21 =	vadd.s32 v4, v22;
	v22 =	vperm.xlane v18, v9  }
0x29f: {  	[tilespmem:s26], [sflag:$0x1] =	stream.indirect_vreg.gather [hbm4b:s3+s2], $0x80, v19, vm0, $0xb8;
	[tilespmem:$0x18200] =	vst v63  }
0x2a0: {  	s25 =	simm.s32 $0x4400;
	v19 =	vadd.s32 v4, v22;
	v22 =	vperm.xlane v18, v0  }
0x2a1: {  	[tilespmem:s25], [sflag:$0x1] =	stream.indirect_vreg.gather [hbm4b:s3+s2], $0x80, v20, vm0, $0xb8;
	[tilespmem:$0x18200] =	vst v63  }
0x2a2: {  	s26 =	simm.s32 $0x4480;
	v20 =	vadd.s32 v4, v22;
	v22 =	vperm.xlane v18, v10  }
0x2a3: {  	[tilespmem:s26], [sflag:$0x1] =	stream.indirect_vreg.gather [hbm4b:s3+s2], $0x80, v21, vm0, $0xb8;
	[tilespmem:$0x18200] =	vst v63  }
0x2a4: {  	s25 =	simm.s32 $0x4500;
	v21 =	vadd.s32 v4, v22;
	v22 =	vperm.xlane v18, v11  }
0x2a5: {  	[tilespmem:s25], [sflag:$0x1] =	stream.indirect_vreg.gather [hbm4b:s3+s2], $0x80, v19, vm0, $0xb8;
	[tilespmem:$0x18200] =	vst v63  }
0x2a6: {  	s26 =	simm.s32 $0x4580;
	v19 =	vadd.s32 v4, v22;
	v22 =	vperm.xlane v18, v12  }
0x2a7: {  	[tilespmem:s26], [sflag:$0x1] =	stream.indirect_vreg.gather [hbm4b:s3+s2], $0x80, v20, vm0, $0xb8;
	[tilespmem:$0x18200] =	vst v63  }
0x2a8: {  	s25 =	simm.s32 $0x4600;
	v20 =	vadd.s32 v4, v22;
	v22 =	vperm.xlane v18, v13  }
0x2a9: {  	[tilespmem:s25], [sflag:$0x1] =	stream.indirect_vreg.gather [hbm4b:s3+s2], $0x80, v21, vm0, $0xb8;
	[tilespmem:$0x18200] =	vst v63  }
0x2aa: {  	s26 =	simm.s32 $0x4680;
	v21 =	vadd.s32 v4, v22;
	v22 =	vperm.xlane v18, v14  }
0x2ab: {  	[tilespmem:s26], [sflag:$0x1] =	stream.indirect_vreg.gather [hbm4b:s3+s2], $0x80, v19, vm0, $0xb8;
	[tilespmem:$0x18200] =	vst v63  }
0x2ac: {  	s25 =	simm.s32 $0x4700;
	v19 =	vadd.s32 v4, v22;
	v22 =	vperm.xlane v18, v15  }
0x2ad: {  	[tilespmem:s25], [sflag:$0x1] =	stream.indirect_vreg.gather [hbm4b:s3+s2], $0x80, v20, vm0, $0xb8;
	[tilespmem:$0x18200] =	vst v63  }
0x2ae: {  	s26 =	simm.s32 $0x4780;
	v20 =	vadd.s32 v4, v22;
	v22 =	vperm.xlane v18, v16  }
0x2af: {  	[tilespmem:s26], [sflag:$0x1] =	stream.indirect_vreg.gather [hbm4b:s3+s2], $0x80, v21, vm0, $0xb8;
	[tilespmem:$0x18200] =	vst v63  }
0x2b0: {  	v18 =	vperm.xlane v18, v17;
	s25 =	simm.s32 $0x4800;
	v21 =	vadd.s32 v4, v22  }
0x2b1: {  	[tilespmem:s25], [sflag:$0x1] =	stream.indirect_vreg.gather [hbm4b:s3+s2], $0x80, v19, vm0, $0xb8;
	[tilespmem:$0x18200] =	vst v63  }
0x2b2: {  	v18 =	vadd.s32 v4, v18;
	s26 =	simm.s32 $0x4880  }
0x2b3: {  	[tilespmem:s26], [sflag:$0x1] =	stream.indirect_vreg.gather [hbm4b:s3+s2], $0x80, v20, vm0, $0xb8;
	[tilespmem:$0x18200] =	vst v63  }
0x2b4: {  	s25 =	simm.s32 $0x4900  }
0x2b5: {  	[tilespmem:s25], [sflag:$0x1] =	stream.indirect_vreg.gather [hbm4b:s3+s2], $0x80, v21, vm0, $0xb8;
	[tilespmem:$0x18200] =	vst v63  }
0x2b6: {  	s26 =	simm.s32 $0x4980  }
0x2b7: {  	[tilespmem:s26], [sflag:$0x1] =	stream.indirect_vreg.gather [hbm4b:s3+s2], $0x80, v18, vm0, $0xb8;
	[tilespmem:$0x18200] =	vst v63  }
0x2b8: {  	v18 =	vld [tilespmem:$0x90];
	_ =	sdelay $0x4  }
0x2b9: {  	v19 =	vshll.u32 v18, $0x1  }
0x2ba: {  	v18 =	vand.u32 $0x7, v18;
	v19 =	vand.u32 $0xFFFFFFF0, v19  }
0x2bb: {  	v18 =	vor.u32 v18, v19  }
0x2bc: {  	v19 =	vperm.xlane v18, v2;
	_ =	sdelay $0x1  }
0x2bd: {  	v20 =	vperm.xlane v18, v1;
	v19 =	vadd.s32 v4, v19;
	_ =	sdelay $0x1  }
0x2be: {  	v21 =	vperm.xlane v18, v5;
	v20 =	vadd.s32 v4, v20;
	_ =	sdelay $0x1  }
0x2bf: {  	s25 =	simm.s32 $0x4A00;
	v22 =	vperm.xlane v18, v6;
	v21 =	vadd.s32 v4, v21  }
0x2c0: {  	[tilespmem:s25], [sflag:$0x1] =	stream.indirect_vreg.gather [hbm4b:s3+s2], $0x80, v19, vm0, $0xb8;
	[tilespmem:$0x18200] =	vst v63  }
0x2c1: {  	s26 =	simm.s32 $0x4A80;
	v19 =	vadd.s32 v4, v22;
	v22 =	vperm.xlane v18, v7  }
0x2c2: {  	[tilespmem:s26], [sflag:$0x1] =	stream.indirect_vreg.gather [hbm4b:s3+s2], $0x80, v20, vm0, $0xb8;
	[tilespmem:$0x18200] =	vst v63  }
0x2c3: {  	s25 =	simm.s32 $0x4B00;
	v20 =	vadd.s32 v4, v22;
	v22 =	vperm.xlane v18, v8  }
0x2c4: {  	[tilespmem:s25], [sflag:$0x1] =	stream.indirect_vreg.gather [hbm4b:s3+s2], $0x80, v21, vm0, $0xb8;
	[tilespmem:$0x18200] =	vst v63  }
0x2c5: {  	s26 =	simm.s32 $0x4B80;
	v21 =	vadd.s32 v4, v22;
	v22 =	vperm.xlane v18, v9  }
0x2c6: {  	[tilespmem:s26], [sflag:$0x1] =	stream.indirect_vreg.gather [hbm4b:s3+s2], $0x80, v19, vm0, $0xb8;
	[tilespmem:$0x18200] =	vst v63  }
0x2c7: {  	s25 =	simm.s32 $0x4C00;
	v19 =	vadd.s32 v4, v22;
	v22 =	vperm.xlane v18, v0  }
0x2c8: {  	[tilespmem:s25], [sflag:$0x1] =	stream.indirect_vreg.gather [hbm4b:s3+s2], $0x80, v20, vm0, $0xb8;
	[tilespmem:$0x18200] =	vst v63  }
0x2c9: {  	s26 =	simm.s32 $0x4C80;
	v20 =	vadd.s32 v4, v22;
	v22 =	vperm.xlane v18, v10  }
0x2ca: {  	[tilespmem:s26], [sflag:$0x1] =	stream.indirect_vreg.gather [hbm4b:s3+s2], $0x80, v21, vm0, $0xb8;
	[tilespmem:$0x18200] =	vst v63  }
0x2cb: {  	s25 =	simm.s32 $0x4D00;
	v21 =	vadd.s32 v4, v22;
	v22 =	vperm.xlane v18, v11  }
0x2cc: {  	[tilespmem:s25], [sflag:$0x1] =	stream.indirect_vreg.gather [hbm4b:s3+s2], $0x80, v19, vm0, $0xb8;
	[tilespmem:$0x18200] =	vst v63  }
0x2cd: {  	s26 =	simm.s32 $0x4D80;
	v19 =	vadd.s32 v4, v22;
	v22 =	vperm.xlane v18, v12  }
0x2ce: {  	[tilespmem:s26], [sflag:$0x1] =	stream.indirect_vreg.gather [hbm4b:s3+s2], $0x80, v20, vm0, $0xb8;
	[tilespmem:$0x18200] =	vst v63  }
0x2cf: {  	s25 =	simm.s32 $0x4E00;
	v20 =	vadd.s32 v4, v22;
	v22 =	vperm.xlane v18, v13  }
0x2d0: {  	[tilespmem:s25], [sflag:$0x1] =	stream.indirect_vreg.gather [hbm4b:s3+s2], $0x80, v21, vm0, $0xb8;
	[tilespmem:$0x18200] =	vst v63  }
0x2d1: {  	s26 =	simm.s32 $0x4E80;
	v21 =	vadd.s32 v4, v22;
	v22 =	vperm.xlane v18, v14  }
0x2d2: {  	[tilespmem:s26], [sflag:$0x1] =	stream.indirect_vreg.gather [hbm4b:s3+s2], $0x80, v19, vm0, $0xb8;
	[tilespmem:$0x18200] =	vst v63  }
0x2d3: {  	s25 =	simm.s32 $0x4F00;
	v19 =	vadd.s32 v4, v22;
	v22 =	vperm.xlane v18, v15  }
0x2d4: {  	[tilespmem:s25], [sflag:$0x1] =	stream.indirect_vreg.gather [hbm4b:s3+s2], $0x80, v20, vm0, $0xb8;
	[tilespmem:$0x18200] =	vst v63  }
0x2d5: {  	s26 =	simm.s32 $0x4F80;
	v20 =	vadd.s32 v4, v22;
	v22 =	vperm.xlane v18, v16  }
0x2d6: {  	[tilespmem:s26], [sflag:$0x1] =	stream.indirect_vreg.gather [hbm4b:s3+s2], $0x80, v21, vm0, $0xb8;
	[tilespmem:$0x18200] =	vst v63  }
0x2d7: {  	v18 =	vperm.xlane v18, v17;
	s25 =	simm.s32 $0x5000;
	v21 =	vadd.s32 v4, v22  }
0x2d8: {  	[tilespmem:s25], [sflag:$0x1] =	stream.indirect_vreg.gather [hbm4b:s3+s2], $0x80, v19, vm0, $0xb8;
	[tilespmem:$0x18200] =	vst v63  }
0x2d9: {  	v18 =	vadd.s32 v4, v18;
	s26 =	simm.s32 $0x5080  }
0x2da: {  	[tilespmem:s26], [sflag:$0x1] =	stream.indirect_vreg.gather [hbm4b:s3+s2], $0x80, v20, vm0, $0xb8;
	[tilespmem:$0x18200] =	vst v63  }
0x2db: {  	s25 =	simm.s32 $0x5100  }
0x2dc: {  	[tilespmem:s25], [sflag:$0x1] =	stream.indirect_vreg.gather [hbm4b:s3+s2], $0x80, v21, vm0, $0xb8;
	[tilespmem:$0x18200] =	vst v63  }
0x2dd: {  	s26 =	simm.s32 $0x5180  }
0x2de: {  	[tilespmem:s26], [sflag:$0x1] =	stream.indirect_vreg.gather [hbm4b:s3+s2], $0x80, v18, vm0, $0xb8;
	[tilespmem:$0x18200] =	vst v63  }
0x2df: {  	v18 =	vld [tilespmem:$0xA0];
	_ =	sdelay $0x4  }
0x2e0: {  	v19 =	vshll.u32 v18, $0x1  }
0x2e1: {  	v18 =	vand.u32 $0x7, v18;
	v19 =	vand.u32 $0xFFFFFFF0, v19  }
0x2e2: {  	v18 =	vor.u32 v18, v19  }
0x2e3: {  	v19 =	vperm.xlane v18, v2;
	_ =	sdelay $0x1  }
0x2e4: {  	v20 =	vperm.xlane v18, v1;
	v19 =	vadd.s32 v4, v19;
	_ =	sdelay $0x1  }
0x2e5: {  	v21 =	vperm.xlane v18, v5;
	v20 =	vadd.s32 v4, v20;
	_ =	sdelay $0x1  }
0x2e6: {  	s25 =	simm.s32 $0x5200;
	v22 =	vperm.xlane v18, v6;
	v21 =	vadd.s32 v4, v21  }
0x2e7: {  	[tilespmem:s25], [sflag:$0x1] =	stream.indirect_vreg.gather [hbm4b:s3+s2], $0x80, v19, vm0, $0xb8;
	[tilespmem:$0x18200] =	vst v63  }
0x2e8: {  	s26 =	simm.s32 $0x5280;
	v19 =	vadd.s32 v4, v22;
	v22 =	vperm.xlane v18, v7  }
0x2e9: {  	[tilespmem:s26], [sflag:$0x1] =	stream.indirect_vreg.gather [hbm4b:s3+s2], $0x80, v20, vm0, $0xb8;
	[tilespmem:$0x18200] =	vst v63  }
0x2ea: {  	s25 =	simm.s32 $0x5300;
	v20 =	vadd.s32 v4, v22;
	v22 =	vperm.xlane v18, v8  }
0x2eb: {  	[tilespmem:s25], [sflag:$0x1] =	stream.indirect_vreg.gather [hbm4b:s3+s2], $0x80, v21, vm0, $0xb8;
	[tilespmem:$0x18200] =	vst v63  }
0x2ec: {  	s26 =	simm.s32 $0x5380;
	v21 =	vadd.s32 v4, v22;
	v22 =	vperm.xlane v18, v9  }
0x2ed: {  	[tilespmem:s26], [sflag:$0x1] =	stream.indirect_vreg.gather [hbm4b:s3+s2], $0x80, v19, vm0, $0xb8;
	[tilespmem:$0x18200] =	vst v63  }
0x2ee: {  	s25 =	simm.s32 $0x5400;
	v19 =	vadd.s32 v4, v22;
	v22 =	vperm.xlane v18, v0  }
0x2ef: {  	[tilespmem:s25], [sflag:$0x1] =	stream.indirect_vreg.gather [hbm4b:s3+s2], $0x80, v20, vm0, $0xb8;
	[tilespmem:$0x18200] =	vst v63  }
0x2f0: {  	s26 =	simm.s32 $0x5480;
	v20 =	vadd.s32 v4, v22;
	v22 =	vperm.xlane v18, v10  }
0x2f1: {  	[tilespmem:s26], [sflag:$0x1] =	stream.indirect_vreg.gather [hbm4b:s3+s2], $0x80, v21, vm0, $0xb8;
	[tilespmem:$0x18200] =	vst v63  }
0x2f2: {  	s25 =	simm.s32 $0x5500;
	v21 =	vadd.s32 v4, v22;
	v22 =	vperm.xlane v18, v11  }
0x2f3: {  	[tilespmem:s25], [sflag:$0x1] =	stream.indirect_vreg.gather [hbm4b:s3+s2], $0x80, v19, vm0, $0xb8;
	[tilespmem:$0x18200] =	vst v63  }
0x2f4: {  	s26 =	simm.s32 $0x5580;
	v19 =	vadd.s32 v4, v22;
	v22 =	vperm.xlane v18, v12  }
0x2f5: {  	[tilespmem:s26], [sflag:$0x1] =	stream.indirect_vreg.gather [hbm4b:s3+s2], $0x80, v20, vm0, $0xb8;
	[tilespmem:$0x18200] =	vst v63  }
0x2f6: {  	s25 =	simm.s32 $0x5600;
	v20 =	vadd.s32 v4, v22;
	v22 =	vperm.xlane v18, v13  }
0x2f7: {  	[tilespmem:s25], [sflag:$0x1] =	stream.indirect_vreg.gather [hbm4b:s3+s2], $0x80, v21, vm0, $0xb8;
	[tilespmem:$0x18200] =	vst v63  }
0x2f8: {  	s26 =	simm.s32 $0x5680;
	v21 =	vadd.s32 v4, v22;
	v22 =	vperm.xlane v18, v14  }
0x2f9: {  	[tilespmem:s26], [sflag:$0x1] =	stream.indirect_vreg.gather [hbm4b:s3+s2], $0x80, v19, vm0, $0xb8;
	[tilespmem:$0x18200] =	vst v63  }
0x2fa: {  	s25 =	simm.s32 $0x5700;
	v19 =	vadd.s32 v4, v22;
	v22 =	vperm.xlane v18, v15  }
0x2fb: {  	[tilespmem:s25], [sflag:$0x1] =	stream.indirect_vreg.gather [hbm4b:s3+s2], $0x80, v20, vm0, $0xb8;
	[tilespmem:$0x18200] =	vst v63  }
0x2fc: {  	s26 =	simm.s32 $0x5780;
	v20 =	vadd.s32 v4, v22;
	v22 =	vperm.xlane v18, v16  }
0x2fd: {  	[tilespmem:s26], [sflag:$0x1] =	stream.indirect_vreg.gather [hbm4b:s3+s2], $0x80, v21, vm0, $0xb8;
	[tilespmem:$0x18200] =	vst v63  }
0x2fe: {  	v18 =	vperm.xlane v18, v17;
	s25 =	simm.s32 $0x5800;
	v21 =	vadd.s32 v4, v22  }
0x2ff: {  	[tilespmem:s25], [sflag:$0x1] =	stream.indirect_vreg.gather [hbm4b:s3+s2], $0x80, v19, vm0, $0xb8;
	[tilespmem:$0x18200] =	vst v63  }
0x300: {  	v18 =	vadd.s32 v4, v18;
	s26 =	simm.s32 $0x5880  }
0x301: {  	[tilespmem:s26], [sflag:$0x1] =	stream.indirect_vreg.gather [hbm4b:s3+s2], $0x80, v20, vm0, $0xb8;
	[tilespmem:$0x18200] =	vst v63  }
0x302: {  	s25 =	simm.s32 $0x5900  }
0x303: {  	[tilespmem:s25], [sflag:$0x1] =	stream.indirect_vreg.gather [hbm4b:s3+s2], $0x80, v21, vm0, $0xb8;
	[tilespmem:$0x18200] =	vst v63  }
0x304: {  	s26 =	simm.s32 $0x5980  }
0x305: {  	[tilespmem:s26], [sflag:$0x1] =	stream.indirect_vreg.gather [hbm4b:s3+s2], $0x80, v18, vm0, $0xb8;
	[tilespmem:$0x18200] =	vst v63  }
0x306: {  	v18 =	vld [tilespmem:$0xB0];
	_ =	sdelay $0x4  }
0x307: {  	v19 =	vshll.u32 v18, $0x1  }
0x308: {  	v18 =	vand.u32 $0x7, v18;
	v19 =	vand.u32 $0xFFFFFFF0, v19  }
0x309: {  	v18 =	vor.u32 v18, v19  }
0x30a: {  	v19 =	vperm.xlane v18, v2;
	_ =	sdelay $0x1  }
0x30b: {  	v20 =	vperm.xlane v18, v1;
	v19 =	vadd.s32 v4, v19;
	_ =	sdelay $0x1  }
0x30c: {  	v21 =	vperm.xlane v18, v5;
	v20 =	vadd.s32 v4, v20;
	_ =	sdelay $0x1  }
0x30d: {  	s25 =	simm.s32 $0x5A00;
	v22 =	vperm.xlane v18, v6;
	v21 =	vadd.s32 v4, v21  }
0x30e: {  	[tilespmem:s25], [sflag:$0x1] =	stream.indirect_vreg.gather [hbm4b:s3+s2], $0x80, v19, vm0, $0xb8;
	[tilespmem:$0x18200] =	vst v63  }
0x30f: {  	s26 =	simm.s32 $0x5A80;
	v19 =	vadd.s32 v4, v22;
	v22 =	vperm.xlane v18, v7  }
0x310: {  	[tilespmem:s26], [sflag:$0x1] =	stream.indirect_vreg.gather [hbm4b:s3+s2], $0x80, v20, vm0, $0xb8;
	[tilespmem:$0x18200] =	vst v63  }
0x311: {  	s25 =	simm.s32 $0x5B00;
	v20 =	vadd.s32 v4, v22;
	v22 =	vperm.xlane v18, v8  }
0x312: {  	[tilespmem:s25], [sflag:$0x1] =	stream.indirect_vreg.gather [hbm4b:s3+s2], $0x80, v21, vm0, $0xb8;
	[tilespmem:$0x18200] =	vst v63  }
0x313: {  	s26 =	simm.s32 $0x5B80;
	v21 =	vadd.s32 v4, v22;
	v22 =	vperm.xlane v18, v9  }
0x314: {  	[tilespmem:s26], [sflag:$0x1] =	stream.indirect_vreg.gather [hbm4b:s3+s2], $0x80, v19, vm0, $0xb8;
	[tilespmem:$0x18200] =	vst v63  }
0x315: {  	s25 =	simm.s32 $0x5C00;
	v19 =	vadd.s32 v4, v22;
	v22 =	vperm.xlane v18, v0  }
0x316: {  	[tilespmem:s25], [sflag:$0x1] =	stream.indirect_vreg.gather [hbm4b:s3+s2], $0x80, v20, vm0, $0xb8;
	[tilespmem:$0x18200] =	vst v63  }
0x317: {  	s26 =	simm.s32 $0x5C80;
	v20 =	vadd.s32 v4, v22;
	v22 =	vperm.xlane v18, v10  }
0x318: {  	[tilespmem:s26], [sflag:$0x1] =	stream.indirect_vreg.gather [hbm4b:s3+s2], $0x80, v21, vm0, $0xb8;
	[tilespmem:$0x18200] =	vst v63  }
0x319: {  	s25 =	simm.s32 $0x5D00;
	v21 =	vadd.s32 v4, v22;
	v22 =	vperm.xlane v18, v11  }
0x31a: {  	[tilespmem:s25], [sflag:$0x1] =	stream.indirect_vreg.gather [hbm4b:s3+s2], $0x80, v19, vm0, $0xb8;
	[tilespmem:$0x18200] =	vst v63  }
0x31b: {  	s26 =	simm.s32 $0x5D80;
	v19 =	vadd.s32 v4, v22;
	v22 =	vperm.xlane v18, v12  }
0x31c: {  	[tilespmem:s26], [sflag:$0x1] =	stream.indirect_vreg.gather [hbm4b:s3+s2], $0x80, v20, vm0, $0xb8;
	[tilespmem:$0x18200] =	vst v63  }
0x31d: {  	s25 =	simm.s32 $0x5E00;
	v20 =	vadd.s32 v4, v22;
	v22 =	vperm.xlane v18, v13  }
0x31e: {  	[tilespmem:s25], [sflag:$0x1] =	stream.indirect_vreg.gather [hbm4b:s3+s2], $0x80, v21, vm0, $0xb8;
	[tilespmem:$0x18200] =	vst v63  }
0x31f: {  	s26 =	simm.s32 $0x5E80;
	v21 =	vadd.s32 v4, v22;
	v22 =	vperm.xlane v18, v14  }
0x320: {  	[tilespmem:s26], [sflag:$0x1] =	stream.indirect_vreg.gather [hbm4b:s3+s2], $0x80, v19, vm0, $0xb8;
	[tilespmem:$0x18200] =	vst v63  }
0x321: {  	s25 =	simm.s32 $0x5F00;
	v19 =	vadd.s32 v4, v22;
	v22 =	vperm.xlane v18, v15  }
0x322: {  	[tilespmem:s25], [sflag:$0x1] =	stream.indirect_vreg.gather [hbm4b:s3+s2], $0x80, v20, vm0, $0xb8;
	[tilespmem:$0x18200] =	vst v63  }
0x323: {  	s26 =	simm.s32 $0x5F80;
	v20 =	vadd.s32 v4, v22;
	v22 =	vperm.xlane v18, v16  }
0x324: {  	[tilespmem:s26], [sflag:$0x1] =	stream.indirect_vreg.gather [hbm4b:s3+s2], $0x80, v21, vm0, $0xb8;
	[tilespmem:$0x18200] =	vst v63  }
0x325: {  	v18 =	vperm.xlane v18, v17;
	s25 =	simm.s32 $0x6000;
	v21 =	vadd.s32 v4, v22  }
0x326: {  	[tilespmem:s25], [sflag:$0x1] =	stream.indirect_vreg.gather [hbm4b:s3+s2], $0x80, v19, vm0, $0xb8;
	[tilespmem:$0x18200] =	vst v63  }
0x327: {  	v18 =	vadd.s32 v4, v18;
	s26 =	simm.s32 $0x6080  }
0x328: {  	[tilespmem:s26], [sflag:$0x1] =	stream.indirect_vreg.gather [hbm4b:s3+s2], $0x80, v20, vm0, $0xb8;
	[tilespmem:$0x18200] =	vst v63  }
0x329: {  	s25 =	simm.s32 $0x6100  }
0x32a: {  	[tilespmem:s25], [sflag:$0x1] =	stream.indirect_vreg.gather [hbm4b:s3+s2], $0x80, v21, vm0, $0xb8;
	[tilespmem:$0x18200] =	vst v63  }
0x32b: {  	s26 =	simm.s32 $0x6180  }
0x32c: {  	[tilespmem:s26], [sflag:$0x1] =	stream.indirect_vreg.gather [hbm4b:s3+s2], $0x80, v18, vm0, $0xb8;
	[tilespmem:$0x18200] =	vst v63  }
0x32d: {  	v18 =	vld [tilespmem:$0xC0];
	_ =	sdelay $0x4  }
0x32e: {  	v19 =	vshll.u32 v18, $0x1  }
0x32f: {  	v18 =	vand.u32 $0x7, v18;
	v19 =	vand.u32 $0xFFFFFFF0, v19  }
0x330: {  	v18 =	vor.u32 v18, v19  }
0x331: {  	v19 =	vperm.xlane v18, v2;
	_ =	sdelay $0x1  }
0x332: {  	v20 =	vperm.xlane v18, v1;
	v19 =	vadd.s32 v4, v19;
	_ =	sdelay $0x1  }
0x333: {  	v21 =	vperm.xlane v18, v5;
	v20 =	vadd.s32 v4, v20;
	_ =	sdelay $0x1  }
0x334: {  	s25 =	simm.s32 $0x6200;
	v22 =	vperm.xlane v18, v6;
	v21 =	vadd.s32 v4, v21  }
0x335: {  	[tilespmem:s25], [sflag:$0x1] =	stream.indirect_vreg.gather [hbm4b:s3+s2], $0x80, v19, vm0, $0xb8;
	[tilespmem:$0x18200] =	vst v63  }
0x336: {  	s26 =	simm.s32 $0x6280;
	v19 =	vadd.s32 v4, v22;
	v22 =	vperm.xlane v18, v7  }
0x337: {  	[tilespmem:s26], [sflag:$0x1] =	stream.indirect_vreg.gather [hbm4b:s3+s2], $0x80, v20, vm0, $0xb8;
	[tilespmem:$0x18200] =	vst v63  }
0x338: {  	s25 =	simm.s32 $0x6300;
	v20 =	vadd.s32 v4, v22;
	v22 =	vperm.xlane v18, v8  }
0x339: {  	[tilespmem:s25], [sflag:$0x1] =	stream.indirect_vreg.gather [hbm4b:s3+s2], $0x80, v21, vm0, $0xb8;
	[tilespmem:$0x18200] =	vst v63  }
0x33a: {  	s26 =	simm.s32 $0x6380;
	v21 =	vadd.s32 v4, v22;
	v22 =	vperm.xlane v18, v9  }
0x33b: {  	[tilespmem:s26], [sflag:$0x1] =	stream.indirect_vreg.gather [hbm4b:s3+s2], $0x80, v19, vm0, $0xb8;
	[tilespmem:$0x18200] =	vst v63  }
0x33c: {  	s25 =	simm.s32 $0x6400;
	v19 =	vadd.s32 v4, v22;
	v22 =	vperm.xlane v18, v0  }
0x33d: {  	[tilespmem:s25], [sflag:$0x1] =	stream.indirect_vreg.gather [hbm4b:s3+s2], $0x80, v20, vm0, $0xb8;
	[tilespmem:$0x18200] =	vst v63  }
0x33e: {  	s26 =	simm.s32 $0x6480;
	v20 =	vadd.s32 v4, v22;
	v22 =	vperm.xlane v18, v10  }
0x33f: {  	[tilespmem:s26], [sflag:$0x1] =	stream.indirect_vreg.gather [hbm4b:s3+s2], $0x80, v21, vm0, $0xb8;
	[tilespmem:$0x18200] =	vst v63  }
0x340: {  	s25 =	simm.s32 $0x6500;
	v21 =	vadd.s32 v4, v22;
	v22 =	vperm.xlane v18, v11  }
0x341: {  	[tilespmem:s25], [sflag:$0x1] =	stream.indirect_vreg.gather [hbm4b:s3+s2], $0x80, v19, vm0, $0xb8;
	[tilespmem:$0x18200] =	vst v63  }
0x342: {  	s26 =	simm.s32 $0x6580;
	v19 =	vadd.s32 v4, v22;
	v22 =	vperm.xlane v18, v12  }
0x343: {  	[tilespmem:s26], [sflag:$0x1] =	stream.indirect_vreg.gather [hbm4b:s3+s2], $0x80, v20, vm0, $0xb8;
	[tilespmem:$0x18200] =	vst v63  }
0x344: {  	s25 =	simm.s32 $0x6600;
	v20 =	vadd.s32 v4, v22;
	v22 =	vperm.xlane v18, v13  }
0x345: {  	[tilespmem:s25], [sflag:$0x1] =	stream.indirect_vreg.gather [hbm4b:s3+s2], $0x80, v21, vm0, $0xb8;
	[tilespmem:$0x18200] =	vst v63  }
0x346: {  	s26 =	simm.s32 $0x6680;
	v21 =	vadd.s32 v4, v22;
	v22 =	vperm.xlane v18, v14  }
0x347: {  	[tilespmem:s26], [sflag:$0x1] =	stream.indirect_vreg.gather [hbm4b:s3+s2], $0x80, v19, vm0, $0xb8;
	[tilespmem:$0x18200] =	vst v63  }
0x348: {  	s25 =	simm.s32 $0x6700;
	v19 =	vadd.s32 v4, v22;
	v22 =	vperm.xlane v18, v15  }
0x349: {  	[tilespmem:s25], [sflag:$0x1] =	stream.indirect_vreg.gather [hbm4b:s3+s2], $0x80, v20, vm0, $0xb8;
	[tilespmem:$0x18200] =	vst v63  }
0x34a: {  	s26 =	simm.s32 $0x6780;
	v20 =	vadd.s32 v4, v22;
	v22 =	vperm.xlane v18, v16  }
0x34b: {  	[tilespmem:s26], [sflag:$0x1] =	stream.indirect_vreg.gather [hbm4b:s3+s2], $0x80, v21, vm0, $0xb8;
	[tilespmem:$0x18200] =	vst v63  }
0x34c: {  	v18 =	vperm.xlane v18, v17;
	s25 =	simm.s32 $0x6800;
	v21 =	vadd.s32 v4, v22  }
0x34d: {  	[tilespmem:s25], [sflag:$0x1] =	stream.indirect_vreg.gather [hbm4b:s3+s2], $0x80, v19, vm0, $0xb8;
	[tilespmem:$0x18200] =	vst v63  }
0x34e: {  	v18 =	vadd.s32 v4, v18;
	s26 =	simm.s32 $0x6880  }
0x34f: {  	[tilespmem:s26], [sflag:$0x1] =	stream.indirect_vreg.gather [hbm4b:s3+s2], $0x80, v20, vm0, $0xb8;
	[tilespmem:$0x18200] =	vst v63  }
0x350: {  	s25 =	simm.s32 $0x6900  }
0x351: {  	[tilespmem:s25], [sflag:$0x1] =	stream.indirect_vreg.gather [hbm4b:s3+s2], $0x80, v21, vm0, $0xb8;
	[tilespmem:$0x18200] =	vst v63  }
0x352: {  	s26 =	simm.s32 $0x6980  }
0x353: {  	[tilespmem:s26], [sflag:$0x1] =	stream.indirect_vreg.gather [hbm4b:s3+s2], $0x80, v18, vm0, $0xb8;
	[tilespmem:$0x18200] =	vst v63  }
0x354: {  	v18 =	vld [tilespmem:$0xD0];
	_ =	sdelay $0x4  }
0x355: {  	v19 =	vshll.u32 v18, $0x1  }
0x356: {  	v18 =	vand.u32 $0x7, v18;
	v19 =	vand.u32 $0xFFFFFFF0, v19  }
0x357: {  	v18 =	vor.u32 v18, v19  }
0x358: {  	v19 =	vperm.xlane v18, v2;
	_ =	sdelay $0x1  }
0x359: {  	v20 =	vperm.xlane v18, v1;
	v19 =	vadd.s32 v4, v19;
	_ =	sdelay $0x1  }
0x35a: {  	v21 =	vperm.xlane v18, v5;
	v20 =	vadd.s32 v4, v20;
	_ =	sdelay $0x1  }
0x35b: {  	s25 =	simm.s32 $0x6A00;
	v22 =	vperm.xlane v18, v6;
	v21 =	vadd.s32 v4, v21  }
0x35c: {  	[tilespmem:s25], [sflag:$0x1] =	stream.indirect_vreg.gather [hbm4b:s3+s2], $0x80, v19, vm0, $0xb8;
	[tilespmem:$0x18200] =	vst v63  }
0x35d: {  	s26 =	simm.s32 $0x6A80;
	v19 =	vadd.s32 v4, v22;
	v22 =	vperm.xlane v18, v7  }
0x35e: {  	[tilespmem:s26], [sflag:$0x1] =	stream.indirect_vreg.gather [hbm4b:s3+s2], $0x80, v20, vm0, $0xb8;
	[tilespmem:$0x18200] =	vst v63  }
0x35f: {  	s25 =	simm.s32 $0x6B00;
	v20 =	vadd.s32 v4, v22;
	v22 =	vperm.xlane v18, v8  }
0x360: {  	[tilespmem:s25], [sflag:$0x1] =	stream.indirect_vreg.gather [hbm4b:s3+s2], $0x80, v21, vm0, $0xb8;
	[tilespmem:$0x18200] =	vst v63  }
0x361: {  	s26 =	simm.s32 $0x6B80;
	v21 =	vadd.s32 v4, v22;
	v22 =	vperm.xlane v18, v9  }
0x362: {  	[tilespmem:s26], [sflag:$0x1] =	stream.indirect_vreg.gather [hbm4b:s3+s2], $0x80, v19, vm0, $0xb8;
	[tilespmem:$0x18200] =	vst v63  }
0x363: {  	s25 =	simm.s32 $0x6C00;
	v19 =	vadd.s32 v4, v22;
	v22 =	vperm.xlane v18, v0  }
0x364: {  	[tilespmem:s25], [sflag:$0x1] =	stream.indirect_vreg.gather [hbm4b:s3+s2], $0x80, v20, vm0, $0xb8;
	[tilespmem:$0x18200] =	vst v63  }
0x365: {  	s26 =	simm.s32 $0x6C80;
	v20 =	vadd.s32 v4, v22;
	v22 =	vperm.xlane v18, v10  }
0x366: {  	[tilespmem:s26], [sflag:$0x1] =	stream.indirect_vreg.gather [hbm4b:s3+s2], $0x80, v21, vm0, $0xb8;
	[tilespmem:$0x18200] =	vst v63  }
0x367: {  	s25 =	simm.s32 $0x6D00;
	v21 =	vadd.s32 v4, v22;
	v22 =	vperm.xlane v18, v11  }
0x368: {  	[tilespmem:s25], [sflag:$0x1] =	stream.indirect_vreg.gather [hbm4b:s3+s2], $0x80, v19, vm0, $0xb8;
	[tilespmem:$0x18200] =	vst v63  }
0x369: {  	s26 =	simm.s32 $0x6D80;
	v19 =	vadd.s32 v4, v22;
	v22 =	vperm.xlane v18, v12  }
0x36a: {  	[tilespmem:s26], [sflag:$0x1] =	stream.indirect_vreg.gather [hbm4b:s3+s2], $0x80, v20, vm0, $0xb8;
	[tilespmem:$0x18200] =	vst v63  }
0x36b: {  	s25 =	simm.s32 $0x6E00;
	v20 =	vadd.s32 v4, v22;
	v22 =	vperm.xlane v18, v13  }
0x36c: {  	[tilespmem:s25], [sflag:$0x1] =	stream.indirect_vreg.gather [hbm4b:s3+s2], $0x80, v21, vm0, $0xb8;
	[tilespmem:$0x18200] =	vst v63  }
0x36d: {  	s26 =	simm.s32 $0x6E80;
	v21 =	vadd.s32 v4, v22;
	v22 =	vperm.xlane v18, v14  }
0x36e: {  	[tilespmem:s26], [sflag:$0x1] =	stream.indirect_vreg.gather [hbm4b:s3+s2], $0x80, v19, vm0, $0xb8;
	[tilespmem:$0x18200] =	vst v63  }
0x36f: {  	s25 =	simm.s32 $0x6F00;
	v19 =	vadd.s32 v4, v22;
	v22 =	vperm.xlane v18, v15  }
0x370: {  	[tilespmem:s25], [sflag:$0x1] =	stream.indirect_vreg.gather [hbm4b:s3+s2], $0x80, v20, vm0, $0xb8;
	[tilespmem:$0x18200] =	vst v63  }
0x371: {  	s26 =	simm.s32 $0x6F80;
	v20 =	vadd.s32 v4, v22;
	v22 =	vperm.xlane v18, v16  }
0x372: {  	[tilespmem:s26], [sflag:$0x1] =	stream.indirect_vreg.gather [hbm4b:s3+s2], $0x80, v21, vm0, $0xb8;
	[tilespmem:$0x18200] =	vst v63  }
0x373: {  	v18 =	vperm.xlane v18, v17;
	s25 =	simm.s32 $0x7000;
	v21 =	vadd.s32 v4, v22  }
0x374: {  	[tilespmem:s25], [sflag:$0x1] =	stream.indirect_vreg.gather [hbm4b:s3+s2], $0x80, v19, vm0, $0xb8;
	[tilespmem:$0x18200] =	vst v63  }
0x375: {  	v18 =	vadd.s32 v4, v18;
	s26 =	simm.s32 $0x7080  }
0x376: {  	[tilespmem:s26], [sflag:$0x1] =	stream.indirect_vreg.gather [hbm4b:s3+s2], $0x80, v20, vm0, $0xb8;
	[tilespmem:$0x18200] =	vst v63  }
0x377: {  	s25 =	simm.s32 $0x7100  }
0x378: {  	[tilespmem:s25], [sflag:$0x1] =	stream.indirect_vreg.gather [hbm4b:s3+s2], $0x80, v21, vm0, $0xb8;
	[tilespmem:$0x18200] =	vst v63  }
0x379: {  	s26 =	simm.s32 $0x7180  }
0x37a: {  	[tilespmem:s26], [sflag:$0x1] =	stream.indirect_vreg.gather [hbm4b:s3+s2], $0x80, v18, vm0, $0xb8;
	[tilespmem:$0x18200] =	vst v63  }
0x37b: {  	v18 =	vld [tilespmem:$0xE0];
	_ =	sdelay $0x4  }
0x37c: {  	v19 =	vshll.u32 v18, $0x1  }
0x37d: {  	v18 =	vand.u32 $0x7, v18;
	v19 =	vand.u32 $0xFFFFFFF0, v19  }
0x37e: {  	v18 =	vor.u32 v18, v19  }
0x37f: {  	v19 =	vperm.xlane v18, v2;
	_ =	sdelay $0x1  }
0x380: {  	v20 =	vperm.xlane v18, v1;
	v19 =	vadd.s32 v4, v19;
	_ =	sdelay $0x1  }
0x381: {  	v21 =	vperm.xlane v18, v5;
	v20 =	vadd.s32 v4, v20;
	_ =	sdelay $0x1  }
0x382: {  	s25 =	simm.s32 $0x7200;
	v22 =	vperm.xlane v18, v6;
	v21 =	vadd.s32 v4, v21  }
0x383: {  	[tilespmem:s25], [sflag:$0x1] =	stream.indirect_vreg.gather [hbm4b:s3+s2], $0x80, v19, vm0, $0xb8;
	[tilespmem:$0x18200] =	vst v63  }
0x384: {  	s26 =	simm.s32 $0x7280;
	v19 =	vadd.s32 v4, v22;
	v22 =	vperm.xlane v18, v7  }
0x385: {  	[tilespmem:s26], [sflag:$0x1] =	stream.indirect_vreg.gather [hbm4b:s3+s2], $0x80, v20, vm0, $0xb8;
	[tilespmem:$0x18200] =	vst v63  }
0x386: {  	s25 =	simm.s32 $0x7300;
	v20 =	vadd.s32 v4, v22;
	v22 =	vperm.xlane v18, v8  }
0x387: {  	[tilespmem:s25], [sflag:$0x1] =	stream.indirect_vreg.gather [hbm4b:s3+s2], $0x80, v21, vm0, $0xb8;
	[tilespmem:$0x18200] =	vst v63  }
0x388: {  	s26 =	simm.s32 $0x7380;
	v21 =	vadd.s32 v4, v22;
	v22 =	vperm.xlane v18, v9  }
0x389: {  	[tilespmem:s26], [sflag:$0x1] =	stream.indirect_vreg.gather [hbm4b:s3+s2], $0x80, v19, vm0, $0xb8;
	[tilespmem:$0x18200] =	vst v63  }
0x38a: {  	s25 =	simm.s32 $0x7400;
	v19 =	vadd.s32 v4, v22;
	v22 =	vperm.xlane v18, v0  }
0x38b: {  	[tilespmem:s25], [sflag:$0x1] =	stream.indirect_vreg.gather [hbm4b:s3+s2], $0x80, v20, vm0, $0xb8;
	[tilespmem:$0x18200] =	vst v63  }
0x38c: {  	s26 =	simm.s32 $0x7480;
	v20 =	vadd.s32 v4, v22;
	v22 =	vperm.xlane v18, v10  }
0x38d: {  	[tilespmem:s26], [sflag:$0x1] =	stream.indirect_vreg.gather [hbm4b:s3+s2], $0x80, v21, vm0, $0xb8;
	[tilespmem:$0x18200] =	vst v63  }
0x38e: {  	s25 =	simm.s32 $0x7500;
	v21 =	vadd.s32 v4, v22;
	v22 =	vperm.xlane v18, v11  }
0x38f: {  	[tilespmem:s25], [sflag:$0x1] =	stream.indirect_vreg.gather [hbm4b:s3+s2], $0x80, v19, vm0, $0xb8;
	[tilespmem:$0x18200] =	vst v63  }
0x390: {  	s26 =	simm.s32 $0x7580;
	v19 =	vadd.s32 v4, v22;
	v22 =	vperm.xlane v18, v12  }
0x391: {  	[tilespmem:s26], [sflag:$0x1] =	stream.indirect_vreg.gather [hbm4b:s3+s2], $0x80, v20, vm0, $0xb8;
	[tilespmem:$0x18200] =	vst v63  }
0x392: {  	s25 =	simm.s32 $0x7600;
	v20 =	vadd.s32 v4, v22;
	v22 =	vperm.xlane v18, v13  }
0x393: {  	[tilespmem:s25], [sflag:$0x1] =	stream.indirect_vreg.gather [hbm4b:s3+s2], $0x80, v21, vm0, $0xb8;
	[tilespmem:$0x18200] =	vst v63  }
0x394: {  	s26 =	simm.s32 $0x7680;
	v21 =	vadd.s32 v4, v22;
	v22 =	vperm.xlane v18, v14  }
0x395: {  	[tilespmem:s26], [sflag:$0x1] =	stream.indirect_vreg.gather [hbm4b:s3+s2], $0x80, v19, vm0, $0xb8;
	[tilespmem:$0x18200] =	vst v63  }
0x396: {  	s25 =	simm.s32 $0x7700;
	v19 =	vadd.s32 v4, v22;
	v22 =	vperm.xlane v18, v15  }
0x397: {  	[tilespmem:s25], [sflag:$0x1] =	stream.indirect_vreg.gather [hbm4b:s3+s2], $0x80, v20, vm0, $0xb8;
	[tilespmem:$0x18200] =	vst v63  }
0x398: {  	s26 =	simm.s32 $0x7780;
	v20 =	vadd.s32 v4, v22;
	v22 =	vperm.xlane v18, v16  }
0x399: {  	[tilespmem:s26], [sflag:$0x1] =	stream.indirect_vreg.gather [hbm4b:s3+s2], $0x80, v21, vm0, $0xb8;
	[tilespmem:$0x18200] =	vst v63  }
0x39a: {  	v18 =	vperm.xlane v18, v17;
	s25 =	simm.s32 $0x7800;
	v21 =	vadd.s32 v4, v22  }
0x39b: {  	[tilespmem:s25], [sflag:$0x1] =	stream.indirect_vreg.gather [hbm4b:s3+s2], $0x80, v19, vm0, $0xb8;
	[tilespmem:$0x18200] =	vst v63  }
0x39c: {  	v18 =	vadd.s32 v4, v18;
	s26 =	simm.s32 $0x7880  }
0x39d: {  	[tilespmem:s26], [sflag:$0x1] =	stream.indirect_vreg.gather [hbm4b:s3+s2], $0x80, v20, vm0, $0xb8;
	[tilespmem:$0x18200] =	vst v63  }
0x39e: {  	s25 =	simm.s32 $0x7900  }
0x39f: {  	[tilespmem:s25], [sflag:$0x1] =	stream.indirect_vreg.gather [hbm4b:s3+s2], $0x80, v21, vm0, $0xb8;
	[tilespmem:$0x18200] =	vst v63  }
0x3a0: {  	s26 =	simm.s32 $0x7980  }
0x3a1: {  	[tilespmem:s26], [sflag:$0x1] =	stream.indirect_vreg.gather [hbm4b:s3+s2], $0x80, v18, vm0, $0xb8;
	[tilespmem:$0x18200] =	vst v63  }
0x3a2: {  	v18 =	vld [tilespmem:$0xF0];
	_ =	sdelay $0x4  }
0x3a3: {  	v19 =	vshll.u32 v18, $0x1  }
0x3a4: {  	v18 =	vand.u32 $0x7, v18;
	v19 =	vand.u32 $0xFFFFFFF0, v19  }
0x3a5: {  	v18 =	vor.u32 v18, v19  }
0x3a6: {  	v19 =	vperm.xlane v18, v2;
	_ =	sdelay $0x1  }
0x3a7: {  	v20 =	vperm.xlane v18, v1;
	v19 =	vadd.s32 v4, v19;
	_ =	sdelay $0x1  }
0x3a8: {  	v21 =	vperm.xlane v18, v5;
	v20 =	vadd.s32 v4, v20;
	_ =	sdelay $0x1  }
0x3a9: {  	s25 =	simm.s32 $0x7A00;
	v22 =	vperm.xlane v18, v6;
	v21 =	vadd.s32 v4, v21  }
0x3aa: {  	[tilespmem:s25], [sflag:$0x1] =	stream.indirect_vreg.gather [hbm4b:s3+s2], $0x80, v19, vm0, $0xb8;
	[tilespmem:$0x18200] =	vst v63  }
0x3ab: {  	s26 =	simm.s32 $0x7A80;
	v19 =	vadd.s32 v4, v22;
	v22 =	vperm.xlane v18, v7  }
0x3ac: {  	[tilespmem:s26], [sflag:$0x1] =	stream.indirect_vreg.gather [hbm4b:s3+s2], $0x80, v20, vm0, $0xb8;
	[tilespmem:$0x18200] =	vst v63  }
0x3ad: {  	s25 =	simm.s32 $0x7B00;
	v20 =	vadd.s32 v4, v22;
	v22 =	vperm.xlane v18, v8  }
0x3ae: {  	[tilespmem:s25], [sflag:$0x1] =	stream.indirect_vreg.gather [hbm4b:s3+s2], $0x80, v21, vm0, $0xb8;
	[tilespmem:$0x18200] =	vst v63  }
0x3af: {  	s26 =	simm.s32 $0x7B80;
	v21 =	vadd.s32 v4, v22;
	v22 =	vperm.xlane v18, v9  }
0x3b0: {  	[tilespmem:s26], [sflag:$0x1] =	stream.indirect_vreg.gather [hbm4b:s3+s2], $0x80, v19, vm0, $0xb8;
	[tilespmem:$0x18200] =	vst v63  }
0x3b1: {  	s25 =	simm.s32 $0x7C00;
	v19 =	vadd.s32 v4, v22;
	v22 =	vperm.xlane v18, v0  }
0x3b2: {  	[tilespmem:s25], [sflag:$0x1] =	stream.indirect_vreg.gather [hbm4b:s3+s2], $0x80, v20, vm0, $0xb8;
	[tilespmem:$0x18200] =	vst v63  }
0x3b3: {  	s26 =	simm.s32 $0x7C80;
	v20 =	vadd.s32 v4, v22;
	v22 =	vperm.xlane v18, v10  }
0x3b4: {  	[tilespmem:s26], [sflag:$0x1] =	stream.indirect_vreg.gather [hbm4b:s3+s2], $0x80, v21, vm0, $0xb8;
	[tilespmem:$0x18200] =	vst v63  }
0x3b5: {  	s25 =	simm.s32 $0x7D00;
	v21 =	vadd.s32 v4, v22;
	v22 =	vperm.xlane v18, v11  }
0x3b6: {  	[tilespmem:s25], [sflag:$0x1] =	stream.indirect_vreg.gather [hbm4b:s3+s2], $0x80, v19, vm0, $0xb8;
	[tilespmem:$0x18200] =	vst v63  }
0x3b7: {  	s26 =	simm.s32 $0x7D80;
	v19 =	vadd.s32 v4, v22;
	v22 =	vperm.xlane v18, v12  }
0x3b8: {  	[tilespmem:s26], [sflag:$0x1] =	stream.indirect_vreg.gather [hbm4b:s3+s2], $0x80, v20, vm0, $0xb8;
	[tilespmem:$0x18200] =	vst v63  }
0x3b9: {  	s25 =	simm.s32 $0x7E00;
	v20 =	vadd.s32 v4, v22;
	v22 =	vperm.xlane v18, v13  }
0x3ba: {  	[tilespmem:s25], [sflag:$0x1] =	stream.indirect_vreg.gather [hbm4b:s3+s2], $0x80, v21, vm0, $0xb8;
	[tilespmem:$0x18200] =	vst v63  }
0x3bb: {  	s26 =	simm.s32 $0x7E80;
	v21 =	vadd.s32 v4, v22;
	v22 =	vperm.xlane v18, v14  }
0x3bc: {  	[tilespmem:s26], [sflag:$0x1] =	stream.indirect_vreg.gather [hbm4b:s3+s2], $0x80, v19, vm0, $0xb8;
	[tilespmem:$0x18200] =	vst v63  }
0x3bd: {  	s25 =	simm.s32 $0x7F00;
	v19 =	vadd.s32 v4, v22;
	v22 =	vperm.xlane v18, v15  }
0x3be: {  	[tilespmem:s25], [sflag:$0x1] =	stream.indirect_vreg.gather [hbm4b:s3+s2], $0x80, v20, vm0, $0xb8;
	[tilespmem:$0x18200] =	vst v63  }
0x3bf: {  	s26 =	simm.s32 $0x7F80;
	v20 =	vadd.s32 v4, v22;
	v22 =	vperm.xlane v18, v16  }
0x3c0: {  	[tilespmem:s26], [sflag:$0x1] =	stream.indirect_vreg.gather [hbm4b:s3+s2], $0x80, v21, vm0, $0xb8;
	[tilespmem:$0x18200] =	vst v63  }
0x3c1: {  	v18 =	vperm.xlane v18, v17;
	s25 =	simm.s32 $0x8000;
	v21 =	vadd.s32 v4, v22  }
0x3c2: {  	[tilespmem:s25], [sflag:$0x1] =	stream.indirect_vreg.gather [hbm4b:s3+s2], $0x80, v19, vm0, $0xb8;
	[tilespmem:$0x18200] =	vst v63  }
0x3c3: {  	v18 =	vadd.s32 v4, v18;
	s26 =	simm.s32 $0x8080  }
0x3c4: {  	[tilespmem:s26], [sflag:$0x1] =	stream.indirect_vreg.gather [hbm4b:s3+s2], $0x80, v20, vm0, $0xb8;
	[tilespmem:$0x18200] =	vst v63  }
0x3c5: {  	s25 =	simm.s32 $0x8100  }
0x3c6: {  	[tilespmem:s25], [sflag:$0x1] =	stream.indirect_vreg.gather [hbm4b:s3+s2], $0x80, v21, vm0, $0xb8;
	[tilespmem:$0x18200] =	vst v63  }
0x3c7: {  	s26 =	simm.s32 $0x8180  }
0x3c8: {  	[tilespmem:s26], [sflag:$0x1] =	stream.indirect_vreg.gather [hbm4b:s3+s2], $0x80, v18, vm0, $0xb8;
	[tilespmem:$0x18200] =	vst v63  }
0x3c9: {  	v18 =	vld [tilespmem:$0x80];
	_ =	sdelay $0x4  }
0x3ca: {  	v19 =	vshll.u32 v18, $0x1  }
0x3cb: {  	v18 =	vand.u32 $0x7, v18;
	v19 =	vand.u32 $0xFFFFFFF0, v19  }
0x3cc: {  	v18 =	vor.u32 v18, v19  }
0x3cd: {  	v19 =	vperm.xlane v18, v2;
	_ =	sdelay $0x1  }
0x3ce: {  	v20 =	vperm.xlane v18, v1;
	v19 =	vadd.s32 v4, v19;
	_ =	sdelay $0x1  }
0x3cf: {  	v21 =	vperm.xlane v18, v5;
	v20 =	vadd.s32 v4, v20;
	_ =	sdelay $0x1  }
0x3d0: {  	v22 =	vperm.xlane v18, v6;
	v21 =	vadd.s32 v4, v21  }
0x3d1: {  	[tilespmem:s19], [sflag:$0x1] =	stream.indirect_vreg.gather [hbm4b:s5+s2], $0x80, v19, vm0, $0xb8;
	[tilespmem:$0x18200] =	vst v63  }
0x3d2: {  	s25 =	simm.s32 $0xC280;
	v19 =	vadd.s32 v4, v22;
	v22 =	vperm.xlane v18, v7  }
0x3d3: {  	[tilespmem:s25], [sflag:$0x1] =	stream.indirect_vreg.gather [hbm4b:s5+s2], $0x80, v20, vm0, $0xb8;
	[tilespmem:$0x18200] =	vst v63  }
0x3d4: {  	s26 =	simm.s32 $0xC300;
	v20 =	vadd.s32 v4, v22;
	v22 =	vperm.xlane v18, v8  }
0x3d5: {  	[tilespmem:s26], [sflag:$0x1] =	stream.indirect_vreg.gather [hbm4b:s5+s2], $0x80, v21, vm0, $0xb8;
	[tilespmem:$0x18200] =	vst v63  }
0x3d6: {  	s25 =	simm.s32 $0xC380;
	v21 =	vadd.s32 v4, v22;
	v22 =	vperm.xlane v18, v9  }
0x3d7: {  	[tilespmem:s25], [sflag:$0x1] =	stream.indirect_vreg.gather [hbm4b:s5+s2], $0x80, v19, vm0, $0xb8;
	[tilespmem:$0x18200] =	vst v63  }
0x3d8: {  	s26 =	simm.s32 $0xC400;
	v19 =	vadd.s32 v4, v22;
	v22 =	vperm.xlane v18, v0  }
0x3d9: {  	[tilespmem:s26], [sflag:$0x1] =	stream.indirect_vreg.gather [hbm4b:s5+s2], $0x80, v20, vm0, $0xb8;
	[tilespmem:$0x18200] =	vst v63  }
0x3da: {  	s25 =	simm.s32 $0xC480;
	v20 =	vadd.s32 v4, v22;
	v22 =	vperm.xlane v18, v10  }
0x3db: {  	[tilespmem:s25], [sflag:$0x1] =	stream.indirect_vreg.gather [hbm4b:s5+s2], $0x80, v21, vm0, $0xb8;
	[tilespmem:$0x18200] =	vst v63  }
0x3dc: {  	s26 =	simm.s32 $0xC500;
	v21 =	vadd.s32 v4, v22;
	v22 =	vperm.xlane v18, v11  }
0x3dd: {  	[tilespmem:s26], [sflag:$0x1] =	stream.indirect_vreg.gather [hbm4b:s5+s2], $0x80, v19, vm0, $0xb8;
	[tilespmem:$0x18200] =	vst v63  }
0x3de: {  	s25 =	simm.s32 $0xC580;
	v19 =	vadd.s32 v4, v22;
	v22 =	vperm.xlane v18, v12  }
0x3df: {  	[tilespmem:s25], [sflag:$0x1] =	stream.indirect_vreg.gather [hbm4b:s5+s2], $0x80, v20, vm0, $0xb8;
	[tilespmem:$0x18200] =	vst v63  }
0x3e0: {  	s26 =	simm.s32 $0xC600;
	v20 =	vadd.s32 v4, v22;
	v22 =	vperm.xlane v18, v13  }
0x3e1: {  	[tilespmem:s26], [sflag:$0x1] =	stream.indirect_vreg.gather [hbm4b:s5+s2], $0x80, v21, vm0, $0xb8;
	[tilespmem:$0x18200] =	vst v63  }
0x3e2: {  	s25 =	simm.s32 $0xC680;
	v21 =	vadd.s32 v4, v22;
	v22 =	vperm.xlane v18, v14  }
0x3e3: {  	[tilespmem:s25], [sflag:$0x1] =	stream.indirect_vreg.gather [hbm4b:s5+s2], $0x80, v19, vm0, $0xb8;
	[tilespmem:$0x18200] =	vst v63  }
0x3e4: {  	s26 =	simm.s32 $0xC700;
	v19 =	vadd.s32 v4, v22;
	v22 =	vperm.xlane v18, v15  }
0x3e5: {  	[tilespmem:s26], [sflag:$0x1] =	stream.indirect_vreg.gather [hbm4b:s5+s2], $0x80, v20, vm0, $0xb8;
	[tilespmem:$0x18200] =	vst v63  }
0x3e6: {  	s25 =	simm.s32 $0xC780;
	v20 =	vadd.s32 v4, v22;
	v22 =	vperm.xlane v18, v16  }
0x3e7: {  	[tilespmem:s25], [sflag:$0x1] =	stream.indirect_vreg.gather [hbm4b:s5+s2], $0x80, v21, vm0, $0xb8;
	[tilespmem:$0x18200] =	vst v63  }
0x3e8: {  	v18 =	vperm.xlane v18, v17;
	s26 =	simm.s32 $0xC800;
	v21 =	vadd.s32 v4, v22  }
0x3e9: {  	[tilespmem:s26], [sflag:$0x1] =	stream.indirect_vreg.gather [hbm4b:s5+s2], $0x80, v19, vm0, $0xb8;
	[tilespmem:$0x18200] =	vst v63  }
0x3ea: {  	v18 =	vadd.s32 v4, v18;
	s25 =	simm.s32 $0xC880  }
0x3eb: {  	[tilespmem:s25], [sflag:$0x1] =	stream.indirect_vreg.gather [hbm4b:s5+s2], $0x80, v20, vm0, $0xb8;
	[tilespmem:$0x18200] =	vst v63  }
0x3ec: {  	s26 =	simm.s32 $0xC900  }
0x3ed: {  	[tilespmem:s26], [sflag:$0x1] =	stream.indirect_vreg.gather [hbm4b:s5+s2], $0x80, v21, vm0, $0xb8;
	[tilespmem:$0x18200] =	vst v63  }
0x3ee: {  	s25 =	simm.s32 $0xC980  }
0x3ef: {  	[tilespmem:s25], [sflag:$0x1] =	stream.indirect_vreg.gather [hbm4b:s5+s2], $0x80, v18, vm0, $0xb8;
	[tilespmem:$0x18200] =	vst v63  }
0x3f0: {  	v18 =	vld [tilespmem:$0x90];
	_ =	sdelay $0x4  }
0x3f1: {  	v19 =	vshll.u32 v18, $0x1  }
0x3f2: {  	v18 =	vand.u32 $0x7, v18;
	v19 =	vand.u32 $0xFFFFFFF0, v19  }
0x3f3: {  	v18 =	vor.u32 v18, v19  }
0x3f4: {  	v19 =	vperm.xlane v18, v2;
	_ =	sdelay $0x1  }
0x3f5: {  	v20 =	vperm.xlane v18, v1;
	v19 =	vadd.s32 v4, v19;
	_ =	sdelay $0x1  }
0x3f6: {  	v21 =	vperm.xlane v18, v5;
	v20 =	vadd.s32 v4, v20;
	_ =	sdelay $0x1  }
0x3f7: {  	s26 =	simm.s32 $0xCA00;
	v22 =	vperm.xlane v18, v6;
	v21 =	vadd.s32 v4, v21  }
0x3f8: {  	[tilespmem:s26], [sflag:$0x1] =	stream.indirect_vreg.gather [hbm4b:s5+s2], $0x80, v19, vm0, $0xb8;
	[tilespmem:$0x18200] =	vst v63  }
0x3f9: {  	s25 =	simm.s32 $0xCA80;
	v19 =	vadd.s32 v4, v22;
	v22 =	vperm.xlane v18, v7  }
0x3fa: {  	[tilespmem:s25], [sflag:$0x1] =	stream.indirect_vreg.gather [hbm4b:s5+s2], $0x80, v20, vm0, $0xb8;
	[tilespmem:$0x18200] =	vst v63  }
0x3fb: {  	s26 =	simm.s32 $0xCB00;
	v20 =	vadd.s32 v4, v22;
	v22 =	vperm.xlane v18, v8  }
0x3fc: {  	[tilespmem:s26], [sflag:$0x1] =	stream.indirect_vreg.gather [hbm4b:s5+s2], $0x80, v21, vm0, $0xb8;
	[tilespmem:$0x18200] =	vst v63  }
0x3fd: {  	s25 =	simm.s32 $0xCB80;
	v21 =	vadd.s32 v4, v22;
	v22 =	vperm.xlane v18, v9  }
0x3fe: {  	[tilespmem:s25], [sflag:$0x1] =	stream.indirect_vreg.gather [hbm4b:s5+s2], $0x80, v19, vm0, $0xb8;
	[tilespmem:$0x18200] =	vst v63  }
0x3ff: {  	s26 =	simm.s32 $0xCC00;
	v19 =	vadd.s32 v4, v22;
	v22 =	vperm.xlane v18, v0  }
0x400: {  	[tilespmem:s26], [sflag:$0x1] =	stream.indirect_vreg.gather [hbm4b:s5+s2], $0x80, v20, vm0, $0xb8;
	[tilespmem:$0x18200] =	vst v63  }
0x401: {  	s25 =	simm.s32 $0xCC80;
	v20 =	vadd.s32 v4, v22;
	v22 =	vperm.xlane v18, v10  }
0x402: {  	[tilespmem:s25], [sflag:$0x1] =	stream.indirect_vreg.gather [hbm4b:s5+s2], $0x80, v21, vm0, $0xb8;
	[tilespmem:$0x18200] =	vst v63  }
0x403: {  	s26 =	simm.s32 $0xCD00;
	v21 =	vadd.s32 v4, v22;
	v22 =	vperm.xlane v18, v11  }
0x404: {  	[tilespmem:s26], [sflag:$0x1] =	stream.indirect_vreg.gather [hbm4b:s5+s2], $0x80, v19, vm0, $0xb8;
	[tilespmem:$0x18200] =	vst v63  }
0x405: {  	s25 =	simm.s32 $0xCD80;
	v19 =	vadd.s32 v4, v22;
	v22 =	vperm.xlane v18, v12  }
0x406: {  	[tilespmem:s25], [sflag:$0x1] =	stream.indirect_vreg.gather [hbm4b:s5+s2], $0x80, v20, vm0, $0xb8;
	[tilespmem:$0x18200] =	vst v63  }
0x407: {  	s26 =	simm.s32 $0xCE00;
	v20 =	vadd.s32 v4, v22;
	v22 =	vperm.xlane v18, v13  }
0x408: {  	[tilespmem:s26], [sflag:$0x1] =	stream.indirect_vreg.gather [hbm4b:s5+s2], $0x80, v21, vm0, $0xb8;
	[tilespmem:$0x18200] =	vst v63  }
0x409: {  	s25 =	simm.s32 $0xCE80;
	v21 =	vadd.s32 v4, v22;
	v22 =	vperm.xlane v18, v14  }
0x40a: {  	[tilespmem:s25], [sflag:$0x1] =	stream.indirect_vreg.gather [hbm4b:s5+s2], $0x80, v19, vm0, $0xb8;
	[tilespmem:$0x18200] =	vst v63  }
0x40b: {  	s26 =	simm.s32 $0xCF00;
	v19 =	vadd.s32 v4, v22;
	v22 =	vperm.xlane v18, v15  }
0x40c: {  	[tilespmem:s26], [sflag:$0x1] =	stream.indirect_vreg.gather [hbm4b:s5+s2], $0x80, v20, vm0, $0xb8;
	[tilespmem:$0x18200] =	vst v63  }
0x40d: {  	s25 =	simm.s32 $0xCF80;
	v20 =	vadd.s32 v4, v22;
	v22 =	vperm.xlane v18, v16  }
0x40e: {  	[tilespmem:s25], [sflag:$0x1] =	stream.indirect_vreg.gather [hbm4b:s5+s2], $0x80, v21, vm0, $0xb8;
	[tilespmem:$0x18200] =	vst v63  }
0x40f: {  	v18 =	vperm.xlane v18, v17;
	s26 =	simm.s32 $0xD000;
	v21 =	vadd.s32 v4, v22  }
0x410: {  	[tilespmem:s26], [sflag:$0x1] =	stream.indirect_vreg.gather [hbm4b:s5+s2], $0x80, v19, vm0, $0xb8;
	[tilespmem:$0x18200] =	vst v63  }
0x411: {  	v18 =	vadd.s32 v4, v18;
	s25 =	simm.s32 $0xD080  }
0x412: {  	[tilespmem:s25], [sflag:$0x1] =	stream.indirect_vreg.gather [hbm4b:s5+s2], $0x80, v20, vm0, $0xb8;
	[tilespmem:$0x18200] =	vst v63  }
0x413: {  	s26 =	simm.s32 $0xD100  }
0x414: {  	[tilespmem:s26], [sflag:$0x1] =	stream.indirect_vreg.gather [hbm4b:s5+s2], $0x80, v21, vm0, $0xb8;
	[tilespmem:$0x18200] =	vst v63  }
0x415: {  	s25 =	simm.s32 $0xD180  }
0x416: {  	[tilespmem:s25], [sflag:$0x1] =	stream.indirect_vreg.gather [hbm4b:s5+s2], $0x80, v18, vm0, $0xb8;
	[tilespmem:$0x18200] =	vst v63  }
0x417: {  	v18 =	vld [tilespmem:$0xA0];
	_ =	sdelay $0x4  }
0x418: {  	v19 =	vshll.u32 v18, $0x1  }
0x419: {  	v18 =	vand.u32 $0x7, v18;
	v19 =	vand.u32 $0xFFFFFFF0, v19  }
0x41a: {  	v18 =	vor.u32 v18, v19  }
0x41b: {  	v19 =	vperm.xlane v18, v2;
	_ =	sdelay $0x1  }
0x41c: {  	v20 =	vperm.xlane v18, v1;
	v19 =	vadd.s32 v4, v19;
	_ =	sdelay $0x1  }
0x41d: {  	v21 =	vperm.xlane v18, v5;
	v20 =	vadd.s32 v4, v20;
	_ =	sdelay $0x1  }
0x41e: {  	s26 =	simm.s32 $0xD200;
	v22 =	vperm.xlane v18, v6;
	v21 =	vadd.s32 v4, v21  }
0x41f: {  	[tilespmem:s26], [sflag:$0x1] =	stream.indirect_vreg.gather [hbm4b:s5+s2], $0x80, v19, vm0, $0xb8;
	[tilespmem:$0x18200] =	vst v63  }
0x420: {  	s25 =	simm.s32 $0xD280;
	v19 =	vadd.s32 v4, v22;
	v22 =	vperm.xlane v18, v7  }
0x421: {  	[tilespmem:s25], [sflag:$0x1] =	stream.indirect_vreg.gather [hbm4b:s5+s2], $0x80, v20, vm0, $0xb8;
	[tilespmem:$0x18200] =	vst v63  }
0x422: {  	s26 =	simm.s32 $0xD300;
	v20 =	vadd.s32 v4, v22;
	v22 =	vperm.xlane v18, v8  }
0x423: {  	[tilespmem:s26], [sflag:$0x1] =	stream.indirect_vreg.gather [hbm4b:s5+s2], $0x80, v21, vm0, $0xb8;
	[tilespmem:$0x18200] =	vst v63  }
0x424: {  	s25 =	simm.s32 $0xD380;
	v21 =	vadd.s32 v4, v22;
	v22 =	vperm.xlane v18, v9  }
0x425: {  	[tilespmem:s25], [sflag:$0x1] =	stream.indirect_vreg.gather [hbm4b:s5+s2], $0x80, v19, vm0, $0xb8;
	[tilespmem:$0x18200] =	vst v63  }
0x426: {  	s26 =	simm.s32 $0xD400;
	v19 =	vadd.s32 v4, v22;
	v22 =	vperm.xlane v18, v0  }
0x427: {  	[tilespmem:s26], [sflag:$0x1] =	stream.indirect_vreg.gather [hbm4b:s5+s2], $0x80, v20, vm0, $0xb8;
	[tilespmem:$0x18200] =	vst v63  }
0x428: {  	s25 =	simm.s32 $0xD480;
	v20 =	vadd.s32 v4, v22;
	v22 =	vperm.xlane v18, v10  }
0x429: {  	[tilespmem:s25], [sflag:$0x1] =	stream.indirect_vreg.gather [hbm4b:s5+s2], $0x80, v21, vm0, $0xb8;
	[tilespmem:$0x18200] =	vst v63  }
0x42a: {  	s26 =	simm.s32 $0xD500;
	v21 =	vadd.s32 v4, v22;
	v22 =	vperm.xlane v18, v11  }
0x42b: {  	[tilespmem:s26], [sflag:$0x1] =	stream.indirect_vreg.gather [hbm4b:s5+s2], $0x80, v19, vm0, $0xb8;
	[tilespmem:$0x18200] =	vst v63  }
0x42c: {  	s25 =	simm.s32 $0xD580;
	v19 =	vadd.s32 v4, v22;
	v22 =	vperm.xlane v18, v12  }
0x42d: {  	[tilespmem:s25], [sflag:$0x1] =	stream.indirect_vreg.gather [hbm4b:s5+s2], $0x80, v20, vm0, $0xb8;
	[tilespmem:$0x18200] =	vst v63  }
0x42e: {  	s26 =	simm.s32 $0xD600;
	v20 =	vadd.s32 v4, v22;
	v22 =	vperm.xlane v18, v13  }
0x42f: {  	[tilespmem:s26], [sflag:$0x1] =	stream.indirect_vreg.gather [hbm4b:s5+s2], $0x80, v21, vm0, $0xb8;
	[tilespmem:$0x18200] =	vst v63  }
0x430: {  	s25 =	simm.s32 $0xD680;
	v21 =	vadd.s32 v4, v22;
	v22 =	vperm.xlane v18, v14  }
0x431: {  	[tilespmem:s25], [sflag:$0x1] =	stream.indirect_vreg.gather [hbm4b:s5+s2], $0x80, v19, vm0, $0xb8;
	[tilespmem:$0x18200] =	vst v63  }
0x432: {  	s26 =	simm.s32 $0xD700;
	v19 =	vadd.s32 v4, v22;
	v22 =	vperm.xlane v18, v15  }
0x433: {  	[tilespmem:s26], [sflag:$0x1] =	stream.indirect_vreg.gather [hbm4b:s5+s2], $0x80, v20, vm0, $0xb8;
	[tilespmem:$0x18200] =	vst v63  }
0x434: {  	s25 =	simm.s32 $0xD780;
	v20 =	vadd.s32 v4, v22;
	v22 =	vperm.xlane v18, v16  }
0x435: {  	[tilespmem:s25], [sflag:$0x1] =	stream.indirect_vreg.gather [hbm4b:s5+s2], $0x80, v21, vm0, $0xb8;
	[tilespmem:$0x18200] =	vst v63  }
0x436: {  	v18 =	vperm.xlane v18, v17;
	s26 =	simm.s32 $0xD800;
	v21 =	vadd.s32 v4, v22  }
0x437: {  	[tilespmem:s26], [sflag:$0x1] =	stream.indirect_vreg.gather [hbm4b:s5+s2], $0x80, v19, vm0, $0xb8;
	[tilespmem:$0x18200] =	vst v63  }
0x438: {  	v18 =	vadd.s32 v4, v18;
	s25 =	simm.s32 $0xD880  }
0x439: {  	[tilespmem:s25], [sflag:$0x1] =	stream.indirect_vreg.gather [hbm4b:s5+s2], $0x80, v20, vm0, $0xb8;
	[tilespmem:$0x18200] =	vst v63  }
0x43a: {  	s26 =	simm.s32 $0xD900  }
0x43b: {  	[tilespmem:s26], [sflag:$0x1] =	stream.indirect_vreg.gather [hbm4b:s5+s2], $0x80, v21, vm0, $0xb8;
	[tilespmem:$0x18200] =	vst v63  }
0x43c: {  	s25 =	simm.s32 $0xD980  }
0x43d: {  	[tilespmem:s25], [sflag:$0x1] =	stream.indirect_vreg.gather [hbm4b:s5+s2], $0x80, v18, vm0, $0xb8;
	[tilespmem:$0x18200] =	vst v63  }
0x43e: {  	v18 =	vld [tilespmem:$0xB0];
	_ =	sdelay $0x4  }
0x43f: {  	v19 =	vshll.u32 v18, $0x1  }
0x440: {  	v18 =	vand.u32 $0x7, v18;
	v19 =	vand.u32 $0xFFFFFFF0, v19  }
0x441: {  	v18 =	vor.u32 v18, v19  }
0x442: {  	v19 =	vperm.xlane v18, v2;
	_ =	sdelay $0x1  }
0x443: {  	v20 =	vperm.xlane v18, v1;
	v19 =	vadd.s32 v4, v19;
	_ =	sdelay $0x1  }
0x444: {  	v21 =	vperm.xlane v18, v5;
	v20 =	vadd.s32 v4, v20;
	_ =	sdelay $0x1  }
0x445: {  	s26 =	simm.s32 $0xDA00;
	v22 =	vperm.xlane v18, v6;
	v21 =	vadd.s32 v4, v21  }
0x446: {  	[tilespmem:s26], [sflag:$0x1] =	stream.indirect_vreg.gather [hbm4b:s5+s2], $0x80, v19, vm0, $0xb8;
	[tilespmem:$0x18200] =	vst v63  }
0x447: {  	s25 =	simm.s32 $0xDA80;
	v19 =	vadd.s32 v4, v22;
	v22 =	vperm.xlane v18, v7  }
0x448: {  	[tilespmem:s25], [sflag:$0x1] =	stream.indirect_vreg.gather [hbm4b:s5+s2], $0x80, v20, vm0, $0xb8;
	[tilespmem:$0x18200] =	vst v63  }
0x449: {  	s26 =	simm.s32 $0xDB00;
	v20 =	vadd.s32 v4, v22;
	v22 =	vperm.xlane v18, v8  }
0x44a: {  	[tilespmem:s26], [sflag:$0x1] =	stream.indirect_vreg.gather [hbm4b:s5+s2], $0x80, v21, vm0, $0xb8;
	[tilespmem:$0x18200] =	vst v63  }
0x44b: {  	s25 =	simm.s32 $0xDB80;
	v21 =	vadd.s32 v4, v22;
	v22 =	vperm.xlane v18, v9  }
0x44c: {  	[tilespmem:s25], [sflag:$0x1] =	stream.indirect_vreg.gather [hbm4b:s5+s2], $0x80, v19, vm0, $0xb8;
	[tilespmem:$0x18200] =	vst v63  }
0x44d: {  	s26 =	simm.s32 $0xDC00;
	v19 =	vadd.s32 v4, v22;
	v22 =	vperm.xlane v18, v0  }
0x44e: {  	[tilespmem:s26], [sflag:$0x1] =	stream.indirect_vreg.gather [hbm4b:s5+s2], $0x80, v20, vm0, $0xb8;
	[tilespmem:$0x18200] =	vst v63  }
0x44f: {  	s25 =	simm.s32 $0xDC80;
	v20 =	vadd.s32 v4, v22;
	v22 =	vperm.xlane v18, v10  }
0x450: {  	[tilespmem:s25], [sflag:$0x1] =	stream.indirect_vreg.gather [hbm4b:s5+s2], $0x80, v21, vm0, $0xb8;
	[tilespmem:$0x18200] =	vst v63  }
0x451: {  	s26 =	simm.s32 $0xDD00;
	v21 =	vadd.s32 v4, v22;
	v22 =	vperm.xlane v18, v11  }
0x452: {  	[tilespmem:s26], [sflag:$0x1] =	stream.indirect_vreg.gather [hbm4b:s5+s2], $0x80, v19, vm0, $0xb8;
	[tilespmem:$0x18200] =	vst v63  }
0x453: {  	s25 =	simm.s32 $0xDD80;
	v19 =	vadd.s32 v4, v22;
	v22 =	vperm.xlane v18, v12  }
0x454: {  	[tilespmem:s25], [sflag:$0x1] =	stream.indirect_vreg.gather [hbm4b:s5+s2], $0x80, v20, vm0, $0xb8;
	[tilespmem:$0x18200] =	vst v63  }
0x455: {  	s26 =	simm.s32 $0xDE00;
	v20 =	vadd.s32 v4, v22;
	v22 =	vperm.xlane v18, v13  }
0x456: {  	[tilespmem:s26], [sflag:$0x1] =	stream.indirect_vreg.gather [hbm4b:s5+s2], $0x80, v21, vm0, $0xb8;
	[tilespmem:$0x18200] =	vst v63  }
0x457: {  	s25 =	simm.s32 $0xDE80;
	v21 =	vadd.s32 v4, v22;
	v22 =	vperm.xlane v18, v14  }
0x458: {  	[tilespmem:s25], [sflag:$0x1] =	stream.indirect_vreg.gather [hbm4b:s5+s2], $0x80, v19, vm0, $0xb8;
	[tilespmem:$0x18200] =	vst v63  }
0x459: {  	s26 =	simm.s32 $0xDF00;
	v19 =	vadd.s32 v4, v22;
	v22 =	vperm.xlane v18, v15  }
0x45a: {  	[tilespmem:s26], [sflag:$0x1] =	stream.indirect_vreg.gather [hbm4b:s5+s2], $0x80, v20, vm0, $0xb8;
	[tilespmem:$0x18200] =	vst v63  }
0x45b: {  	s25 =	simm.s32 $0xDF80;
	v20 =	vadd.s32 v4, v22;
	v22 =	vperm.xlane v18, v16  }
0x45c: {  	[tilespmem:s25], [sflag:$0x1] =	stream.indirect_vreg.gather [hbm4b:s5+s2], $0x80, v21, vm0, $0xb8;
	[tilespmem:$0x18200] =	vst v63  }
0x45d: {  	v18 =	vperm.xlane v18, v17;
	s26 =	simm.s32 $0xE000;
	v21 =	vadd.s32 v4, v22  }
0x45e: {  	[tilespmem:s26], [sflag:$0x1] =	stream.indirect_vreg.gather [hbm4b:s5+s2], $0x80, v19, vm0, $0xb8;
	[tilespmem:$0x18200] =	vst v63  }
0x45f: {  	v18 =	vadd.s32 v4, v18;
	s25 =	simm.s32 $0xE080  }
0x460: {  	[tilespmem:s25], [sflag:$0x1] =	stream.indirect_vreg.gather [hbm4b:s5+s2], $0x80, v20, vm0, $0xb8;
	[tilespmem:$0x18200] =	vst v63  }
0x461: {  	s26 =	simm.s32 $0xE100  }
0x462: {  	[tilespmem:s26], [sflag:$0x1] =	stream.indirect_vreg.gather [hbm4b:s5+s2], $0x80, v21, vm0, $0xb8;
	[tilespmem:$0x18200] =	vst v63  }
0x463: {  	s25 =	simm.s32 $0xE180  }
0x464: {  	[tilespmem:s25], [sflag:$0x1] =	stream.indirect_vreg.gather [hbm4b:s5+s2], $0x80, v18, vm0, $0xb8;
	[tilespmem:$0x18200] =	vst v63  }
0x465: {  	v18 =	vld [tilespmem:$0xC0];
	_ =	sdelay $0x4  }
0x466: {  	v19 =	vshll.u32 v18, $0x1  }
0x467: {  	v18 =	vand.u32 $0x7, v18;
	v19 =	vand.u32 $0xFFFFFFF0, v19  }
0x468: {  	v18 =	vor.u32 v18, v19  }
0x469: {  	v19 =	vperm.xlane v18, v2;
	_ =	sdelay $0x1  }
0x46a: {  	v20 =	vperm.xlane v18, v1;
	v19 =	vadd.s32 v4, v19;
	_ =	sdelay $0x1  }
0x46b: {  	v21 =	vperm.xlane v18, v5;
	v20 =	vadd.s32 v4, v20;
	_ =	sdelay $0x1  }
0x46c: {  	s26 =	simm.s32 $0xE200;
	v22 =	vperm.xlane v18, v6;
	v21 =	vadd.s32 v4, v21  }
0x46d: {  	[tilespmem:s26], [sflag:$0x1] =	stream.indirect_vreg.gather [hbm4b:s5+s2], $0x80, v19, vm0, $0xb8;
	[tilespmem:$0x18200] =	vst v63  }
0x46e: {  	s25 =	simm.s32 $0xE280;
	v19 =	vadd.s32 v4, v22;
	v22 =	vperm.xlane v18, v7  }
0x46f: {  	[tilespmem:s25], [sflag:$0x1] =	stream.indirect_vreg.gather [hbm4b:s5+s2], $0x80, v20, vm0, $0xb8;
	[tilespmem:$0x18200] =	vst v63  }
0x470: {  	s26 =	simm.s32 $0xE300;
	v20 =	vadd.s32 v4, v22;
	v22 =	vperm.xlane v18, v8  }
0x471: {  	[tilespmem:s26], [sflag:$0x1] =	stream.indirect_vreg.gather [hbm4b:s5+s2], $0x80, v21, vm0, $0xb8;
	[tilespmem:$0x18200] =	vst v63  }
0x472: {  	s25 =	simm.s32 $0xE380;
	v21 =	vadd.s32 v4, v22;
	v22 =	vperm.xlane v18, v9  }
0x473: {  	[tilespmem:s25], [sflag:$0x1] =	stream.indirect_vreg.gather [hbm4b:s5+s2], $0x80, v19, vm0, $0xb8;
	[tilespmem:$0x18200] =	vst v63  }
0x474: {  	s26 =	simm.s32 $0xE400;
	v19 =	vadd.s32 v4, v22;
	v22 =	vperm.xlane v18, v0  }
0x475: {  	[tilespmem:s26], [sflag:$0x1] =	stream.indirect_vreg.gather [hbm4b:s5+s2], $0x80, v20, vm0, $0xb8;
	[tilespmem:$0x18200] =	vst v63  }
0x476: {  	s25 =	simm.s32 $0xE480;
	v20 =	vadd.s32 v4, v22;
	v22 =	vperm.xlane v18, v10  }
0x477: {  	[tilespmem:s25], [sflag:$0x1] =	stream.indirect_vreg.gather [hbm4b:s5+s2], $0x80, v21, vm0, $0xb8;
	[tilespmem:$0x18200] =	vst v63  }
0x478: {  	s26 =	simm.s32 $0xE500;
	v21 =	vadd.s32 v4, v22;
	v22 =	vperm.xlane v18, v11  }
0x479: {  	[tilespmem:s26], [sflag:$0x1] =	stream.indirect_vreg.gather [hbm4b:s5+s2], $0x80, v19, vm0, $0xb8;
	[tilespmem:$0x18200] =	vst v63  }
0x47a: {  	s25 =	simm.s32 $0xE580;
	v19 =	vadd.s32 v4, v22;
	v22 =	vperm.xlane v18, v12  }
0x47b: {  	[tilespmem:s25], [sflag:$0x1] =	stream.indirect_vreg.gather [hbm4b:s5+s2], $0x80, v20, vm0, $0xb8;
	[tilespmem:$0x18200] =	vst v63  }
0x47c: {  	s26 =	simm.s32 $0xE600;
	v20 =	vadd.s32 v4, v22;
	v22 =	vperm.xlane v18, v13  }
0x47d: {  	[tilespmem:s26], [sflag:$0x1] =	stream.indirect_vreg.gather [hbm4b:s5+s2], $0x80, v21, vm0, $0xb8;
	[tilespmem:$0x18200] =	vst v63  }
0x47e: {  	s25 =	simm.s32 $0xE680;
	v21 =	vadd.s32 v4, v22;
	v22 =	vperm.xlane v18, v14  }
0x47f: {  	[tilespmem:s25], [sflag:$0x1] =	stream.indirect_vreg.gather [hbm4b:s5+s2], $0x80, v19, vm0, $0xb8;
	[tilespmem:$0x18200] =	vst v63  }
0x480: {  	s26 =	simm.s32 $0xE700;
	v19 =	vadd.s32 v4, v22;
	v22 =	vperm.xlane v18, v15  }
0x481: {  	[tilespmem:s26], [sflag:$0x1] =	stream.indirect_vreg.gather [hbm4b:s5+s2], $0x80, v20, vm0, $0xb8;
	[tilespmem:$0x18200] =	vst v63  }
0x482: {  	s25 =	simm.s32 $0xE780;
	v20 =	vadd.s32 v4, v22;
	v22 =	vperm.xlane v18, v16  }
0x483: {  	[tilespmem:s25], [sflag:$0x1] =	stream.indirect_vreg.gather [hbm4b:s5+s2], $0x80, v21, vm0, $0xb8;
	[tilespmem:$0x18200] =	vst v63  }
0x484: {  	v18 =	vperm.xlane v18, v17;
	s26 =	simm.s32 $0xE800;
	v21 =	vadd.s32 v4, v22  }
0x485: {  	[tilespmem:s26], [sflag:$0x1] =	stream.indirect_vreg.gather [hbm4b:s5+s2], $0x80, v19, vm0, $0xb8;
	[tilespmem:$0x18200] =	vst v63  }
0x486: {  	v18 =	vadd.s32 v4, v18;
	s25 =	simm.s32 $0xE880  }
0x487: {  	[tilespmem:s25], [sflag:$0x1] =	stream.indirect_vreg.gather [hbm4b:s5+s2], $0x80, v20, vm0, $0xb8;
	[tilespmem:$0x18200] =	vst v63  }
0x488: {  	s26 =	simm.s32 $0xE900  }
0x489: {  	[tilespmem:s26], [sflag:$0x1] =	stream.indirect_vreg.gather [hbm4b:s5+s2], $0x80, v21, vm0, $0xb8;
	[tilespmem:$0x18200] =	vst v63  }
0x48a: {  	s25 =	simm.s32 $0xE980  }
0x48b: {  	[tilespmem:s25], [sflag:$0x1] =	stream.indirect_vreg.gather [hbm4b:s5+s2], $0x80, v18, vm0, $0xb8;
	[tilespmem:$0x18200] =	vst v63  }
0x48c: {  	v18 =	vld [tilespmem:$0xD0];
	_ =	sdelay $0x4  }
0x48d: {  	v19 =	vshll.u32 v18, $0x1  }
0x48e: {  	v18 =	vand.u32 $0x7, v18;
	v19 =	vand.u32 $0xFFFFFFF0, v19  }
0x48f: {  	v18 =	vor.u32 v18, v19  }
0x490: {  	v19 =	vperm.xlane v18, v2;
	_ =	sdelay $0x1  }
0x491: {  	v20 =	vperm.xlane v18, v1;
	v19 =	vadd.s32 v4, v19;
	_ =	sdelay $0x1  }
0x492: {  	v21 =	vperm.xlane v18, v5;
	v20 =	vadd.s32 v4, v20;
	_ =	sdelay $0x1  }
0x493: {  	s26 =	simm.s32 $0xEA00;
	v22 =	vperm.xlane v18, v6;
	v21 =	vadd.s32 v4, v21  }
0x494: {  	[tilespmem:s26], [sflag:$0x1] =	stream.indirect_vreg.gather [hbm4b:s5+s2], $0x80, v19, vm0, $0xb8;
	[tilespmem:$0x18200] =	vst v63  }
0x495: {  	s25 =	simm.s32 $0xEA80;
	v19 =	vadd.s32 v4, v22;
	v22 =	vperm.xlane v18, v7  }
0x496: {  	[tilespmem:s25], [sflag:$0x1] =	stream.indirect_vreg.gather [hbm4b:s5+s2], $0x80, v20, vm0, $0xb8;
	[tilespmem:$0x18200] =	vst v63  }
0x497: {  	s26 =	simm.s32 $0xEB00;
	v20 =	vadd.s32 v4, v22;
	v22 =	vperm.xlane v18, v8  }
0x498: {  	[tilespmem:s26], [sflag:$0x1] =	stream.indirect_vreg.gather [hbm4b:s5+s2], $0x80, v21, vm0, $0xb8;
	[tilespmem:$0x18200] =	vst v63  }
0x499: {  	s25 =	simm.s32 $0xEB80;
	v21 =	vadd.s32 v4, v22;
	v22 =	vperm.xlane v18, v9  }
0x49a: {  	[tilespmem:s25], [sflag:$0x1] =	stream.indirect_vreg.gather [hbm4b:s5+s2], $0x80, v19, vm0, $0xb8;
	[tilespmem:$0x18200] =	vst v63  }
0x49b: {  	s26 =	simm.s32 $0xEC00;
	v19 =	vadd.s32 v4, v22;
	v22 =	vperm.xlane v18, v0  }
0x49c: {  	[tilespmem:s26], [sflag:$0x1] =	stream.indirect_vreg.gather [hbm4b:s5+s2], $0x80, v20, vm0, $0xb8;
	[tilespmem:$0x18200] =	vst v63  }
0x49d: {  	s25 =	simm.s32 $0xEC80;
	v20 =	vadd.s32 v4, v22;
	v22 =	vperm.xlane v18, v10  }
0x49e: {  	[tilespmem:s25], [sflag:$0x1] =	stream.indirect_vreg.gather [hbm4b:s5+s2], $0x80, v21, vm0, $0xb8;
	[tilespmem:$0x18200] =	vst v63  }
0x49f: {  	s26 =	simm.s32 $0xED00;
	v21 =	vadd.s32 v4, v22;
	v22 =	vperm.xlane v18, v11  }
0x4a0: {  	[tilespmem:s26], [sflag:$0x1] =	stream.indirect_vreg.gather [hbm4b:s5+s2], $0x80, v19, vm0, $0xb8;
	[tilespmem:$0x18200] =	vst v63  }
0x4a1: {  	s25 =	simm.s32 $0xED80;
	v19 =	vadd.s32 v4, v22;
	v22 =	vperm.xlane v18, v12  }
0x4a2: {  	[tilespmem:s25], [sflag:$0x1] =	stream.indirect_vreg.gather [hbm4b:s5+s2], $0x80, v20, vm0, $0xb8;
	[tilespmem:$0x18200] =	vst v63  }
0x4a3: {  	s26 =	simm.s32 $0xEE00;
	v20 =	vadd.s32 v4, v22;
	v22 =	vperm.xlane v18, v13  }
0x4a4: {  	[tilespmem:s26], [sflag:$0x1] =	stream.indirect_vreg.gather [hbm4b:s5+s2], $0x80, v21, vm0, $0xb8;
	[tilespmem:$0x18200] =	vst v63  }
0x4a5: {  	s25 =	simm.s32 $0xEE80;
	v21 =	vadd.s32 v4, v22;
	v22 =	vperm.xlane v18, v14  }
0x4a6: {  	[tilespmem:s25], [sflag:$0x1] =	stream.indirect_vreg.gather [hbm4b:s5+s2], $0x80, v19, vm0, $0xb8;
	[tilespmem:$0x18200] =	vst v63  }
0x4a7: {  	s26 =	simm.s32 $0xEF00;
	v19 =	vadd.s32 v4, v22;
	v22 =	vperm.xlane v18, v15  }
0x4a8: {  	[tilespmem:s26], [sflag:$0x1] =	stream.indirect_vreg.gather [hbm4b:s5+s2], $0x80, v20, vm0, $0xb8;
	[tilespmem:$0x18200] =	vst v63  }
0x4a9: {  	s25 =	simm.s32 $0xEF80;
	v20 =	vadd.s32 v4, v22;
	v22 =	vperm.xlane v18, v16  }
0x4aa: {  	[tilespmem:s25], [sflag:$0x1] =	stream.indirect_vreg.gather [hbm4b:s5+s2], $0x80, v21, vm0, $0xb8;
	[tilespmem:$0x18200] =	vst v63  }
0x4ab: {  	v18 =	vperm.xlane v18, v17;
	s26 =	simm.s32 $0xF000;
	v21 =	vadd.s32 v4, v22  }
0x4ac: {  	[tilespmem:s26], [sflag:$0x1] =	stream.indirect_vreg.gather [hbm4b:s5+s2], $0x80, v19, vm0, $0xb8;
	[tilespmem:$0x18200] =	vst v63  }
0x4ad: {  	v18 =	vadd.s32 v4, v18;
	s25 =	simm.s32 $0xF080  }
0x4ae: {  	[tilespmem:s25], [sflag:$0x1] =	stream.indirect_vreg.gather [hbm4b:s5+s2], $0x80, v20, vm0, $0xb8;
	[tilespmem:$0x18200] =	vst v63  }
0x4af: {  	s26 =	simm.s32 $0xF100  }
0x4b0: {  	[tilespmem:s26], [sflag:$0x1] =	stream.indirect_vreg.gather [hbm4b:s5+s2], $0x80, v21, vm0, $0xb8;
	[tilespmem:$0x18200] =	vst v63  }
0x4b1: {  	s25 =	simm.s32 $0xF180  }
0x4b2: {  	[tilespmem:s25], [sflag:$0x1] =	stream.indirect_vreg.gather [hbm4b:s5+s2], $0x80, v18, vm0, $0xb8;
	[tilespmem:$0x18200] =	vst v63  }
0x4b3: {  	v18 =	vld [tilespmem:$0xE0];
	_ =	sdelay $0x4  }
0x4b4: {  	v19 =	vshll.u32 v18, $0x1  }
0x4b5: {  	v18 =	vand.u32 $0x7, v18;
	v19 =	vand.u32 $0xFFFFFFF0, v19  }
0x4b6: {  	v18 =	vor.u32 v18, v19  }
0x4b7: {  	v19 =	vperm.xlane v18, v2;
	_ =	sdelay $0x1  }
0x4b8: {  	v20 =	vperm.xlane v18, v1;
	v19 =	vadd.s32 v4, v19;
	_ =	sdelay $0x1  }
0x4b9: {  	v21 =	vperm.xlane v18, v5;
	v20 =	vadd.s32 v4, v20;
	_ =	sdelay $0x1  }
0x4ba: {  	s26 =	simm.s32 $0xF200;
	v22 =	vperm.xlane v18, v6;
	v21 =	vadd.s32 v4, v21  }
0x4bb: {  	[tilespmem:s26], [sflag:$0x1] =	stream.indirect_vreg.gather [hbm4b:s5+s2], $0x80, v19, vm0, $0xb8;
	[tilespmem:$0x18200] =	vst v63  }
0x4bc: {  	s25 =	simm.s32 $0xF280;
	v19 =	vadd.s32 v4, v22;
	v22 =	vperm.xlane v18, v7  }
0x4bd: {  	[tilespmem:s25], [sflag:$0x1] =	stream.indirect_vreg.gather [hbm4b:s5+s2], $0x80, v20, vm0, $0xb8;
	[tilespmem:$0x18200] =	vst v63  }
0x4be: {  	s26 =	simm.s32 $0xF300;
	v20 =	vadd.s32 v4, v22;
	v22 =	vperm.xlane v18, v8  }
0x4bf: {  	[tilespmem:s26], [sflag:$0x1] =	stream.indirect_vreg.gather [hbm4b:s5+s2], $0x80, v21, vm0, $0xb8;
	[tilespmem:$0x18200] =	vst v63  }
0x4c0: {  	s25 =	simm.s32 $0xF380;
	v21 =	vadd.s32 v4, v22;
	v22 =	vperm.xlane v18, v9  }
0x4c1: {  	[tilespmem:s25], [sflag:$0x1] =	stream.indirect_vreg.gather [hbm4b:s5+s2], $0x80, v19, vm0, $0xb8;
	[tilespmem:$0x18200] =	vst v63  }
0x4c2: {  	s26 =	simm.s32 $0xF400;
	v19 =	vadd.s32 v4, v22;
	v22 =	vperm.xlane v18, v0  }
0x4c3: {  	[tilespmem:s26], [sflag:$0x1] =	stream.indirect_vreg.gather [hbm4b:s5+s2], $0x80, v20, vm0, $0xb8;
	[tilespmem:$0x18200] =	vst v63  }
0x4c4: {  	s25 =	simm.s32 $0xF480;
	v20 =	vadd.s32 v4, v22;
	v22 =	vperm.xlane v18, v10  }
0x4c5: {  	[tilespmem:s25], [sflag:$0x1] =	stream.indirect_vreg.gather [hbm4b:s5+s2], $0x80, v21, vm0, $0xb8;
	[tilespmem:$0x18200] =	vst v63  }
0x4c6: {  	s26 =	simm.s32 $0xF500;
	v21 =	vadd.s32 v4, v22;
	v22 =	vperm.xlane v18, v11  }
0x4c7: {  	[tilespmem:s26], [sflag:$0x1] =	stream.indirect_vreg.gather [hbm4b:s5+s2], $0x80, v19, vm0, $0xb8;
	[tilespmem:$0x18200] =	vst v63  }
0x4c8: {  	s25 =	simm.s32 $0xF580;
	v19 =	vadd.s32 v4, v22;
	v22 =	vperm.xlane v18, v12  }
0x4c9: {  	[tilespmem:s25], [sflag:$0x1] =	stream.indirect_vreg.gather [hbm4b:s5+s2], $0x80, v20, vm0, $0xb8;
	[tilespmem:$0x18200] =	vst v63  }
0x4ca: {  	s26 =	simm.s32 $0xF600;
	v20 =	vadd.s32 v4, v22;
	v22 =	vperm.xlane v18, v13  }
0x4cb: {  	[tilespmem:s26], [sflag:$0x1] =	stream.indirect_vreg.gather [hbm4b:s5+s2], $0x80, v21, vm0, $0xb8;
	[tilespmem:$0x18200] =	vst v63  }
0x4cc: {  	s25 =	simm.s32 $0xF680;
	v21 =	vadd.s32 v4, v22;
	v22 =	vperm.xlane v18, v14  }
0x4cd: {  	[tilespmem:s25], [sflag:$0x1] =	stream.indirect_vreg.gather [hbm4b:s5+s2], $0x80, v19, vm0, $0xb8;
	[tilespmem:$0x18200] =	vst v63  }
0x4ce: {  	s26 =	simm.s32 $0xF700;
	v19 =	vadd.s32 v4, v22;
	v22 =	vperm.xlane v18, v15  }
0x4cf: {  	[tilespmem:s26], [sflag:$0x1] =	stream.indirect_vreg.gather [hbm4b:s5+s2], $0x80, v20, vm0, $0xb8;
	[tilespmem:$0x18200] =	vst v63  }
0x4d0: {  	s25 =	simm.s32 $0xF780;
	v20 =	vadd.s32 v4, v22;
	v22 =	vperm.xlane v18, v16  }
0x4d1: {  	[tilespmem:s25], [sflag:$0x1] =	stream.indirect_vreg.gather [hbm4b:s5+s2], $0x80, v21, vm0, $0xb8;
	[tilespmem:$0x18200] =	vst v63  }
0x4d2: {  	v18 =	vperm.xlane v18, v17;
	s26 =	simm.s32 $0xF800;
	v21 =	vadd.s32 v4, v22  }
0x4d3: {  	[tilespmem:s26], [sflag:$0x1] =	stream.indirect_vreg.gather [hbm4b:s5+s2], $0x80, v19, vm0, $0xb8;
	[tilespmem:$0x18200] =	vst v63  }
0x4d4: {  	v18 =	vadd.s32 v4, v18  }
0x4d5: {  	[tilespmem:s18], [sflag:$0x1] =	stream.indirect_vreg.gather [hbm4b:s5+s2], $0x80, v20, vm0, $0xb8;
	[tilespmem:$0x18200] =	vst v63  }
0x4d6: {  	_ = 	snop  }
0x4d7: {  	[tilespmem:s9], [sflag:$0x1] =	stream.indirect_vreg.gather [hbm4b:s5+s2], $0x80, v21, vm0, $0xb8;
	[tilespmem:$0x18200] =	vst v63  }
0x4d8: {  	_ = 	snop  }
0x4d9: {  	[tilespmem:s10], [sflag:$0x1] =	stream.indirect_vreg.gather [hbm4b:s5+s2], $0x80, v18, vm0, $0xb8;
	[tilespmem:$0x18200] =	vst v63  }
0x4da: {  	v18 =	vld [tilespmem:$0xF0];
	_ =	sdelay $0x4  }
0x4db: {  	v19 =	vshll.u32 v18, $0x1  }
0x4dc: {  	v18 =	vand.u32 $0x7, v18;
	v19 =	vand.u32 $0xFFFFFFF0, v19  }
0x4dd: {  	v18 =	vor.u32 v18, v19  }
0x4de: {  	v19 =	vperm.xlane v18, v2;
	_ =	sdelay $0x1  }
0x4df: {  	v20 =	vperm.xlane v18, v1;
	v19 =	vadd.s32 v4, v19;
	_ =	sdelay $0x1  }
0x4e0: {  	v21 =	vperm.xlane v18, v5;
	v20 =	vadd.s32 v4, v20;
	_ =	sdelay $0x1  }
0x4e1: {  	v22 =	vperm.xlane v18, v6;
	v21 =	vadd.s32 v4, v21  }
0x4e2: {  	[tilespmem:s21], [sflag:$0x1] =	stream.indirect_vreg.gather [hbm4b:s5+s2], $0x80, v19, vm0, $0xb8;
	[tilespmem:$0x18200] =	vst v63  }
0x4e3: {  	v19 =	vadd.s32 v4, v22;
	v22 =	vperm.xlane v18, v7  }
0x4e4: {  	[tilespmem:s22], [sflag:$0x1] =	stream.indirect_vreg.gather [hbm4b:s5+s2], $0x80, v20, vm0, $0xb8;
	[tilespmem:$0x18200] =	vst v63  }
0x4e5: {  	v20 =	vadd.s32 v4, v22;
	v22 =	vperm.xlane v18, v8  }
0x4e6: {  	[tilespmem:s23], [sflag:$0x1] =	stream.indirect_vreg.gather [hbm4b:s5+s2], $0x80, v21, vm0, $0xb8;
	[tilespmem:$0x18200] =	vst v63  }
0x4e7: {  	s25 =	simm.s32 $0xFB80;
	v21 =	vadd.s32 v4, v22;
	v22 =	vperm.xlane v18, v9  }
0x4e8: {  	[tilespmem:s25], [sflag:$0x1] =	stream.indirect_vreg.gather [hbm4b:s5+s2], $0x80, v19, vm0, $0xb8;
	[tilespmem:$0x18200] =	vst v63  }
0x4e9: {  	v19 =	vadd.s32 v4, v22;
	v22 =	vperm.xlane v18, v0  }
0x4ea: {  	[tilespmem:s29], [sflag:$0x1] =	stream.indirect_vreg.gather [hbm4b:s5+s2], $0x80, v20, vm0, $0xb8;
	[tilespmem:$0x18200] =	vst v63  }
0x4eb: {  	v20 =	vadd.s32 v4, v22;
	v22 =	vperm.xlane v18, v10  }
0x4ec: {  	[tilespmem:s17], [sflag:$0x1] =	stream.indirect_vreg.gather [hbm4b:s5+s2], $0x80, v21, vm0, $0xb8;
	[tilespmem:$0x18200] =	vst v63  }
0x4ed: {  	v21 =	vadd.s32 v4, v22;
	v22 =	vperm.xlane v18, v11  }
0x4ee: {  	[tilespmem:s8], [sflag:$0x1] =	stream.indirect_vreg.gather [hbm4b:s5+s2], $0x80, v19, vm0, $0xb8;
	[tilespmem:$0x18200] =	vst v63  }
0x4ef: {  	v19 =	vadd.s32 v4, v22;
	v22 =	vperm.xlane v18, v12  }
0x4f0: {  	[tilespmem:s1], [sflag:$0x1] =	stream.indirect_vreg.gather [hbm4b:s5+s2], $0x80, v20, vm0, $0xb8;
	[tilespmem:$0x18200] =	vst v63  }
0x4f1: {  	v20 =	vadd.s32 v4, v22;
	v22 =	vperm.xlane v18, v13  }
0x4f2: {  	[tilespmem:s0], [sflag:$0x1] =	stream.indirect_vreg.gather [hbm4b:s5+s2], $0x80, v21, vm0, $0xb8;
	[tilespmem:$0x18200] =	vst v63  }
0x4f3: {  	v21 =	vadd.s32 v4, v22;
	v22 =	vperm.xlane v18, v14  }
0x4f4: {  	[tilespmem:s6], [sflag:$0x1] =	stream.indirect_vreg.gather [hbm4b:s5+s2], $0x80, v19, vm0, $0xb8;
	[tilespmem:$0x18200] =	vst v63  }
0x4f5: {  	s26 =	simm.s32 $0xFF00;
	v19 =	vadd.s32 v4, v22;
	v22 =	vperm.xlane v18, v15  }
0x4f6: {  	[tilespmem:s26], [sflag:$0x1] =	stream.indirect_vreg.gather [hbm4b:s5+s2], $0x80, v20, vm0, $0xb8;
	[tilespmem:$0x18200] =	vst v63  }
0x4f7: {  	v20 =	vadd.s32 v4, v22;
	v22 =	vperm.xlane v18, v16  }
0x4f8: {  	[tilespmem:s4], [sflag:$0x1] =	stream.indirect_vreg.gather [hbm4b:s5+s2], $0x80, v21, vm0, $0xb8;
	[tilespmem:$0x18200] =	vst v63  }
0x4f9: {  	s25 =	simm.s32 $0x10000;
	v18 =	vperm.xlane v18, v17;
	v21 =	vadd.s32 v4, v22  }
0x4fa: {  	[tilespmem:s25], [sflag:$0x1] =	stream.indirect_vreg.gather [hbm4b:s5+s2], $0x80, v19, vm0, $0xb8;
	[tilespmem:$0x18200] =	vst v63  }
0x4fb: {  	s26 =	simm.s32 $0x10080;
	v18 =	vadd.s32 v4, v18  }
0x4fc: {  	[tilespmem:s26], [sflag:$0x1] =	stream.indirect_vreg.gather [hbm4b:s5+s2], $0x80, v20, vm0, $0xb8;
	[tilespmem:$0x18200] =	vst v63  }
0x4fd: {  	s25 =	simm.s32 $0x10100  }
0x4fe: {  	[tilespmem:s25], [sflag:$0x1] =	stream.indirect_vreg.gather [hbm4b:s5+s2], $0x80, v21, vm0, $0xb8;
	[tilespmem:$0x18200] =	vst v63  }
0x4ff: {  	s26 =	simm.s32 $0x10180  }
0x500: {  	[tilespmem:s26], [sflag:$0x1] =	stream.indirect_vreg.gather [hbm4b:s5+s2], $0x80, v18, vm0, $0xb8;
	[tilespmem:$0x18200] =	vst v63  }
0x501: {  	s25 =	rddreg [dreg:$0x7];
	s26 =	simm.s32 $0x12200  }
0x502: {  	[tilespmem:s26], [sflag:$0x1] =	stream.strided.gather [hbm4b:s25+s20], $0x2000, s31, s20, $0x38;
	[tilespmem:$0x18200] =	vst v63  }
0x503: {  	_ =	swait.ge [sflag:s11], $0x4000  }
0x504: {  	[sflag:s11] =	ssyncset.done $0x0  }
0x505: {  	[sflag:s11] =	ssyncadd.s32 $0xFFFFC000  }
0x506: {  	_ =	swait.ge [sflag:s11], $0x4000  }
0x507: {  	[sflag:s11] =	ssyncset.done $0x0  }
0x508: {  	[sflag:s11] =	ssyncadd.s32 $0xFFFFC000  }
0x509: {  	_ =	swait.ge [sflag:s11], $0x2000  }
0x50a: {  	[sflag:s11] =	ssyncset.done $0x0  }
0x50b: {  	s26 =	simm.s32 $0x10240;
	[sflag:s11] =	ssyncadd.s32 $0xFFFFE000  }
0x50c: {  	v25 =	vld [tilespmem:s26+$0x30];
	_ =	sdelay $0x1  }
0x50d: {  	v24 =	vld [tilespmem:s26+$0xFFFFFFD0]  }
0x50e: {  	v18 =	vmul.u32 $0x80, v3  }
0x50f: {  	v26 =	vld [tilespmem:s26+$0xFFFFFFE0]  }
0x510: {  	v19 =	vor.u32 $0x3800, v18;
	v20 =	vand.u32 $0x7F, v25  }
0x511: {  	v27 =	vld [tilespmem:s26+$0xFFFFFFC0];
	v22 =	vor.u32 v19, v20  }
0x512: {  	v28 =	vld [tilespmem:s26+$0xFFFFFFF0];
	v21 =	vand.u32 $0x7F, v24;
	v20 =	vor.u32 $0x800, v18  }
0x513: {  	v29 =	vld [tilespmem:s26+$0x0];
	v23 =	vor.u32 v20, v21  }
0x514: {  	v33 =	vld [tilespmem:s26+$0x10];
	v30 =	vand.u32 $0x7F, v26;
	v21 =	vor.u32 $0x1000, v18  }
0x515: {  	v34 =	vld [tilespmem:s26+$0x20];
	v30 =	vor.u32 v21, v30  }
0x516: {  	v31 =	vand.u32 $0x7F, v27;
	v32 =	vld.idx.msk [tilespmem:v22+s16+$0x0], $0xffff  }
0x517: {  	v31 =	vor.u32 v18, v31;
	v35 =	vld.idx.msk [tilespmem:v22+s7+$0x0], $0xffff  }
0x518: {  	v36 =	vand.u32 $0x7F, v28;
	v22 =	vor.u32 $0x1800, v18;
	v37 =	vld.idx.msk [tilespmem:v23+s16+$0x0], $0xffff  }
0x519: {  	v36 =	vor.u32 v22, v36;
	v38 =	vld.idx.msk [tilespmem:v23+s7+$0x0], $0xffff  }
0x51a: {  	v39 =	vand.u32 $0x7F, v29;
	v23 =	vor.u32 $0x2000, v18;
	v40 =	vld.idx.msk [tilespmem:v30+s16+$0x0], $0xffff  }
0x51b: {  	vm2 =	vlt.s32 v24, $0x80;
	v24 =	vor.u32 $0x2800, v18;
	v39 =	vor.u32 v23, v39;
	v41 =	vld.idx.msk [tilespmem:v30+s7+$0x0], $0xffff  }
0x51c: {  	vm4 =	vlt.s32 v27, $0x80;
	v27 =	vand.u32 $0x7F, v33;
	vm6 =	vlt.s32 v26, $0x80;
	v30 =	vld.idx.msk [tilespmem:v31+s16+$0x0], $0xffff  }
0x51d: {  	vm1 =	vlt.s32 v25, $0x80;
	v25 =	vor.u32 $0x3000, v18;
	vm5 =	vlt.s32 v28, $0x80;
	v31 =	vld.idx.msk [tilespmem:v31+s7+$0x0], $0xffff  }
0x51e: {  	v26 =	vand.u32 $0x7F, v34;
	vm3 =	vlt.s32 v33, $0x80;
	v28 =	vsel vm1, v32, v35;
	v32 =	vld.idx.msk [tilespmem:v36+s16+$0x0], $0xffff  }
0x51f: {  	s25 =	simm.s32 $0x14240;
	vm7 =	vlt.s32 v34, $0x80;
	v27 =	vor.u32 v24, v27;
	v26 =	vor.u32 v25, v26;
	v33 =	vld.idx.msk [tilespmem:v36+s7+$0x0], $0xffff  }
0x520: {  	vm3 =	vmmov vm3;
	vm1 =	vlt.s32 v29, $0x80;
	[tilespmem:s25+$0x30] =	vst v28;
	v29 =	vsel vm2, v37, v38;
	v28 =	vld.idx.msk [tilespmem:v39+s16+$0x0], $0xffff  }
0x521: {  	s14 =	simm.s32 $0x14240;
	s28 =	simm.s32 $0x102C0;
	s26 =	simm.s32 $0x0;
	vm1 =	vmmov vm1;
	vm2 =	vmmov vm7;
	[tilespmem:s25+$0xFFFFFFD0] =	vst v29;
	v34 =	vsel vm6, v40, v41;
	v29 =	vld.idx.msk [tilespmem:v39+s7+$0x0], $0xffff  }
.LBB2_2:
0x522: {  	v35 =	vld [tilespmem:s28+$0x30];
	[tilespmem:s25+$0xFFFFFFE0] =	vst v34  }
0x523: {  	s26 =	sadd.s32 $0x8, s26;
	v30 =	vsel vm4, v30, v31;
	v34 =	vld [tilespmem:s28+$0xFFFFFFD0]  }
0x524: {  	p0 =	slt.u32 s26, $0x1F8;
	v31 =	vld [tilespmem:s28+$0xFFFFFFE0];
	[tilespmem:s25+$0xFFFFFFC0] =	vst v30  }
0x525: {  	v32 =	vsel vm5, v32, v33;
	v30 =	vld [tilespmem:s28+$0xFFFFFFF0]  }
0x526: {  	v33 =	vld [tilespmem:s28+$0x0];
	[tilespmem:s25+$0xFFFFFFF0] =	vst v32  }
0x527: {  	v32 =	vld [tilespmem:s28+$0x10];
	v36 =	vand.u32 $0x7F, v35  }
0x528: {  	v37 =	vand.u32 $0x7F, v34;
	v38 =	vld [tilespmem:s28+$0x20];
	v36 =	vor.u32 v19, v36  }
0x529: {  	v39 =	vld [tilespmem:s28+$0xFFFFFFC0];
	v40 =	vand.u32 $0x7F, v31  }
0x52a: {  	v41 =	vand.u32 $0x7F, v30;
	v42 =	vld.idx.msk [tilespmem:v27+s16+$0x0], $0xffff  }
0x52b: {  	v37 =	vor.u32 v20, v37;
	v40 =	vor.u32 v21, v40;
	v43 =	vand.u32 $0x7F, v33;
	v44 =	vld.idx.msk [tilespmem:v27+s7+$0x0], $0xffff  }
0x52c: {  	v41 =	vor.u32 v22, v41;
	v43 =	vor.u32 v23, v43;
	v27 =	vand.u32 $0x7F, v32;
	v45 =	vld.idx.msk [tilespmem:v26+s16+$0x0], $0xffff  }
0x52d: {  	vm6 =	vlt.s32 v34, $0x80;
	v27 =	vor.u32 v24, v27;
	v34 =	vand.u32 $0x7F, v38;
	v46 =	vld.idx.msk [tilespmem:v36+s16+$0x0], $0xffff  }
0x52e: {  	vm4 =	vlt.s32 v39, $0x80;
	v39 =	vand.u32 $0x7F, v39;
	v34 =	vor.u32 v25, v34;
	v36 =	vld.idx.msk [tilespmem:v36+s7+$0x0], $0xffff  }
0x52f: {  	vm7 =	vlt.s32 v31, $0x80;
	vm5 =	vlt.s32 v30, $0x80;
	v39 =	vor.u32 v18, v39;
	v47 =	vld.idx.msk [tilespmem:v26+s7+$0x0], $0xffff;
	v26 =	vmovc v34  }
0x530: {  	vm8 =	vlt.s32 v33, $0x80;
	vm9 =	vlt.s32 v32, $0x80;
	vm10 =	vlt.s32 v38, $0x80;
	v34 =	vld.idx.msk [tilespmem:v37+s16+$0x0], $0xffff  }
0x531: {  	v28 =	vsel vm1, v28, v29;
	vm1 =	vmmov vm8;
	v29 =	vsel vm3, v42, v44;
	v33 =	vld.idx.msk [tilespmem:v37+s7+$0x0], $0xffff  }
0x532: {  	vm3 =	vmmov vm9;
	v37 =	vld.idx.msk [tilespmem:v40+s16+$0x0], $0xffff;
	[tilespmem:s25+$0x0] =	vst v28  }
0x533: {  	vm8 =	vlt.s32 v35, $0x80;
	v38 =	vld.idx.msk [tilespmem:v40+s7+$0x0], $0xffff;
	[tilespmem:s25+$0x10] =	vst v29  }
0x534: {  	v28 =	vsel vm8, v46, v36;
	s25 =	sadd.s32 $0x80, s25;
	v30 =	vld.idx.msk [tilespmem:v39+s16+$0x0], $0xffff  }
.Ltmp0:
0x535: {  	v31 =	vld.idx.msk [tilespmem:v39+s7+$0x0], $0xffff;
	[tilespmem:s25+$0x30] =	vst v28;
	v28 =	vsel vm2, v45, v47;
	vm2 =	vmmov vm10;
	(pc) =	sbr.rel @p0 .LBB2_2-.Ltmp0, $4  }
0x536: {  	v32 =	vld.idx.msk [tilespmem:v41+s16+$0x0], $0xffff;
	[tilespmem:s14+$0x20] =	vst v28;
	s14 =	smov.u32 s25  }
0x537: {  	v28 =	vsel vm6, v34, v33;
	v33 =	vld.idx.msk [tilespmem:v41+s7+$0x0], $0xffff  }
0x538: {  	[tilespmem:s25+$0xFFFFFFD0] =	vst v28;
	v28 =	vld.idx.msk [tilespmem:v43+s16+$0x0], $0xffff  }
0x539: {  	s28 =	sadd.s32 $0x80, s28;
	v34 =	vsel vm7, v37, v38;
	v29 =	vld.idx.msk [tilespmem:v43+s7+$0x0], $0xffff  }
0x53a: {  	_ =	sdelay $0x3  }
0x53b: {  	v35 =	vld.idx.msk [tilespmem:v27+s16+$0x0], $0xffff  }
0x53c: {  	v27 =	vld.idx.msk [tilespmem:v27+s7+$0x0], $0xffff  }
0x53d: {  	v36 =	vld.idx.msk [tilespmem:v26+s16+$0x0], $0xffff  }
0x53e: {  	v26 =	vld.idx.msk [tilespmem:v26+s7+$0x0], $0xffff  }
0x53f: {  	[tilespmem:s25+$0xFFFFFFE0] =	vst v34;
	v30 =	vsel vm4, v30, v31  }
0x540: {  	[tilespmem:s25+$0xFFFFFFC0] =	vst v30;
	v30 =	vsel vm5, v32, v33  }
0x541: {  	[tilespmem:s25+$0xFFFFFFF0] =	vst v30;
	v28 =	vsel vm1, v28, v29  }
0x542: {  	v27 =	vsel vm3, v35, v27;
	[tilespmem:s25+$0x0] =	vst v28  }
0x543: {  	v26 =	vsel vm2, v36, v26;
	[tilespmem:s25+$0x10] =	vst v27  }
0x544: {  	[tilespmem:s14+$0x20] =	vst v26  }
0x545: {  	s26 =	simm.s32 $0x14200;
	s14 =	rddreg [dreg:$0x8]  }
0x546: {  	[hbm4b:s14+s20] =	stream.strided.scatter [tilespmem:s26], [sflag:$0x2], $0x2000, s31, s20, $0x38;
	[tilespmem:$0x18200] =	vst v63  }
0x547: {  	v26 =	vld [tilespmem:$0x100];
	_ =	sdelay $0x4  }
0x548: {  	v27 =	vshll.u32 v26, $0x1  }
0x549: {  	v26 =	vand.u32 $0x7, v26;
	v27 =	vand.u32 $0xFFFFFFF0, v27  }
0x54a: {  	v26 =	vor.u32 v26, v27  }
0x54b: {  	v27 =	vperm.xlane v26, v2;
	_ =	sdelay $0x1  }
0x54c: {  	v28 =	vperm.xlane v26, v1;
	v27 =	vadd.s32 v4, v27;
	_ =	sdelay $0x1  }
0x54d: {  	v29 =	vperm.xlane v26, v5;
	v28 =	vadd.s32 v4, v28;
	_ =	sdelay $0x1  }
0x54e: {  	v30 =	vperm.xlane v26, v6;
	v29 =	vadd.s32 v4, v29  }
0x54f: {  	[tilespmem:s16], [sflag:$0x1] =	stream.indirect_vreg.gather [hbm4b:s3+s2], $0x80, v27, vm0, $0xb8;
	[tilespmem:$0x18200] =	vst v63  }
0x550: {  	s28 =	simm.s32 $0x280;
	v27 =	vadd.s32 v4, v30;
	v30 =	vperm.xlane v26, v7  }
0x551: {  	[tilespmem:s28], [sflag:$0x1] =	stream.indirect_vreg.gather [hbm4b:s3+s2], $0x80, v28, vm0, $0xb8;
	[tilespmem:$0x18200] =	vst v63  }
0x552: {  	s25 =	simm.s32 $0x300;
	v28 =	vadd.s32 v4, v30;
	v30 =	vperm.xlane v26, v8  }
0x553: {  	[tilespmem:s25], [sflag:$0x1] =	stream.indirect_vreg.gather [hbm4b:s3+s2], $0x80, v29, vm0, $0xb8;
	[tilespmem:$0x18200] =	vst v63  }
0x554: {  	s26 =	simm.s32 $0x380;
	v29 =	vadd.s32 v4, v30;
	v30 =	vperm.xlane v26, v9  }
0x555: {  	[tilespmem:s26], [sflag:$0x1] =	stream.indirect_vreg.gather [hbm4b:s3+s2], $0x80, v27, vm0, $0xb8;
	[tilespmem:$0x18200] =	vst v63  }
0x556: {  	v27 =	vadd.s32 v4, v30;
	v30 =	vperm.xlane v26, v0  }
0x557: {  	[tilespmem:s20], [sflag:$0x1] =	stream.indirect_vreg.gather [hbm4b:s3+s2], $0x80, v28, vm0, $0xb8;
	[tilespmem:$0x18200] =	vst v63  }
0x558: {  	s25 =	simm.s32 $0x480;
	v28 =	vadd.s32 v4, v30;
	v30 =	vperm.xlane v26, v10  }
0x559: {  	[tilespmem:s25], [sflag:$0x1] =	stream.indirect_vreg.gather [hbm4b:s3+s2], $0x80, v29, vm0, $0xb8;
	[tilespmem:$0x18200] =	vst v63  }
0x55a: {  	s26 =	simm.s32 $0x500;
	v29 =	vadd.s32 v4, v30;
	v30 =	vperm.xlane v26, v11  }
0x55b: {  	[tilespmem:s26], [sflag:$0x1] =	stream.indirect_vreg.gather [hbm4b:s3+s2], $0x80, v27, vm0, $0xb8;
	[tilespmem:$0x18200] =	vst v63  }
0x55c: {  	s25 =	simm.s32 $0x580;
	v27 =	vadd.s32 v4, v30;
	v30 =	vperm.xlane v26, v12  }
0x55d: {  	[tilespmem:s25], [sflag:$0x1] =	stream.indirect_vreg.gather [hbm4b:s3+s2], $0x80, v28, vm0, $0xb8;
	[tilespmem:$0x18200] =	vst v63  }
0x55e: {  	s26 =	simm.s32 $0x600;
	v28 =	vadd.s32 v4, v30;
	v30 =	vperm.xlane v26, v13  }
0x55f: {  	[tilespmem:s26], [sflag:$0x1] =	stream.indirect_vreg.gather [hbm4b:s3+s2], $0x80, v29, vm0, $0xb8;
	[tilespmem:$0x18200] =	vst v63  }
0x560: {  	s25 =	simm.s32 $0x680;
	v29 =	vadd.s32 v4, v30;
	v30 =	vperm.xlane v26, v14  }
0x561: {  	[tilespmem:s25], [sflag:$0x1] =	stream.indirect_vreg.gather [hbm4b:s3+s2], $0x80, v27, vm0, $0xb8;
	[tilespmem:$0x18200] =	vst v63  }
0x562: {  	s26 =	simm.s32 $0x700;
	v27 =	vadd.s32 v4, v30;
	v30 =	vperm.xlane v26, v15  }
0x563: {  	[tilespmem:s26], [sflag:$0x1] =	stream.indirect_vreg.gather [hbm4b:s3+s2], $0x80, v28, vm0, $0xb8;
	[tilespmem:$0x18200] =	vst v63  }
0x564: {  	s25 =	simm.s32 $0x780;
	v28 =	vadd.s32 v4, v30;
	v30 =	vperm.xlane v26, v16  }
0x565: {  	[tilespmem:s25], [sflag:$0x1] =	stream.indirect_vreg.gather [hbm4b:s3+s2], $0x80, v29, vm0, $0xb8;
	[tilespmem:$0x18200] =	vst v63  }
0x566: {  	v26 =	vperm.xlane v26, v17;
	s26 =	simm.s32 $0x800;
	v29 =	vadd.s32 v4, v30  }
0x567: {  	[tilespmem:s26], [sflag:$0x1] =	stream.indirect_vreg.gather [hbm4b:s3+s2], $0x80, v27, vm0, $0xb8;
	[tilespmem:$0x18200] =	vst v63  }
0x568: {  	v26 =	vadd.s32 v4, v26;
	s25 =	simm.s32 $0x880  }
0x569: {  	[tilespmem:s25], [sflag:$0x1] =	stream.indirect_vreg.gather [hbm4b:s3+s2], $0x80, v28, vm0, $0xb8;
	[tilespmem:$0x18200] =	vst v63  }
0x56a: {  	s26 =	simm.s32 $0x900  }
0x56b: {  	[tilespmem:s26], [sflag:$0x1] =	stream.indirect_vreg.gather [hbm4b:s3+s2], $0x80, v29, vm0, $0xb8;
	[tilespmem:$0x18200] =	vst v63  }
0x56c: {  	s25 =	simm.s32 $0x980  }
0x56d: {  	[tilespmem:s25], [sflag:$0x1] =	stream.indirect_vreg.gather [hbm4b:s3+s2], $0x80, v26, vm0, $0xb8;
	[tilespmem:$0x18200] =	vst v63  }
0x56e: {  	v26 =	vld [tilespmem:$0x110];
	_ =	sdelay $0x4  }
0x56f: {  	v27 =	vshll.u32 v26, $0x1  }
0x570: {  	v26 =	vand.u32 $0x7, v26;
	v27 =	vand.u32 $0xFFFFFFF0, v27  }
0x571: {  	v26 =	vor.u32 v26, v27  }
0x572: {  	v27 =	vperm.xlane v26, v2;
	_ =	sdelay $0x1  }
0x573: {  	v28 =	vperm.xlane v26, v1;
	v27 =	vadd.s32 v4, v27;
	_ =	sdelay $0x1  }
0x574: {  	v29 =	vperm.xlane v26, v5;
	v28 =	vadd.s32 v4, v28;
	_ =	sdelay $0x1  }
0x575: {  	s26 =	simm.s32 $0xA00;
	v30 =	vperm.xlane v26, v6;
	v29 =	vadd.s32 v4, v29  }
0x576: {  	[tilespmem:s26], [sflag:$0x1] =	stream.indirect_vreg.gather [hbm4b:s3+s2], $0x80, v27, vm0, $0xb8;
	[tilespmem:$0x18200] =	vst v63  }
0x577: {  	s25 =	simm.s32 $0xA80;
	v27 =	vadd.s32 v4, v30;
	v30 =	vperm.xlane v26, v7  }
0x578: {  	[tilespmem:s25], [sflag:$0x1] =	stream.indirect_vreg.gather [hbm4b:s3+s2], $0x80, v28, vm0, $0xb8;
	[tilespmem:$0x18200] =	vst v63  }
0x579: {  	s26 =	simm.s32 $0xB00;
	v28 =	vadd.s32 v4, v30;
	v30 =	vperm.xlane v26, v8  }
0x57a: {  	[tilespmem:s26], [sflag:$0x1] =	stream.indirect_vreg.gather [hbm4b:s3+s2], $0x80, v29, vm0, $0xb8;
	[tilespmem:$0x18200] =	vst v63  }
0x57b: {  	s25 =	simm.s32 $0xB80;
	v29 =	vadd.s32 v4, v30;
	v30 =	vperm.xlane v26, v9  }
0x57c: {  	[tilespmem:s25], [sflag:$0x1] =	stream.indirect_vreg.gather [hbm4b:s3+s2], $0x80, v27, vm0, $0xb8;
	[tilespmem:$0x18200] =	vst v63  }
0x57d: {  	s26 =	simm.s32 $0xC00;
	v27 =	vadd.s32 v4, v30;
	v30 =	vperm.xlane v26, v0  }
0x57e: {  	[tilespmem:s26], [sflag:$0x1] =	stream.indirect_vreg.gather [hbm4b:s3+s2], $0x80, v28, vm0, $0xb8;
	[tilespmem:$0x18200] =	vst v63  }
0x57f: {  	s25 =	simm.s32 $0xC80;
	v28 =	vadd.s32 v4, v30;
	v30 =	vperm.xlane v26, v10  }
0x580: {  	[tilespmem:s25], [sflag:$0x1] =	stream.indirect_vreg.gather [hbm4b:s3+s2], $0x80, v29, vm0, $0xb8;
	[tilespmem:$0x18200] =	vst v63  }
0x581: {  	s26 =	simm.s32 $0xD00;
	v29 =	vadd.s32 v4, v30;
	v30 =	vperm.xlane v26, v11  }
0x582: {  	[tilespmem:s26], [sflag:$0x1] =	stream.indirect_vreg.gather [hbm4b:s3+s2], $0x80, v27, vm0, $0xb8;
	[tilespmem:$0x18200] =	vst v63  }
0x583: {  	s25 =	simm.s32 $0xD80;
	v27 =	vadd.s32 v4, v30;
	v30 =	vperm.xlane v26, v12  }
0x584: {  	[tilespmem:s25], [sflag:$0x1] =	stream.indirect_vreg.gather [hbm4b:s3+s2], $0x80, v28, vm0, $0xb8;
	[tilespmem:$0x18200] =	vst v63  }
0x585: {  	s26 =	simm.s32 $0xE00;
	v28 =	vadd.s32 v4, v30;
	v30 =	vperm.xlane v26, v13  }
0x586: {  	[tilespmem:s26], [sflag:$0x1] =	stream.indirect_vreg.gather [hbm4b:s3+s2], $0x80, v29, vm0, $0xb8;
	[tilespmem:$0x18200] =	vst v63  }
0x587: {  	s25 =	simm.s32 $0xE80;
	v29 =	vadd.s32 v4, v30;
	v30 =	vperm.xlane v26, v14  }
0x588: {  	[tilespmem:s25], [sflag:$0x1] =	stream.indirect_vreg.gather [hbm4b:s3+s2], $0x80, v27, vm0, $0xb8;
	[tilespmem:$0x18200] =	vst v63  }
0x589: {  	s26 =	simm.s32 $0xF00;
	v27 =	vadd.s32 v4, v30;
	v30 =	vperm.xlane v26, v15  }
0x58a: {  	[tilespmem:s26], [sflag:$0x1] =	stream.indirect_vreg.gather [hbm4b:s3+s2], $0x80, v28, vm0, $0xb8;
	[tilespmem:$0x18200] =	vst v63  }
0x58b: {  	s25 =	simm.s32 $0xF80;
	v28 =	vadd.s32 v4, v30;
	v30 =	vperm.xlane v26, v16  }
0x58c: {  	[tilespmem:s25], [sflag:$0x1] =	stream.indirect_vreg.gather [hbm4b:s3+s2], $0x80, v29, vm0, $0xb8;
	[tilespmem:$0x18200] =	vst v63  }
0x58d: {  	v26 =	vperm.xlane v26, v17;
	s26 =	simm.s32 $0x1000;
	v29 =	vadd.s32 v4, v30  }
0x58e: {  	[tilespmem:s26], [sflag:$0x1] =	stream.indirect_vreg.gather [hbm4b:s3+s2], $0x80, v27, vm0, $0xb8;
	[tilespmem:$0x18200] =	vst v63  }
0x58f: {  	v26 =	vadd.s32 v4, v26;
	s25 =	simm.s32 $0x1080  }
0x590: {  	[tilespmem:s25], [sflag:$0x1] =	stream.indirect_vreg.gather [hbm4b:s3+s2], $0x80, v28, vm0, $0xb8;
	[tilespmem:$0x18200] =	vst v63  }
0x591: {  	s26 =	simm.s32 $0x1100  }
0x592: {  	[tilespmem:s26], [sflag:$0x1] =	stream.indirect_vreg.gather [hbm4b:s3+s2], $0x80, v29, vm0, $0xb8;
	[tilespmem:$0x18200] =	vst v63  }
0x593: {  	s25 =	simm.s32 $0x1180  }
0x594: {  	[tilespmem:s25], [sflag:$0x1] =	stream.indirect_vreg.gather [hbm4b:s3+s2], $0x80, v26, vm0, $0xb8;
	[tilespmem:$0x18200] =	vst v63  }
0x595: {  	v26 =	vld [tilespmem:$0x120];
	_ =	sdelay $0x4  }
0x596: {  	v27 =	vshll.u32 v26, $0x1  }
0x597: {  	v26 =	vand.u32 $0x7, v26;
	v27 =	vand.u32 $0xFFFFFFF0, v27  }
0x598: {  	v26 =	vor.u32 v26, v27  }
0x599: {  	v27 =	vperm.xlane v26, v2;
	_ =	sdelay $0x1  }
0x59a: {  	v28 =	vperm.xlane v26, v1;
	v27 =	vadd.s32 v4, v27;
	_ =	sdelay $0x1  }
0x59b: {  	v29 =	vperm.xlane v26, v5;
	v28 =	vadd.s32 v4, v28;
	_ =	sdelay $0x1  }
0x59c: {  	s26 =	simm.s32 $0x1200;
	v30 =	vperm.xlane v26, v6;
	v29 =	vadd.s32 v4, v29  }
0x59d: {  	[tilespmem:s26], [sflag:$0x1] =	stream.indirect_vreg.gather [hbm4b:s3+s2], $0x80, v27, vm0, $0xb8;
	[tilespmem:$0x18200] =	vst v63  }
0x59e: {  	s25 =	simm.s32 $0x1280;
	v27 =	vadd.s32 v4, v30;
	v30 =	vperm.xlane v26, v7  }
0x59f: {  	[tilespmem:s25], [sflag:$0x1] =	stream.indirect_vreg.gather [hbm4b:s3+s2], $0x80, v28, vm0, $0xb8;
	[tilespmem:$0x18200] =	vst v63  }
0x5a0: {  	s26 =	simm.s32 $0x1300;
	v28 =	vadd.s32 v4, v30;
	v30 =	vperm.xlane v26, v8  }
0x5a1: {  	[tilespmem:s26], [sflag:$0x1] =	stream.indirect_vreg.gather [hbm4b:s3+s2], $0x80, v29, vm0, $0xb8;
	[tilespmem:$0x18200] =	vst v63  }
0x5a2: {  	s25 =	simm.s32 $0x1380;
	v29 =	vadd.s32 v4, v30;
	v30 =	vperm.xlane v26, v9  }
0x5a3: {  	[tilespmem:s25], [sflag:$0x1] =	stream.indirect_vreg.gather [hbm4b:s3+s2], $0x80, v27, vm0, $0xb8;
	[tilespmem:$0x18200] =	vst v63  }
0x5a4: {  	s26 =	simm.s32 $0x1400;
	v27 =	vadd.s32 v4, v30;
	v30 =	vperm.xlane v26, v0  }
0x5a5: {  	[tilespmem:s26], [sflag:$0x1] =	stream.indirect_vreg.gather [hbm4b:s3+s2], $0x80, v28, vm0, $0xb8;
	[tilespmem:$0x18200] =	vst v63  }
0x5a6: {  	s25 =	simm.s32 $0x1480;
	v28 =	vadd.s32 v4, v30;
	v30 =	vperm.xlane v26, v10  }
0x5a7: {  	[tilespmem:s25], [sflag:$0x1] =	stream.indirect_vreg.gather [hbm4b:s3+s2], $0x80, v29, vm0, $0xb8;
	[tilespmem:$0x18200] =	vst v63  }
0x5a8: {  	s26 =	simm.s32 $0x1500;
	v29 =	vadd.s32 v4, v30;
	v30 =	vperm.xlane v26, v11  }
0x5a9: {  	[tilespmem:s26], [sflag:$0x1] =	stream.indirect_vreg.gather [hbm4b:s3+s2], $0x80, v27, vm0, $0xb8;
	[tilespmem:$0x18200] =	vst v63  }
0x5aa: {  	s25 =	simm.s32 $0x1580;
	v27 =	vadd.s32 v4, v30;
	v30 =	vperm.xlane v26, v12  }
0x5ab: {  	[tilespmem:s25], [sflag:$0x1] =	stream.indirect_vreg.gather [hbm4b:s3+s2], $0x80, v28, vm0, $0xb8;
	[tilespmem:$0x18200] =	vst v63  }
0x5ac: {  	s26 =	simm.s32 $0x1600;
	v28 =	vadd.s32 v4, v30;
	v30 =	vperm.xlane v26, v13  }
0x5ad: {  	[tilespmem:s26], [sflag:$0x1] =	stream.indirect_vreg.gather [hbm4b:s3+s2], $0x80, v29, vm0, $0xb8;
	[tilespmem:$0x18200] =	vst v63  }
0x5ae: {  	s25 =	simm.s32 $0x1680;
	v29 =	vadd.s32 v4, v30;
	v30 =	vperm.xlane v26, v14  }
0x5af: {  	[tilespmem:s25], [sflag:$0x1] =	stream.indirect_vreg.gather [hbm4b:s3+s2], $0x80, v27, vm0, $0xb8;
	[tilespmem:$0x18200] =	vst v63  }
0x5b0: {  	s26 =	simm.s32 $0x1700;
	v27 =	vadd.s32 v4, v30;
	v30 =	vperm.xlane v26, v15  }
0x5b1: {  	[tilespmem:s26], [sflag:$0x1] =	stream.indirect_vreg.gather [hbm4b:s3+s2], $0x80, v28, vm0, $0xb8;
	[tilespmem:$0x18200] =	vst v63  }
0x5b2: {  	s25 =	simm.s32 $0x1780;
	v28 =	vadd.s32 v4, v30;
	v30 =	vperm.xlane v26, v16  }
0x5b3: {  	[tilespmem:s25], [sflag:$0x1] =	stream.indirect_vreg.gather [hbm4b:s3+s2], $0x80, v29, vm0, $0xb8;
	[tilespmem:$0x18200] =	vst v63  }
0x5b4: {  	v26 =	vperm.xlane v26, v17;
	s26 =	simm.s32 $0x1800;
	v29 =	vadd.s32 v4, v30  }
0x5b5: {  	[tilespmem:s26], [sflag:$0x1] =	stream.indirect_vreg.gather [hbm4b:s3+s2], $0x80, v27, vm0, $0xb8;
	[tilespmem:$0x18200] =	vst v63  }
0x5b6: {  	v26 =	vadd.s32 v4, v26;
	s25 =	simm.s32 $0x1880  }
0x5b7: {  	[tilespmem:s25], [sflag:$0x1] =	stream.indirect_vreg.gather [hbm4b:s3+s2], $0x80, v28, vm0, $0xb8;
	[tilespmem:$0x18200] =	vst v63  }
0x5b8: {  	s26 =	simm.s32 $0x1900  }
0x5b9: {  	[tilespmem:s26], [sflag:$0x1] =	stream.indirect_vreg.gather [hbm4b:s3+s2], $0x80, v29, vm0, $0xb8;
	[tilespmem:$0x18200] =	vst v63  }
0x5ba: {  	s25 =	simm.s32 $0x1980  }
0x5bb: {  	[tilespmem:s25], [sflag:$0x1] =	stream.indirect_vreg.gather [hbm4b:s3+s2], $0x80, v26, vm0, $0xb8;
	[tilespmem:$0x18200] =	vst v63  }
0x5bc: {  	v26 =	vld [tilespmem:$0x130];
	_ =	sdelay $0x4  }
0x5bd: {  	v27 =	vshll.u32 v26, $0x1  }
0x5be: {  	v26 =	vand.u32 $0x7, v26;
	v27 =	vand.u32 $0xFFFFFFF0, v27  }
0x5bf: {  	v26 =	vor.u32 v26, v27  }
0x5c0: {  	v27 =	vperm.xlane v26, v2;
	_ =	sdelay $0x1  }
0x5c1: {  	v28 =	vperm.xlane v26, v1;
	v27 =	vadd.s32 v4, v27;
	_ =	sdelay $0x1  }
0x5c2: {  	v29 =	vperm.xlane v26, v5;
	v28 =	vadd.s32 v4, v28;
	_ =	sdelay $0x1  }
0x5c3: {  	s26 =	simm.s32 $0x1A00;
	v30 =	vperm.xlane v26, v6;
	v29 =	vadd.s32 v4, v29  }
0x5c4: {  	[tilespmem:s26], [sflag:$0x1] =	stream.indirect_vreg.gather [hbm4b:s3+s2], $0x80, v27, vm0, $0xb8;
	[tilespmem:$0x18200] =	vst v63  }
0x5c5: {  	s25 =	simm.s32 $0x1A80;
	v27 =	vadd.s32 v4, v30;
	v30 =	vperm.xlane v26, v7  }
0x5c6: {  	[tilespmem:s25], [sflag:$0x1] =	stream.indirect_vreg.gather [hbm4b:s3+s2], $0x80, v28, vm0, $0xb8;
	[tilespmem:$0x18200] =	vst v63  }
0x5c7: {  	s26 =	simm.s32 $0x1B00;
	v28 =	vadd.s32 v4, v30;
	v30 =	vperm.xlane v26, v8  }
0x5c8: {  	[tilespmem:s26], [sflag:$0x1] =	stream.indirect_vreg.gather [hbm4b:s3+s2], $0x80, v29, vm0, $0xb8;
	[tilespmem:$0x18200] =	vst v63  }
0x5c9: {  	s25 =	simm.s32 $0x1B80;
	v29 =	vadd.s32 v4, v30;
	v30 =	vperm.xlane v26, v9  }
0x5ca: {  	[tilespmem:s25], [sflag:$0x1] =	stream.indirect_vreg.gather [hbm4b:s3+s2], $0x80, v27, vm0, $0xb8;
	[tilespmem:$0x18200] =	vst v63  }
0x5cb: {  	s26 =	simm.s32 $0x1C00;
	v27 =	vadd.s32 v4, v30;
	v30 =	vperm.xlane v26, v0  }
0x5cc: {  	[tilespmem:s26], [sflag:$0x1] =	stream.indirect_vreg.gather [hbm4b:s3+s2], $0x80, v28, vm0, $0xb8;
	[tilespmem:$0x18200] =	vst v63  }
0x5cd: {  	s25 =	simm.s32 $0x1C80;
	v28 =	vadd.s32 v4, v30;
	v30 =	vperm.xlane v26, v10  }
0x5ce: {  	[tilespmem:s25], [sflag:$0x1] =	stream.indirect_vreg.gather [hbm4b:s3+s2], $0x80, v29, vm0, $0xb8;
	[tilespmem:$0x18200] =	vst v63  }
0x5cf: {  	s26 =	simm.s32 $0x1D00;
	v29 =	vadd.s32 v4, v30;
	v30 =	vperm.xlane v26, v11  }
0x5d0: {  	[tilespmem:s26], [sflag:$0x1] =	stream.indirect_vreg.gather [hbm4b:s3+s2], $0x80, v27, vm0, $0xb8;
	[tilespmem:$0x18200] =	vst v63  }
0x5d1: {  	s25 =	simm.s32 $0x1D80;
	v27 =	vadd.s32 v4, v30;
	v30 =	vperm.xlane v26, v12  }
0x5d2: {  	[tilespmem:s25], [sflag:$0x1] =	stream.indirect_vreg.gather [hbm4b:s3+s2], $0x80, v28, vm0, $0xb8;
	[tilespmem:$0x18200] =	vst v63  }
0x5d3: {  	s26 =	simm.s32 $0x1E00;
	v28 =	vadd.s32 v4, v30;
	v30 =	vperm.xlane v26, v13  }
0x5d4: {  	[tilespmem:s26], [sflag:$0x1] =	stream.indirect_vreg.gather [hbm4b:s3+s2], $0x80, v29, vm0, $0xb8;
	[tilespmem:$0x18200] =	vst v63  }
0x5d5: {  	s25 =	simm.s32 $0x1E80;
	v29 =	vadd.s32 v4, v30;
	v30 =	vperm.xlane v26, v14  }
0x5d6: {  	[tilespmem:s25], [sflag:$0x1] =	stream.indirect_vreg.gather [hbm4b:s3+s2], $0x80, v27, vm0, $0xb8;
	[tilespmem:$0x18200] =	vst v63  }
0x5d7: {  	s26 =	simm.s32 $0x1F00;
	v27 =	vadd.s32 v4, v30;
	v30 =	vperm.xlane v26, v15  }
0x5d8: {  	[tilespmem:s26], [sflag:$0x1] =	stream.indirect_vreg.gather [hbm4b:s3+s2], $0x80, v28, vm0, $0xb8;
	[tilespmem:$0x18200] =	vst v63  }
0x5d9: {  	s25 =	simm.s32 $0x1F80;
	v28 =	vadd.s32 v4, v30;
	v30 =	vperm.xlane v26, v16  }
0x5da: {  	[tilespmem:s25], [sflag:$0x1] =	stream.indirect_vreg.gather [hbm4b:s3+s2], $0x80, v29, vm0, $0xb8;
	[tilespmem:$0x18200] =	vst v63  }
0x5db: {  	v26 =	vperm.xlane v26, v17;
	s26 =	simm.s32 $0x2000;
	v29 =	vadd.s32 v4, v30  }
0x5dc: {  	[tilespmem:s26], [sflag:$0x1] =	stream.indirect_vreg.gather [hbm4b:s3+s2], $0x80, v27, vm0, $0xb8;
	[tilespmem:$0x18200] =	vst v63  }
0x5dd: {  	v26 =	vadd.s32 v4, v26;
	s25 =	simm.s32 $0x2080  }
0x5de: {  	[tilespmem:s25], [sflag:$0x1] =	stream.indirect_vreg.gather [hbm4b:s3+s2], $0x80, v28, vm0, $0xb8;
	[tilespmem:$0x18200] =	vst v63  }
0x5df: {  	s26 =	simm.s32 $0x2100  }
0x5e0: {  	[tilespmem:s26], [sflag:$0x1] =	stream.indirect_vreg.gather [hbm4b:s3+s2], $0x80, v29, vm0, $0xb8;
	[tilespmem:$0x18200] =	vst v63  }
0x5e1: {  	s25 =	simm.s32 $0x2180  }
0x5e2: {  	[tilespmem:s25], [sflag:$0x1] =	stream.indirect_vreg.gather [hbm4b:s3+s2], $0x80, v26, vm0, $0xb8;
	[tilespmem:$0x18200] =	vst v63  }
0x5e3: {  	v26 =	vld [tilespmem:$0x140];
	_ =	sdelay $0x4  }
0x5e4: {  	v27 =	vshll.u32 v26, $0x1  }
0x5e5: {  	v26 =	vand.u32 $0x7, v26;
	v27 =	vand.u32 $0xFFFFFFF0, v27  }
0x5e6: {  	v26 =	vor.u32 v26, v27  }
0x5e7: {  	v27 =	vperm.xlane v26, v2;
	_ =	sdelay $0x1  }
0x5e8: {  	v28 =	vperm.xlane v26, v1;
	v27 =	vadd.s32 v4, v27;
	_ =	sdelay $0x1  }
0x5e9: {  	v29 =	vperm.xlane v26, v5;
	v28 =	vadd.s32 v4, v28;
	_ =	sdelay $0x1  }
0x5ea: {  	s26 =	simm.s32 $0x2200;
	v30 =	vperm.xlane v26, v6;
	v29 =	vadd.s32 v4, v29  }
0x5eb: {  	[tilespmem:s26], [sflag:$0x1] =	stream.indirect_vreg.gather [hbm4b:s3+s2], $0x80, v27, vm0, $0xb8;
	[tilespmem:$0x18200] =	vst v63  }
0x5ec: {  	s25 =	simm.s32 $0x2280;
	v27 =	vadd.s32 v4, v30;
	v30 =	vperm.xlane v26, v7  }
0x5ed: {  	[tilespmem:s25], [sflag:$0x1] =	stream.indirect_vreg.gather [hbm4b:s3+s2], $0x80, v28, vm0, $0xb8;
	[tilespmem:$0x18200] =	vst v63  }
0x5ee: {  	s26 =	simm.s32 $0x2300;
	v28 =	vadd.s32 v4, v30;
	v30 =	vperm.xlane v26, v8  }
0x5ef: {  	[tilespmem:s26], [sflag:$0x1] =	stream.indirect_vreg.gather [hbm4b:s3+s2], $0x80, v29, vm0, $0xb8;
	[tilespmem:$0x18200] =	vst v63  }
0x5f0: {  	s25 =	simm.s32 $0x2380;
	v29 =	vadd.s32 v4, v30;
	v30 =	vperm.xlane v26, v9  }
0x5f1: {  	[tilespmem:s25], [sflag:$0x1] =	stream.indirect_vreg.gather [hbm4b:s3+s2], $0x80, v27, vm0, $0xb8;
	[tilespmem:$0x18200] =	vst v63  }
0x5f2: {  	s26 =	simm.s32 $0x2400;
	v27 =	vadd.s32 v4, v30;
	v30 =	vperm.xlane v26, v0  }
0x5f3: {  	[tilespmem:s26], [sflag:$0x1] =	stream.indirect_vreg.gather [hbm4b:s3+s2], $0x80, v28, vm0, $0xb8;
	[tilespmem:$0x18200] =	vst v63  }
0x5f4: {  	s25 =	simm.s32 $0x2480;
	v28 =	vadd.s32 v4, v30;
	v30 =	vperm.xlane v26, v10  }
0x5f5: {  	[tilespmem:s25], [sflag:$0x1] =	stream.indirect_vreg.gather [hbm4b:s3+s2], $0x80, v29, vm0, $0xb8;
	[tilespmem:$0x18200] =	vst v63  }
0x5f6: {  	s26 =	simm.s32 $0x2500;
	v29 =	vadd.s32 v4, v30;
	v30 =	vperm.xlane v26, v11  }
0x5f7: {  	[tilespmem:s26], [sflag:$0x1] =	stream.indirect_vreg.gather [hbm4b:s3+s2], $0x80, v27, vm0, $0xb8;
	[tilespmem:$0x18200] =	vst v63  }
0x5f8: {  	s25 =	simm.s32 $0x2580;
	v27 =	vadd.s32 v4, v30;
	v30 =	vperm.xlane v26, v12  }
0x5f9: {  	[tilespmem:s25], [sflag:$0x1] =	stream.indirect_vreg.gather [hbm4b:s3+s2], $0x80, v28, vm0, $0xb8;
	[tilespmem:$0x18200] =	vst v63  }
0x5fa: {  	s26 =	simm.s32 $0x2600;
	v28 =	vadd.s32 v4, v30;
	v30 =	vperm.xlane v26, v13  }
0x5fb: {  	[tilespmem:s26], [sflag:$0x1] =	stream.indirect_vreg.gather [hbm4b:s3+s2], $0x80, v29, vm0, $0xb8;
	[tilespmem:$0x18200] =	vst v63  }
0x5fc: {  	s25 =	simm.s32 $0x2680;
	v29 =	vadd.s32 v4, v30;
	v30 =	vperm.xlane v26, v14  }
0x5fd: {  	[tilespmem:s25], [sflag:$0x1] =	stream.indirect_vreg.gather [hbm4b:s3+s2], $0x80, v27, vm0, $0xb8;
	[tilespmem:$0x18200] =	vst v63  }
0x5fe: {  	s26 =	simm.s32 $0x2700;
	v27 =	vadd.s32 v4, v30;
	v30 =	vperm.xlane v26, v15  }
0x5ff: {  	[tilespmem:s26], [sflag:$0x1] =	stream.indirect_vreg.gather [hbm4b:s3+s2], $0x80, v28, vm0, $0xb8;
	[tilespmem:$0x18200] =	vst v63  }
0x600: {  	s25 =	simm.s32 $0x2780;
	v28 =	vadd.s32 v4, v30;
	v30 =	vperm.xlane v26, v16  }
0x601: {  	[tilespmem:s25], [sflag:$0x1] =	stream.indirect_vreg.gather [hbm4b:s3+s2], $0x80, v29, vm0, $0xb8;
	[tilespmem:$0x18200] =	vst v63  }
0x602: {  	v26 =	vperm.xlane v26, v17;
	s26 =	simm.s32 $0x2800;
	v29 =	vadd.s32 v4, v30  }
0x603: {  	[tilespmem:s26], [sflag:$0x1] =	stream.indirect_vreg.gather [hbm4b:s3+s2], $0x80, v27, vm0, $0xb8;
	[tilespmem:$0x18200] =	vst v63  }
0x604: {  	v26 =	vadd.s32 v4, v26;
	s25 =	simm.s32 $0x2880  }
0x605: {  	[tilespmem:s25], [sflag:$0x1] =	stream.indirect_vreg.gather [hbm4b:s3+s2], $0x80, v28, vm0, $0xb8;
	[tilespmem:$0x18200] =	vst v63  }
0x606: {  	s26 =	simm.s32 $0x2900  }
0x607: {  	[tilespmem:s26], [sflag:$0x1] =	stream.indirect_vreg.gather [hbm4b:s3+s2], $0x80, v29, vm0, $0xb8;
	[tilespmem:$0x18200] =	vst v63  }
0x608: {  	s25 =	simm.s32 $0x2980  }
0x609: {  	[tilespmem:s25], [sflag:$0x1] =	stream.indirect_vreg.gather [hbm4b:s3+s2], $0x80, v26, vm0, $0xb8;
	[tilespmem:$0x18200] =	vst v63  }
0x60a: {  	v26 =	vld [tilespmem:$0x150];
	_ =	sdelay $0x4  }
0x60b: {  	v27 =	vshll.u32 v26, $0x1  }
0x60c: {  	v26 =	vand.u32 $0x7, v26;
	v27 =	vand.u32 $0xFFFFFFF0, v27  }
0x60d: {  	v26 =	vor.u32 v26, v27  }
0x60e: {  	v27 =	vperm.xlane v26, v2;
	_ =	sdelay $0x1  }
0x60f: {  	v28 =	vperm.xlane v26, v1;
	v27 =	vadd.s32 v4, v27;
	_ =	sdelay $0x1  }
0x610: {  	v29 =	vperm.xlane v26, v5;
	v28 =	vadd.s32 v4, v28;
	_ =	sdelay $0x1  }
0x611: {  	s26 =	simm.s32 $0x2A00;
	v30 =	vperm.xlane v26, v6;
	v29 =	vadd.s32 v4, v29  }
0x612: {  	[tilespmem:s26], [sflag:$0x1] =	stream.indirect_vreg.gather [hbm4b:s3+s2], $0x80, v27, vm0, $0xb8;
	[tilespmem:$0x18200] =	vst v63  }
0x613: {  	s25 =	simm.s32 $0x2A80;
	v27 =	vadd.s32 v4, v30;
	v30 =	vperm.xlane v26, v7  }
0x614: {  	[tilespmem:s25], [sflag:$0x1] =	stream.indirect_vreg.gather [hbm4b:s3+s2], $0x80, v28, vm0, $0xb8;
	[tilespmem:$0x18200] =	vst v63  }
0x615: {  	s26 =	simm.s32 $0x2B00;
	v28 =	vadd.s32 v4, v30;
	v30 =	vperm.xlane v26, v8  }
0x616: {  	[tilespmem:s26], [sflag:$0x1] =	stream.indirect_vreg.gather [hbm4b:s3+s2], $0x80, v29, vm0, $0xb8;
	[tilespmem:$0x18200] =	vst v63  }
0x617: {  	s25 =	simm.s32 $0x2B80;
	v29 =	vadd.s32 v4, v30;
	v30 =	vperm.xlane v26, v9  }
0x618: {  	[tilespmem:s25], [sflag:$0x1] =	stream.indirect_vreg.gather [hbm4b:s3+s2], $0x80, v27, vm0, $0xb8;
	[tilespmem:$0x18200] =	vst v63  }
0x619: {  	s26 =	simm.s32 $0x2C00;
	v27 =	vadd.s32 v4, v30;
	v30 =	vperm.xlane v26, v0  }
0x61a: {  	[tilespmem:s26], [sflag:$0x1] =	stream.indirect_vreg.gather [hbm4b:s3+s2], $0x80, v28, vm0, $0xb8;
	[tilespmem:$0x18200] =	vst v63  }
0x61b: {  	s25 =	simm.s32 $0x2C80;
	v28 =	vadd.s32 v4, v30;
	v30 =	vperm.xlane v26, v10  }
0x61c: {  	[tilespmem:s25], [sflag:$0x1] =	stream.indirect_vreg.gather [hbm4b:s3+s2], $0x80, v29, vm0, $0xb8;
	[tilespmem:$0x18200] =	vst v63  }
0x61d: {  	s26 =	simm.s32 $0x2D00;
	v29 =	vadd.s32 v4, v30;
	v30 =	vperm.xlane v26, v11  }
0x61e: {  	[tilespmem:s26], [sflag:$0x1] =	stream.indirect_vreg.gather [hbm4b:s3+s2], $0x80, v27, vm0, $0xb8;
	[tilespmem:$0x18200] =	vst v63  }
0x61f: {  	s25 =	simm.s32 $0x2D80;
	v27 =	vadd.s32 v4, v30;
	v30 =	vperm.xlane v26, v12  }
0x620: {  	[tilespmem:s25], [sflag:$0x1] =	stream.indirect_vreg.gather [hbm4b:s3+s2], $0x80, v28, vm0, $0xb8;
	[tilespmem:$0x18200] =	vst v63  }
0x621: {  	s26 =	simm.s32 $0x2E00;
	v28 =	vadd.s32 v4, v30;
	v30 =	vperm.xlane v26, v13  }
0x622: {  	[tilespmem:s26], [sflag:$0x1] =	stream.indirect_vreg.gather [hbm4b:s3+s2], $0x80, v29, vm0, $0xb8;
	[tilespmem:$0x18200] =	vst v63  }
0x623: {  	s25 =	simm.s32 $0x2E80;
	v29 =	vadd.s32 v4, v30;
	v30 =	vperm.xlane v26, v14  }
0x624: {  	[tilespmem:s25], [sflag:$0x1] =	stream.indirect_vreg.gather [hbm4b:s3+s2], $0x80, v27, vm0, $0xb8;
	[tilespmem:$0x18200] =	vst v63  }
0x625: {  	s26 =	simm.s32 $0x2F00;
	v27 =	vadd.s32 v4, v30;
	v30 =	vperm.xlane v26, v15  }
0x626: {  	[tilespmem:s26], [sflag:$0x1] =	stream.indirect_vreg.gather [hbm4b:s3+s2], $0x80, v28, vm0, $0xb8;
	[tilespmem:$0x18200] =	vst v63  }
0x627: {  	s25 =	simm.s32 $0x2F80;
	v28 =	vadd.s32 v4, v30;
	v30 =	vperm.xlane v26, v16  }
0x628: {  	[tilespmem:s25], [sflag:$0x1] =	stream.indirect_vreg.gather [hbm4b:s3+s2], $0x80, v29, vm0, $0xb8;
	[tilespmem:$0x18200] =	vst v63  }
0x629: {  	v26 =	vperm.xlane v26, v17;
	s26 =	simm.s32 $0x3000;
	v29 =	vadd.s32 v4, v30  }
0x62a: {  	[tilespmem:s26], [sflag:$0x1] =	stream.indirect_vreg.gather [hbm4b:s3+s2], $0x80, v27, vm0, $0xb8;
	[tilespmem:$0x18200] =	vst v63  }
0x62b: {  	v26 =	vadd.s32 v4, v26;
	s25 =	simm.s32 $0x3080  }
0x62c: {  	[tilespmem:s25], [sflag:$0x1] =	stream.indirect_vreg.gather [hbm4b:s3+s2], $0x80, v28, vm0, $0xb8;
	[tilespmem:$0x18200] =	vst v63  }
0x62d: {  	s26 =	simm.s32 $0x3100  }
0x62e: {  	[tilespmem:s26], [sflag:$0x1] =	stream.indirect_vreg.gather [hbm4b:s3+s2], $0x80, v29, vm0, $0xb8;
	[tilespmem:$0x18200] =	vst v63  }
0x62f: {  	s25 =	simm.s32 $0x3180  }
0x630: {  	[tilespmem:s25], [sflag:$0x1] =	stream.indirect_vreg.gather [hbm4b:s3+s2], $0x80, v26, vm0, $0xb8;
	[tilespmem:$0x18200] =	vst v63  }
0x631: {  	v26 =	vld [tilespmem:$0x160];
	_ =	sdelay $0x4  }
0x632: {  	v27 =	vshll.u32 v26, $0x1  }
0x633: {  	v26 =	vand.u32 $0x7, v26;
	v27 =	vand.u32 $0xFFFFFFF0, v27  }
0x634: {  	v26 =	vor.u32 v26, v27  }
0x635: {  	v27 =	vperm.xlane v26, v2;
	_ =	sdelay $0x1  }
0x636: {  	v28 =	vperm.xlane v26, v1;
	v27 =	vadd.s32 v4, v27;
	_ =	sdelay $0x1  }
0x637: {  	v29 =	vperm.xlane v26, v5;
	v28 =	vadd.s32 v4, v28;
	_ =	sdelay $0x1  }
0x638: {  	s26 =	simm.s32 $0x3200;
	v30 =	vperm.xlane v26, v6;
	v29 =	vadd.s32 v4, v29  }
0x639: {  	[tilespmem:s26], [sflag:$0x1] =	stream.indirect_vreg.gather [hbm4b:s3+s2], $0x80, v27, vm0, $0xb8;
	[tilespmem:$0x18200] =	vst v63  }
0x63a: {  	s25 =	simm.s32 $0x3280;
	v27 =	vadd.s32 v4, v30;
	v30 =	vperm.xlane v26, v7  }
0x63b: {  	[tilespmem:s25], [sflag:$0x1] =	stream.indirect_vreg.gather [hbm4b:s3+s2], $0x80, v28, vm0, $0xb8;
	[tilespmem:$0x18200] =	vst v63  }
0x63c: {  	s26 =	simm.s32 $0x3300;
	v28 =	vadd.s32 v4, v30;
	v30 =	vperm.xlane v26, v8  }
0x63d: {  	[tilespmem:s26], [sflag:$0x1] =	stream.indirect_vreg.gather [hbm4b:s3+s2], $0x80, v29, vm0, $0xb8;
	[tilespmem:$0x18200] =	vst v63  }
0x63e: {  	s25 =	simm.s32 $0x3380;
	v29 =	vadd.s32 v4, v30;
	v30 =	vperm.xlane v26, v9  }
0x63f: {  	[tilespmem:s25], [sflag:$0x1] =	stream.indirect_vreg.gather [hbm4b:s3+s2], $0x80, v27, vm0, $0xb8;
	[tilespmem:$0x18200] =	vst v63  }
0x640: {  	s26 =	simm.s32 $0x3400;
	v27 =	vadd.s32 v4, v30;
	v30 =	vperm.xlane v26, v0  }
0x641: {  	[tilespmem:s26], [sflag:$0x1] =	stream.indirect_vreg.gather [hbm4b:s3+s2], $0x80, v28, vm0, $0xb8;
	[tilespmem:$0x18200] =	vst v63  }
0x642: {  	s25 =	simm.s32 $0x3480;
	v28 =	vadd.s32 v4, v30;
	v30 =	vperm.xlane v26, v10  }
0x643: {  	[tilespmem:s25], [sflag:$0x1] =	stream.indirect_vreg.gather [hbm4b:s3+s2], $0x80, v29, vm0, $0xb8;
	[tilespmem:$0x18200] =	vst v63  }
0x644: {  	s26 =	simm.s32 $0x3500;
	v29 =	vadd.s32 v4, v30;
	v30 =	vperm.xlane v26, v11  }
0x645: {  	[tilespmem:s26], [sflag:$0x1] =	stream.indirect_vreg.gather [hbm4b:s3+s2], $0x80, v27, vm0, $0xb8;
	[tilespmem:$0x18200] =	vst v63  }
0x646: {  	s25 =	simm.s32 $0x3580;
	v27 =	vadd.s32 v4, v30;
	v30 =	vperm.xlane v26, v12  }
0x647: {  	[tilespmem:s25], [sflag:$0x1] =	stream.indirect_vreg.gather [hbm4b:s3+s2], $0x80, v28, vm0, $0xb8;
	[tilespmem:$0x18200] =	vst v63  }
0x648: {  	s26 =	simm.s32 $0x3600;
	v28 =	vadd.s32 v4, v30;
	v30 =	vperm.xlane v26, v13  }
0x649: {  	[tilespmem:s26], [sflag:$0x1] =	stream.indirect_vreg.gather [hbm4b:s3+s2], $0x80, v29, vm0, $0xb8;
	[tilespmem:$0x18200] =	vst v63  }
0x64a: {  	s25 =	simm.s32 $0x3680;
	v29 =	vadd.s32 v4, v30;
	v30 =	vperm.xlane v26, v14  }
0x64b: {  	[tilespmem:s25], [sflag:$0x1] =	stream.indirect_vreg.gather [hbm4b:s3+s2], $0x80, v27, vm0, $0xb8;
	[tilespmem:$0x18200] =	vst v63  }
0x64c: {  	s26 =	simm.s32 $0x3700;
	v27 =	vadd.s32 v4, v30;
	v30 =	vperm.xlane v26, v15  }
0x64d: {  	[tilespmem:s26], [sflag:$0x1] =	stream.indirect_vreg.gather [hbm4b:s3+s2], $0x80, v28, vm0, $0xb8;
	[tilespmem:$0x18200] =	vst v63  }
0x64e: {  	s25 =	simm.s32 $0x3780;
	v28 =	vadd.s32 v4, v30;
	v30 =	vperm.xlane v26, v16  }
0x64f: {  	[tilespmem:s25], [sflag:$0x1] =	stream.indirect_vreg.gather [hbm4b:s3+s2], $0x80, v29, vm0, $0xb8;
	[tilespmem:$0x18200] =	vst v63  }
0x650: {  	v26 =	vperm.xlane v26, v17;
	s26 =	simm.s32 $0x3800;
	v29 =	vadd.s32 v4, v30  }
0x651: {  	[tilespmem:s26], [sflag:$0x1] =	stream.indirect_vreg.gather [hbm4b:s3+s2], $0x80, v27, vm0, $0xb8;
	[tilespmem:$0x18200] =	vst v63  }
0x652: {  	v26 =	vadd.s32 v4, v26;
	s25 =	simm.s32 $0x3880  }
0x653: {  	[tilespmem:s25], [sflag:$0x1] =	stream.indirect_vreg.gather [hbm4b:s3+s2], $0x80, v28, vm0, $0xb8;
	[tilespmem:$0x18200] =	vst v63  }
0x654: {  	s26 =	simm.s32 $0x3900  }
0x655: {  	[tilespmem:s26], [sflag:$0x1] =	stream.indirect_vreg.gather [hbm4b:s3+s2], $0x80, v29, vm0, $0xb8;
	[tilespmem:$0x18200] =	vst v63  }
0x656: {  	s25 =	simm.s32 $0x3980  }
0x657: {  	[tilespmem:s25], [sflag:$0x1] =	stream.indirect_vreg.gather [hbm4b:s3+s2], $0x80, v26, vm0, $0xb8;
	[tilespmem:$0x18200] =	vst v63  }
0x658: {  	v26 =	vld [tilespmem:$0x170];
	_ =	sdelay $0x4  }
0x659: {  	v27 =	vshll.u32 v26, $0x1  }
0x65a: {  	v26 =	vand.u32 $0x7, v26;
	v27 =	vand.u32 $0xFFFFFFF0, v27  }
0x65b: {  	v26 =	vor.u32 v26, v27  }
0x65c: {  	v27 =	vperm.xlane v26, v2;
	_ =	sdelay $0x1  }
0x65d: {  	v28 =	vperm.xlane v26, v1;
	v27 =	vadd.s32 v4, v27;
	_ =	sdelay $0x1  }
0x65e: {  	v29 =	vperm.xlane v26, v5;
	v28 =	vadd.s32 v4, v28;
	_ =	sdelay $0x1  }
0x65f: {  	s26 =	simm.s32 $0x3A00;
	v30 =	vperm.xlane v26, v6;
	v29 =	vadd.s32 v4, v29  }
0x660: {  	[tilespmem:s26], [sflag:$0x1] =	stream.indirect_vreg.gather [hbm4b:s3+s2], $0x80, v27, vm0, $0xb8;
	[tilespmem:$0x18200] =	vst v63  }
0x661: {  	s25 =	simm.s32 $0x3A80;
	v27 =	vadd.s32 v4, v30;
	v30 =	vperm.xlane v26, v7  }
0x662: {  	[tilespmem:s25], [sflag:$0x1] =	stream.indirect_vreg.gather [hbm4b:s3+s2], $0x80, v28, vm0, $0xb8;
	[tilespmem:$0x18200] =	vst v63  }
0x663: {  	s26 =	simm.s32 $0x3B00;
	v28 =	vadd.s32 v4, v30;
	v30 =	vperm.xlane v26, v8  }
0x664: {  	[tilespmem:s26], [sflag:$0x1] =	stream.indirect_vreg.gather [hbm4b:s3+s2], $0x80, v29, vm0, $0xb8;
	[tilespmem:$0x18200] =	vst v63  }
0x665: {  	s25 =	simm.s32 $0x3B80;
	v29 =	vadd.s32 v4, v30;
	v30 =	vperm.xlane v26, v9  }
0x666: {  	[tilespmem:s25], [sflag:$0x1] =	stream.indirect_vreg.gather [hbm4b:s3+s2], $0x80, v27, vm0, $0xb8;
	[tilespmem:$0x18200] =	vst v63  }
0x667: {  	s26 =	simm.s32 $0x3C00;
	v27 =	vadd.s32 v4, v30;
	v30 =	vperm.xlane v26, v0  }
0x668: {  	[tilespmem:s26], [sflag:$0x1] =	stream.indirect_vreg.gather [hbm4b:s3+s2], $0x80, v28, vm0, $0xb8;
	[tilespmem:$0x18200] =	vst v63  }
0x669: {  	s25 =	simm.s32 $0x3C80;
	v28 =	vadd.s32 v4, v30;
	v30 =	vperm.xlane v26, v10  }
0x66a: {  	[tilespmem:s25], [sflag:$0x1] =	stream.indirect_vreg.gather [hbm4b:s3+s2], $0x80, v29, vm0, $0xb8;
	[tilespmem:$0x18200] =	vst v63  }
0x66b: {  	s26 =	simm.s32 $0x3D00;
	v29 =	vadd.s32 v4, v30;
	v30 =	vperm.xlane v26, v11  }
0x66c: {  	[tilespmem:s26], [sflag:$0x1] =	stream.indirect_vreg.gather [hbm4b:s3+s2], $0x80, v27, vm0, $0xb8;
	[tilespmem:$0x18200] =	vst v63  }
0x66d: {  	s25 =	simm.s32 $0x3D80;
	v27 =	vadd.s32 v4, v30;
	v30 =	vperm.xlane v26, v12  }
0x66e: {  	[tilespmem:s25], [sflag:$0x1] =	stream.indirect_vreg.gather [hbm4b:s3+s2], $0x80, v28, vm0, $0xb8;
	[tilespmem:$0x18200] =	vst v63  }
0x66f: {  	s26 =	simm.s32 $0x3E00;
	v28 =	vadd.s32 v4, v30;
	v30 =	vperm.xlane v26, v13  }
0x670: {  	[tilespmem:s26], [sflag:$0x1] =	stream.indirect_vreg.gather [hbm4b:s3+s2], $0x80, v29, vm0, $0xb8;
	[tilespmem:$0x18200] =	vst v63  }
0x671: {  	s25 =	simm.s32 $0x3E80;
	v29 =	vadd.s32 v4, v30;
	v30 =	vperm.xlane v26, v14  }
0x672: {  	[tilespmem:s25], [sflag:$0x1] =	stream.indirect_vreg.gather [hbm4b:s3+s2], $0x80, v27, vm0, $0xb8;
	[tilespmem:$0x18200] =	vst v63  }
0x673: {  	s26 =	simm.s32 $0x3F00;
	v27 =	vadd.s32 v4, v30;
	v30 =	vperm.xlane v26, v15  }
0x674: {  	[tilespmem:s26], [sflag:$0x1] =	stream.indirect_vreg.gather [hbm4b:s3+s2], $0x80, v28, vm0, $0xb8;
	[tilespmem:$0x18200] =	vst v63  }
0x675: {  	s25 =	simm.s32 $0x3F80;
	v28 =	vadd.s32 v4, v30;
	v30 =	vperm.xlane v26, v16  }
0x676: {  	[tilespmem:s25], [sflag:$0x1] =	stream.indirect_vreg.gather [hbm4b:s3+s2], $0x80, v29, vm0, $0xb8;
	[tilespmem:$0x18200] =	vst v63  }
0x677: {  	v26 =	vperm.xlane v26, v17;
	s26 =	simm.s32 $0x4000;
	v29 =	vadd.s32 v4, v30  }
0x678: {  	[tilespmem:s26], [sflag:$0x1] =	stream.indirect_vreg.gather [hbm4b:s3+s2], $0x80, v27, vm0, $0xb8;
	[tilespmem:$0x18200] =	vst v63  }
0x679: {  	v26 =	vadd.s32 v4, v26;
	s25 =	simm.s32 $0x4080  }
0x67a: {  	[tilespmem:s25], [sflag:$0x1] =	stream.indirect_vreg.gather [hbm4b:s3+s2], $0x80, v28, vm0, $0xb8;
	[tilespmem:$0x18200] =	vst v63  }
0x67b: {  	s26 =	simm.s32 $0x4100  }
0x67c: {  	[tilespmem:s26], [sflag:$0x1] =	stream.indirect_vreg.gather [hbm4b:s3+s2], $0x80, v29, vm0, $0xb8;
	[tilespmem:$0x18200] =	vst v63  }
0x67d: {  	s25 =	simm.s32 $0x4180  }
0x67e: {  	[tilespmem:s25], [sflag:$0x1] =	stream.indirect_vreg.gather [hbm4b:s3+s2], $0x80, v26, vm0, $0xb8;
	[tilespmem:$0x18200] =	vst v63  }
0x67f: {  	v26 =	vld [tilespmem:$0x100];
	_ =	sdelay $0x4  }
0x680: {  	v27 =	vshll.u32 v26, $0x1  }
0x681: {  	v26 =	vand.u32 $0x7, v26;
	v27 =	vand.u32 $0xFFFFFFF0, v27  }
0x682: {  	v26 =	vor.u32 v26, v27  }
0x683: {  	v27 =	vperm.xlane v26, v2;
	_ =	sdelay $0x1  }
0x684: {  	v28 =	vperm.xlane v26, v1;
	v27 =	vadd.s32 v4, v27;
	_ =	sdelay $0x1  }
0x685: {  	v29 =	vperm.xlane v26, v5;
	v28 =	vadd.s32 v4, v28;
	_ =	sdelay $0x1  }
0x686: {  	v30 =	vperm.xlane v26, v6;
	v29 =	vadd.s32 v4, v29  }
0x687: {  	[tilespmem:s7], [sflag:$0x1] =	stream.indirect_vreg.gather [hbm4b:s5+s2], $0x80, v27, vm0, $0xb8;
	[tilespmem:$0x18200] =	vst v63  }
0x688: {  	s26 =	simm.s32 $0x8280;
	v27 =	vadd.s32 v4, v30;
	v30 =	vperm.xlane v26, v7  }
0x689: {  	[tilespmem:s26], [sflag:$0x1] =	stream.indirect_vreg.gather [hbm4b:s5+s2], $0x80, v28, vm0, $0xb8;
	[tilespmem:$0x18200] =	vst v63  }
0x68a: {  	s25 =	simm.s32 $0x8300;
	v28 =	vadd.s32 v4, v30;
	v30 =	vperm.xlane v26, v8  }
0x68b: {  	[tilespmem:s25], [sflag:$0x1] =	stream.indirect_vreg.gather [hbm4b:s5+s2], $0x80, v29, vm0, $0xb8;
	[tilespmem:$0x18200] =	vst v63  }
0x68c: {  	s26 =	simm.s32 $0x8380;
	v29 =	vadd.s32 v4, v30;
	v30 =	vperm.xlane v26, v9  }
0x68d: {  	[tilespmem:s26], [sflag:$0x1] =	stream.indirect_vreg.gather [hbm4b:s5+s2], $0x80, v27, vm0, $0xb8;
	[tilespmem:$0x18200] =	vst v63  }
0x68e: {  	s25 =	simm.s32 $0x8400;
	v27 =	vadd.s32 v4, v30;
	v30 =	vperm.xlane v26, v0  }
0x68f: {  	[tilespmem:s25], [sflag:$0x1] =	stream.indirect_vreg.gather [hbm4b:s5+s2], $0x80, v28, vm0, $0xb8;
	[tilespmem:$0x18200] =	vst v63  }
0x690: {  	s26 =	simm.s32 $0x8480;
	v28 =	vadd.s32 v4, v30;
	v30 =	vperm.xlane v26, v10  }
0x691: {  	[tilespmem:s26], [sflag:$0x1] =	stream.indirect_vreg.gather [hbm4b:s5+s2], $0x80, v29, vm0, $0xb8;
	[tilespmem:$0x18200] =	vst v63  }
0x692: {  	s25 =	simm.s32 $0x8500;
	v29 =	vadd.s32 v4, v30;
	v30 =	vperm.xlane v26, v11  }
0x693: {  	[tilespmem:s25], [sflag:$0x1] =	stream.indirect_vreg.gather [hbm4b:s5+s2], $0x80, v27, vm0, $0xb8;
	[tilespmem:$0x18200] =	vst v63  }
0x694: {  	s26 =	simm.s32 $0x8580;
	v27 =	vadd.s32 v4, v30;
	v30 =	vperm.xlane v26, v12  }
0x695: {  	[tilespmem:s26], [sflag:$0x1] =	stream.indirect_vreg.gather [hbm4b:s5+s2], $0x80, v28, vm0, $0xb8;
	[tilespmem:$0x18200] =	vst v63  }
0x696: {  	s25 =	simm.s32 $0x8600;
	v28 =	vadd.s32 v4, v30;
	v30 =	vperm.xlane v26, v13  }
0x697: {  	[tilespmem:s25], [sflag:$0x1] =	stream.indirect_vreg.gather [hbm4b:s5+s2], $0x80, v29, vm0, $0xb8;
	[tilespmem:$0x18200] =	vst v63  }
0x698: {  	s26 =	simm.s32 $0x8680;
	v29 =	vadd.s32 v4, v30;
	v30 =	vperm.xlane v26, v14  }
0x699: {  	[tilespmem:s26], [sflag:$0x1] =	stream.indirect_vreg.gather [hbm4b:s5+s2], $0x80, v27, vm0, $0xb8;
	[tilespmem:$0x18200] =	vst v63  }
0x69a: {  	s25 =	simm.s32 $0x8700;
	v27 =	vadd.s32 v4, v30;
	v30 =	vperm.xlane v26, v15  }
0x69b: {  	[tilespmem:s25], [sflag:$0x1] =	stream.indirect_vreg.gather [hbm4b:s5+s2], $0x80, v28, vm0, $0xb8;
	[tilespmem:$0x18200] =	vst v63  }
0x69c: {  	s26 =	simm.s32 $0x8780;
	v28 =	vadd.s32 v4, v30;
	v30 =	vperm.xlane v26, v16  }
0x69d: {  	[tilespmem:s26], [sflag:$0x1] =	stream.indirect_vreg.gather [hbm4b:s5+s2], $0x80, v29, vm0, $0xb8;
	[tilespmem:$0x18200] =	vst v63  }
0x69e: {  	v26 =	vperm.xlane v26, v17;
	s25 =	simm.s32 $0x8800;
	v29 =	vadd.s32 v4, v30  }
0x69f: {  	[tilespmem:s25], [sflag:$0x1] =	stream.indirect_vreg.gather [hbm4b:s5+s2], $0x80, v27, vm0, $0xb8;
	[tilespmem:$0x18200] =	vst v63  }
0x6a0: {  	v26 =	vadd.s32 v4, v26;
	s26 =	simm.s32 $0x8880  }
0x6a1: {  	[tilespmem:s26], [sflag:$0x1] =	stream.indirect_vreg.gather [hbm4b:s5+s2], $0x80, v28, vm0, $0xb8;
	[tilespmem:$0x18200] =	vst v63  }
0x6a2: {  	s25 =	simm.s32 $0x8900  }
0x6a3: {  	[tilespmem:s25], [sflag:$0x1] =	stream.indirect_vreg.gather [hbm4b:s5+s2], $0x80, v29, vm0, $0xb8;
	[tilespmem:$0x18200] =	vst v63  }
0x6a4: {  	s26 =	simm.s32 $0x8980  }
0x6a5: {  	[tilespmem:s26], [sflag:$0x1] =	stream.indirect_vreg.gather [hbm4b:s5+s2], $0x80, v26, vm0, $0xb8;
	[tilespmem:$0x18200] =	vst v63  }
0x6a6: {  	v26 =	vld [tilespmem:$0x110];
	_ =	sdelay $0x4  }
0x6a7: {  	v27 =	vshll.u32 v26, $0x1  }
0x6a8: {  	v26 =	vand.u32 $0x7, v26;
	v27 =	vand.u32 $0xFFFFFFF0, v27  }
0x6a9: {  	v26 =	vor.u32 v26, v27  }
0x6aa: {  	v27 =	vperm.xlane v26, v2;
	_ =	sdelay $0x1  }
0x6ab: {  	v28 =	vperm.xlane v26, v1;
	v27 =	vadd.s32 v4, v27;
	_ =	sdelay $0x1  }
0x6ac: {  	v29 =	vperm.xlane v26, v5;
	v28 =	vadd.s32 v4, v28;
	_ =	sdelay $0x1  }
0x6ad: {  	s25 =	simm.s32 $0x8A00;
	v30 =	vperm.xlane v26, v6;
	v29 =	vadd.s32 v4, v29  }
0x6ae: {  	[tilespmem:s25], [sflag:$0x1] =	stream.indirect_vreg.gather [hbm4b:s5+s2], $0x80, v27, vm0, $0xb8;
	[tilespmem:$0x18200] =	vst v63  }
0x6af: {  	s26 =	simm.s32 $0x8A80;
	v27 =	vadd.s32 v4, v30;
	v30 =	vperm.xlane v26, v7  }
0x6b0: {  	[tilespmem:s26], [sflag:$0x1] =	stream.indirect_vreg.gather [hbm4b:s5+s2], $0x80, v28, vm0, $0xb8;
	[tilespmem:$0x18200] =	vst v63  }
0x6b1: {  	s25 =	simm.s32 $0x8B00;
	v28 =	vadd.s32 v4, v30;
	v30 =	vperm.xlane v26, v8  }
0x6b2: {  	[tilespmem:s25], [sflag:$0x1] =	stream.indirect_vreg.gather [hbm4b:s5+s2], $0x80, v29, vm0, $0xb8;
	[tilespmem:$0x18200] =	vst v63  }
0x6b3: {  	s26 =	simm.s32 $0x8B80;
	v29 =	vadd.s32 v4, v30;
	v30 =	vperm.xlane v26, v9  }
0x6b4: {  	[tilespmem:s26], [sflag:$0x1] =	stream.indirect_vreg.gather [hbm4b:s5+s2], $0x80, v27, vm0, $0xb8;
	[tilespmem:$0x18200] =	vst v63  }
0x6b5: {  	s25 =	simm.s32 $0x8C00;
	v27 =	vadd.s32 v4, v30;
	v30 =	vperm.xlane v26, v0  }
0x6b6: {  	[tilespmem:s25], [sflag:$0x1] =	stream.indirect_vreg.gather [hbm4b:s5+s2], $0x80, v28, vm0, $0xb8;
	[tilespmem:$0x18200] =	vst v63  }
0x6b7: {  	s26 =	simm.s32 $0x8C80;
	v28 =	vadd.s32 v4, v30;
	v30 =	vperm.xlane v26, v10  }
0x6b8: {  	[tilespmem:s26], [sflag:$0x1] =	stream.indirect_vreg.gather [hbm4b:s5+s2], $0x80, v29, vm0, $0xb8;
	[tilespmem:$0x18200] =	vst v63  }
0x6b9: {  	s25 =	simm.s32 $0x8D00;
	v29 =	vadd.s32 v4, v30;
	v30 =	vperm.xlane v26, v11  }
0x6ba: {  	[tilespmem:s25], [sflag:$0x1] =	stream.indirect_vreg.gather [hbm4b:s5+s2], $0x80, v27, vm0, $0xb8;
	[tilespmem:$0x18200] =	vst v63  }
0x6bb: {  	s26 =	simm.s32 $0x8D80;
	v27 =	vadd.s32 v4, v30;
	v30 =	vperm.xlane v26, v12  }
0x6bc: {  	[tilespmem:s26], [sflag:$0x1] =	stream.indirect_vreg.gather [hbm4b:s5+s2], $0x80, v28, vm0, $0xb8;
	[tilespmem:$0x18200] =	vst v63  }
0x6bd: {  	s25 =	simm.s32 $0x8E00;
	v28 =	vadd.s32 v4, v30;
	v30 =	vperm.xlane v26, v13  }
0x6be: {  	[tilespmem:s25], [sflag:$0x1] =	stream.indirect_vreg.gather [hbm4b:s5+s2], $0x80, v29, vm0, $0xb8;
	[tilespmem:$0x18200] =	vst v63  }
0x6bf: {  	s26 =	simm.s32 $0x8E80;
	v29 =	vadd.s32 v4, v30;
	v30 =	vperm.xlane v26, v14  }
0x6c0: {  	[tilespmem:s26], [sflag:$0x1] =	stream.indirect_vreg.gather [hbm4b:s5+s2], $0x80, v27, vm0, $0xb8;
	[tilespmem:$0x18200] =	vst v63  }
0x6c1: {  	s25 =	simm.s32 $0x8F00;
	v27 =	vadd.s32 v4, v30;
	v30 =	vperm.xlane v26, v15  }
0x6c2: {  	[tilespmem:s25], [sflag:$0x1] =	stream.indirect_vreg.gather [hbm4b:s5+s2], $0x80, v28, vm0, $0xb8;
	[tilespmem:$0x18200] =	vst v63  }
0x6c3: {  	s26 =	simm.s32 $0x8F80;
	v28 =	vadd.s32 v4, v30;
	v30 =	vperm.xlane v26, v16  }
0x6c4: {  	[tilespmem:s26], [sflag:$0x1] =	stream.indirect_vreg.gather [hbm4b:s5+s2], $0x80, v29, vm0, $0xb8;
	[tilespmem:$0x18200] =	vst v63  }
0x6c5: {  	v26 =	vperm.xlane v26, v17;
	s25 =	simm.s32 $0x9000;
	v29 =	vadd.s32 v4, v30  }
0x6c6: {  	[tilespmem:s25], [sflag:$0x1] =	stream.indirect_vreg.gather [hbm4b:s5+s2], $0x80, v27, vm0, $0xb8;
	[tilespmem:$0x18200] =	vst v63  }
0x6c7: {  	v26 =	vadd.s32 v4, v26;
	s26 =	simm.s32 $0x9080  }
0x6c8: {  	[tilespmem:s26], [sflag:$0x1] =	stream.indirect_vreg.gather [hbm4b:s5+s2], $0x80, v28, vm0, $0xb8;
	[tilespmem:$0x18200] =	vst v63  }
0x6c9: {  	s25 =	simm.s32 $0x9100  }
0x6ca: {  	[tilespmem:s25], [sflag:$0x1] =	stream.indirect_vreg.gather [hbm4b:s5+s2], $0x80, v29, vm0, $0xb8;
	[tilespmem:$0x18200] =	vst v63  }
0x6cb: {  	s26 =	simm.s32 $0x9180  }
0x6cc: {  	[tilespmem:s26], [sflag:$0x1] =	stream.indirect_vreg.gather [hbm4b:s5+s2], $0x80, v26, vm0, $0xb8;
	[tilespmem:$0x18200] =	vst v63  }
0x6cd: {  	v26 =	vld [tilespmem:$0x120];
	_ =	sdelay $0x4  }
0x6ce: {  	v27 =	vshll.u32 v26, $0x1  }
0x6cf: {  	v26 =	vand.u32 $0x7, v26;
	v27 =	vand.u32 $0xFFFFFFF0, v27  }
0x6d0: {  	v26 =	vor.u32 v26, v27  }
0x6d1: {  	v27 =	vperm.xlane v26, v2;
	_ =	sdelay $0x1  }
0x6d2: {  	v28 =	vperm.xlane v26, v1;
	v27 =	vadd.s32 v4, v27;
	_ =	sdelay $0x1  }
0x6d3: {  	v29 =	vperm.xlane v26, v5;
	v28 =	vadd.s32 v4, v28;
	_ =	sdelay $0x1  }
0x6d4: {  	s25 =	simm.s32 $0x9200;
	v30 =	vperm.xlane v26, v6;
	v29 =	vadd.s32 v4, v29  }
0x6d5: {  	[tilespmem:s25], [sflag:$0x1] =	stream.indirect_vreg.gather [hbm4b:s5+s2], $0x80, v27, vm0, $0xb8;
	[tilespmem:$0x18200] =	vst v63  }
0x6d6: {  	s26 =	simm.s32 $0x9280;
	v27 =	vadd.s32 v4, v30;
	v30 =	vperm.xlane v26, v7  }
0x6d7: {  	[tilespmem:s26], [sflag:$0x1] =	stream.indirect_vreg.gather [hbm4b:s5+s2], $0x80, v28, vm0, $0xb8;
	[tilespmem:$0x18200] =	vst v63  }
0x6d8: {  	s25 =	simm.s32 $0x9300;
	v28 =	vadd.s32 v4, v30;
	v30 =	vperm.xlane v26, v8  }
0x6d9: {  	[tilespmem:s25], [sflag:$0x1] =	stream.indirect_vreg.gather [hbm4b:s5+s2], $0x80, v29, vm0, $0xb8;
	[tilespmem:$0x18200] =	vst v63  }
0x6da: {  	s26 =	simm.s32 $0x9380;
	v29 =	vadd.s32 v4, v30;
	v30 =	vperm.xlane v26, v9  }
0x6db: {  	[tilespmem:s26], [sflag:$0x1] =	stream.indirect_vreg.gather [hbm4b:s5+s2], $0x80, v27, vm0, $0xb8;
	[tilespmem:$0x18200] =	vst v63  }
0x6dc: {  	s25 =	simm.s32 $0x9400;
	v27 =	vadd.s32 v4, v30;
	v30 =	vperm.xlane v26, v0  }
0x6dd: {  	[tilespmem:s25], [sflag:$0x1] =	stream.indirect_vreg.gather [hbm4b:s5+s2], $0x80, v28, vm0, $0xb8;
	[tilespmem:$0x18200] =	vst v63  }
0x6de: {  	s26 =	simm.s32 $0x9480;
	v28 =	vadd.s32 v4, v30;
	v30 =	vperm.xlane v26, v10  }
0x6df: {  	[tilespmem:s26], [sflag:$0x1] =	stream.indirect_vreg.gather [hbm4b:s5+s2], $0x80, v29, vm0, $0xb8;
	[tilespmem:$0x18200] =	vst v63  }
0x6e0: {  	s25 =	simm.s32 $0x9500;
	v29 =	vadd.s32 v4, v30;
	v30 =	vperm.xlane v26, v11  }
0x6e1: {  	[tilespmem:s25], [sflag:$0x1] =	stream.indirect_vreg.gather [hbm4b:s5+s2], $0x80, v27, vm0, $0xb8;
	[tilespmem:$0x18200] =	vst v63  }
0x6e2: {  	s26 =	simm.s32 $0x9580;
	v27 =	vadd.s32 v4, v30;
	v30 =	vperm.xlane v26, v12  }
0x6e3: {  	[tilespmem:s26], [sflag:$0x1] =	stream.indirect_vreg.gather [hbm4b:s5+s2], $0x80, v28, vm0, $0xb8;
	[tilespmem:$0x18200] =	vst v63  }
0x6e4: {  	s25 =	simm.s32 $0x9600;
	v28 =	vadd.s32 v4, v30;
	v30 =	vperm.xlane v26, v13  }
0x6e5: {  	[tilespmem:s25], [sflag:$0x1] =	stream.indirect_vreg.gather [hbm4b:s5+s2], $0x80, v29, vm0, $0xb8;
	[tilespmem:$0x18200] =	vst v63  }
0x6e6: {  	s26 =	simm.s32 $0x9680;
	v29 =	vadd.s32 v4, v30;
	v30 =	vperm.xlane v26, v14  }
0x6e7: {  	[tilespmem:s26], [sflag:$0x1] =	stream.indirect_vreg.gather [hbm4b:s5+s2], $0x80, v27, vm0, $0xb8;
	[tilespmem:$0x18200] =	vst v63  }
0x6e8: {  	s25 =	simm.s32 $0x9700;
	v27 =	vadd.s32 v4, v30;
	v30 =	vperm.xlane v26, v15  }
0x6e9: {  	[tilespmem:s25], [sflag:$0x1] =	stream.indirect_vreg.gather [hbm4b:s5+s2], $0x80, v28, vm0, $0xb8;
	[tilespmem:$0x18200] =	vst v63  }
0x6ea: {  	s26 =	simm.s32 $0x9780;
	v28 =	vadd.s32 v4, v30;
	v30 =	vperm.xlane v26, v16  }
0x6eb: {  	[tilespmem:s26], [sflag:$0x1] =	stream.indirect_vreg.gather [hbm4b:s5+s2], $0x80, v29, vm0, $0xb8;
	[tilespmem:$0x18200] =	vst v63  }
0x6ec: {  	v26 =	vperm.xlane v26, v17;
	s25 =	simm.s32 $0x9800;
	v29 =	vadd.s32 v4, v30  }
0x6ed: {  	[tilespmem:s25], [sflag:$0x1] =	stream.indirect_vreg.gather [hbm4b:s5+s2], $0x80, v27, vm0, $0xb8;
	[tilespmem:$0x18200] =	vst v63  }
0x6ee: {  	v26 =	vadd.s32 v4, v26;
	s26 =	simm.s32 $0x9880  }
0x6ef: {  	[tilespmem:s26], [sflag:$0x1] =	stream.indirect_vreg.gather [hbm4b:s5+s2], $0x80, v28, vm0, $0xb8;
	[tilespmem:$0x18200] =	vst v63  }
0x6f0: {  	s25 =	simm.s32 $0x9900  }
0x6f1: {  	[tilespmem:s25], [sflag:$0x1] =	stream.indirect_vreg.gather [hbm4b:s5+s2], $0x80, v29, vm0, $0xb8;
	[tilespmem:$0x18200] =	vst v63  }
0x6f2: {  	s26 =	simm.s32 $0x9980  }
0x6f3: {  	[tilespmem:s26], [sflag:$0x1] =	stream.indirect_vreg.gather [hbm4b:s5+s2], $0x80, v26, vm0, $0xb8;
	[tilespmem:$0x18200] =	vst v63  }
0x6f4: {  	v26 =	vld [tilespmem:$0x130];
	_ =	sdelay $0x4  }
0x6f5: {  	v27 =	vshll.u32 v26, $0x1  }
0x6f6: {  	v26 =	vand.u32 $0x7, v26;
	v27 =	vand.u32 $0xFFFFFFF0, v27  }
0x6f7: {  	v26 =	vor.u32 v26, v27  }
0x6f8: {  	v27 =	vperm.xlane v26, v2;
	_ =	sdelay $0x1  }
0x6f9: {  	v28 =	vperm.xlane v26, v1;
	v27 =	vadd.s32 v4, v27;
	_ =	sdelay $0x1  }
0x6fa: {  	v29 =	vperm.xlane v26, v5;
	v28 =	vadd.s32 v4, v28;
	_ =	sdelay $0x1  }
0x6fb: {  	s25 =	simm.s32 $0x9A00;
	v30 =	vperm.xlane v26, v6;
	v29 =	vadd.s32 v4, v29  }
0x6fc: {  	[tilespmem:s25], [sflag:$0x1] =	stream.indirect_vreg.gather [hbm4b:s5+s2], $0x80, v27, vm0, $0xb8;
	[tilespmem:$0x18200] =	vst v63  }
0x6fd: {  	s26 =	simm.s32 $0x9A80;
	v27 =	vadd.s32 v4, v30;
	v30 =	vperm.xlane v26, v7  }
0x6fe: {  	[tilespmem:s26], [sflag:$0x1] =	stream.indirect_vreg.gather [hbm4b:s5+s2], $0x80, v28, vm0, $0xb8;
	[tilespmem:$0x18200] =	vst v63  }
0x6ff: {  	s25 =	simm.s32 $0x9B00;
	v28 =	vadd.s32 v4, v30;
	v30 =	vperm.xlane v26, v8  }
0x700: {  	[tilespmem:s25], [sflag:$0x1] =	stream.indirect_vreg.gather [hbm4b:s5+s2], $0x80, v29, vm0, $0xb8;
	[tilespmem:$0x18200] =	vst v63  }
0x701: {  	s26 =	simm.s32 $0x9B80;
	v29 =	vadd.s32 v4, v30;
	v30 =	vperm.xlane v26, v9  }
0x702: {  	[tilespmem:s26], [sflag:$0x1] =	stream.indirect_vreg.gather [hbm4b:s5+s2], $0x80, v27, vm0, $0xb8;
	[tilespmem:$0x18200] =	vst v63  }
0x703: {  	s25 =	simm.s32 $0x9C00;
	v27 =	vadd.s32 v4, v30;
	v30 =	vperm.xlane v26, v0  }
0x704: {  	[tilespmem:s25], [sflag:$0x1] =	stream.indirect_vreg.gather [hbm4b:s5+s2], $0x80, v28, vm0, $0xb8;
	[tilespmem:$0x18200] =	vst v63  }
0x705: {  	s26 =	simm.s32 $0x9C80;
	v28 =	vadd.s32 v4, v30;
	v30 =	vperm.xlane v26, v10  }
0x706: {  	[tilespmem:s26], [sflag:$0x1] =	stream.indirect_vreg.gather [hbm4b:s5+s2], $0x80, v29, vm0, $0xb8;
	[tilespmem:$0x18200] =	vst v63  }
0x707: {  	s25 =	simm.s32 $0x9D00;
	v29 =	vadd.s32 v4, v30;
	v30 =	vperm.xlane v26, v11  }
0x708: {  	[tilespmem:s25], [sflag:$0x1] =	stream.indirect_vreg.gather [hbm4b:s5+s2], $0x80, v27, vm0, $0xb8;
	[tilespmem:$0x18200] =	vst v63  }
0x709: {  	s26 =	simm.s32 $0x9D80;
	v27 =	vadd.s32 v4, v30;
	v30 =	vperm.xlane v26, v12  }
0x70a: {  	[tilespmem:s26], [sflag:$0x1] =	stream.indirect_vreg.gather [hbm4b:s5+s2], $0x80, v28, vm0, $0xb8;
	[tilespmem:$0x18200] =	vst v63  }
0x70b: {  	s25 =	simm.s32 $0x9E00;
	v28 =	vadd.s32 v4, v30;
	v30 =	vperm.xlane v26, v13  }
0x70c: {  	[tilespmem:s25], [sflag:$0x1] =	stream.indirect_vreg.gather [hbm4b:s5+s2], $0x80, v29, vm0, $0xb8;
	[tilespmem:$0x18200] =	vst v63  }
0x70d: {  	s26 =	simm.s32 $0x9E80;
	v29 =	vadd.s32 v4, v30;
	v30 =	vperm.xlane v26, v14  }
0x70e: {  	[tilespmem:s26], [sflag:$0x1] =	stream.indirect_vreg.gather [hbm4b:s5+s2], $0x80, v27, vm0, $0xb8;
	[tilespmem:$0x18200] =	vst v63  }
0x70f: {  	s25 =	simm.s32 $0x9F00;
	v27 =	vadd.s32 v4, v30;
	v30 =	vperm.xlane v26, v15  }
0x710: {  	[tilespmem:s25], [sflag:$0x1] =	stream.indirect_vreg.gather [hbm4b:s5+s2], $0x80, v28, vm0, $0xb8;
	[tilespmem:$0x18200] =	vst v63  }
0x711: {  	s26 =	simm.s32 $0x9F80;
	v28 =	vadd.s32 v4, v30;
	v30 =	vperm.xlane v26, v16  }
0x712: {  	[tilespmem:s26], [sflag:$0x1] =	stream.indirect_vreg.gather [hbm4b:s5+s2], $0x80, v29, vm0, $0xb8;
	[tilespmem:$0x18200] =	vst v63  }
0x713: {  	v26 =	vperm.xlane v26, v17;
	s25 =	simm.s32 $0xA000;
	v29 =	vadd.s32 v4, v30  }
0x714: {  	[tilespmem:s25], [sflag:$0x1] =	stream.indirect_vreg.gather [hbm4b:s5+s2], $0x80, v27, vm0, $0xb8;
	[tilespmem:$0x18200] =	vst v63  }
0x715: {  	v26 =	vadd.s32 v4, v26;
	s26 =	simm.s32 $0xA080  }
0x716: {  	[tilespmem:s26], [sflag:$0x1] =	stream.indirect_vreg.gather [hbm4b:s5+s2], $0x80, v28, vm0, $0xb8;
	[tilespmem:$0x18200] =	vst v63  }
0x717: {  	s25 =	simm.s32 $0xA100  }
0x718: {  	[tilespmem:s25], [sflag:$0x1] =	stream.indirect_vreg.gather [hbm4b:s5+s2], $0x80, v29, vm0, $0xb8;
	[tilespmem:$0x18200] =	vst v63  }
0x719: {  	s26 =	simm.s32 $0xA180  }
0x71a: {  	[tilespmem:s26], [sflag:$0x1] =	stream.indirect_vreg.gather [hbm4b:s5+s2], $0x80, v26, vm0, $0xb8;
	[tilespmem:$0x18200] =	vst v63  }
0x71b: {  	v26 =	vld [tilespmem:$0x140];
	_ =	sdelay $0x4  }
0x71c: {  	v27 =	vshll.u32 v26, $0x1  }
0x71d: {  	v26 =	vand.u32 $0x7, v26;
	v27 =	vand.u32 $0xFFFFFFF0, v27  }
0x71e: {  	v26 =	vor.u32 v26, v27  }
0x71f: {  	v27 =	vperm.xlane v26, v2;
	_ =	sdelay $0x1  }
0x720: {  	v28 =	vperm.xlane v26, v1;
	v27 =	vadd.s32 v4, v27;
	_ =	sdelay $0x1  }
0x721: {  	v29 =	vperm.xlane v26, v5;
	v28 =	vadd.s32 v4, v28;
	_ =	sdelay $0x1  }
0x722: {  	s25 =	simm.s32 $0xA200;
	v30 =	vperm.xlane v26, v6;
	v29 =	vadd.s32 v4, v29  }
0x723: {  	[tilespmem:s25], [sflag:$0x1] =	stream.indirect_vreg.gather [hbm4b:s5+s2], $0x80, v27, vm0, $0xb8;
	[tilespmem:$0x18200] =	vst v63  }
0x724: {  	s26 =	simm.s32 $0xA280;
	v27 =	vadd.s32 v4, v30;
	v30 =	vperm.xlane v26, v7  }
0x725: {  	[tilespmem:s26], [sflag:$0x1] =	stream.indirect_vreg.gather [hbm4b:s5+s2], $0x80, v28, vm0, $0xb8;
	[tilespmem:$0x18200] =	vst v63  }
0x726: {  	s25 =	simm.s32 $0xA300;
	v28 =	vadd.s32 v4, v30;
	v30 =	vperm.xlane v26, v8  }
0x727: {  	[tilespmem:s25], [sflag:$0x1] =	stream.indirect_vreg.gather [hbm4b:s5+s2], $0x80, v29, vm0, $0xb8;
	[tilespmem:$0x18200] =	vst v63  }
0x728: {  	s26 =	simm.s32 $0xA380;
	v29 =	vadd.s32 v4, v30;
	v30 =	vperm.xlane v26, v9  }
0x729: {  	[tilespmem:s26], [sflag:$0x1] =	stream.indirect_vreg.gather [hbm4b:s5+s2], $0x80, v27, vm0, $0xb8;
	[tilespmem:$0x18200] =	vst v63  }
0x72a: {  	s25 =	simm.s32 $0xA400;
	v27 =	vadd.s32 v4, v30;
	v30 =	vperm.xlane v26, v0  }
0x72b: {  	[tilespmem:s25], [sflag:$0x1] =	stream.indirect_vreg.gather [hbm4b:s5+s2], $0x80, v28, vm0, $0xb8;
	[tilespmem:$0x18200] =	vst v63  }
0x72c: {  	s26 =	simm.s32 $0xA480;
	v28 =	vadd.s32 v4, v30;
	v30 =	vperm.xlane v26, v10  }
0x72d: {  	[tilespmem:s26], [sflag:$0x1] =	stream.indirect_vreg.gather [hbm4b:s5+s2], $0x80, v29, vm0, $0xb8;
	[tilespmem:$0x18200] =	vst v63  }
0x72e: {  	s25 =	simm.s32 $0xA500;
	v29 =	vadd.s32 v4, v30;
	v30 =	vperm.xlane v26, v11  }
0x72f: {  	[tilespmem:s25], [sflag:$0x1] =	stream.indirect_vreg.gather [hbm4b:s5+s2], $0x80, v27, vm0, $0xb8;
	[tilespmem:$0x18200] =	vst v63  }
0x730: {  	s26 =	simm.s32 $0xA580;
	v27 =	vadd.s32 v4, v30;
	v30 =	vperm.xlane v26, v12  }
0x731: {  	[tilespmem:s26], [sflag:$0x1] =	stream.indirect_vreg.gather [hbm4b:s5+s2], $0x80, v28, vm0, $0xb8;
	[tilespmem:$0x18200] =	vst v63  }
0x732: {  	s25 =	simm.s32 $0xA600;
	v28 =	vadd.s32 v4, v30;
	v30 =	vperm.xlane v26, v13  }
0x733: {  	[tilespmem:s25], [sflag:$0x1] =	stream.indirect_vreg.gather [hbm4b:s5+s2], $0x80, v29, vm0, $0xb8;
	[tilespmem:$0x18200] =	vst v63  }
0x734: {  	s26 =	simm.s32 $0xA680;
	v29 =	vadd.s32 v4, v30;
	v30 =	vperm.xlane v26, v14  }
0x735: {  	[tilespmem:s26], [sflag:$0x1] =	stream.indirect_vreg.gather [hbm4b:s5+s2], $0x80, v27, vm0, $0xb8;
	[tilespmem:$0x18200] =	vst v63  }
0x736: {  	s25 =	simm.s32 $0xA700;
	v27 =	vadd.s32 v4, v30;
	v30 =	vperm.xlane v26, v15  }
0x737: {  	[tilespmem:s25], [sflag:$0x1] =	stream.indirect_vreg.gather [hbm4b:s5+s2], $0x80, v28, vm0, $0xb8;
	[tilespmem:$0x18200] =	vst v63  }
0x738: {  	s26 =	simm.s32 $0xA780;
	v28 =	vadd.s32 v4, v30;
	v30 =	vperm.xlane v26, v16  }
0x739: {  	[tilespmem:s26], [sflag:$0x1] =	stream.indirect_vreg.gather [hbm4b:s5+s2], $0x80, v29, vm0, $0xb8;
	[tilespmem:$0x18200] =	vst v63  }
0x73a: {  	v26 =	vperm.xlane v26, v17;
	s25 =	simm.s32 $0xA800;
	v29 =	vadd.s32 v4, v30  }
0x73b: {  	[tilespmem:s25], [sflag:$0x1] =	stream.indirect_vreg.gather [hbm4b:s5+s2], $0x80, v27, vm0, $0xb8;
	[tilespmem:$0x18200] =	vst v63  }
0x73c: {  	v26 =	vadd.s32 v4, v26;
	s26 =	simm.s32 $0xA880  }
0x73d: {  	[tilespmem:s26], [sflag:$0x1] =	stream.indirect_vreg.gather [hbm4b:s5+s2], $0x80, v28, vm0, $0xb8;
	[tilespmem:$0x18200] =	vst v63  }
0x73e: {  	s25 =	simm.s32 $0xA900  }
0x73f: {  	[tilespmem:s25], [sflag:$0x1] =	stream.indirect_vreg.gather [hbm4b:s5+s2], $0x80, v29, vm0, $0xb8;
	[tilespmem:$0x18200] =	vst v63  }
0x740: {  	s26 =	simm.s32 $0xA980  }
0x741: {  	[tilespmem:s26], [sflag:$0x1] =	stream.indirect_vreg.gather [hbm4b:s5+s2], $0x80, v26, vm0, $0xb8;
	[tilespmem:$0x18200] =	vst v63  }
0x742: {  	v26 =	vld [tilespmem:$0x150];
	_ =	sdelay $0x4  }
0x743: {  	v27 =	vshll.u32 v26, $0x1  }
0x744: {  	v26 =	vand.u32 $0x7, v26;
	v27 =	vand.u32 $0xFFFFFFF0, v27  }
0x745: {  	v26 =	vor.u32 v26, v27  }
0x746: {  	v27 =	vperm.xlane v26, v2;
	_ =	sdelay $0x1  }
0x747: {  	v28 =	vperm.xlane v26, v1;
	v27 =	vadd.s32 v4, v27;
	_ =	sdelay $0x1  }
0x748: {  	v29 =	vperm.xlane v26, v5;
	v28 =	vadd.s32 v4, v28;
	_ =	sdelay $0x1  }
0x749: {  	s25 =	simm.s32 $0xAA00;
	v30 =	vperm.xlane v26, v6;
	v29 =	vadd.s32 v4, v29  }
0x74a: {  	[tilespmem:s25], [sflag:$0x1] =	stream.indirect_vreg.gather [hbm4b:s5+s2], $0x80, v27, vm0, $0xb8;
	[tilespmem:$0x18200] =	vst v63  }
0x74b: {  	s26 =	simm.s32 $0xAA80;
	v27 =	vadd.s32 v4, v30;
	v30 =	vperm.xlane v26, v7  }
0x74c: {  	[tilespmem:s26], [sflag:$0x1] =	stream.indirect_vreg.gather [hbm4b:s5+s2], $0x80, v28, vm0, $0xb8;
	[tilespmem:$0x18200] =	vst v63  }
0x74d: {  	s25 =	simm.s32 $0xAB00;
	v28 =	vadd.s32 v4, v30;
	v30 =	vperm.xlane v26, v8  }
0x74e: {  	[tilespmem:s25], [sflag:$0x1] =	stream.indirect_vreg.gather [hbm4b:s5+s2], $0x80, v29, vm0, $0xb8;
	[tilespmem:$0x18200] =	vst v63  }
0x74f: {  	s26 =	simm.s32 $0xAB80;
	v29 =	vadd.s32 v4, v30;
	v30 =	vperm.xlane v26, v9  }
0x750: {  	[tilespmem:s26], [sflag:$0x1] =	stream.indirect_vreg.gather [hbm4b:s5+s2], $0x80, v27, vm0, $0xb8;
	[tilespmem:$0x18200] =	vst v63  }
0x751: {  	s25 =	simm.s32 $0xAC00;
	v27 =	vadd.s32 v4, v30;
	v30 =	vperm.xlane v26, v0  }
0x752: {  	[tilespmem:s25], [sflag:$0x1] =	stream.indirect_vreg.gather [hbm4b:s5+s2], $0x80, v28, vm0, $0xb8;
	[tilespmem:$0x18200] =	vst v63  }
0x753: {  	s26 =	simm.s32 $0xAC80;
	v28 =	vadd.s32 v4, v30;
	v30 =	vperm.xlane v26, v10  }
0x754: {  	[tilespmem:s26], [sflag:$0x1] =	stream.indirect_vreg.gather [hbm4b:s5+s2], $0x80, v29, vm0, $0xb8;
	[tilespmem:$0x18200] =	vst v63  }
0x755: {  	s25 =	simm.s32 $0xAD00;
	v29 =	vadd.s32 v4, v30;
	v30 =	vperm.xlane v26, v11  }
0x756: {  	[tilespmem:s25], [sflag:$0x1] =	stream.indirect_vreg.gather [hbm4b:s5+s2], $0x80, v27, vm0, $0xb8;
	[tilespmem:$0x18200] =	vst v63  }
0x757: {  	s26 =	simm.s32 $0xAD80;
	v27 =	vadd.s32 v4, v30;
	v30 =	vperm.xlane v26, v12  }
0x758: {  	[tilespmem:s26], [sflag:$0x1] =	stream.indirect_vreg.gather [hbm4b:s5+s2], $0x80, v28, vm0, $0xb8;
	[tilespmem:$0x18200] =	vst v63  }
0x759: {  	s25 =	simm.s32 $0xAE00;
	v28 =	vadd.s32 v4, v30;
	v30 =	vperm.xlane v26, v13  }
0x75a: {  	[tilespmem:s25], [sflag:$0x1] =	stream.indirect_vreg.gather [hbm4b:s5+s2], $0x80, v29, vm0, $0xb8;
	[tilespmem:$0x18200] =	vst v63  }
0x75b: {  	s26 =	simm.s32 $0xAE80;
	v29 =	vadd.s32 v4, v30;
	v30 =	vperm.xlane v26, v14  }
0x75c: {  	[tilespmem:s26], [sflag:$0x1] =	stream.indirect_vreg.gather [hbm4b:s5+s2], $0x80, v27, vm0, $0xb8;
	[tilespmem:$0x18200] =	vst v63  }
0x75d: {  	s25 =	simm.s32 $0xAF00;
	v27 =	vadd.s32 v4, v30;
	v30 =	vperm.xlane v26, v15  }
0x75e: {  	[tilespmem:s25], [sflag:$0x1] =	stream.indirect_vreg.gather [hbm4b:s5+s2], $0x80, v28, vm0, $0xb8;
	[tilespmem:$0x18200] =	vst v63  }
0x75f: {  	s26 =	simm.s32 $0xAF80;
	v28 =	vadd.s32 v4, v30;
	v30 =	vperm.xlane v26, v16  }
0x760: {  	[tilespmem:s26], [sflag:$0x1] =	stream.indirect_vreg.gather [hbm4b:s5+s2], $0x80, v29, vm0, $0xb8;
	[tilespmem:$0x18200] =	vst v63  }
0x761: {  	v26 =	vperm.xlane v26, v17;
	s25 =	simm.s32 $0xB000;
	v29 =	vadd.s32 v4, v30  }
0x762: {  	[tilespmem:s25], [sflag:$0x1] =	stream.indirect_vreg.gather [hbm4b:s5+s2], $0x80, v27, vm0, $0xb8;
	[tilespmem:$0x18200] =	vst v63  }
0x763: {  	v26 =	vadd.s32 v4, v26;
	s26 =	simm.s32 $0xB080  }
0x764: {  	[tilespmem:s26], [sflag:$0x1] =	stream.indirect_vreg.gather [hbm4b:s5+s2], $0x80, v28, vm0, $0xb8;
	[tilespmem:$0x18200] =	vst v63  }
0x765: {  	s25 =	simm.s32 $0xB100  }
0x766: {  	[tilespmem:s25], [sflag:$0x1] =	stream.indirect_vreg.gather [hbm4b:s5+s2], $0x80, v29, vm0, $0xb8;
	[tilespmem:$0x18200] =	vst v63  }
0x767: {  	s26 =	simm.s32 $0xB180  }
0x768: {  	[tilespmem:s26], [sflag:$0x1] =	stream.indirect_vreg.gather [hbm4b:s5+s2], $0x80, v26, vm0, $0xb8;
	[tilespmem:$0x18200] =	vst v63  }
0x769: {  	v26 =	vld [tilespmem:$0x160];
	_ =	sdelay $0x4  }
0x76a: {  	v27 =	vshll.u32 v26, $0x1  }
0x76b: {  	v26 =	vand.u32 $0x7, v26;
	v27 =	vand.u32 $0xFFFFFFF0, v27  }
0x76c: {  	v26 =	vor.u32 v26, v27  }
0x76d: {  	v27 =	vperm.xlane v26, v2;
	_ =	sdelay $0x1  }
0x76e: {  	v28 =	vperm.xlane v26, v1;
	v27 =	vadd.s32 v4, v27;
	_ =	sdelay $0x1  }
0x76f: {  	v29 =	vperm.xlane v26, v5;
	v28 =	vadd.s32 v4, v28;
	_ =	sdelay $0x1  }
0x770: {  	s25 =	simm.s32 $0xB200;
	v30 =	vperm.xlane v26, v6;
	v29 =	vadd.s32 v4, v29  }
0x771: {  	[tilespmem:s25], [sflag:$0x1] =	stream.indirect_vreg.gather [hbm4b:s5+s2], $0x80, v27, vm0, $0xb8;
	[tilespmem:$0x18200] =	vst v63  }
0x772: {  	s26 =	simm.s32 $0xB280;
	v27 =	vadd.s32 v4, v30;
	v30 =	vperm.xlane v26, v7  }
0x773: {  	[tilespmem:s26], [sflag:$0x1] =	stream.indirect_vreg.gather [hbm4b:s5+s2], $0x80, v28, vm0, $0xb8;
	[tilespmem:$0x18200] =	vst v63  }
0x774: {  	s25 =	simm.s32 $0xB300;
	v28 =	vadd.s32 v4, v30;
	v30 =	vperm.xlane v26, v8  }
0x775: {  	[tilespmem:s25], [sflag:$0x1] =	stream.indirect_vreg.gather [hbm4b:s5+s2], $0x80, v29, vm0, $0xb8;
	[tilespmem:$0x18200] =	vst v63  }
0x776: {  	s26 =	simm.s32 $0xB380;
	v29 =	vadd.s32 v4, v30;
	v30 =	vperm.xlane v26, v9  }
0x777: {  	[tilespmem:s26], [sflag:$0x1] =	stream.indirect_vreg.gather [hbm4b:s5+s2], $0x80, v27, vm0, $0xb8;
	[tilespmem:$0x18200] =	vst v63  }
0x778: {  	s25 =	simm.s32 $0xB400;
	v27 =	vadd.s32 v4, v30;
	v30 =	vperm.xlane v26, v0  }
0x779: {  	[tilespmem:s25], [sflag:$0x1] =	stream.indirect_vreg.gather [hbm4b:s5+s2], $0x80, v28, vm0, $0xb8;
	[tilespmem:$0x18200] =	vst v63  }
0x77a: {  	s26 =	simm.s32 $0xB480;
	v28 =	vadd.s32 v4, v30;
	v30 =	vperm.xlane v26, v10  }
0x77b: {  	[tilespmem:s26], [sflag:$0x1] =	stream.indirect_vreg.gather [hbm4b:s5+s2], $0x80, v29, vm0, $0xb8;
	[tilespmem:$0x18200] =	vst v63  }
0x77c: {  	s25 =	simm.s32 $0xB500;
	v29 =	vadd.s32 v4, v30;
	v30 =	vperm.xlane v26, v11  }
0x77d: {  	[tilespmem:s25], [sflag:$0x1] =	stream.indirect_vreg.gather [hbm4b:s5+s2], $0x80, v27, vm0, $0xb8;
	[tilespmem:$0x18200] =	vst v63  }
0x77e: {  	s26 =	simm.s32 $0xB580;
	v27 =	vadd.s32 v4, v30;
	v30 =	vperm.xlane v26, v12  }
0x77f: {  	[tilespmem:s26], [sflag:$0x1] =	stream.indirect_vreg.gather [hbm4b:s5+s2], $0x80, v28, vm0, $0xb8;
	[tilespmem:$0x18200] =	vst v63  }
0x780: {  	s25 =	simm.s32 $0xB600;
	v28 =	vadd.s32 v4, v30;
	v30 =	vperm.xlane v26, v13  }
0x781: {  	[tilespmem:s25], [sflag:$0x1] =	stream.indirect_vreg.gather [hbm4b:s5+s2], $0x80, v29, vm0, $0xb8;
	[tilespmem:$0x18200] =	vst v63  }
0x782: {  	s26 =	simm.s32 $0xB680;
	v29 =	vadd.s32 v4, v30;
	v30 =	vperm.xlane v26, v14  }
0x783: {  	[tilespmem:s26], [sflag:$0x1] =	stream.indirect_vreg.gather [hbm4b:s5+s2], $0x80, v27, vm0, $0xb8;
	[tilespmem:$0x18200] =	vst v63  }
0x784: {  	s25 =	simm.s32 $0xB700;
	v27 =	vadd.s32 v4, v30;
	v30 =	vperm.xlane v26, v15  }
0x785: {  	[tilespmem:s25], [sflag:$0x1] =	stream.indirect_vreg.gather [hbm4b:s5+s2], $0x80, v28, vm0, $0xb8;
	[tilespmem:$0x18200] =	vst v63  }
0x786: {  	s26 =	simm.s32 $0xB780;
	v28 =	vadd.s32 v4, v30;
	v30 =	vperm.xlane v26, v16  }
0x787: {  	[tilespmem:s26], [sflag:$0x1] =	stream.indirect_vreg.gather [hbm4b:s5+s2], $0x80, v29, vm0, $0xb8;
	[tilespmem:$0x18200] =	vst v63  }
0x788: {  	v26 =	vperm.xlane v26, v17;
	s25 =	simm.s32 $0xB800;
	v29 =	vadd.s32 v4, v30  }
0x789: {  	[tilespmem:s25], [sflag:$0x1] =	stream.indirect_vreg.gather [hbm4b:s5+s2], $0x80, v27, vm0, $0xb8;
	[tilespmem:$0x18200] =	vst v63  }
0x78a: {  	v26 =	vadd.s32 v4, v26;
	s26 =	simm.s32 $0xB880  }
0x78b: {  	[tilespmem:s26], [sflag:$0x1] =	stream.indirect_vreg.gather [hbm4b:s5+s2], $0x80, v28, vm0, $0xb8;
	[tilespmem:$0x18200] =	vst v63  }
0x78c: {  	s25 =	simm.s32 $0xB900  }
0x78d: {  	[tilespmem:s25], [sflag:$0x1] =	stream.indirect_vreg.gather [hbm4b:s5+s2], $0x80, v29, vm0, $0xb8;
	[tilespmem:$0x18200] =	vst v63  }
0x78e: {  	s26 =	simm.s32 $0xB980  }
0x78f: {  	[tilespmem:s26], [sflag:$0x1] =	stream.indirect_vreg.gather [hbm4b:s5+s2], $0x80, v26, vm0, $0xb8;
	[tilespmem:$0x18200] =	vst v63  }
0x790: {  	v26 =	vld [tilespmem:$0x170];
	_ =	sdelay $0x4  }
0x791: {  	v27 =	vshll.u32 v26, $0x1  }
0x792: {  	v26 =	vand.u32 $0x7, v26;
	v27 =	vand.u32 $0xFFFFFFF0, v27  }
0x793: {  	v26 =	vor.u32 v26, v27  }
0x794: {  	v27 =	vperm.xlane v26, v2;
	_ =	sdelay $0x1  }
0x795: {  	v28 =	vperm.xlane v26, v1;
	v27 =	vadd.s32 v4, v27;
	_ =	sdelay $0x1  }
0x796: {  	v29 =	vperm.xlane v26, v5;
	v28 =	vadd.s32 v4, v28;
	_ =	sdelay $0x1  }
0x797: {  	s25 =	simm.s32 $0xBA00;
	v30 =	vperm.xlane v26, v6;
	v29 =	vadd.s32 v4, v29  }
0x798: {  	[tilespmem:s25], [sflag:$0x1] =	stream.indirect_vreg.gather [hbm4b:s5+s2], $0x80, v27, vm0, $0xb8;
	[tilespmem:$0x18200] =	vst v63  }
0x799: {  	s26 =	simm.s32 $0xBA80;
	v27 =	vadd.s32 v4, v30;
	v30 =	vperm.xlane v26, v7  }
0x79a: {  	[tilespmem:s26], [sflag:$0x1] =	stream.indirect_vreg.gather [hbm4b:s5+s2], $0x80, v28, vm0, $0xb8;
	[tilespmem:$0x18200] =	vst v63  }
0x79b: {  	s25 =	simm.s32 $0xBB00;
	v28 =	vadd.s32 v4, v30;
	v30 =	vperm.xlane v26, v8  }
0x79c: {  	[tilespmem:s25], [sflag:$0x1] =	stream.indirect_vreg.gather [hbm4b:s5+s2], $0x80, v29, vm0, $0xb8;
	[tilespmem:$0x18200] =	vst v63  }
0x79d: {  	s26 =	simm.s32 $0xBB80;
	v29 =	vadd.s32 v4, v30;
	v30 =	vperm.xlane v26, v9  }
0x79e: {  	[tilespmem:s26], [sflag:$0x1] =	stream.indirect_vreg.gather [hbm4b:s5+s2], $0x80, v27, vm0, $0xb8;
	[tilespmem:$0x18200] =	vst v63  }
0x79f: {  	s25 =	simm.s32 $0xBC00;
	v27 =	vadd.s32 v4, v30;
	v30 =	vperm.xlane v26, v0  }
0x7a0: {  	[tilespmem:s25], [sflag:$0x1] =	stream.indirect_vreg.gather [hbm4b:s5+s2], $0x80, v28, vm0, $0xb8;
	[tilespmem:$0x18200] =	vst v63  }
0x7a1: {  	s26 =	simm.s32 $0xBC80;
	v28 =	vadd.s32 v4, v30;
	v30 =	vperm.xlane v26, v10  }
0x7a2: {  	[tilespmem:s26], [sflag:$0x1] =	stream.indirect_vreg.gather [hbm4b:s5+s2], $0x80, v29, vm0, $0xb8;
	[tilespmem:$0x18200] =	vst v63  }
0x7a3: {  	s25 =	simm.s32 $0xBD00;
	v29 =	vadd.s32 v4, v30;
	v30 =	vperm.xlane v26, v11  }
0x7a4: {  	[tilespmem:s25], [sflag:$0x1] =	stream.indirect_vreg.gather [hbm4b:s5+s2], $0x80, v27, vm0, $0xb8;
	[tilespmem:$0x18200] =	vst v63  }
0x7a5: {  	s26 =	simm.s32 $0xBD80;
	v27 =	vadd.s32 v4, v30;
	v30 =	vperm.xlane v26, v12  }
0x7a6: {  	[tilespmem:s26], [sflag:$0x1] =	stream.indirect_vreg.gather [hbm4b:s5+s2], $0x80, v28, vm0, $0xb8;
	[tilespmem:$0x18200] =	vst v63  }
0x7a7: {  	s25 =	simm.s32 $0xBE00;
	v28 =	vadd.s32 v4, v30;
	v30 =	vperm.xlane v26, v13  }
0x7a8: {  	[tilespmem:s25], [sflag:$0x1] =	stream.indirect_vreg.gather [hbm4b:s5+s2], $0x80, v29, vm0, $0xb8;
	[tilespmem:$0x18200] =	vst v63  }
0x7a9: {  	s26 =	simm.s32 $0xBE80;
	v29 =	vadd.s32 v4, v30;
	v30 =	vperm.xlane v26, v14  }
0x7aa: {  	[tilespmem:s26], [sflag:$0x1] =	stream.indirect_vreg.gather [hbm4b:s5+s2], $0x80, v27, vm0, $0xb8;
	[tilespmem:$0x18200] =	vst v63  }
0x7ab: {  	s25 =	simm.s32 $0xBF00;
	v27 =	vadd.s32 v4, v30;
	v30 =	vperm.xlane v26, v15  }
0x7ac: {  	[tilespmem:s25], [sflag:$0x1] =	stream.indirect_vreg.gather [hbm4b:s5+s2], $0x80, v28, vm0, $0xb8;
	[tilespmem:$0x18200] =	vst v63  }
0x7ad: {  	s26 =	simm.s32 $0xBF80;
	v28 =	vadd.s32 v4, v30;
	v30 =	vperm.xlane v26, v16  }
0x7ae: {  	[tilespmem:s26], [sflag:$0x1] =	stream.indirect_vreg.gather [hbm4b:s5+s2], $0x80, v29, vm0, $0xb8;
	[tilespmem:$0x18200] =	vst v63  }
0x7af: {  	v26 =	vperm.xlane v26, v17;
	s25 =	simm.s32 $0xC000;
	v29 =	vadd.s32 v4, v30  }
0x7b0: {  	[tilespmem:s25], [sflag:$0x1] =	stream.indirect_vreg.gather [hbm4b:s5+s2], $0x80, v27, vm0, $0xb8;
	[tilespmem:$0x18200] =	vst v63  }
0x7b1: {  	v26 =	vadd.s32 v4, v26;
	s26 =	simm.s32 $0xC080  }
0x7b2: {  	[tilespmem:s26], [sflag:$0x1] =	stream.indirect_vreg.gather [hbm4b:s5+s2], $0x80, v28, vm0, $0xb8;
	[tilespmem:$0x18200] =	vst v63  }
0x7b3: {  	s25 =	simm.s32 $0xC100  }
0x7b4: {  	[tilespmem:s25], [sflag:$0x1] =	stream.indirect_vreg.gather [hbm4b:s5+s2], $0x80, v29, vm0, $0xb8;
	[tilespmem:$0x18200] =	vst v63  }
0x7b5: {  	s26 =	simm.s32 $0xC180  }
0x7b6: {  	[tilespmem:s26], [sflag:$0x1] =	stream.indirect_vreg.gather [hbm4b:s5+s2], $0x80, v26, vm0, $0xb8;
	[tilespmem:$0x18200] =	vst v63  }
0x7b7: {  	s25 =	rddreg [dreg:$0x9];
	s26 =	simm.s32 $0x10200  }
0x7b8: {  	[tilespmem:s26], [sflag:$0x1] =	stream.strided.gather [hbm4b:s25+s20], $0x2000, s31, s20, $0x38;
	[tilespmem:$0x18200] =	vst v63  }
0x7b9: {  	_ =	swait.ge [sflag:s11], $0x4000  }
0x7ba: {  	[sflag:s11] =	ssyncset.done $0x0  }
0x7bb: {  	[sflag:s11] =	ssyncadd.s32 $0xFFFFC000  }
0x7bc: {  	_ =	swait.ge [sflag:s11], $0x4000  }
0x7bd: {  	[sflag:s11] =	ssyncset.done $0x0  }
0x7be: {  	[sflag:s11] =	ssyncadd.s32 $0xFFFFC000  }
0x7bf: {  	_ =	swait.ge [sflag:s11], $0x2000  }
0x7c0: {  	[sflag:s11] =	ssyncset.done $0x0  }
0x7c1: {  	s26 =	simm.s32 $0x12270;
	[sflag:s11] =	ssyncadd.s32 $0xFFFFE000  }
0x7c2: {  	v27 =	vld [tilespmem:s26+$0x0];
	_ =	sdelay $0x1  }
0x7c3: {  	v28 =	vld [tilespmem:s26+$0xFFFFFFA0];
	_ =	sdelay $0x1  }
0x7c4: {  	v31 =	vld [tilespmem:s26+$0xFFFFFFB0]  }
0x7c5: {  	v26 =	vand.u32 $0x7F, v27  }
0x7c6: {  	v58 =	vld [tilespmem:s26+$0xFFFFFFC0];
	v26 =	vor.u32 v19, v26  }
0x7c7: {  	v59 =	vld [tilespmem:s26+$0xFFFFFF90];
	v29 =	vand.u32 $0x7F, v28  }
0x7c8: {  	v60 =	vld [tilespmem:s26+$0xFFFFFFD0];
	v29 =	vor.u32 v20, v29  }
0x7c9: {  	v61 =	vld [tilespmem:s26+$0xFFFFFFE0];
	v30 =	vand.u32 $0x7F, v31  }
0x7ca: {  	v62 =	vld [tilespmem:s26+$0xFFFFFFF0];
	v30 =	vor.u32 v21, v30  }
0x7cb: {  	v37 =	vand.u32 $0x7F, v58;
	v38 =	vld.idx.msk [tilespmem:v26+s30+$0x0], $0xffff  }
0x7cc: {  	v39 =	vand.u32 $0x7F, v59;
	v37 =	vor.u32 v22, v37;
	v40 =	vld.idx.msk [tilespmem:v26+s19+$0x0], $0xffff  }
0x7cd: {  	v39 =	vor.u32 v18, v39;
	v41 =	vld.idx.msk [tilespmem:v29+s30+$0x0], $0xffff  }
0x7ce: {  	v42 =	vld.idx.msk [tilespmem:v29+s19+$0x0], $0xffff  }
0x7cf: {  	v26 =	vand.u32 $0x7F, v60;
	v43 =	vld.idx.msk [tilespmem:v30+s30+$0x0], $0xffff  }
0x7d0: {  	v45 =	vld.idx.msk [tilespmem:v30+s19+$0x0], $0xffff;
	v44 =	vor.u32 v23, v26  }
0x7d1: {  	v29 =	vld.idx.msk [tilespmem:v37+s30+$0x0], $0xffff;
	v26 =	vand.u32 $0x7F, v61  }
0x7d2: {  	v30 =	vld.idx.msk [tilespmem:v39+s30+$0x0], $0xffff;
	v26 =	vor.u32 v24, v26  }
0x7d3: {  	vm1 =	vlt.s32 v28, $0x80;
	vm2 =	vlt.s32 v31, $0x80;
	vm5 =	vlt.s32 v27, $0x80;
	v31 =	vld.idx.msk [tilespmem:v39+s19+$0x0], $0xffff  }
0x7d4: {  	s25 =	simm.s32 $0x16270;
	vm4 =	vlt.s32 v58, $0x80;
	vm3 =	vlt.s32 v60, $0x80;
	v32 =	vld.idx.msk [tilespmem:v37+s19+$0x0], $0xffff;
	v27 =	vsel vm5, v38, v40  }
0x7d5: {  	vm6 =	vlt.s32 v61, $0x80;
	vm7 =	vlt.s32 v62, $0x80;
	v63 =	vsel vm2, v43, v45;
	[tilespmem:s25+$0x0] =	vst v27;
	v33 =	vld.idx.msk [tilespmem:v44+s30+$0x0], $0xffff  }
0x7d6: {  	v28 =	vand.u32 $0x7F, v62;
	vm5 =	vlt.s32 v59, $0x80;
	v27 =	vsel vm1, v41, v42;
	v34 =	vld.idx.msk [tilespmem:v44+s19+$0x0], $0xffff;
	[tilespmem:s25+$0xFFFFFFB0] =	vst v63  }
0x7d7: {  	s14 =	simm.s32 $0x0;
	s26 =	simm.s32 $0x122F0;
	vm2 =	vmmov vm6;
	vm1 =	vmmov vm7;
	[tilespmem:s25+$0xFFFFFFA0] =	vst v27;
	v27 =	vor.u32 v25, v28;
	v28 =	vld.idx.msk [tilespmem:v26+s30+$0x0], $0xffff  }
.LBB2_4:
0x7d8: {  	v35 =	vld [tilespmem:s26+$0x0]  }
0x7d9: {  	s14 =	sadd.s32 $0x8, s14;
	v30 =	vsel vm5, v30, v31;
	v36 =	vld [tilespmem:s26+$0xFFFFFFA0]  }
0x7da: {  	p0 =	slt.u32 s14, $0x1F8;
	v29 =	vsel vm4, v29, v32;
	v31 =	vld [tilespmem:s26+$0xFFFFFFB0];
	[tilespmem:s25+$0xFFFFFF90] =	vst v30  }
0x7db: {  	v30 =	vld [tilespmem:s26+$0xFFFFFFC0];
	[tilespmem:s25+$0xFFFFFFC0] =	vst v29  }
0x7dc: {  	v32 =	vsel vm3, v33, v34;
	v29 =	vld [tilespmem:s26+$0xFFFFFFD0]  }
0x7dd: {  	v33 =	vld [tilespmem:s26+$0xFFFFFFE0];
	v34 =	vand.u32 $0x7F, v35;
	[tilespmem:s25+$0xFFFFFFD0] =	vst v32  }
0x7de: {  	vm6 =	vlt.s32 v36, $0x80;
	v32 =	vand.u32 $0x7F, v36;
	v36 =	vld [tilespmem:s26+$0xFFFFFFF0];
	v34 =	vor.u32 v19, v34  }
0x7df: {  	v37 =	vld [tilespmem:s26+$0xFFFFFF90];
	v32 =	vor.u32 v20, v32;
	vm7 =	vlt.s32 v31, $0x80;
	v31 =	vand.u32 $0x7F, v31  }
0x7e0: {  	v31 =	vor.u32 v21, v31;
	vm4 =	vlt.s32 v30, $0x80;
	v30 =	vand.u32 $0x7F, v30;
	v38 =	vld.idx.msk [tilespmem:v26+s19+$0x0], $0xffff  }
0x7e1: {  	v39 =	vor.u32 v22, v30;
	vm3 =	vlt.s32 v29, $0x80;
	v26 =	vand.u32 $0x7F, v29;
	v29 =	vld.idx.msk [tilespmem:v27+s30+$0x0], $0xffff  }
0x7e2: {  	v40 =	vor.u32 v23, v26;
	vm8 =	vlt.s32 v33, $0x80;
	v26 =	vand.u32 $0x7F, v33;
	v30 =	vld.idx.msk [tilespmem:v27+s19+$0x0], $0xffff  }
0x7e3: {  	v26 =	vor.u32 v24, v26;
	vm9 =	vlt.s32 v36, $0x80;
	v27 =	vand.u32 $0x7F, v36;
	v33 =	vld.idx.msk [tilespmem:v34+s30+$0x0], $0xffff  }
0x7e4: {  	vm5 =	vlt.s32 v37, $0x80;
	v36 =	vand.u32 $0x7F, v37;
	v27 =	vor.u32 v25, v27;
	v34 =	vld.idx.msk [tilespmem:v34+s19+$0x0], $0xffff  }
0x7e5: {  	v36 =	vor.u32 v18, v36;
	v37 =	vld.idx.msk [tilespmem:v32+s30+$0x0], $0xffff  }
0x7e6: {  	v28 =	vsel vm2, v28, v38;
	vm2 =	vmmov vm8;
	v32 =	vld.idx.msk [tilespmem:v32+s19+$0x0], $0xffff  }
0x7e7: {  	v38 =	vld.idx.msk [tilespmem:v31+s30+$0x0], $0xffff;
	[tilespmem:s25+$0xFFFFFFE0] =	vst v28  }
0x7e8: {  	v30 =	vsel vm1, v29, v30;
	vm1 =	vmmov vm9;
	v28 =	vld.idx.msk [tilespmem:v31+s19+$0x0], $0xffff  }
0x7e9: {  	vm8 =	vlt.s32 v35, $0x80;
	v29 =	vld.idx.msk [tilespmem:v39+s30+$0x0], $0xffff;
	[tilespmem:s25+$0xFFFFFFF0] =	vst v30  }
0x7ea: {  	v33 =	vsel vm8, v33, v34;
	s25 =	sadd.s32 $0x80, s25;
	v30 =	vld.idx.msk [tilespmem:v36+s30+$0x0], $0xffff  }
.Ltmp1:
0x7eb: {  	v31 =	vld.idx.msk [tilespmem:v36+s19+$0x0], $0xffff;
	[tilespmem:s25+$0x0] =	vst v33;
	(pc) =	sbr.rel @p0 .LBB2_4-.Ltmp1, $4  }
0x7ec: {  	v33 =	vsel vm6, v37, v32;
	v32 =	vld.idx.msk [tilespmem:v39+s19+$0x0], $0xffff  }
0x7ed: {  	[tilespmem:s25+$0xFFFFFFA0] =	vst v33;
	v33 =	vld.idx.msk [tilespmem:v40+s30+$0x0], $0xffff  }
0x7ee: {  	v28 =	vsel vm7, v38, v28;
	v34 =	vld.idx.msk [tilespmem:v40+s19+$0x0], $0xffff  }
0x7ef: {  	s26 =	sadd.s32 $0x80, s26;
	[tilespmem:s25+$0xFFFFFFB0] =	vst v28;
	v28 =	vld.idx.msk [tilespmem:v26+s30+$0x0], $0xffff  }
0x7f0: {  	_ =	sdelay $0x3  }
0x7f1: {  	v26 =	vld.idx.msk [tilespmem:v26+s19+$0x0], $0xffff  }
0x7f2: {  	v35 =	vld.idx.msk [tilespmem:v27+s30+$0x0], $0xffff  }
0x7f3: {  	v27 =	vld.idx.msk [tilespmem:v27+s19+$0x0], $0xffff  }
0x7f4: {  	v30 =	vsel vm5, v30, v31  }
0x7f5: {  	[tilespmem:s25+$0xFFFFFF90] =	vst v30;
	v29 =	vsel vm4, v29, v32  }
0x7f6: {  	[tilespmem:s25+$0xFFFFFFC0] =	vst v29;
	v29 =	vsel vm3, v33, v34  }
0x7f7: {  	[tilespmem:s25+$0xFFFFFFD0] =	vst v29;
	v26 =	vsel vm2, v28, v26  }
0x7f8: {  	[tilespmem:s25+$0xFFFFFFE0] =	vst v26;
	v26 =	vsel vm1, v35, v27  }
0x7f9: {  	[tilespmem:s25+$0xFFFFFFF0] =	vst v26  }
0x7fa: {  	s14 =	rddreg [dreg:$0xa]  }
0x7fb: {  	[hbm4b:s14+s20] =	stream.strided.scatter [tilespmem:s12], [sflag:$0x2], $0x2000, s31, s20, $0x38;
	[tilespmem:$0x18200] =	vst v63  }
0x7fc: {  	v26 =	vld [tilespmem:$0x180];
	_ =	sdelay $0x4  }
0x7fd: {  	v27 =	vshll.u32 v26, $0x1  }
0x7fe: {  	v26 =	vand.u32 $0x7, v26;
	v27 =	vand.u32 $0xFFFFFFF0, v27  }
0x7ff: {  	v26 =	vor.u32 v26, v27  }
0x800: {  	v27 =	vperm.xlane v26, v2;
	_ =	sdelay $0x1  }
0x801: {  	v28 =	vperm.xlane v26, v1;
	v27 =	vadd.s32 v4, v27;
	_ =	sdelay $0x1  }
0x802: {  	v29 =	vperm.xlane v26, v5;
	v28 =	vadd.s32 v4, v28;
	_ =	sdelay $0x1  }
0x803: {  	v30 =	vperm.xlane v26, v6;
	v29 =	vadd.s32 v4, v29  }
0x804: {  	[tilespmem:s30], [sflag:$0x1] =	stream.indirect_vreg.gather [hbm4b:s3+s2], $0x80, v27, vm0, $0xb8;
	[tilespmem:$0x18200] =	vst v63  }
0x805: {  	s26 =	simm.s32 $0x4280;
	v27 =	vadd.s32 v4, v30;
	v30 =	vperm.xlane v26, v7  }
0x806: {  	[tilespmem:s26], [sflag:$0x1] =	stream.indirect_vreg.gather [hbm4b:s3+s2], $0x80, v28, vm0, $0xb8;
	[tilespmem:$0x18200] =	vst v63  }
0x807: {  	s25 =	simm.s32 $0x4300;
	v28 =	vadd.s32 v4, v30;
	v30 =	vperm.xlane v26, v8  }
0x808: {  	[tilespmem:s25], [sflag:$0x1] =	stream.indirect_vreg.gather [hbm4b:s3+s2], $0x80, v29, vm0, $0xb8;
	[tilespmem:$0x18200] =	vst v63  }
0x809: {  	s26 =	simm.s32 $0x4380;
	v29 =	vadd.s32 v4, v30;
	v30 =	vperm.xlane v26, v9  }
0x80a: {  	[tilespmem:s26], [sflag:$0x1] =	stream.indirect_vreg.gather [hbm4b:s3+s2], $0x80, v27, vm0, $0xb8;
	[tilespmem:$0x18200] =	vst v63  }
0x80b: {  	s25 =	simm.s32 $0x4400;
	v27 =	vadd.s32 v4, v30;
	v30 =	vperm.xlane v26, v0  }
0x80c: {  	[tilespmem:s25], [sflag:$0x1] =	stream.indirect_vreg.gather [hbm4b:s3+s2], $0x80, v28, vm0, $0xb8;
	[tilespmem:$0x18200] =	vst v63  }
0x80d: {  	s26 =	simm.s32 $0x4480;
	v28 =	vadd.s32 v4, v30;
	v30 =	vperm.xlane v26, v10  }
0x80e: {  	[tilespmem:s26], [sflag:$0x1] =	stream.indirect_vreg.gather [hbm4b:s3+s2], $0x80, v29, vm0, $0xb8;
	[tilespmem:$0x18200] =	vst v63  }
0x80f: {  	s25 =	simm.s32 $0x4500;
	v29 =	vadd.s32 v4, v30;
	v30 =	vperm.xlane v26, v11  }
0x810: {  	[tilespmem:s25], [sflag:$0x1] =	stream.indirect_vreg.gather [hbm4b:s3+s2], $0x80, v27, vm0, $0xb8;
	[tilespmem:$0x18200] =	vst v63  }
0x811: {  	s26 =	simm.s32 $0x4580;
	v27 =	vadd.s32 v4, v30;
	v30 =	vperm.xlane v26, v12  }
0x812: {  	[tilespmem:s26], [sflag:$0x1] =	stream.indirect_vreg.gather [hbm4b:s3+s2], $0x80, v28, vm0, $0xb8;
	[tilespmem:$0x18200] =	vst v63  }
0x813: {  	s25 =	simm.s32 $0x4600;
	v28 =	vadd.s32 v4, v30;
	v30 =	vperm.xlane v26, v13  }
0x814: {  	[tilespmem:s25], [sflag:$0x1] =	stream.indirect_vreg.gather [hbm4b:s3+s2], $0x80, v29, vm0, $0xb8;
	[tilespmem:$0x18200] =	vst v63  }
0x815: {  	s26 =	simm.s32 $0x4680;
	v29 =	vadd.s32 v4, v30;
	v30 =	vperm.xlane v26, v14  }
0x816: {  	[tilespmem:s26], [sflag:$0x1] =	stream.indirect_vreg.gather [hbm4b:s3+s2], $0x80, v27, vm0, $0xb8;
	[tilespmem:$0x18200] =	vst v63  }
0x817: {  	s25 =	simm.s32 $0x4700;
	v27 =	vadd.s32 v4, v30;
	v30 =	vperm.xlane v26, v15  }
0x818: {  	[tilespmem:s25], [sflag:$0x1] =	stream.indirect_vreg.gather [hbm4b:s3+s2], $0x80, v28, vm0, $0xb8;
	[tilespmem:$0x18200] =	vst v63  }
0x819: {  	s26 =	simm.s32 $0x4780;
	v28 =	vadd.s32 v4, v30;
	v30 =	vperm.xlane v26, v16  }
0x81a: {  	[tilespmem:s26], [sflag:$0x1] =	stream.indirect_vreg.gather [hbm4b:s3+s2], $0x80, v29, vm0, $0xb8;
	[tilespmem:$0x18200] =	vst v63  }
0x81b: {  	v26 =	vperm.xlane v26, v17;
	s25 =	simm.s32 $0x4800;
	v29 =	vadd.s32 v4, v30  }
0x81c: {  	[tilespmem:s25], [sflag:$0x1] =	stream.indirect_vreg.gather [hbm4b:s3+s2], $0x80, v27, vm0, $0xb8;
	[tilespmem:$0x18200] =	vst v63  }
0x81d: {  	v26 =	vadd.s32 v4, v26;
	s26 =	simm.s32 $0x4880  }
0x81e: {  	[tilespmem:s26], [sflag:$0x1] =	stream.indirect_vreg.gather [hbm4b:s3+s2], $0x80, v28, vm0, $0xb8;
	[tilespmem:$0x18200] =	vst v63  }
0x81f: {  	s25 =	simm.s32 $0x4900  }
0x820: {  	[tilespmem:s25], [sflag:$0x1] =	stream.indirect_vreg.gather [hbm4b:s3+s2], $0x80, v29, vm0, $0xb8;
	[tilespmem:$0x18200] =	vst v63  }
0x821: {  	s26 =	simm.s32 $0x4980  }
0x822: {  	[tilespmem:s26], [sflag:$0x1] =	stream.indirect_vreg.gather [hbm4b:s3+s2], $0x80, v26, vm0, $0xb8;
	[tilespmem:$0x18200] =	vst v63  }
0x823: {  	v26 =	vld [tilespmem:$0x190];
	_ =	sdelay $0x4  }
0x824: {  	v27 =	vshll.u32 v26, $0x1  }
0x825: {  	v26 =	vand.u32 $0x7, v26;
	v27 =	vand.u32 $0xFFFFFFF0, v27  }
0x826: {  	v26 =	vor.u32 v26, v27  }
0x827: {  	v27 =	vperm.xlane v26, v2;
	_ =	sdelay $0x1  }
0x828: {  	v28 =	vperm.xlane v26, v1;
	v27 =	vadd.s32 v4, v27;
	_ =	sdelay $0x1  }
0x829: {  	v29 =	vperm.xlane v26, v5;
	v28 =	vadd.s32 v4, v28;
	_ =	sdelay $0x1  }
0x82a: {  	s25 =	simm.s32 $0x4A00;
	v30 =	vperm.xlane v26, v6;
	v29 =	vadd.s32 v4, v29  }
0x82b: {  	[tilespmem:s25], [sflag:$0x1] =	stream.indirect_vreg.gather [hbm4b:s3+s2], $0x80, v27, vm0, $0xb8;
	[tilespmem:$0x18200] =	vst v63  }
0x82c: {  	s26 =	simm.s32 $0x4A80;
	v27 =	vadd.s32 v4, v30;
	v30 =	vperm.xlane v26, v7  }
0x82d: {  	[tilespmem:s26], [sflag:$0x1] =	stream.indirect_vreg.gather [hbm4b:s3+s2], $0x80, v28, vm0, $0xb8;
	[tilespmem:$0x18200] =	vst v63  }
0x82e: {  	s25 =	simm.s32 $0x4B00;
	v28 =	vadd.s32 v4, v30;
	v30 =	vperm.xlane v26, v8  }
0x82f: {  	[tilespmem:s25], [sflag:$0x1] =	stream.indirect_vreg.gather [hbm4b:s3+s2], $0x80, v29, vm0, $0xb8;
	[tilespmem:$0x18200] =	vst v63  }
0x830: {  	s26 =	simm.s32 $0x4B80;
	v29 =	vadd.s32 v4, v30;
	v30 =	vperm.xlane v26, v9  }
0x831: {  	[tilespmem:s26], [sflag:$0x1] =	stream.indirect_vreg.gather [hbm4b:s3+s2], $0x80, v27, vm0, $0xb8;
	[tilespmem:$0x18200] =	vst v63  }
0x832: {  	s25 =	simm.s32 $0x4C00;
	v27 =	vadd.s32 v4, v30;
	v30 =	vperm.xlane v26, v0  }
0x833: {  	[tilespmem:s25], [sflag:$0x1] =	stream.indirect_vreg.gather [hbm4b:s3+s2], $0x80, v28, vm0, $0xb8;
	[tilespmem:$0x18200] =	vst v63  }
0x834: {  	s26 =	simm.s32 $0x4C80;
	v28 =	vadd.s32 v4, v30;
	v30 =	vperm.xlane v26, v10  }
0x835: {  	[tilespmem:s26], [sflag:$0x1] =	stream.indirect_vreg.gather [hbm4b:s3+s2], $0x80, v29, vm0, $0xb8;
	[tilespmem:$0x18200] =	vst v63  }
0x836: {  	s25 =	simm.s32 $0x4D00;
	v29 =	vadd.s32 v4, v30;
	v30 =	vperm.xlane v26, v11  }
0x837: {  	[tilespmem:s25], [sflag:$0x1] =	stream.indirect_vreg.gather [hbm4b:s3+s2], $0x80, v27, vm0, $0xb8;
	[tilespmem:$0x18200] =	vst v63  }
0x838: {  	s26 =	simm.s32 $0x4D80;
	v27 =	vadd.s32 v4, v30;
	v30 =	vperm.xlane v26, v12  }
0x839: {  	[tilespmem:s26], [sflag:$0x1] =	stream.indirect_vreg.gather [hbm4b:s3+s2], $0x80, v28, vm0, $0xb8;
	[tilespmem:$0x18200] =	vst v63  }
0x83a: {  	s25 =	simm.s32 $0x4E00;
	v28 =	vadd.s32 v4, v30;
	v30 =	vperm.xlane v26, v13  }
0x83b: {  	[tilespmem:s25], [sflag:$0x1] =	stream.indirect_vreg.gather [hbm4b:s3+s2], $0x80, v29, vm0, $0xb8;
	[tilespmem:$0x18200] =	vst v63  }
0x83c: {  	s26 =	simm.s32 $0x4E80;
	v29 =	vadd.s32 v4, v30;
	v30 =	vperm.xlane v26, v14  }
0x83d: {  	[tilespmem:s26], [sflag:$0x1] =	stream.indirect_vreg.gather [hbm4b:s3+s2], $0x80, v27, vm0, $0xb8;
	[tilespmem:$0x18200] =	vst v63  }
0x83e: {  	s25 =	simm.s32 $0x4F00;
	v27 =	vadd.s32 v4, v30;
	v30 =	vperm.xlane v26, v15  }
0x83f: {  	[tilespmem:s25], [sflag:$0x1] =	stream.indirect_vreg.gather [hbm4b:s3+s2], $0x80, v28, vm0, $0xb8;
	[tilespmem:$0x18200] =	vst v63  }
0x840: {  	s26 =	simm.s32 $0x4F80;
	v28 =	vadd.s32 v4, v30;
	v30 =	vperm.xlane v26, v16  }
0x841: {  	[tilespmem:s26], [sflag:$0x1] =	stream.indirect_vreg.gather [hbm4b:s3+s2], $0x80, v29, vm0, $0xb8;
	[tilespmem:$0x18200] =	vst v63  }
0x842: {  	v26 =	vperm.xlane v26, v17;
	s25 =	simm.s32 $0x5000;
	v29 =	vadd.s32 v4, v30  }
0x843: {  	[tilespmem:s25], [sflag:$0x1] =	stream.indirect_vreg.gather [hbm4b:s3+s2], $0x80, v27, vm0, $0xb8;
	[tilespmem:$0x18200] =	vst v63  }
0x844: {  	v26 =	vadd.s32 v4, v26;
	s26 =	simm.s32 $0x5080  }
0x845: {  	[tilespmem:s26], [sflag:$0x1] =	stream.indirect_vreg.gather [hbm4b:s3+s2], $0x80, v28, vm0, $0xb8;
	[tilespmem:$0x18200] =	vst v63  }
0x846: {  	s25 =	simm.s32 $0x5100  }
0x847: {  	[tilespmem:s25], [sflag:$0x1] =	stream.indirect_vreg.gather [hbm4b:s3+s2], $0x80, v29, vm0, $0xb8;
	[tilespmem:$0x18200] =	vst v63  }
0x848: {  	s26 =	simm.s32 $0x5180  }
0x849: {  	[tilespmem:s26], [sflag:$0x1] =	stream.indirect_vreg.gather [hbm4b:s3+s2], $0x80, v26, vm0, $0xb8;
	[tilespmem:$0x18200] =	vst v63  }
0x84a: {  	v26 =	vld [tilespmem:$0x1A0];
	_ =	sdelay $0x4  }
0x84b: {  	v27 =	vshll.u32 v26, $0x1  }
0x84c: {  	v26 =	vand.u32 $0x7, v26;
	v27 =	vand.u32 $0xFFFFFFF0, v27  }
0x84d: {  	v26 =	vor.u32 v26, v27  }
0x84e: {  	v27 =	vperm.xlane v26, v2;
	_ =	sdelay $0x1  }
0x84f: {  	v28 =	vperm.xlane v26, v1;
	v27 =	vadd.s32 v4, v27;
	_ =	sdelay $0x1  }
0x850: {  	v29 =	vperm.xlane v26, v5;
	v28 =	vadd.s32 v4, v28;
	_ =	sdelay $0x1  }
0x851: {  	s25 =	simm.s32 $0x5200;
	v30 =	vperm.xlane v26, v6;
	v29 =	vadd.s32 v4, v29  }
0x852: {  	[tilespmem:s25], [sflag:$0x1] =	stream.indirect_vreg.gather [hbm4b:s3+s2], $0x80, v27, vm0, $0xb8;
	[tilespmem:$0x18200] =	vst v63  }
0x853: {  	s26 =	simm.s32 $0x5280;
	v27 =	vadd.s32 v4, v30;
	v30 =	vperm.xlane v26, v7  }
0x854: {  	[tilespmem:s26], [sflag:$0x1] =	stream.indirect_vreg.gather [hbm4b:s3+s2], $0x80, v28, vm0, $0xb8;
	[tilespmem:$0x18200] =	vst v63  }
0x855: {  	s25 =	simm.s32 $0x5300;
	v28 =	vadd.s32 v4, v30;
	v30 =	vperm.xlane v26, v8  }
0x856: {  	[tilespmem:s25], [sflag:$0x1] =	stream.indirect_vreg.gather [hbm4b:s3+s2], $0x80, v29, vm0, $0xb8;
	[tilespmem:$0x18200] =	vst v63  }
0x857: {  	s26 =	simm.s32 $0x5380;
	v29 =	vadd.s32 v4, v30;
	v30 =	vperm.xlane v26, v9  }
0x858: {  	[tilespmem:s26], [sflag:$0x1] =	stream.indirect_vreg.gather [hbm4b:s3+s2], $0x80, v27, vm0, $0xb8;
	[tilespmem:$0x18200] =	vst v63  }
0x859: {  	s25 =	simm.s32 $0x5400;
	v27 =	vadd.s32 v4, v30;
	v30 =	vperm.xlane v26, v0  }
0x85a: {  	[tilespmem:s25], [sflag:$0x1] =	stream.indirect_vreg.gather [hbm4b:s3+s2], $0x80, v28, vm0, $0xb8;
	[tilespmem:$0x18200] =	vst v63  }
0x85b: {  	s26 =	simm.s32 $0x5480;
	v28 =	vadd.s32 v4, v30;
	v30 =	vperm.xlane v26, v10  }
0x85c: {  	[tilespmem:s26], [sflag:$0x1] =	stream.indirect_vreg.gather [hbm4b:s3+s2], $0x80, v29, vm0, $0xb8;
	[tilespmem:$0x18200] =	vst v63  }
0x85d: {  	s25 =	simm.s32 $0x5500;
	v29 =	vadd.s32 v4, v30;
	v30 =	vperm.xlane v26, v11  }
0x85e: {  	[tilespmem:s25], [sflag:$0x1] =	stream.indirect_vreg.gather [hbm4b:s3+s2], $0x80, v27, vm0, $0xb8;
	[tilespmem:$0x18200] =	vst v63  }
0x85f: {  	s26 =	simm.s32 $0x5580;
	v27 =	vadd.s32 v4, v30;
	v30 =	vperm.xlane v26, v12  }
0x860: {  	[tilespmem:s26], [sflag:$0x1] =	stream.indirect_vreg.gather [hbm4b:s3+s2], $0x80, v28, vm0, $0xb8;
	[tilespmem:$0x18200] =	vst v63  }
0x861: {  	s25 =	simm.s32 $0x5600;
	v28 =	vadd.s32 v4, v30;
	v30 =	vperm.xlane v26, v13  }
0x862: {  	[tilespmem:s25], [sflag:$0x1] =	stream.indirect_vreg.gather [hbm4b:s3+s2], $0x80, v29, vm0, $0xb8;
	[tilespmem:$0x18200] =	vst v63  }
0x863: {  	s26 =	simm.s32 $0x5680;
	v29 =	vadd.s32 v4, v30;
	v30 =	vperm.xlane v26, v14  }
0x864: {  	[tilespmem:s26], [sflag:$0x1] =	stream.indirect_vreg.gather [hbm4b:s3+s2], $0x80, v27, vm0, $0xb8;
	[tilespmem:$0x18200] =	vst v63  }
0x865: {  	s25 =	simm.s32 $0x5700;
	v27 =	vadd.s32 v4, v30;
	v30 =	vperm.xlane v26, v15  }
0x866: {  	[tilespmem:s25], [sflag:$0x1] =	stream.indirect_vreg.gather [hbm4b:s3+s2], $0x80, v28, vm0, $0xb8;
	[tilespmem:$0x18200] =	vst v63  }
0x867: {  	s26 =	simm.s32 $0x5780;
	v28 =	vadd.s32 v4, v30;
	v30 =	vperm.xlane v26, v16  }
0x868: {  	[tilespmem:s26], [sflag:$0x1] =	stream.indirect_vreg.gather [hbm4b:s3+s2], $0x80, v29, vm0, $0xb8;
	[tilespmem:$0x18200] =	vst v63  }
0x869: {  	v26 =	vperm.xlane v26, v17;
	s25 =	simm.s32 $0x5800;
	v29 =	vadd.s32 v4, v30  }
0x86a: {  	[tilespmem:s25], [sflag:$0x1] =	stream.indirect_vreg.gather [hbm4b:s3+s2], $0x80, v27, vm0, $0xb8;
	[tilespmem:$0x18200] =	vst v63  }
0x86b: {  	v26 =	vadd.s32 v4, v26;
	s26 =	simm.s32 $0x5880  }
0x86c: {  	[tilespmem:s26], [sflag:$0x1] =	stream.indirect_vreg.gather [hbm4b:s3+s2], $0x80, v28, vm0, $0xb8;
	[tilespmem:$0x18200] =	vst v63  }
0x86d: {  	s25 =	simm.s32 $0x5900  }
0x86e: {  	[tilespmem:s25], [sflag:$0x1] =	stream.indirect_vreg.gather [hbm4b:s3+s2], $0x80, v29, vm0, $0xb8;
	[tilespmem:$0x18200] =	vst v63  }
0x86f: {  	s26 =	simm.s32 $0x5980  }
0x870: {  	[tilespmem:s26], [sflag:$0x1] =	stream.indirect_vreg.gather [hbm4b:s3+s2], $0x80, v26, vm0, $0xb8;
	[tilespmem:$0x18200] =	vst v63  }
0x871: {  	v26 =	vld [tilespmem:$0x1B0];
	_ =	sdelay $0x4  }
0x872: {  	v27 =	vshll.u32 v26, $0x1  }
0x873: {  	v26 =	vand.u32 $0x7, v26;
	v27 =	vand.u32 $0xFFFFFFF0, v27  }
0x874: {  	v26 =	vor.u32 v26, v27  }
0x875: {  	v27 =	vperm.xlane v26, v2;
	_ =	sdelay $0x1  }
0x876: {  	v28 =	vperm.xlane v26, v1;
	v27 =	vadd.s32 v4, v27;
	_ =	sdelay $0x1  }
0x877: {  	v29 =	vperm.xlane v26, v5;
	v28 =	vadd.s32 v4, v28;
	_ =	sdelay $0x1  }
0x878: {  	s25 =	simm.s32 $0x5A00;
	v30 =	vperm.xlane v26, v6;
	v29 =	vadd.s32 v4, v29  }
0x879: {  	[tilespmem:s25], [sflag:$0x1] =	stream.indirect_vreg.gather [hbm4b:s3+s2], $0x80, v27, vm0, $0xb8;
	[tilespmem:$0x18200] =	vst v63  }
0x87a: {  	s26 =	simm.s32 $0x5A80;
	v27 =	vadd.s32 v4, v30;
	v30 =	vperm.xlane v26, v7  }
0x87b: {  	[tilespmem:s26], [sflag:$0x1] =	stream.indirect_vreg.gather [hbm4b:s3+s2], $0x80, v28, vm0, $0xb8;
	[tilespmem:$0x18200] =	vst v63  }
0x87c: {  	s25 =	simm.s32 $0x5B00;
	v28 =	vadd.s32 v4, v30;
	v30 =	vperm.xlane v26, v8  }
0x87d: {  	[tilespmem:s25], [sflag:$0x1] =	stream.indirect_vreg.gather [hbm4b:s3+s2], $0x80, v29, vm0, $0xb8;
	[tilespmem:$0x18200] =	vst v63  }
0x87e: {  	s26 =	simm.s32 $0x5B80;
	v29 =	vadd.s32 v4, v30;
	v30 =	vperm.xlane v26, v9  }
0x87f: {  	[tilespmem:s26], [sflag:$0x1] =	stream.indirect_vreg.gather [hbm4b:s3+s2], $0x80, v27, vm0, $0xb8;
	[tilespmem:$0x18200] =	vst v63  }
0x880: {  	s25 =	simm.s32 $0x5C00;
	v27 =	vadd.s32 v4, v30;
	v30 =	vperm.xlane v26, v0  }
0x881: {  	[tilespmem:s25], [sflag:$0x1] =	stream.indirect_vreg.gather [hbm4b:s3+s2], $0x80, v28, vm0, $0xb8;
	[tilespmem:$0x18200] =	vst v63  }
0x882: {  	s26 =	simm.s32 $0x5C80;
	v28 =	vadd.s32 v4, v30;
	v30 =	vperm.xlane v26, v10  }
0x883: {  	[tilespmem:s26], [sflag:$0x1] =	stream.indirect_vreg.gather [hbm4b:s3+s2], $0x80, v29, vm0, $0xb8;
	[tilespmem:$0x18200] =	vst v63  }
0x884: {  	s25 =	simm.s32 $0x5D00;
	v29 =	vadd.s32 v4, v30;
	v30 =	vperm.xlane v26, v11  }
0x885: {  	[tilespmem:s25], [sflag:$0x1] =	stream.indirect_vreg.gather [hbm4b:s3+s2], $0x80, v27, vm0, $0xb8;
	[tilespmem:$0x18200] =	vst v63  }
0x886: {  	s26 =	simm.s32 $0x5D80;
	v27 =	vadd.s32 v4, v30;
	v30 =	vperm.xlane v26, v12  }
0x887: {  	[tilespmem:s26], [sflag:$0x1] =	stream.indirect_vreg.gather [hbm4b:s3+s2], $0x80, v28, vm0, $0xb8;
	[tilespmem:$0x18200] =	vst v63  }
0x888: {  	s25 =	simm.s32 $0x5E00;
	v28 =	vadd.s32 v4, v30;
	v30 =	vperm.xlane v26, v13  }
0x889: {  	[tilespmem:s25], [sflag:$0x1] =	stream.indirect_vreg.gather [hbm4b:s3+s2], $0x80, v29, vm0, $0xb8;
	[tilespmem:$0x18200] =	vst v63  }
0x88a: {  	s26 =	simm.s32 $0x5E80;
	v29 =	vadd.s32 v4, v30;
	v30 =	vperm.xlane v26, v14  }
0x88b: {  	[tilespmem:s26], [sflag:$0x1] =	stream.indirect_vreg.gather [hbm4b:s3+s2], $0x80, v27, vm0, $0xb8;
	[tilespmem:$0x18200] =	vst v63  }
0x88c: {  	s25 =	simm.s32 $0x5F00;
	v27 =	vadd.s32 v4, v30;
	v30 =	vperm.xlane v26, v15  }
0x88d: {  	[tilespmem:s25], [sflag:$0x1] =	stream.indirect_vreg.gather [hbm4b:s3+s2], $0x80, v28, vm0, $0xb8;
	[tilespmem:$0x18200] =	vst v63  }
0x88e: {  	s26 =	simm.s32 $0x5F80;
	v28 =	vadd.s32 v4, v30;
	v30 =	vperm.xlane v26, v16  }
0x88f: {  	[tilespmem:s26], [sflag:$0x1] =	stream.indirect_vreg.gather [hbm4b:s3+s2], $0x80, v29, vm0, $0xb8;
	[tilespmem:$0x18200] =	vst v63  }
0x890: {  	v26 =	vperm.xlane v26, v17;
	s25 =	simm.s32 $0x6000;
	v29 =	vadd.s32 v4, v30  }
0x891: {  	[tilespmem:s25], [sflag:$0x1] =	stream.indirect_vreg.gather [hbm4b:s3+s2], $0x80, v27, vm0, $0xb8;
	[tilespmem:$0x18200] =	vst v63  }
0x892: {  	v26 =	vadd.s32 v4, v26;
	s26 =	simm.s32 $0x6080  }
0x893: {  	[tilespmem:s26], [sflag:$0x1] =	stream.indirect_vreg.gather [hbm4b:s3+s2], $0x80, v28, vm0, $0xb8;
	[tilespmem:$0x18200] =	vst v63  }
0x894: {  	s25 =	simm.s32 $0x6100  }
0x895: {  	[tilespmem:s25], [sflag:$0x1] =	stream.indirect_vreg.gather [hbm4b:s3+s2], $0x80, v29, vm0, $0xb8;
	[tilespmem:$0x18200] =	vst v63  }
0x896: {  	s26 =	simm.s32 $0x6180  }
0x897: {  	[tilespmem:s26], [sflag:$0x1] =	stream.indirect_vreg.gather [hbm4b:s3+s2], $0x80, v26, vm0, $0xb8;
	[tilespmem:$0x18200] =	vst v63  }
0x898: {  	v26 =	vld [tilespmem:$0x1C0];
	_ =	sdelay $0x4  }
0x899: {  	v27 =	vshll.u32 v26, $0x1  }
0x89a: {  	v26 =	vand.u32 $0x7, v26;
	v27 =	vand.u32 $0xFFFFFFF0, v27  }
0x89b: {  	v26 =	vor.u32 v26, v27  }
0x89c: {  	v27 =	vperm.xlane v26, v2;
	_ =	sdelay $0x1  }
0x89d: {  	v28 =	vperm.xlane v26, v1;
	v27 =	vadd.s32 v4, v27;
	_ =	sdelay $0x1  }
0x89e: {  	v29 =	vperm.xlane v26, v5;
	v28 =	vadd.s32 v4, v28;
	_ =	sdelay $0x1  }
0x89f: {  	s25 =	simm.s32 $0x6200;
	v30 =	vperm.xlane v26, v6;
	v29 =	vadd.s32 v4, v29  }
0x8a0: {  	[tilespmem:s25], [sflag:$0x1] =	stream.indirect_vreg.gather [hbm4b:s3+s2], $0x80, v27, vm0, $0xb8;
	[tilespmem:$0x18200] =	vst v63  }
0x8a1: {  	s26 =	simm.s32 $0x6280;
	v27 =	vadd.s32 v4, v30;
	v30 =	vperm.xlane v26, v7  }
0x8a2: {  	[tilespmem:s26], [sflag:$0x1] =	stream.indirect_vreg.gather [hbm4b:s3+s2], $0x80, v28, vm0, $0xb8;
	[tilespmem:$0x18200] =	vst v63  }
0x8a3: {  	s25 =	simm.s32 $0x6300;
	v28 =	vadd.s32 v4, v30;
	v30 =	vperm.xlane v26, v8  }
0x8a4: {  	[tilespmem:s25], [sflag:$0x1] =	stream.indirect_vreg.gather [hbm4b:s3+s2], $0x80, v29, vm0, $0xb8;
	[tilespmem:$0x18200] =	vst v63  }
0x8a5: {  	s26 =	simm.s32 $0x6380;
	v29 =	vadd.s32 v4, v30;
	v30 =	vperm.xlane v26, v9  }
0x8a6: {  	[tilespmem:s26], [sflag:$0x1] =	stream.indirect_vreg.gather [hbm4b:s3+s2], $0x80, v27, vm0, $0xb8;
	[tilespmem:$0x18200] =	vst v63  }
0x8a7: {  	s25 =	simm.s32 $0x6400;
	v27 =	vadd.s32 v4, v30;
	v30 =	vperm.xlane v26, v0  }
0x8a8: {  	[tilespmem:s25], [sflag:$0x1] =	stream.indirect_vreg.gather [hbm4b:s3+s2], $0x80, v28, vm0, $0xb8;
	[tilespmem:$0x18200] =	vst v63  }
0x8a9: {  	s26 =	simm.s32 $0x6480;
	v28 =	vadd.s32 v4, v30;
	v30 =	vperm.xlane v26, v10  }
0x8aa: {  	[tilespmem:s26], [sflag:$0x1] =	stream.indirect_vreg.gather [hbm4b:s3+s2], $0x80, v29, vm0, $0xb8;
	[tilespmem:$0x18200] =	vst v63  }
0x8ab: {  	s25 =	simm.s32 $0x6500;
	v29 =	vadd.s32 v4, v30;
	v30 =	vperm.xlane v26, v11  }
0x8ac: {  	[tilespmem:s25], [sflag:$0x1] =	stream.indirect_vreg.gather [hbm4b:s3+s2], $0x80, v27, vm0, $0xb8;
	[tilespmem:$0x18200] =	vst v63  }
0x8ad: {  	s26 =	simm.s32 $0x6580;
	v27 =	vadd.s32 v4, v30;
	v30 =	vperm.xlane v26, v12  }
0x8ae: {  	[tilespmem:s26], [sflag:$0x1] =	stream.indirect_vreg.gather [hbm4b:s3+s2], $0x80, v28, vm0, $0xb8;
	[tilespmem:$0x18200] =	vst v63  }
0x8af: {  	s25 =	simm.s32 $0x6600;
	v28 =	vadd.s32 v4, v30;
	v30 =	vperm.xlane v26, v13  }
0x8b0: {  	[tilespmem:s25], [sflag:$0x1] =	stream.indirect_vreg.gather [hbm4b:s3+s2], $0x80, v29, vm0, $0xb8;
	[tilespmem:$0x18200] =	vst v63  }
0x8b1: {  	s26 =	simm.s32 $0x6680;
	v29 =	vadd.s32 v4, v30;
	v30 =	vperm.xlane v26, v14  }
0x8b2: {  	[tilespmem:s26], [sflag:$0x1] =	stream.indirect_vreg.gather [hbm4b:s3+s2], $0x80, v27, vm0, $0xb8;
	[tilespmem:$0x18200] =	vst v63  }
0x8b3: {  	s25 =	simm.s32 $0x6700;
	v27 =	vadd.s32 v4, v30;
	v30 =	vperm.xlane v26, v15  }
0x8b4: {  	[tilespmem:s25], [sflag:$0x1] =	stream.indirect_vreg.gather [hbm4b:s3+s2], $0x80, v28, vm0, $0xb8;
	[tilespmem:$0x18200] =	vst v63  }
0x8b5: {  	s26 =	simm.s32 $0x6780;
	v28 =	vadd.s32 v4, v30;
	v30 =	vperm.xlane v26, v16  }
0x8b6: {  	[tilespmem:s26], [sflag:$0x1] =	stream.indirect_vreg.gather [hbm4b:s3+s2], $0x80, v29, vm0, $0xb8;
	[tilespmem:$0x18200] =	vst v63  }
0x8b7: {  	v26 =	vperm.xlane v26, v17;
	s25 =	simm.s32 $0x6800;
	v29 =	vadd.s32 v4, v30  }
0x8b8: {  	[tilespmem:s25], [sflag:$0x1] =	stream.indirect_vreg.gather [hbm4b:s3+s2], $0x80, v27, vm0, $0xb8;
	[tilespmem:$0x18200] =	vst v63  }
0x8b9: {  	v26 =	vadd.s32 v4, v26;
	s26 =	simm.s32 $0x6880  }
0x8ba: {  	[tilespmem:s26], [sflag:$0x1] =	stream.indirect_vreg.gather [hbm4b:s3+s2], $0x80, v28, vm0, $0xb8;
	[tilespmem:$0x18200] =	vst v63  }
0x8bb: {  	s25 =	simm.s32 $0x6900  }
0x8bc: {  	[tilespmem:s25], [sflag:$0x1] =	stream.indirect_vreg.gather [hbm4b:s3+s2], $0x80, v29, vm0, $0xb8;
	[tilespmem:$0x18200] =	vst v63  }
0x8bd: {  	s26 =	simm.s32 $0x6980  }
0x8be: {  	[tilespmem:s26], [sflag:$0x1] =	stream.indirect_vreg.gather [hbm4b:s3+s2], $0x80, v26, vm0, $0xb8;
	[tilespmem:$0x18200] =	vst v63  }
0x8bf: {  	v26 =	vld [tilespmem:$0x1D0];
	_ =	sdelay $0x4  }
0x8c0: {  	v27 =	vshll.u32 v26, $0x1  }
0x8c1: {  	v26 =	vand.u32 $0x7, v26;
	v27 =	vand.u32 $0xFFFFFFF0, v27  }
0x8c2: {  	v26 =	vor.u32 v26, v27  }
0x8c3: {  	v27 =	vperm.xlane v26, v2;
	_ =	sdelay $0x1  }
0x8c4: {  	v28 =	vperm.xlane v26, v1;
	v27 =	vadd.s32 v4, v27;
	_ =	sdelay $0x1  }
0x8c5: {  	v29 =	vperm.xlane v26, v5;
	v28 =	vadd.s32 v4, v28;
	_ =	sdelay $0x1  }
0x8c6: {  	s25 =	simm.s32 $0x6A00;
	v30 =	vperm.xlane v26, v6;
	v29 =	vadd.s32 v4, v29  }
0x8c7: {  	[tilespmem:s25], [sflag:$0x1] =	stream.indirect_vreg.gather [hbm4b:s3+s2], $0x80, v27, vm0, $0xb8;
	[tilespmem:$0x18200] =	vst v63  }
0x8c8: {  	s26 =	simm.s32 $0x6A80;
	v27 =	vadd.s32 v4, v30;
	v30 =	vperm.xlane v26, v7  }
0x8c9: {  	[tilespmem:s26], [sflag:$0x1] =	stream.indirect_vreg.gather [hbm4b:s3+s2], $0x80, v28, vm0, $0xb8;
	[tilespmem:$0x18200] =	vst v63  }
0x8ca: {  	s25 =	simm.s32 $0x6B00;
	v28 =	vadd.s32 v4, v30;
	v30 =	vperm.xlane v26, v8  }
0x8cb: {  	[tilespmem:s25], [sflag:$0x1] =	stream.indirect_vreg.gather [hbm4b:s3+s2], $0x80, v29, vm0, $0xb8;
	[tilespmem:$0x18200] =	vst v63  }
0x8cc: {  	s26 =	simm.s32 $0x6B80;
	v29 =	vadd.s32 v4, v30;
	v30 =	vperm.xlane v26, v9  }
0x8cd: {  	[tilespmem:s26], [sflag:$0x1] =	stream.indirect_vreg.gather [hbm4b:s3+s2], $0x80, v27, vm0, $0xb8;
	[tilespmem:$0x18200] =	vst v63  }
0x8ce: {  	s25 =	simm.s32 $0x6C00;
	v27 =	vadd.s32 v4, v30;
	v30 =	vperm.xlane v26, v0  }
0x8cf: {  	[tilespmem:s25], [sflag:$0x1] =	stream.indirect_vreg.gather [hbm4b:s3+s2], $0x80, v28, vm0, $0xb8;
	[tilespmem:$0x18200] =	vst v63  }
0x8d0: {  	s26 =	simm.s32 $0x6C80;
	v28 =	vadd.s32 v4, v30;
	v30 =	vperm.xlane v26, v10  }
0x8d1: {  	[tilespmem:s26], [sflag:$0x1] =	stream.indirect_vreg.gather [hbm4b:s3+s2], $0x80, v29, vm0, $0xb8;
	[tilespmem:$0x18200] =	vst v63  }
0x8d2: {  	s25 =	simm.s32 $0x6D00;
	v29 =	vadd.s32 v4, v30;
	v30 =	vperm.xlane v26, v11  }
0x8d3: {  	[tilespmem:s25], [sflag:$0x1] =	stream.indirect_vreg.gather [hbm4b:s3+s2], $0x80, v27, vm0, $0xb8;
	[tilespmem:$0x18200] =	vst v63  }
0x8d4: {  	s26 =	simm.s32 $0x6D80;
	v27 =	vadd.s32 v4, v30;
	v30 =	vperm.xlane v26, v12  }
0x8d5: {  	[tilespmem:s26], [sflag:$0x1] =	stream.indirect_vreg.gather [hbm4b:s3+s2], $0x80, v28, vm0, $0xb8;
	[tilespmem:$0x18200] =	vst v63  }
0x8d6: {  	s25 =	simm.s32 $0x6E00;
	v28 =	vadd.s32 v4, v30;
	v30 =	vperm.xlane v26, v13  }
0x8d7: {  	[tilespmem:s25], [sflag:$0x1] =	stream.indirect_vreg.gather [hbm4b:s3+s2], $0x80, v29, vm0, $0xb8;
	[tilespmem:$0x18200] =	vst v63  }
0x8d8: {  	s26 =	simm.s32 $0x6E80;
	v29 =	vadd.s32 v4, v30;
	v30 =	vperm.xlane v26, v14  }
0x8d9: {  	[tilespmem:s26], [sflag:$0x1] =	stream.indirect_vreg.gather [hbm4b:s3+s2], $0x80, v27, vm0, $0xb8;
	[tilespmem:$0x18200] =	vst v63  }
0x8da: {  	s25 =	simm.s32 $0x6F00;
	v27 =	vadd.s32 v4, v30;
	v30 =	vperm.xlane v26, v15  }
0x8db: {  	[tilespmem:s25], [sflag:$0x1] =	stream.indirect_vreg.gather [hbm4b:s3+s2], $0x80, v28, vm0, $0xb8;
	[tilespmem:$0x18200] =	vst v63  }
0x8dc: {  	s26 =	simm.s32 $0x6F80;
	v28 =	vadd.s32 v4, v30;
	v30 =	vperm.xlane v26, v16  }
0x8dd: {  	[tilespmem:s26], [sflag:$0x1] =	stream.indirect_vreg.gather [hbm4b:s3+s2], $0x80, v29, vm0, $0xb8;
	[tilespmem:$0x18200] =	vst v63  }
0x8de: {  	v26 =	vperm.xlane v26, v17;
	s25 =	simm.s32 $0x7000;
	v29 =	vadd.s32 v4, v30  }
0x8df: {  	[tilespmem:s25], [sflag:$0x1] =	stream.indirect_vreg.gather [hbm4b:s3+s2], $0x80, v27, vm0, $0xb8;
	[tilespmem:$0x18200] =	vst v63  }
0x8e0: {  	v26 =	vadd.s32 v4, v26;
	s26 =	simm.s32 $0x7080  }
0x8e1: {  	[tilespmem:s26], [sflag:$0x1] =	stream.indirect_vreg.gather [hbm4b:s3+s2], $0x80, v28, vm0, $0xb8;
	[tilespmem:$0x18200] =	vst v63  }
0x8e2: {  	s25 =	simm.s32 $0x7100  }
0x8e3: {  	[tilespmem:s25], [sflag:$0x1] =	stream.indirect_vreg.gather [hbm4b:s3+s2], $0x80, v29, vm0, $0xb8;
	[tilespmem:$0x18200] =	vst v63  }
0x8e4: {  	s26 =	simm.s32 $0x7180  }
0x8e5: {  	[tilespmem:s26], [sflag:$0x1] =	stream.indirect_vreg.gather [hbm4b:s3+s2], $0x80, v26, vm0, $0xb8;
	[tilespmem:$0x18200] =	vst v63  }
0x8e6: {  	v26 =	vld [tilespmem:$0x1E0];
	_ =	sdelay $0x4  }
0x8e7: {  	v27 =	vshll.u32 v26, $0x1  }
0x8e8: {  	v26 =	vand.u32 $0x7, v26;
	v27 =	vand.u32 $0xFFFFFFF0, v27  }
0x8e9: {  	v26 =	vor.u32 v26, v27  }
0x8ea: {  	v27 =	vperm.xlane v26, v2;
	_ =	sdelay $0x1  }
0x8eb: {  	v28 =	vperm.xlane v26, v1;
	v27 =	vadd.s32 v4, v27;
	_ =	sdelay $0x1  }
0x8ec: {  	v29 =	vperm.xlane v26, v5;
	v28 =	vadd.s32 v4, v28;
	_ =	sdelay $0x1  }
0x8ed: {  	s25 =	simm.s32 $0x7200;
	v30 =	vperm.xlane v26, v6;
	v29 =	vadd.s32 v4, v29  }
0x8ee: {  	[tilespmem:s25], [sflag:$0x1] =	stream.indirect_vreg.gather [hbm4b:s3+s2], $0x80, v27, vm0, $0xb8;
	[tilespmem:$0x18200] =	vst v63  }
0x8ef: {  	s26 =	simm.s32 $0x7280;
	v27 =	vadd.s32 v4, v30;
	v30 =	vperm.xlane v26, v7  }
0x8f0: {  	[tilespmem:s26], [sflag:$0x1] =	stream.indirect_vreg.gather [hbm4b:s3+s2], $0x80, v28, vm0, $0xb8;
	[tilespmem:$0x18200] =	vst v63  }
0x8f1: {  	s25 =	simm.s32 $0x7300;
	v28 =	vadd.s32 v4, v30;
	v30 =	vperm.xlane v26, v8  }
0x8f2: {  	[tilespmem:s25], [sflag:$0x1] =	stream.indirect_vreg.gather [hbm4b:s3+s2], $0x80, v29, vm0, $0xb8;
	[tilespmem:$0x18200] =	vst v63  }
0x8f3: {  	s26 =	simm.s32 $0x7380;
	v29 =	vadd.s32 v4, v30;
	v30 =	vperm.xlane v26, v9  }
0x8f4: {  	[tilespmem:s26], [sflag:$0x1] =	stream.indirect_vreg.gather [hbm4b:s3+s2], $0x80, v27, vm0, $0xb8;
	[tilespmem:$0x18200] =	vst v63  }
0x8f5: {  	s25 =	simm.s32 $0x7400;
	v27 =	vadd.s32 v4, v30;
	v30 =	vperm.xlane v26, v0  }
0x8f6: {  	[tilespmem:s25], [sflag:$0x1] =	stream.indirect_vreg.gather [hbm4b:s3+s2], $0x80, v28, vm0, $0xb8;
	[tilespmem:$0x18200] =	vst v63  }
0x8f7: {  	s26 =	simm.s32 $0x7480;
	v28 =	vadd.s32 v4, v30;
	v30 =	vperm.xlane v26, v10  }
0x8f8: {  	[tilespmem:s26], [sflag:$0x1] =	stream.indirect_vreg.gather [hbm4b:s3+s2], $0x80, v29, vm0, $0xb8;
	[tilespmem:$0x18200] =	vst v63  }
0x8f9: {  	s25 =	simm.s32 $0x7500;
	v29 =	vadd.s32 v4, v30;
	v30 =	vperm.xlane v26, v11  }
0x8fa: {  	[tilespmem:s25], [sflag:$0x1] =	stream.indirect_vreg.gather [hbm4b:s3+s2], $0x80, v27, vm0, $0xb8;
	[tilespmem:$0x18200] =	vst v63  }
0x8fb: {  	s26 =	simm.s32 $0x7580;
	v27 =	vadd.s32 v4, v30;
	v30 =	vperm.xlane v26, v12  }
0x8fc: {  	[tilespmem:s26], [sflag:$0x1] =	stream.indirect_vreg.gather [hbm4b:s3+s2], $0x80, v28, vm0, $0xb8;
	[tilespmem:$0x18200] =	vst v63  }
0x8fd: {  	s25 =	simm.s32 $0x7600;
	v28 =	vadd.s32 v4, v30;
	v30 =	vperm.xlane v26, v13  }
0x8fe: {  	[tilespmem:s25], [sflag:$0x1] =	stream.indirect_vreg.gather [hbm4b:s3+s2], $0x80, v29, vm0, $0xb8;
	[tilespmem:$0x18200] =	vst v63  }
0x8ff: {  	s26 =	simm.s32 $0x7680;
	v29 =	vadd.s32 v4, v30;
	v30 =	vperm.xlane v26, v14  }
0x900: {  	[tilespmem:s26], [sflag:$0x1] =	stream.indirect_vreg.gather [hbm4b:s3+s2], $0x80, v27, vm0, $0xb8;
	[tilespmem:$0x18200] =	vst v63  }
0x901: {  	s25 =	simm.s32 $0x7700;
	v27 =	vadd.s32 v4, v30;
	v30 =	vperm.xlane v26, v15  }
0x902: {  	[tilespmem:s25], [sflag:$0x1] =	stream.indirect_vreg.gather [hbm4b:s3+s2], $0x80, v28, vm0, $0xb8;
	[tilespmem:$0x18200] =	vst v63  }
0x903: {  	s26 =	simm.s32 $0x7780;
	v28 =	vadd.s32 v4, v30;
	v30 =	vperm.xlane v26, v16  }
0x904: {  	[tilespmem:s26], [sflag:$0x1] =	stream.indirect_vreg.gather [hbm4b:s3+s2], $0x80, v29, vm0, $0xb8;
	[tilespmem:$0x18200] =	vst v63  }
0x905: {  	v26 =	vperm.xlane v26, v17;
	s25 =	simm.s32 $0x7800;
	v29 =	vadd.s32 v4, v30  }
0x906: {  	[tilespmem:s25], [sflag:$0x1] =	stream.indirect_vreg.gather [hbm4b:s3+s2], $0x80, v27, vm0, $0xb8;
	[tilespmem:$0x18200] =	vst v63  }
0x907: {  	v26 =	vadd.s32 v4, v26;
	s26 =	simm.s32 $0x7880  }
0x908: {  	[tilespmem:s26], [sflag:$0x1] =	stream.indirect_vreg.gather [hbm4b:s3+s2], $0x80, v28, vm0, $0xb8;
	[tilespmem:$0x18200] =	vst v63  }
0x909: {  	s25 =	simm.s32 $0x7900  }
0x90a: {  	[tilespmem:s25], [sflag:$0x1] =	stream.indirect_vreg.gather [hbm4b:s3+s2], $0x80, v29, vm0, $0xb8;
	[tilespmem:$0x18200] =	vst v63  }
0x90b: {  	s26 =	simm.s32 $0x7980  }
0x90c: {  	[tilespmem:s26], [sflag:$0x1] =	stream.indirect_vreg.gather [hbm4b:s3+s2], $0x80, v26, vm0, $0xb8;
	[tilespmem:$0x18200] =	vst v63  }
0x90d: {  	v26 =	vld [tilespmem:$0x1F0];
	_ =	sdelay $0x4  }
0x90e: {  	v27 =	vshll.u32 v26, $0x1  }
0x90f: {  	v26 =	vand.u32 $0x7, v26;
	v27 =	vand.u32 $0xFFFFFFF0, v27  }
0x910: {  	v26 =	vor.u32 v26, v27  }
0x911: {  	v27 =	vperm.xlane v26, v2;
	_ =	sdelay $0x1  }
0x912: {  	v28 =	vperm.xlane v26, v1;
	v27 =	vadd.s32 v4, v27;
	_ =	sdelay $0x1  }
0x913: {  	v29 =	vperm.xlane v26, v5;
	v28 =	vadd.s32 v4, v28;
	_ =	sdelay $0x1  }
0x914: {  	s25 =	simm.s32 $0x7A00;
	v30 =	vperm.xlane v26, v6;
	v29 =	vadd.s32 v4, v29  }
0x915: {  	[tilespmem:s25], [sflag:$0x1] =	stream.indirect_vreg.gather [hbm4b:s3+s2], $0x80, v27, vm0, $0xb8;
	[tilespmem:$0x18200] =	vst v63  }
0x916: {  	s26 =	simm.s32 $0x7A80;
	v27 =	vadd.s32 v4, v30;
	v30 =	vperm.xlane v26, v7  }
0x917: {  	[tilespmem:s26], [sflag:$0x1] =	stream.indirect_vreg.gather [hbm4b:s3+s2], $0x80, v28, vm0, $0xb8;
	[tilespmem:$0x18200] =	vst v63  }
0x918: {  	s25 =	simm.s32 $0x7B00;
	v28 =	vadd.s32 v4, v30;
	v30 =	vperm.xlane v26, v8  }
0x919: {  	[tilespmem:s25], [sflag:$0x1] =	stream.indirect_vreg.gather [hbm4b:s3+s2], $0x80, v29, vm0, $0xb8;
	[tilespmem:$0x18200] =	vst v63  }
0x91a: {  	s26 =	simm.s32 $0x7B80;
	v29 =	vadd.s32 v4, v30;
	v30 =	vperm.xlane v26, v9  }
0x91b: {  	[tilespmem:s26], [sflag:$0x1] =	stream.indirect_vreg.gather [hbm4b:s3+s2], $0x80, v27, vm0, $0xb8;
	[tilespmem:$0x18200] =	vst v63  }
0x91c: {  	s25 =	simm.s32 $0x7C00;
	v27 =	vadd.s32 v4, v30;
	v30 =	vperm.xlane v26, v0  }
0x91d: {  	[tilespmem:s25], [sflag:$0x1] =	stream.indirect_vreg.gather [hbm4b:s3+s2], $0x80, v28, vm0, $0xb8;
	[tilespmem:$0x18200] =	vst v63  }
0x91e: {  	s26 =	simm.s32 $0x7C80;
	v28 =	vadd.s32 v4, v30;
	v30 =	vperm.xlane v26, v10  }
0x91f: {  	[tilespmem:s26], [sflag:$0x1] =	stream.indirect_vreg.gather [hbm4b:s3+s2], $0x80, v29, vm0, $0xb8;
	[tilespmem:$0x18200] =	vst v63  }
0x920: {  	s25 =	simm.s32 $0x7D00;
	v29 =	vadd.s32 v4, v30;
	v30 =	vperm.xlane v26, v11  }
0x921: {  	[tilespmem:s25], [sflag:$0x1] =	stream.indirect_vreg.gather [hbm4b:s3+s2], $0x80, v27, vm0, $0xb8;
	[tilespmem:$0x18200] =	vst v63  }
0x922: {  	s26 =	simm.s32 $0x7D80;
	v27 =	vadd.s32 v4, v30;
	v30 =	vperm.xlane v26, v12  }
0x923: {  	[tilespmem:s26], [sflag:$0x1] =	stream.indirect_vreg.gather [hbm4b:s3+s2], $0x80, v28, vm0, $0xb8;
	[tilespmem:$0x18200] =	vst v63  }
0x924: {  	s25 =	simm.s32 $0x7E00;
	v28 =	vadd.s32 v4, v30;
	v30 =	vperm.xlane v26, v13  }
0x925: {  	[tilespmem:s25], [sflag:$0x1] =	stream.indirect_vreg.gather [hbm4b:s3+s2], $0x80, v29, vm0, $0xb8;
	[tilespmem:$0x18200] =	vst v63  }
0x926: {  	s26 =	simm.s32 $0x7E80;
	v29 =	vadd.s32 v4, v30;
	v30 =	vperm.xlane v26, v14  }
0x927: {  	[tilespmem:s26], [sflag:$0x1] =	stream.indirect_vreg.gather [hbm4b:s3+s2], $0x80, v27, vm0, $0xb8;
	[tilespmem:$0x18200] =	vst v63  }
0x928: {  	s25 =	simm.s32 $0x7F00;
	v27 =	vadd.s32 v4, v30;
	v30 =	vperm.xlane v26, v15  }
0x929: {  	[tilespmem:s25], [sflag:$0x1] =	stream.indirect_vreg.gather [hbm4b:s3+s2], $0x80, v28, vm0, $0xb8;
	[tilespmem:$0x18200] =	vst v63  }
0x92a: {  	s26 =	simm.s32 $0x7F80;
	v28 =	vadd.s32 v4, v30;
	v30 =	vperm.xlane v26, v16  }
0x92b: {  	[tilespmem:s26], [sflag:$0x1] =	stream.indirect_vreg.gather [hbm4b:s3+s2], $0x80, v29, vm0, $0xb8;
	[tilespmem:$0x18200] =	vst v63  }
0x92c: {  	v26 =	vperm.xlane v26, v17;
	s25 =	simm.s32 $0x8000;
	v29 =	vadd.s32 v4, v30  }
0x92d: {  	[tilespmem:s25], [sflag:$0x1] =	stream.indirect_vreg.gather [hbm4b:s3+s2], $0x80, v27, vm0, $0xb8;
	[tilespmem:$0x18200] =	vst v63  }
0x92e: {  	v26 =	vadd.s32 v4, v26;
	s26 =	simm.s32 $0x8080  }
0x92f: {  	[tilespmem:s26], [sflag:$0x1] =	stream.indirect_vreg.gather [hbm4b:s3+s2], $0x80, v28, vm0, $0xb8;
	[tilespmem:$0x18200] =	vst v63  }
0x930: {  	s25 =	simm.s32 $0x8100  }
0x931: {  	[tilespmem:s25], [sflag:$0x1] =	stream.indirect_vreg.gather [hbm4b:s3+s2], $0x80, v29, vm0, $0xb8;
	[tilespmem:$0x18200] =	vst v63  }
0x932: {  	s26 =	simm.s32 $0x8180  }
0x933: {  	[tilespmem:s26], [sflag:$0x1] =	stream.indirect_vreg.gather [hbm4b:s3+s2], $0x80, v26, vm0, $0xb8;
	[tilespmem:$0x18200] =	vst v63  }
0x934: {  	v26 =	vld [tilespmem:$0x180];
	_ =	sdelay $0x4  }
0x935: {  	v27 =	vshll.u32 v26, $0x1  }
0x936: {  	v26 =	vand.u32 $0x7, v26;
	v27 =	vand.u32 $0xFFFFFFF0, v27  }
0x937: {  	v26 =	vor.u32 v26, v27  }
0x938: {  	v27 =	vperm.xlane v26, v2;
	_ =	sdelay $0x1  }
0x939: {  	v28 =	vperm.xlane v26, v1;
	v27 =	vadd.s32 v4, v27;
	_ =	sdelay $0x1  }
0x93a: {  	v29 =	vperm.xlane v26, v5;
	v28 =	vadd.s32 v4, v28;
	_ =	sdelay $0x1  }
0x93b: {  	v30 =	vperm.xlane v26, v6;
	v29 =	vadd.s32 v4, v29  }
0x93c: {  	[tilespmem:s19], [sflag:$0x1] =	stream.indirect_vreg.gather [hbm4b:s5+s2], $0x80, v27, vm0, $0xb8;
	[tilespmem:$0x18200] =	vst v63  }
0x93d: {  	s25 =	simm.s32 $0xC280;
	v27 =	vadd.s32 v4, v30;
	v30 =	vperm.xlane v26, v7  }
0x93e: {  	[tilespmem:s25], [sflag:$0x1] =	stream.indirect_vreg.gather [hbm4b:s5+s2], $0x80, v28, vm0, $0xb8;
	[tilespmem:$0x18200] =	vst v63  }
0x93f: {  	s26 =	simm.s32 $0xC300;
	v28 =	vadd.s32 v4, v30;
	v30 =	vperm.xlane v26, v8  }
0x940: {  	[tilespmem:s26], [sflag:$0x1] =	stream.indirect_vreg.gather [hbm4b:s5+s2], $0x80, v29, vm0, $0xb8;
	[tilespmem:$0x18200] =	vst v63  }
0x941: {  	s25 =	simm.s32 $0xC380;
	v29 =	vadd.s32 v4, v30;
	v30 =	vperm.xlane v26, v9  }
0x942: {  	[tilespmem:s25], [sflag:$0x1] =	stream.indirect_vreg.gather [hbm4b:s5+s2], $0x80, v27, vm0, $0xb8;
	[tilespmem:$0x18200] =	vst v63  }
0x943: {  	s26 =	simm.s32 $0xC400;
	v27 =	vadd.s32 v4, v30;
	v30 =	vperm.xlane v26, v0  }
0x944: {  	[tilespmem:s26], [sflag:$0x1] =	stream.indirect_vreg.gather [hbm4b:s5+s2], $0x80, v28, vm0, $0xb8;
	[tilespmem:$0x18200] =	vst v63  }
0x945: {  	s25 =	simm.s32 $0xC480;
	v28 =	vadd.s32 v4, v30;
	v30 =	vperm.xlane v26, v10  }
0x946: {  	[tilespmem:s25], [sflag:$0x1] =	stream.indirect_vreg.gather [hbm4b:s5+s2], $0x80, v29, vm0, $0xb8;
	[tilespmem:$0x18200] =	vst v63  }
0x947: {  	s26 =	simm.s32 $0xC500;
	v29 =	vadd.s32 v4, v30;
	v30 =	vperm.xlane v26, v11  }
0x948: {  	[tilespmem:s26], [sflag:$0x1] =	stream.indirect_vreg.gather [hbm4b:s5+s2], $0x80, v27, vm0, $0xb8;
	[tilespmem:$0x18200] =	vst v63  }
0x949: {  	s25 =	simm.s32 $0xC580;
	v27 =	vadd.s32 v4, v30;
	v30 =	vperm.xlane v26, v12  }
0x94a: {  	[tilespmem:s25], [sflag:$0x1] =	stream.indirect_vreg.gather [hbm4b:s5+s2], $0x80, v28, vm0, $0xb8;
	[tilespmem:$0x18200] =	vst v63  }
0x94b: {  	s26 =	simm.s32 $0xC600;
	v28 =	vadd.s32 v4, v30;
	v30 =	vperm.xlane v26, v13  }
0x94c: {  	[tilespmem:s26], [sflag:$0x1] =	stream.indirect_vreg.gather [hbm4b:s5+s2], $0x80, v29, vm0, $0xb8;
	[tilespmem:$0x18200] =	vst v63  }
0x94d: {  	s25 =	simm.s32 $0xC680;
	v29 =	vadd.s32 v4, v30;
	v30 =	vperm.xlane v26, v14  }
0x94e: {  	[tilespmem:s25], [sflag:$0x1] =	stream.indirect_vreg.gather [hbm4b:s5+s2], $0x80, v27, vm0, $0xb8;
	[tilespmem:$0x18200] =	vst v63  }
0x94f: {  	s26 =	simm.s32 $0xC700;
	v27 =	vadd.s32 v4, v30;
	v30 =	vperm.xlane v26, v15  }
0x950: {  	[tilespmem:s26], [sflag:$0x1] =	stream.indirect_vreg.gather [hbm4b:s5+s2], $0x80, v28, vm0, $0xb8;
	[tilespmem:$0x18200] =	vst v63  }
0x951: {  	s25 =	simm.s32 $0xC780;
	v28 =	vadd.s32 v4, v30;
	v30 =	vperm.xlane v26, v16  }
0x952: {  	[tilespmem:s25], [sflag:$0x1] =	stream.indirect_vreg.gather [hbm4b:s5+s2], $0x80, v29, vm0, $0xb8;
	[tilespmem:$0x18200] =	vst v63  }
0x953: {  	v26 =	vperm.xlane v26, v17;
	s26 =	simm.s32 $0xC800;
	v29 =	vadd.s32 v4, v30  }
0x954: {  	[tilespmem:s26], [sflag:$0x1] =	stream.indirect_vreg.gather [hbm4b:s5+s2], $0x80, v27, vm0, $0xb8;
	[tilespmem:$0x18200] =	vst v63  }
0x955: {  	v26 =	vadd.s32 v4, v26;
	s25 =	simm.s32 $0xC880  }
0x956: {  	[tilespmem:s25], [sflag:$0x1] =	stream.indirect_vreg.gather [hbm4b:s5+s2], $0x80, v28, vm0, $0xb8;
	[tilespmem:$0x18200] =	vst v63  }
0x957: {  	s26 =	simm.s32 $0xC900  }
0x958: {  	[tilespmem:s26], [sflag:$0x1] =	stream.indirect_vreg.gather [hbm4b:s5+s2], $0x80, v29, vm0, $0xb8;
	[tilespmem:$0x18200] =	vst v63  }
0x959: {  	s25 =	simm.s32 $0xC980  }
0x95a: {  	[tilespmem:s25], [sflag:$0x1] =	stream.indirect_vreg.gather [hbm4b:s5+s2], $0x80, v26, vm0, $0xb8;
	[tilespmem:$0x18200] =	vst v63  }
0x95b: {  	v26 =	vld [tilespmem:$0x190];
	_ =	sdelay $0x4  }
0x95c: {  	v27 =	vshll.u32 v26, $0x1  }
0x95d: {  	v26 =	vand.u32 $0x7, v26;
	v27 =	vand.u32 $0xFFFFFFF0, v27  }
0x95e: {  	v26 =	vor.u32 v26, v27  }
0x95f: {  	v27 =	vperm.xlane v26, v2;
	_ =	sdelay $0x1  }
0x960: {  	v28 =	vperm.xlane v26, v1;
	v27 =	vadd.s32 v4, v27;
	_ =	sdelay $0x1  }
0x961: {  	v29 =	vperm.xlane v26, v5;
	v28 =	vadd.s32 v4, v28;
	_ =	sdelay $0x1  }
0x962: {  	s26 =	simm.s32 $0xCA00;
	v30 =	vperm.xlane v26, v6;
	v29 =	vadd.s32 v4, v29  }
0x963: {  	[tilespmem:s26], [sflag:$0x1] =	stream.indirect_vreg.gather [hbm4b:s5+s2], $0x80, v27, vm0, $0xb8;
	[tilespmem:$0x18200] =	vst v63  }
0x964: {  	s25 =	simm.s32 $0xCA80;
	v27 =	vadd.s32 v4, v30;
	v30 =	vperm.xlane v26, v7  }
0x965: {  	[tilespmem:s25], [sflag:$0x1] =	stream.indirect_vreg.gather [hbm4b:s5+s2], $0x80, v28, vm0, $0xb8;
	[tilespmem:$0x18200] =	vst v63  }
0x966: {  	s26 =	simm.s32 $0xCB00;
	v28 =	vadd.s32 v4, v30;
	v30 =	vperm.xlane v26, v8  }
0x967: {  	[tilespmem:s26], [sflag:$0x1] =	stream.indirect_vreg.gather [hbm4b:s5+s2], $0x80, v29, vm0, $0xb8;
	[tilespmem:$0x18200] =	vst v63  }
0x968: {  	s25 =	simm.s32 $0xCB80;
	v29 =	vadd.s32 v4, v30;
	v30 =	vperm.xlane v26, v9  }
0x969: {  	[tilespmem:s25], [sflag:$0x1] =	stream.indirect_vreg.gather [hbm4b:s5+s2], $0x80, v27, vm0, $0xb8;
	[tilespmem:$0x18200] =	vst v63  }
0x96a: {  	s26 =	simm.s32 $0xCC00;
	v27 =	vadd.s32 v4, v30;
	v30 =	vperm.xlane v26, v0  }
0x96b: {  	[tilespmem:s26], [sflag:$0x1] =	stream.indirect_vreg.gather [hbm4b:s5+s2], $0x80, v28, vm0, $0xb8;
	[tilespmem:$0x18200] =	vst v63  }
0x96c: {  	s25 =	simm.s32 $0xCC80;
	v28 =	vadd.s32 v4, v30;
	v30 =	vperm.xlane v26, v10  }
0x96d: {  	[tilespmem:s25], [sflag:$0x1] =	stream.indirect_vreg.gather [hbm4b:s5+s2], $0x80, v29, vm0, $0xb8;
	[tilespmem:$0x18200] =	vst v63  }
0x96e: {  	s26 =	simm.s32 $0xCD00;
	v29 =	vadd.s32 v4, v30;
	v30 =	vperm.xlane v26, v11  }
0x96f: {  	[tilespmem:s26], [sflag:$0x1] =	stream.indirect_vreg.gather [hbm4b:s5+s2], $0x80, v27, vm0, $0xb8;
	[tilespmem:$0x18200] =	vst v63  }
0x970: {  	s25 =	simm.s32 $0xCD80;
	v27 =	vadd.s32 v4, v30;
	v30 =	vperm.xlane v26, v12  }
0x971: {  	[tilespmem:s25], [sflag:$0x1] =	stream.indirect_vreg.gather [hbm4b:s5+s2], $0x80, v28, vm0, $0xb8;
	[tilespmem:$0x18200] =	vst v63  }
0x972: {  	s26 =	simm.s32 $0xCE00;
	v28 =	vadd.s32 v4, v30;
	v30 =	vperm.xlane v26, v13  }
0x973: {  	[tilespmem:s26], [sflag:$0x1] =	stream.indirect_vreg.gather [hbm4b:s5+s2], $0x80, v29, vm0, $0xb8;
	[tilespmem:$0x18200] =	vst v63  }
0x974: {  	s25 =	simm.s32 $0xCE80;
	v29 =	vadd.s32 v4, v30;
	v30 =	vperm.xlane v26, v14  }
0x975: {  	[tilespmem:s25], [sflag:$0x1] =	stream.indirect_vreg.gather [hbm4b:s5+s2], $0x80, v27, vm0, $0xb8;
	[tilespmem:$0x18200] =	vst v63  }
0x976: {  	s26 =	simm.s32 $0xCF00;
	v27 =	vadd.s32 v4, v30;
	v30 =	vperm.xlane v26, v15  }
0x977: {  	[tilespmem:s26], [sflag:$0x1] =	stream.indirect_vreg.gather [hbm4b:s5+s2], $0x80, v28, vm0, $0xb8;
	[tilespmem:$0x18200] =	vst v63  }
0x978: {  	s25 =	simm.s32 $0xCF80;
	v28 =	vadd.s32 v4, v30;
	v30 =	vperm.xlane v26, v16  }
0x979: {  	[tilespmem:s25], [sflag:$0x1] =	stream.indirect_vreg.gather [hbm4b:s5+s2], $0x80, v29, vm0, $0xb8;
	[tilespmem:$0x18200] =	vst v63  }
0x97a: {  	v26 =	vperm.xlane v26, v17;
	s26 =	simm.s32 $0xD000;
	v29 =	vadd.s32 v4, v30  }
0x97b: {  	[tilespmem:s26], [sflag:$0x1] =	stream.indirect_vreg.gather [hbm4b:s5+s2], $0x80, v27, vm0, $0xb8;
	[tilespmem:$0x18200] =	vst v63  }
0x97c: {  	v26 =	vadd.s32 v4, v26;
	s25 =	simm.s32 $0xD080  }
0x97d: {  	[tilespmem:s25], [sflag:$0x1] =	stream.indirect_vreg.gather [hbm4b:s5+s2], $0x80, v28, vm0, $0xb8;
	[tilespmem:$0x18200] =	vst v63  }
0x97e: {  	s26 =	simm.s32 $0xD100  }
0x97f: {  	[tilespmem:s26], [sflag:$0x1] =	stream.indirect_vreg.gather [hbm4b:s5+s2], $0x80, v29, vm0, $0xb8;
	[tilespmem:$0x18200] =	vst v63  }
0x980: {  	s25 =	simm.s32 $0xD180  }
0x981: {  	[tilespmem:s25], [sflag:$0x1] =	stream.indirect_vreg.gather [hbm4b:s5+s2], $0x80, v26, vm0, $0xb8;
	[tilespmem:$0x18200] =	vst v63  }
0x982: {  	v26 =	vld [tilespmem:$0x1A0];
	_ =	sdelay $0x4  }
0x983: {  	v27 =	vshll.u32 v26, $0x1  }
0x984: {  	v26 =	vand.u32 $0x7, v26;
	v27 =	vand.u32 $0xFFFFFFF0, v27  }
0x985: {  	v26 =	vor.u32 v26, v27  }
0x986: {  	v27 =	vperm.xlane v26, v2;
	_ =	sdelay $0x1  }
0x987: {  	v28 =	vperm.xlane v26, v1;
	v27 =	vadd.s32 v4, v27;
	_ =	sdelay $0x1  }
0x988: {  	v29 =	vperm.xlane v26, v5;
	v28 =	vadd.s32 v4, v28;
	_ =	sdelay $0x1  }
0x989: {  	s26 =	simm.s32 $0xD200;
	v30 =	vperm.xlane v26, v6;
	v29 =	vadd.s32 v4, v29  }
0x98a: {  	[tilespmem:s26], [sflag:$0x1] =	stream.indirect_vreg.gather [hbm4b:s5+s2], $0x80, v27, vm0, $0xb8;
	[tilespmem:$0x18200] =	vst v63  }
0x98b: {  	s25 =	simm.s32 $0xD280;
	v27 =	vadd.s32 v4, v30;
	v30 =	vperm.xlane v26, v7  }
0x98c: {  	[tilespmem:s25], [sflag:$0x1] =	stream.indirect_vreg.gather [hbm4b:s5+s2], $0x80, v28, vm0, $0xb8;
	[tilespmem:$0x18200] =	vst v63  }
0x98d: {  	s26 =	simm.s32 $0xD300;
	v28 =	vadd.s32 v4, v30;
	v30 =	vperm.xlane v26, v8  }
0x98e: {  	[tilespmem:s26], [sflag:$0x1] =	stream.indirect_vreg.gather [hbm4b:s5+s2], $0x80, v29, vm0, $0xb8;
	[tilespmem:$0x18200] =	vst v63  }
0x98f: {  	s25 =	simm.s32 $0xD380;
	v29 =	vadd.s32 v4, v30;
	v30 =	vperm.xlane v26, v9  }
0x990: {  	[tilespmem:s25], [sflag:$0x1] =	stream.indirect_vreg.gather [hbm4b:s5+s2], $0x80, v27, vm0, $0xb8;
	[tilespmem:$0x18200] =	vst v63  }
0x991: {  	s26 =	simm.s32 $0xD400;
	v27 =	vadd.s32 v4, v30;
	v30 =	vperm.xlane v26, v0  }
0x992: {  	[tilespmem:s26], [sflag:$0x1] =	stream.indirect_vreg.gather [hbm4b:s5+s2], $0x80, v28, vm0, $0xb8;
	[tilespmem:$0x18200] =	vst v63  }
0x993: {  	s25 =	simm.s32 $0xD480;
	v28 =	vadd.s32 v4, v30;
	v30 =	vperm.xlane v26, v10  }
0x994: {  	[tilespmem:s25], [sflag:$0x1] =	stream.indirect_vreg.gather [hbm4b:s5+s2], $0x80, v29, vm0, $0xb8;
	[tilespmem:$0x18200] =	vst v63  }
0x995: {  	s26 =	simm.s32 $0xD500;
	v29 =	vadd.s32 v4, v30;
	v30 =	vperm.xlane v26, v11  }
0x996: {  	[tilespmem:s26], [sflag:$0x1] =	stream.indirect_vreg.gather [hbm4b:s5+s2], $0x80, v27, vm0, $0xb8;
	[tilespmem:$0x18200] =	vst v63  }
0x997: {  	s25 =	simm.s32 $0xD580;
	v27 =	vadd.s32 v4, v30;
	v30 =	vperm.xlane v26, v12  }
0x998: {  	[tilespmem:s25], [sflag:$0x1] =	stream.indirect_vreg.gather [hbm4b:s5+s2], $0x80, v28, vm0, $0xb8;
	[tilespmem:$0x18200] =	vst v63  }
0x999: {  	s26 =	simm.s32 $0xD600;
	v28 =	vadd.s32 v4, v30;
	v30 =	vperm.xlane v26, v13  }
0x99a: {  	[tilespmem:s26], [sflag:$0x1] =	stream.indirect_vreg.gather [hbm4b:s5+s2], $0x80, v29, vm0, $0xb8;
	[tilespmem:$0x18200] =	vst v63  }
0x99b: {  	s25 =	simm.s32 $0xD680;
	v29 =	vadd.s32 v4, v30;
	v30 =	vperm.xlane v26, v14  }
0x99c: {  	[tilespmem:s25], [sflag:$0x1] =	stream.indirect_vreg.gather [hbm4b:s5+s2], $0x80, v27, vm0, $0xb8;
	[tilespmem:$0x18200] =	vst v63  }
0x99d: {  	s26 =	simm.s32 $0xD700;
	v27 =	vadd.s32 v4, v30;
	v30 =	vperm.xlane v26, v15  }
0x99e: {  	[tilespmem:s26], [sflag:$0x1] =	stream.indirect_vreg.gather [hbm4b:s5+s2], $0x80, v28, vm0, $0xb8;
	[tilespmem:$0x18200] =	vst v63  }
0x99f: {  	s25 =	simm.s32 $0xD780;
	v28 =	vadd.s32 v4, v30;
	v30 =	vperm.xlane v26, v16  }
0x9a0: {  	[tilespmem:s25], [sflag:$0x1] =	stream.indirect_vreg.gather [hbm4b:s5+s2], $0x80, v29, vm0, $0xb8;
	[tilespmem:$0x18200] =	vst v63  }
0x9a1: {  	v26 =	vperm.xlane v26, v17;
	s26 =	simm.s32 $0xD800;
	v29 =	vadd.s32 v4, v30  }
0x9a2: {  	[tilespmem:s26], [sflag:$0x1] =	stream.indirect_vreg.gather [hbm4b:s5+s2], $0x80, v27, vm0, $0xb8;
	[tilespmem:$0x18200] =	vst v63  }
0x9a3: {  	v26 =	vadd.s32 v4, v26;
	s25 =	simm.s32 $0xD880  }
0x9a4: {  	[tilespmem:s25], [sflag:$0x1] =	stream.indirect_vreg.gather [hbm4b:s5+s2], $0x80, v28, vm0, $0xb8;
	[tilespmem:$0x18200] =	vst v63  }
0x9a5: {  	s26 =	simm.s32 $0xD900  }
0x9a6: {  	[tilespmem:s26], [sflag:$0x1] =	stream.indirect_vreg.gather [hbm4b:s5+s2], $0x80, v29, vm0, $0xb8;
	[tilespmem:$0x18200] =	vst v63  }
0x9a7: {  	s25 =	simm.s32 $0xD980  }
0x9a8: {  	[tilespmem:s25], [sflag:$0x1] =	stream.indirect_vreg.gather [hbm4b:s5+s2], $0x80, v26, vm0, $0xb8;
	[tilespmem:$0x18200] =	vst v63  }
0x9a9: {  	v26 =	vld [tilespmem:$0x1B0];
	_ =	sdelay $0x4  }
0x9aa: {  	v27 =	vshll.u32 v26, $0x1  }
0x9ab: {  	v26 =	vand.u32 $0x7, v26;
	v27 =	vand.u32 $0xFFFFFFF0, v27  }
0x9ac: {  	v26 =	vor.u32 v26, v27  }
0x9ad: {  	v27 =	vperm.xlane v26, v2;
	_ =	sdelay $0x1  }
0x9ae: {  	v28 =	vperm.xlane v26, v1;
	v27 =	vadd.s32 v4, v27;
	_ =	sdelay $0x1  }
0x9af: {  	v29 =	vperm.xlane v26, v5;
	v28 =	vadd.s32 v4, v28;
	_ =	sdelay $0x1  }
0x9b0: {  	s26 =	simm.s32 $0xDA00;
	v30 =	vperm.xlane v26, v6;
	v29 =	vadd.s32 v4, v29  }
0x9b1: {  	[tilespmem:s26], [sflag:$0x1] =	stream.indirect_vreg.gather [hbm4b:s5+s2], $0x80, v27, vm0, $0xb8;
	[tilespmem:$0x18200] =	vst v63  }
0x9b2: {  	s25 =	simm.s32 $0xDA80;
	v27 =	vadd.s32 v4, v30;
	v30 =	vperm.xlane v26, v7  }
0x9b3: {  	[tilespmem:s25], [sflag:$0x1] =	stream.indirect_vreg.gather [hbm4b:s5+s2], $0x80, v28, vm0, $0xb8;
	[tilespmem:$0x18200] =	vst v63  }
0x9b4: {  	s26 =	simm.s32 $0xDB00;
	v28 =	vadd.s32 v4, v30;
	v30 =	vperm.xlane v26, v8  }
0x9b5: {  	[tilespmem:s26], [sflag:$0x1] =	stream.indirect_vreg.gather [hbm4b:s5+s2], $0x80, v29, vm0, $0xb8;
	[tilespmem:$0x18200] =	vst v63  }
0x9b6: {  	s25 =	simm.s32 $0xDB80;
	v29 =	vadd.s32 v4, v30;
	v30 =	vperm.xlane v26, v9  }
0x9b7: {  	[tilespmem:s25], [sflag:$0x1] =	stream.indirect_vreg.gather [hbm4b:s5+s2], $0x80, v27, vm0, $0xb8;
	[tilespmem:$0x18200] =	vst v63  }
0x9b8: {  	s26 =	simm.s32 $0xDC00;
	v27 =	vadd.s32 v4, v30;
	v30 =	vperm.xlane v26, v0  }
0x9b9: {  	[tilespmem:s26], [sflag:$0x1] =	stream.indirect_vreg.gather [hbm4b:s5+s2], $0x80, v28, vm0, $0xb8;
	[tilespmem:$0x18200] =	vst v63  }
0x9ba: {  	s25 =	simm.s32 $0xDC80;
	v28 =	vadd.s32 v4, v30;
	v30 =	vperm.xlane v26, v10  }
0x9bb: {  	[tilespmem:s25], [sflag:$0x1] =	stream.indirect_vreg.gather [hbm4b:s5+s2], $0x80, v29, vm0, $0xb8;
	[tilespmem:$0x18200] =	vst v63  }
0x9bc: {  	s26 =	simm.s32 $0xDD00;
	v29 =	vadd.s32 v4, v30;
	v30 =	vperm.xlane v26, v11  }
0x9bd: {  	[tilespmem:s26], [sflag:$0x1] =	stream.indirect_vreg.gather [hbm4b:s5+s2], $0x80, v27, vm0, $0xb8;
	[tilespmem:$0x18200] =	vst v63  }
0x9be: {  	s25 =	simm.s32 $0xDD80;
	v27 =	vadd.s32 v4, v30;
	v30 =	vperm.xlane v26, v12  }
0x9bf: {  	[tilespmem:s25], [sflag:$0x1] =	stream.indirect_vreg.gather [hbm4b:s5+s2], $0x80, v28, vm0, $0xb8;
	[tilespmem:$0x18200] =	vst v63  }
0x9c0: {  	s26 =	simm.s32 $0xDE00;
	v28 =	vadd.s32 v4, v30;
	v30 =	vperm.xlane v26, v13  }
0x9c1: {  	[tilespmem:s26], [sflag:$0x1] =	stream.indirect_vreg.gather [hbm4b:s5+s2], $0x80, v29, vm0, $0xb8;
	[tilespmem:$0x18200] =	vst v63  }
0x9c2: {  	s25 =	simm.s32 $0xDE80;
	v29 =	vadd.s32 v4, v30;
	v30 =	vperm.xlane v26, v14  }
0x9c3: {  	[tilespmem:s25], [sflag:$0x1] =	stream.indirect_vreg.gather [hbm4b:s5+s2], $0x80, v27, vm0, $0xb8;
	[tilespmem:$0x18200] =	vst v63  }
0x9c4: {  	s26 =	simm.s32 $0xDF00;
	v27 =	vadd.s32 v4, v30;
	v30 =	vperm.xlane v26, v15  }
0x9c5: {  	[tilespmem:s26], [sflag:$0x1] =	stream.indirect_vreg.gather [hbm4b:s5+s2], $0x80, v28, vm0, $0xb8;
	[tilespmem:$0x18200] =	vst v63  }
0x9c6: {  	s25 =	simm.s32 $0xDF80;
	v28 =	vadd.s32 v4, v30;
	v30 =	vperm.xlane v26, v16  }
0x9c7: {  	[tilespmem:s25], [sflag:$0x1] =	stream.indirect_vreg.gather [hbm4b:s5+s2], $0x80, v29, vm0, $0xb8;
	[tilespmem:$0x18200] =	vst v63  }
0x9c8: {  	v26 =	vperm.xlane v26, v17;
	s26 =	simm.s32 $0xE000;
	v29 =	vadd.s32 v4, v30  }
0x9c9: {  	[tilespmem:s26], [sflag:$0x1] =	stream.indirect_vreg.gather [hbm4b:s5+s2], $0x80, v27, vm0, $0xb8;
	[tilespmem:$0x18200] =	vst v63  }
0x9ca: {  	v26 =	vadd.s32 v4, v26;
	s25 =	simm.s32 $0xE080  }
0x9cb: {  	[tilespmem:s25], [sflag:$0x1] =	stream.indirect_vreg.gather [hbm4b:s5+s2], $0x80, v28, vm0, $0xb8;
	[tilespmem:$0x18200] =	vst v63  }
0x9cc: {  	s26 =	simm.s32 $0xE100  }
0x9cd: {  	[tilespmem:s26], [sflag:$0x1] =	stream.indirect_vreg.gather [hbm4b:s5+s2], $0x80, v29, vm0, $0xb8;
	[tilespmem:$0x18200] =	vst v63  }
0x9ce: {  	s25 =	simm.s32 $0xE180  }
0x9cf: {  	[tilespmem:s25], [sflag:$0x1] =	stream.indirect_vreg.gather [hbm4b:s5+s2], $0x80, v26, vm0, $0xb8;
	[tilespmem:$0x18200] =	vst v63  }
0x9d0: {  	v26 =	vld [tilespmem:$0x1C0];
	_ =	sdelay $0x4  }
0x9d1: {  	v27 =	vshll.u32 v26, $0x1  }
0x9d2: {  	v26 =	vand.u32 $0x7, v26;
	v27 =	vand.u32 $0xFFFFFFF0, v27  }
0x9d3: {  	v26 =	vor.u32 v26, v27  }
0x9d4: {  	v27 =	vperm.xlane v26, v2;
	_ =	sdelay $0x1  }
0x9d5: {  	v28 =	vperm.xlane v26, v1;
	v27 =	vadd.s32 v4, v27;
	_ =	sdelay $0x1  }
0x9d6: {  	v29 =	vperm.xlane v26, v5;
	v28 =	vadd.s32 v4, v28;
	_ =	sdelay $0x1  }
0x9d7: {  	s26 =	simm.s32 $0xE200;
	v30 =	vperm.xlane v26, v6;
	v29 =	vadd.s32 v4, v29  }
0x9d8: {  	[tilespmem:s26], [sflag:$0x1] =	stream.indirect_vreg.gather [hbm4b:s5+s2], $0x80, v27, vm0, $0xb8;
	[tilespmem:$0x18200] =	vst v63  }
0x9d9: {  	s25 =	simm.s32 $0xE280;
	v27 =	vadd.s32 v4, v30;
	v30 =	vperm.xlane v26, v7  }
0x9da: {  	[tilespmem:s25], [sflag:$0x1] =	stream.indirect_vreg.gather [hbm4b:s5+s2], $0x80, v28, vm0, $0xb8;
	[tilespmem:$0x18200] =	vst v63  }
0x9db: {  	s26 =	simm.s32 $0xE300;
	v28 =	vadd.s32 v4, v30;
	v30 =	vperm.xlane v26, v8  }
0x9dc: {  	[tilespmem:s26], [sflag:$0x1] =	stream.indirect_vreg.gather [hbm4b:s5+s2], $0x80, v29, vm0, $0xb8;
	[tilespmem:$0x18200] =	vst v63  }
0x9dd: {  	s25 =	simm.s32 $0xE380;
	v29 =	vadd.s32 v4, v30;
	v30 =	vperm.xlane v26, v9  }
0x9de: {  	[tilespmem:s25], [sflag:$0x1] =	stream.indirect_vreg.gather [hbm4b:s5+s2], $0x80, v27, vm0, $0xb8;
	[tilespmem:$0x18200] =	vst v63  }
0x9df: {  	s26 =	simm.s32 $0xE400;
	v27 =	vadd.s32 v4, v30;
	v30 =	vperm.xlane v26, v0  }
0x9e0: {  	[tilespmem:s26], [sflag:$0x1] =	stream.indirect_vreg.gather [hbm4b:s5+s2], $0x80, v28, vm0, $0xb8;
	[tilespmem:$0x18200] =	vst v63  }
0x9e1: {  	s25 =	simm.s32 $0xE480;
	v28 =	vadd.s32 v4, v30;
	v30 =	vperm.xlane v26, v10  }
0x9e2: {  	[tilespmem:s25], [sflag:$0x1] =	stream.indirect_vreg.gather [hbm4b:s5+s2], $0x80, v29, vm0, $0xb8;
	[tilespmem:$0x18200] =	vst v63  }
0x9e3: {  	s26 =	simm.s32 $0xE500;
	v29 =	vadd.s32 v4, v30;
	v30 =	vperm.xlane v26, v11  }
0x9e4: {  	[tilespmem:s26], [sflag:$0x1] =	stream.indirect_vreg.gather [hbm4b:s5+s2], $0x80, v27, vm0, $0xb8;
	[tilespmem:$0x18200] =	vst v63  }
0x9e5: {  	s25 =	simm.s32 $0xE580;
	v27 =	vadd.s32 v4, v30;
	v30 =	vperm.xlane v26, v12  }
0x9e6: {  	[tilespmem:s25], [sflag:$0x1] =	stream.indirect_vreg.gather [hbm4b:s5+s2], $0x80, v28, vm0, $0xb8;
	[tilespmem:$0x18200] =	vst v63  }
0x9e7: {  	s26 =	simm.s32 $0xE600;
	v28 =	vadd.s32 v4, v30;
	v30 =	vperm.xlane v26, v13  }
0x9e8: {  	[tilespmem:s26], [sflag:$0x1] =	stream.indirect_vreg.gather [hbm4b:s5+s2], $0x80, v29, vm0, $0xb8;
	[tilespmem:$0x18200] =	vst v63  }
0x9e9: {  	s25 =	simm.s32 $0xE680;
	v29 =	vadd.s32 v4, v30;
	v30 =	vperm.xlane v26, v14  }
0x9ea: {  	[tilespmem:s25], [sflag:$0x1] =	stream.indirect_vreg.gather [hbm4b:s5+s2], $0x80, v27, vm0, $0xb8;
	[tilespmem:$0x18200] =	vst v63  }
0x9eb: {  	s26 =	simm.s32 $0xE700;
	v27 =	vadd.s32 v4, v30;
	v30 =	vperm.xlane v26, v15  }
0x9ec: {  	[tilespmem:s26], [sflag:$0x1] =	stream.indirect_vreg.gather [hbm4b:s5+s2], $0x80, v28, vm0, $0xb8;
	[tilespmem:$0x18200] =	vst v63  }
0x9ed: {  	s25 =	simm.s32 $0xE780;
	v28 =	vadd.s32 v4, v30;
	v30 =	vperm.xlane v26, v16  }
0x9ee: {  	[tilespmem:s25], [sflag:$0x1] =	stream.indirect_vreg.gather [hbm4b:s5+s2], $0x80, v29, vm0, $0xb8;
	[tilespmem:$0x18200] =	vst v63  }
0x9ef: {  	v26 =	vperm.xlane v26, v17;
	s26 =	simm.s32 $0xE800;
	v29 =	vadd.s32 v4, v30  }
0x9f0: {  	[tilespmem:s26], [sflag:$0x1] =	stream.indirect_vreg.gather [hbm4b:s5+s2], $0x80, v27, vm0, $0xb8;
	[tilespmem:$0x18200] =	vst v63  }
0x9f1: {  	v26 =	vadd.s32 v4, v26;
	s25 =	simm.s32 $0xE880  }
0x9f2: {  	[tilespmem:s25], [sflag:$0x1] =	stream.indirect_vreg.gather [hbm4b:s5+s2], $0x80, v28, vm0, $0xb8;
	[tilespmem:$0x18200] =	vst v63  }
0x9f3: {  	s26 =	simm.s32 $0xE900  }
0x9f4: {  	[tilespmem:s26], [sflag:$0x1] =	stream.indirect_vreg.gather [hbm4b:s5+s2], $0x80, v29, vm0, $0xb8;
	[tilespmem:$0x18200] =	vst v63  }
0x9f5: {  	s25 =	simm.s32 $0xE980  }
0x9f6: {  	[tilespmem:s25], [sflag:$0x1] =	stream.indirect_vreg.gather [hbm4b:s5+s2], $0x80, v26, vm0, $0xb8;
	[tilespmem:$0x18200] =	vst v63  }
0x9f7: {  	v26 =	vld [tilespmem:$0x1D0];
	_ =	sdelay $0x4  }
0x9f8: {  	v27 =	vshll.u32 v26, $0x1  }
0x9f9: {  	v26 =	vand.u32 $0x7, v26;
	v27 =	vand.u32 $0xFFFFFFF0, v27  }
0x9fa: {  	v26 =	vor.u32 v26, v27  }
0x9fb: {  	v27 =	vperm.xlane v26, v2;
	_ =	sdelay $0x1  }
0x9fc: {  	v28 =	vperm.xlane v26, v1;
	v27 =	vadd.s32 v4, v27;
	_ =	sdelay $0x1  }
0x9fd: {  	v29 =	vperm.xlane v26, v5;
	v28 =	vadd.s32 v4, v28;
	_ =	sdelay $0x1  }
0x9fe: {  	s26 =	simm.s32 $0xEA00;
	v30 =	vperm.xlane v26, v6;
	v29 =	vadd.s32 v4, v29  }
0x9ff: {  	[tilespmem:s26], [sflag:$0x1] =	stream.indirect_vreg.gather [hbm4b:s5+s2], $0x80, v27, vm0, $0xb8;
	[tilespmem:$0x18200] =	vst v63  }
0xa00: {  	s25 =	simm.s32 $0xEA80;
	v27 =	vadd.s32 v4, v30;
	v30 =	vperm.xlane v26, v7  }
0xa01: {  	[tilespmem:s25], [sflag:$0x1] =	stream.indirect_vreg.gather [hbm4b:s5+s2], $0x80, v28, vm0, $0xb8;
	[tilespmem:$0x18200] =	vst v63  }
0xa02: {  	s26 =	simm.s32 $0xEB00;
	v28 =	vadd.s32 v4, v30;
	v30 =	vperm.xlane v26, v8  }
0xa03: {  	[tilespmem:s26], [sflag:$0x1] =	stream.indirect_vreg.gather [hbm4b:s5+s2], $0x80, v29, vm0, $0xb8;
	[tilespmem:$0x18200] =	vst v63  }
0xa04: {  	s25 =	simm.s32 $0xEB80;
	v29 =	vadd.s32 v4, v30;
	v30 =	vperm.xlane v26, v9  }
0xa05: {  	[tilespmem:s25], [sflag:$0x1] =	stream.indirect_vreg.gather [hbm4b:s5+s2], $0x80, v27, vm0, $0xb8;
	[tilespmem:$0x18200] =	vst v63  }
0xa06: {  	s26 =	simm.s32 $0xEC00;
	v27 =	vadd.s32 v4, v30;
	v30 =	vperm.xlane v26, v0  }
0xa07: {  	[tilespmem:s26], [sflag:$0x1] =	stream.indirect_vreg.gather [hbm4b:s5+s2], $0x80, v28, vm0, $0xb8;
	[tilespmem:$0x18200] =	vst v63  }
0xa08: {  	s25 =	simm.s32 $0xEC80;
	v28 =	vadd.s32 v4, v30;
	v30 =	vperm.xlane v26, v10  }
0xa09: {  	[tilespmem:s25], [sflag:$0x1] =	stream.indirect_vreg.gather [hbm4b:s5+s2], $0x80, v29, vm0, $0xb8;
	[tilespmem:$0x18200] =	vst v63  }
0xa0a: {  	s26 =	simm.s32 $0xED00;
	v29 =	vadd.s32 v4, v30;
	v30 =	vperm.xlane v26, v11  }
0xa0b: {  	[tilespmem:s26], [sflag:$0x1] =	stream.indirect_vreg.gather [hbm4b:s5+s2], $0x80, v27, vm0, $0xb8;
	[tilespmem:$0x18200] =	vst v63  }
0xa0c: {  	s25 =	simm.s32 $0xED80;
	v27 =	vadd.s32 v4, v30;
	v30 =	vperm.xlane v26, v12  }
0xa0d: {  	[tilespmem:s25], [sflag:$0x1] =	stream.indirect_vreg.gather [hbm4b:s5+s2], $0x80, v28, vm0, $0xb8;
	[tilespmem:$0x18200] =	vst v63  }
0xa0e: {  	s26 =	simm.s32 $0xEE00;
	v28 =	vadd.s32 v4, v30;
	v30 =	vperm.xlane v26, v13  }
0xa0f: {  	[tilespmem:s26], [sflag:$0x1] =	stream.indirect_vreg.gather [hbm4b:s5+s2], $0x80, v29, vm0, $0xb8;
	[tilespmem:$0x18200] =	vst v63  }
0xa10: {  	s25 =	simm.s32 $0xEE80;
	v29 =	vadd.s32 v4, v30;
	v30 =	vperm.xlane v26, v14  }
0xa11: {  	[tilespmem:s25], [sflag:$0x1] =	stream.indirect_vreg.gather [hbm4b:s5+s2], $0x80, v27, vm0, $0xb8;
	[tilespmem:$0x18200] =	vst v63  }
0xa12: {  	s26 =	simm.s32 $0xEF00;
	v27 =	vadd.s32 v4, v30;
	v30 =	vperm.xlane v26, v15  }
0xa13: {  	[tilespmem:s26], [sflag:$0x1] =	stream.indirect_vreg.gather [hbm4b:s5+s2], $0x80, v28, vm0, $0xb8;
	[tilespmem:$0x18200] =	vst v63  }
0xa14: {  	s25 =	simm.s32 $0xEF80;
	v28 =	vadd.s32 v4, v30;
	v30 =	vperm.xlane v26, v16  }
0xa15: {  	[tilespmem:s25], [sflag:$0x1] =	stream.indirect_vreg.gather [hbm4b:s5+s2], $0x80, v29, vm0, $0xb8;
	[tilespmem:$0x18200] =	vst v63  }
0xa16: {  	v26 =	vperm.xlane v26, v17;
	s26 =	simm.s32 $0xF000;
	v29 =	vadd.s32 v4, v30  }
0xa17: {  	[tilespmem:s26], [sflag:$0x1] =	stream.indirect_vreg.gather [hbm4b:s5+s2], $0x80, v27, vm0, $0xb8;
	[tilespmem:$0x18200] =	vst v63  }
0xa18: {  	v26 =	vadd.s32 v4, v26;
	s25 =	simm.s32 $0xF080  }
0xa19: {  	[tilespmem:s25], [sflag:$0x1] =	stream.indirect_vreg.gather [hbm4b:s5+s2], $0x80, v28, vm0, $0xb8;
	[tilespmem:$0x18200] =	vst v63  }
0xa1a: {  	s26 =	simm.s32 $0xF100  }
0xa1b: {  	[tilespmem:s26], [sflag:$0x1] =	stream.indirect_vreg.gather [hbm4b:s5+s2], $0x80, v29, vm0, $0xb8;
	[tilespmem:$0x18200] =	vst v63  }
0xa1c: {  	s25 =	simm.s32 $0xF180  }
0xa1d: {  	[tilespmem:s25], [sflag:$0x1] =	stream.indirect_vreg.gather [hbm4b:s5+s2], $0x80, v26, vm0, $0xb8;
	[tilespmem:$0x18200] =	vst v63  }
0xa1e: {  	v26 =	vld [tilespmem:$0x1E0];
	_ =	sdelay $0x4  }
0xa1f: {  	v27 =	vshll.u32 v26, $0x1  }
0xa20: {  	v26 =	vand.u32 $0x7, v26;
	v27 =	vand.u32 $0xFFFFFFF0, v27  }
0xa21: {  	v26 =	vor.u32 v26, v27  }
0xa22: {  	v27 =	vperm.xlane v26, v2;
	_ =	sdelay $0x1  }
0xa23: {  	v28 =	vperm.xlane v26, v1;
	v27 =	vadd.s32 v4, v27;
	_ =	sdelay $0x1  }
0xa24: {  	v29 =	vperm.xlane v26, v5;
	v28 =	vadd.s32 v4, v28;
	_ =	sdelay $0x1  }
0xa25: {  	s26 =	simm.s32 $0xF200;
	v30 =	vperm.xlane v26, v6;
	v29 =	vadd.s32 v4, v29  }
0xa26: {  	[tilespmem:s26], [sflag:$0x1] =	stream.indirect_vreg.gather [hbm4b:s5+s2], $0x80, v27, vm0, $0xb8;
	[tilespmem:$0x18200] =	vst v63  }
0xa27: {  	s25 =	simm.s32 $0xF280;
	v27 =	vadd.s32 v4, v30;
	v30 =	vperm.xlane v26, v7  }
0xa28: {  	[tilespmem:s25], [sflag:$0x1] =	stream.indirect_vreg.gather [hbm4b:s5+s2], $0x80, v28, vm0, $0xb8;
	[tilespmem:$0x18200] =	vst v63  }
0xa29: {  	s26 =	simm.s32 $0xF300;
	v28 =	vadd.s32 v4, v30;
	v30 =	vperm.xlane v26, v8  }
0xa2a: {  	[tilespmem:s26], [sflag:$0x1] =	stream.indirect_vreg.gather [hbm4b:s5+s2], $0x80, v29, vm0, $0xb8;
	[tilespmem:$0x18200] =	vst v63  }
0xa2b: {  	s25 =	simm.s32 $0xF380;
	v29 =	vadd.s32 v4, v30;
	v30 =	vperm.xlane v26, v9  }
0xa2c: {  	[tilespmem:s25], [sflag:$0x1] =	stream.indirect_vreg.gather [hbm4b:s5+s2], $0x80, v27, vm0, $0xb8;
	[tilespmem:$0x18200] =	vst v63  }
0xa2d: {  	s26 =	simm.s32 $0xF400;
	v27 =	vadd.s32 v4, v30;
	v30 =	vperm.xlane v26, v0  }
0xa2e: {  	[tilespmem:s26], [sflag:$0x1] =	stream.indirect_vreg.gather [hbm4b:s5+s2], $0x80, v28, vm0, $0xb8;
	[tilespmem:$0x18200] =	vst v63  }
0xa2f: {  	s25 =	simm.s32 $0xF480;
	v28 =	vadd.s32 v4, v30;
	v30 =	vperm.xlane v26, v10  }
0xa30: {  	[tilespmem:s25], [sflag:$0x1] =	stream.indirect_vreg.gather [hbm4b:s5+s2], $0x80, v29, vm0, $0xb8;
	[tilespmem:$0x18200] =	vst v63  }
0xa31: {  	s26 =	simm.s32 $0xF500;
	v29 =	vadd.s32 v4, v30;
	v30 =	vperm.xlane v26, v11  }
0xa32: {  	[tilespmem:s26], [sflag:$0x1] =	stream.indirect_vreg.gather [hbm4b:s5+s2], $0x80, v27, vm0, $0xb8;
	[tilespmem:$0x18200] =	vst v63  }
0xa33: {  	s25 =	simm.s32 $0xF580;
	v27 =	vadd.s32 v4, v30;
	v30 =	vperm.xlane v26, v12  }
0xa34: {  	[tilespmem:s25], [sflag:$0x1] =	stream.indirect_vreg.gather [hbm4b:s5+s2], $0x80, v28, vm0, $0xb8;
	[tilespmem:$0x18200] =	vst v63  }
0xa35: {  	s26 =	simm.s32 $0xF600;
	v28 =	vadd.s32 v4, v30;
	v30 =	vperm.xlane v26, v13  }
0xa36: {  	[tilespmem:s26], [sflag:$0x1] =	stream.indirect_vreg.gather [hbm4b:s5+s2], $0x80, v29, vm0, $0xb8;
	[tilespmem:$0x18200] =	vst v63  }
0xa37: {  	s25 =	simm.s32 $0xF680;
	v29 =	vadd.s32 v4, v30;
	v30 =	vperm.xlane v26, v14  }
0xa38: {  	[tilespmem:s25], [sflag:$0x1] =	stream.indirect_vreg.gather [hbm4b:s5+s2], $0x80, v27, vm0, $0xb8;
	[tilespmem:$0x18200] =	vst v63  }
0xa39: {  	s26 =	simm.s32 $0xF700;
	v27 =	vadd.s32 v4, v30;
	v30 =	vperm.xlane v26, v15  }
0xa3a: {  	[tilespmem:s26], [sflag:$0x1] =	stream.indirect_vreg.gather [hbm4b:s5+s2], $0x80, v28, vm0, $0xb8;
	[tilespmem:$0x18200] =	vst v63  }
0xa3b: {  	s25 =	simm.s32 $0xF780;
	v28 =	vadd.s32 v4, v30;
	v30 =	vperm.xlane v26, v16  }
0xa3c: {  	[tilespmem:s25], [sflag:$0x1] =	stream.indirect_vreg.gather [hbm4b:s5+s2], $0x80, v29, vm0, $0xb8;
	[tilespmem:$0x18200] =	vst v63  }
0xa3d: {  	v26 =	vperm.xlane v26, v17;
	s26 =	simm.s32 $0xF800;
	v29 =	vadd.s32 v4, v30  }
0xa3e: {  	[tilespmem:s26], [sflag:$0x1] =	stream.indirect_vreg.gather [hbm4b:s5+s2], $0x80, v27, vm0, $0xb8;
	[tilespmem:$0x18200] =	vst v63  }
0xa3f: {  	v26 =	vadd.s32 v4, v26  }
0xa40: {  	[tilespmem:s18], [sflag:$0x1] =	stream.indirect_vreg.gather [hbm4b:s5+s2], $0x80, v28, vm0, $0xb8;
	[tilespmem:$0x18200] =	vst v63  }
0xa41: {  	_ = 	snop  }
0xa42: {  	[tilespmem:s9], [sflag:$0x1] =	stream.indirect_vreg.gather [hbm4b:s5+s2], $0x80, v29, vm0, $0xb8;
	[tilespmem:$0x18200] =	vst v63  }
0xa43: {  	_ = 	snop  }
0xa44: {  	[tilespmem:s10], [sflag:$0x1] =	stream.indirect_vreg.gather [hbm4b:s5+s2], $0x80, v26, vm0, $0xb8;
	[tilespmem:$0x18200] =	vst v63  }
0xa45: {  	v26 =	vld [tilespmem:$0x1F0];
	_ =	sdelay $0x4  }
0xa46: {  	v27 =	vshll.u32 v26, $0x1  }
0xa47: {  	v26 =	vand.u32 $0x7, v26;
	v27 =	vand.u32 $0xFFFFFFF0, v27  }
0xa48: {  	v26 =	vor.u32 v26, v27  }
0xa49: {  	v27 =	vperm.xlane v26, v2;
	_ =	sdelay $0x1  }
0xa4a: {  	v28 =	vperm.xlane v26, v1;
	v27 =	vadd.s32 v4, v27;
	_ =	sdelay $0x1  }
0xa4b: {  	v29 =	vperm.xlane v26, v5;
	v28 =	vadd.s32 v4, v28;
	_ =	sdelay $0x1  }
0xa4c: {  	v30 =	vperm.xlane v26, v6;
	v29 =	vadd.s32 v4, v29  }
0xa4d: {  	[tilespmem:s21], [sflag:$0x1] =	stream.indirect_vreg.gather [hbm4b:s5+s2], $0x80, v27, vm0, $0xb8;
	[tilespmem:$0x18200] =	vst v63  }
0xa4e: {  	v27 =	vadd.s32 v4, v30;
	v30 =	vperm.xlane v26, v7  }
0xa4f: {  	[tilespmem:s22], [sflag:$0x1] =	stream.indirect_vreg.gather [hbm4b:s5+s2], $0x80, v28, vm0, $0xb8;
	[tilespmem:$0x18200] =	vst v63  }
0xa50: {  	v28 =	vadd.s32 v4, v30;
	v30 =	vperm.xlane v26, v8  }
0xa51: {  	[tilespmem:s23], [sflag:$0x1] =	stream.indirect_vreg.gather [hbm4b:s5+s2], $0x80, v29, vm0, $0xb8;
	[tilespmem:$0x18200] =	vst v63  }
0xa52: {  	s25 =	simm.s32 $0xFB80;
	v29 =	vadd.s32 v4, v30;
	v30 =	vperm.xlane v26, v9  }
0xa53: {  	[tilespmem:s25], [sflag:$0x1] =	stream.indirect_vreg.gather [hbm4b:s5+s2], $0x80, v27, vm0, $0xb8;
	[tilespmem:$0x18200] =	vst v63  }
0xa54: {  	v27 =	vadd.s32 v4, v30;
	v30 =	vperm.xlane v26, v0  }
0xa55: {  	[tilespmem:s29], [sflag:$0x1] =	stream.indirect_vreg.gather [hbm4b:s5+s2], $0x80, v28, vm0, $0xb8;
	[tilespmem:$0x18200] =	vst v63  }
0xa56: {  	v28 =	vadd.s32 v4, v30;
	v30 =	vperm.xlane v26, v10  }
0xa57: {  	[tilespmem:s17], [sflag:$0x1] =	stream.indirect_vreg.gather [hbm4b:s5+s2], $0x80, v29, vm0, $0xb8;
	[tilespmem:$0x18200] =	vst v63  }
0xa58: {  	v29 =	vadd.s32 v4, v30;
	v30 =	vperm.xlane v26, v11  }
0xa59: {  	[tilespmem:s8], [sflag:$0x1] =	stream.indirect_vreg.gather [hbm4b:s5+s2], $0x80, v27, vm0, $0xb8;
	[tilespmem:$0x18200] =	vst v63  }
0xa5a: {  	v27 =	vadd.s32 v4, v30;
	v30 =	vperm.xlane v26, v12  }
0xa5b: {  	[tilespmem:s1], [sflag:$0x1] =	stream.indirect_vreg.gather [hbm4b:s5+s2], $0x80, v28, vm0, $0xb8;
	[tilespmem:$0x18200] =	vst v63  }
0xa5c: {  	v28 =	vadd.s32 v4, v30;
	v30 =	vperm.xlane v26, v13  }
0xa5d: {  	[tilespmem:s0], [sflag:$0x1] =	stream.indirect_vreg.gather [hbm4b:s5+s2], $0x80, v29, vm0, $0xb8;
	[tilespmem:$0x18200] =	vst v63  }
0xa5e: {  	v29 =	vadd.s32 v4, v30;
	v30 =	vperm.xlane v26, v14  }
0xa5f: {  	[tilespmem:s6], [sflag:$0x1] =	stream.indirect_vreg.gather [hbm4b:s5+s2], $0x80, v27, vm0, $0xb8;
	[tilespmem:$0x18200] =	vst v63  }
0xa60: {  	s26 =	simm.s32 $0xFF00;
	v27 =	vadd.s32 v4, v30;
	v30 =	vperm.xlane v26, v15  }
0xa61: {  	[tilespmem:s26], [sflag:$0x1] =	stream.indirect_vreg.gather [hbm4b:s5+s2], $0x80, v28, vm0, $0xb8;
	[tilespmem:$0x18200] =	vst v63  }
0xa62: {  	v28 =	vadd.s32 v4, v30;
	v30 =	vperm.xlane v26, v16  }
0xa63: {  	[tilespmem:s4], [sflag:$0x1] =	stream.indirect_vreg.gather [hbm4b:s5+s2], $0x80, v29, vm0, $0xb8;
	[tilespmem:$0x18200] =	vst v63  }
0xa64: {  	s25 =	simm.s32 $0x10000;
	v26 =	vperm.xlane v26, v17;
	v29 =	vadd.s32 v4, v30  }
0xa65: {  	[tilespmem:s25], [sflag:$0x1] =	stream.indirect_vreg.gather [hbm4b:s5+s2], $0x80, v27, vm0, $0xb8;
	[tilespmem:$0x18200] =	vst v63  }
0xa66: {  	s26 =	simm.s32 $0x10080;
	v26 =	vadd.s32 v4, v26  }
0xa67: {  	[tilespmem:s26], [sflag:$0x1] =	stream.indirect_vreg.gather [hbm4b:s5+s2], $0x80, v28, vm0, $0xb8;
	[tilespmem:$0x18200] =	vst v63  }
0xa68: {  	s25 =	simm.s32 $0x10100  }
0xa69: {  	[tilespmem:s25], [sflag:$0x1] =	stream.indirect_vreg.gather [hbm4b:s5+s2], $0x80, v29, vm0, $0xb8;
	[tilespmem:$0x18200] =	vst v63  }
0xa6a: {  	s26 =	simm.s32 $0x10180  }
0xa6b: {  	[tilespmem:s26], [sflag:$0x1] =	stream.indirect_vreg.gather [hbm4b:s5+s2], $0x80, v26, vm0, $0xb8;
	[tilespmem:$0x18200] =	vst v63  }
0xa6c: {  	s25 =	rddreg [dreg:$0xb];
	s26 =	simm.s32 $0x12200  }
0xa6d: {  	[tilespmem:s26], [sflag:$0x1] =	stream.strided.gather [hbm4b:s25+s20], $0x2000, s31, s20, $0x38;
	[tilespmem:$0x18200] =	vst v63  }
0xa6e: {  	_ =	swait.ge [sflag:s11], $0x4000  }
0xa6f: {  	[sflag:s11] =	ssyncset.done $0x0  }
0xa70: {  	[sflag:s11] =	ssyncadd.s32 $0xFFFFC000  }
0xa71: {  	_ =	swait.ge [sflag:s11], $0x4000  }
0xa72: {  	[sflag:s11] =	ssyncset.done $0x0  }
0xa73: {  	[sflag:s11] =	ssyncadd.s32 $0xFFFFC000  }
0xa74: {  	_ =	swait.ge [sflag:s11], $0x2000  }
0xa75: {  	[sflag:s11] =	ssyncset.done $0x0  }
0xa76: {  	[sflag:s11] =	ssyncadd.s32 $0xFFFFE000  }
0xa77: {  	_ =	swait.ge [sflag:s24], $0x2000  }
0xa78: {  	[sflag:s24] =	ssyncset.done $0x0  }
0xa79: {  	s26 =	simm.s32 $0x10240;
	[sflag:s24] =	ssyncadd.s32 $0xFFFFE000  }
0xa7a: {  	v27 =	vld [tilespmem:s26+$0x30];
	_ =	sdelay $0x1  }
0xa7b: {  	v28 =	vld [tilespmem:s26+$0xFFFFFFD0];
	_ =	sdelay $0x1  }
0xa7c: {  	v31 =	vld [tilespmem:s26+$0xFFFFFFE0]  }
0xa7d: {  	v26 =	vand.u32 $0x7F, v27  }
0xa7e: {  	v59 =	vld [tilespmem:s26+$0xFFFFFFF0];
	v26 =	vor.u32 v19, v26  }
0xa7f: {  	v60 =	vld [tilespmem:s26+$0xFFFFFFC0];
	v29 =	vand.u32 $0x7F, v28  }
0xa80: {  	v61 =	vld [tilespmem:s26+$0x0];
	v29 =	vor.u32 v20, v29  }
0xa81: {  	v62 =	vld [tilespmem:s26+$0x10];
	v30 =	vand.u32 $0x7F, v31  }
0xa82: {  	v36 =	vld [tilespmem:s26+$0x20];
	v30 =	vor.u32 v21, v30  }
0xa83: {  	v37 =	vand.u32 $0x7F, v59;
	v38 =	vld.idx.msk [tilespmem:v26+s16+$0x0], $0xffff  }
0xa84: {  	v39 =	vand.u32 $0x7F, v60;
	v37 =	vor.u32 v22, v37;
	v40 =	vld.idx.msk [tilespmem:v26+s7+$0x0], $0xffff  }
0xa85: {  	v39 =	vor.u32 v18, v39;
	v41 =	vld.idx.msk [tilespmem:v29+s16+$0x0], $0xffff  }
0xa86: {  	v42 =	vld.idx.msk [tilespmem:v29+s7+$0x0], $0xffff  }
0xa87: {  	v26 =	vand.u32 $0x7F, v61;
	v43 =	vld.idx.msk [tilespmem:v30+s16+$0x0], $0xffff  }
0xa88: {  	v45 =	vld.idx.msk [tilespmem:v30+s7+$0x0], $0xffff;
	v44 =	vor.u32 v23, v26  }
0xa89: {  	v29 =	vld.idx.msk [tilespmem:v37+s16+$0x0], $0xffff;
	v26 =	vand.u32 $0x7F, v62  }
0xa8a: {  	v30 =	vld.idx.msk [tilespmem:v39+s16+$0x0], $0xffff;
	v26 =	vor.u32 v24, v26  }
0xa8b: {  	vm1 =	vlt.s32 v28, $0x80;
	vm2 =	vlt.s32 v31, $0x80;
	vm5 =	vlt.s32 v27, $0x80;
	v31 =	vld.idx.msk [tilespmem:v39+s7+$0x0], $0xffff  }
0xa8c: {  	s25 =	simm.s32 $0x14240;
	vm4 =	vlt.s32 v59, $0x80;
	vm3 =	vlt.s32 v61, $0x80;
	v32 =	vld.idx.msk [tilespmem:v37+s7+$0x0], $0xffff;
	v27 =	vsel vm5, v38, v40  }
0xa8d: {  	vm6 =	vlt.s32 v62, $0x80;
	vm7 =	vlt.s32 v36, $0x80;
	v63 =	vsel vm2, v43, v45;
	[tilespmem:s25+$0x30] =	vst v27;
	v33 =	vld.idx.msk [tilespmem:v44+s16+$0x0], $0xffff  }
0xa8e: {  	v28 =	vand.u32 $0x7F, v36;
	vm5 =	vlt.s32 v60, $0x80;
	v27 =	vsel vm1, v41, v42;
	v34 =	vld.idx.msk [tilespmem:v44+s7+$0x0], $0xffff;
	[tilespmem:s25+$0xFFFFFFE0] =	vst v63  }
0xa8f: {  	s14 =	simm.s32 $0x0;
	s26 =	simm.s32 $0x102C0;
	vm2 =	vmmov vm6;
	vm1 =	vmmov vm7;
	[tilespmem:s25+$0xFFFFFFD0] =	vst v27;
	v27 =	vor.u32 v25, v28;
	v28 =	vld.idx.msk [tilespmem:v26+s16+$0x0], $0xffff  }
.LBB2_6:
0xa90: {  	v35 =	vld [tilespmem:s26+$0x30]  }
0xa91: {  	s14 =	sadd.s32 $0x8, s14;
	v30 =	vsel vm5, v30, v31;
	v36 =	vld [tilespmem:s26+$0xFFFFFFD0]  }
0xa92: {  	p0 =	slt.u32 s14, $0x1F8;
	v29 =	vsel vm4, v29, v32;
	v31 =	vld [tilespmem:s26+$0xFFFFFFE0];
	[tilespmem:s25+$0xFFFFFFC0] =	vst v30  }
0xa93: {  	v30 =	vld [tilespmem:s26+$0xFFFFFFF0];
	[tilespmem:s25+$0xFFFFFFF0] =	vst v29  }
0xa94: {  	v32 =	vsel vm3, v33, v34;
	v29 =	vld [tilespmem:s26+$0x0]  }
0xa95: {  	v33 =	vld [tilespmem:s26+$0x10];
	v34 =	vand.u32 $0x7F, v35;
	[tilespmem:s25+$0x0] =	vst v32  }
0xa96: {  	vm6 =	vlt.s32 v36, $0x80;
	v32 =	vand.u32 $0x7F, v36;
	v36 =	vld [tilespmem:s26+$0x20];
	v34 =	vor.u32 v19, v34  }
0xa97: {  	v37 =	vld [tilespmem:s26+$0xFFFFFFC0];
	v32 =	vor.u32 v20, v32;
	vm7 =	vlt.s32 v31, $0x80;
	v31 =	vand.u32 $0x7F, v31  }
0xa98: {  	v31 =	vor.u32 v21, v31;
	vm4 =	vlt.s32 v30, $0x80;
	v30 =	vand.u32 $0x7F, v30;
	v38 =	vld.idx.msk [tilespmem:v26+s7+$0x0], $0xffff  }
0xa99: {  	v39 =	vor.u32 v22, v30;
	vm3 =	vlt.s32 v29, $0x80;
	v26 =	vand.u32 $0x7F, v29;
	v29 =	vld.idx.msk [tilespmem:v27+s16+$0x0], $0xffff  }
0xa9a: {  	v40 =	vor.u32 v23, v26;
	vm8 =	vlt.s32 v33, $0x80;
	v26 =	vand.u32 $0x7F, v33;
	v30 =	vld.idx.msk [tilespmem:v27+s7+$0x0], $0xffff  }
0xa9b: {  	v26 =	vor.u32 v24, v26;
	vm9 =	vlt.s32 v36, $0x80;
	v27 =	vand.u32 $0x7F, v36;
	v33 =	vld.idx.msk [tilespmem:v34+s16+$0x0], $0xffff  }
0xa9c: {  	vm5 =	vlt.s32 v37, $0x80;
	v36 =	vand.u32 $0x7F, v37;
	v27 =	vor.u32 v25, v27;
	v34 =	vld.idx.msk [tilespmem:v34+s7+$0x0], $0xffff  }
0xa9d: {  	v36 =	vor.u32 v18, v36;
	v37 =	vld.idx.msk [tilespmem:v32+s16+$0x0], $0xffff  }
0xa9e: {  	v28 =	vsel vm2, v28, v38;
	vm2 =	vmmov vm8;
	v32 =	vld.idx.msk [tilespmem:v32+s7+$0x0], $0xffff  }
0xa9f: {  	v38 =	vld.idx.msk [tilespmem:v31+s16+$0x0], $0xffff;
	[tilespmem:s25+$0x10] =	vst v28  }
0xaa0: {  	v30 =	vsel vm1, v29, v30;
	vm1 =	vmmov vm9;
	v28 =	vld.idx.msk [tilespmem:v31+s7+$0x0], $0xffff  }
0xaa1: {  	vm8 =	vlt.s32 v35, $0x80;
	v29 =	vld.idx.msk [tilespmem:v39+s16+$0x0], $0xffff;
	[tilespmem:s25+$0x20] =	vst v30  }
0xaa2: {  	v33 =	vsel vm8, v33, v34;
	s25 =	sadd.s32 $0x80, s25;
	v30 =	vld.idx.msk [tilespmem:v36+s16+$0x0], $0xffff  }
.Ltmp2:
0xaa3: {  	v31 =	vld.idx.msk [tilespmem:v36+s7+$0x0], $0xffff;
	[tilespmem:s25+$0x30] =	vst v33;
	(pc) =	sbr.rel @p0 .LBB2_6-.Ltmp2, $4  }
0xaa4: {  	v33 =	vsel vm6, v37, v32;
	v32 =	vld.idx.msk [tilespmem:v39+s7+$0x0], $0xffff  }
0xaa5: {  	[tilespmem:s25+$0xFFFFFFD0] =	vst v33;
	v33 =	vld.idx.msk [tilespmem:v40+s16+$0x0], $0xffff  }
0xaa6: {  	v28 =	vsel vm7, v38, v28;
	v34 =	vld.idx.msk [tilespmem:v40+s7+$0x0], $0xffff  }
0xaa7: {  	s26 =	sadd.s32 $0x80, s26;
	[tilespmem:s25+$0xFFFFFFE0] =	vst v28;
	v28 =	vld.idx.msk [tilespmem:v26+s16+$0x0], $0xffff  }
0xaa8: {  	_ =	sdelay $0x3  }
0xaa9: {  	v26 =	vld.idx.msk [tilespmem:v26+s7+$0x0], $0xffff  }
0xaaa: {  	v35 =	vld.idx.msk [tilespmem:v27+s16+$0x0], $0xffff  }
0xaab: {  	v27 =	vld.idx.msk [tilespmem:v27+s7+$0x0], $0xffff  }
0xaac: {  	v30 =	vsel vm5, v30, v31  }
0xaad: {  	[tilespmem:s25+$0xFFFFFFC0] =	vst v30;
	v29 =	vsel vm4, v29, v32  }
0xaae: {  	[tilespmem:s25+$0xFFFFFFF0] =	vst v29;
	v29 =	vsel vm3, v33, v34  }
0xaaf: {  	[tilespmem:s25+$0x0] =	vst v29;
	v26 =	vsel vm2, v28, v26  }
0xab0: {  	[tilespmem:s25+$0x10] =	vst v26;
	v26 =	vsel vm1, v35, v27  }
0xab1: {  	[tilespmem:s25+$0x20] =	vst v26  }
0xab2: {  	s26 =	simm.s32 $0x14200;
	s14 =	rddreg [dreg:$0xc]  }
0xab3: {  	[hbm4b:s14+s20] =	stream.strided.scatter [tilespmem:s26], [sflag:$0x2], $0x2000, s31, s20, $0x38;
	[tilespmem:$0x18200] =	vst v63  }
0xab4: {  	_ =	swait.ge [sflag:s11], $0x4000  }
0xab5: {  	[sflag:s11] =	ssyncset.done $0x0  }
0xab6: {  	[sflag:s11] =	ssyncadd.s32 $0xFFFFC000  }
0xab7: {  	_ =	swait.ge [sflag:s11], $0x4000  }
0xab8: {  	[sflag:s11] =	ssyncset.done $0x0  }
0xab9: {  	[sflag:s11] =	ssyncadd.s32 $0xFFFFC000  }
0xaba: {  	_ =	swait.ge [sflag:s11], $0x2000  }
0xabb: {  	[sflag:s11] =	ssyncset.done $0x0  }
0xabc: {  	[sflag:s11] =	ssyncadd.s32 $0xFFFFE000  }
0xabd: {  	_ =	swait.ge [sflag:s24], $0x2000  }
0xabe: {  	[sflag:s24] =	ssyncset.done $0x0  }
0xabf: {  	s26 =	simm.s32 $0x12270;
	[sflag:s24] =	ssyncadd.s32 $0xFFFFE000  }
0xac0: {  	v27 =	vld [tilespmem:s26+$0x0];
	_ =	sdelay $0x1  }
0xac1: {  	v28 =	vld [tilespmem:s26+$0xFFFFFFA0];
	_ =	sdelay $0x1  }
0xac2: {  	v31 =	vld [tilespmem:s26+$0xFFFFFFB0]  }
0xac3: {  	v26 =	vand.u32 $0x7F, v27  }
0xac4: {  	v59 =	vld [tilespmem:s26+$0xFFFFFFC0];
	v26 =	vor.u32 v19, v26  }
0xac5: {  	v60 =	vld [tilespmem:s26+$0xFFFFFF90];
	v29 =	vand.u32 $0x7F, v28  }
0xac6: {  	v61 =	vld [tilespmem:s26+$0xFFFFFFD0];
	v29 =	vor.u32 v20, v29  }
0xac7: {  	v62 =	vld [tilespmem:s26+$0xFFFFFFE0];
	v30 =	vand.u32 $0x7F, v31  }
0xac8: {  	v36 =	vld [tilespmem:s26+$0xFFFFFFF0];
	v30 =	vor.u32 v21, v30  }
0xac9: {  	v37 =	vand.u32 $0x7F, v59;
	v38 =	vld.idx.msk [tilespmem:v26+s30+$0x0], $0xffff  }
0xaca: {  	v39 =	vand.u32 $0x7F, v60;
	v37 =	vor.u32 v22, v37;
	v40 =	vld.idx.msk [tilespmem:v26+s19+$0x0], $0xffff  }
0xacb: {  	v39 =	vor.u32 v18, v39;
	v41 =	vld.idx.msk [tilespmem:v29+s30+$0x0], $0xffff  }
0xacc: {  	v42 =	vld.idx.msk [tilespmem:v29+s19+$0x0], $0xffff  }
0xacd: {  	v26 =	vand.u32 $0x7F, v61;
	v43 =	vld.idx.msk [tilespmem:v30+s30+$0x0], $0xffff  }
0xace: {  	v45 =	vld.idx.msk [tilespmem:v30+s19+$0x0], $0xffff;
	v44 =	vor.u32 v23, v26  }
0xacf: {  	v29 =	vld.idx.msk [tilespmem:v37+s30+$0x0], $0xffff;
	v26 =	vand.u32 $0x7F, v62  }
0xad0: {  	v30 =	vld.idx.msk [tilespmem:v39+s30+$0x0], $0xffff;
	v26 =	vor.u32 v24, v26  }
0xad1: {  	vm1 =	vlt.s32 v28, $0x80;
	vm2 =	vlt.s32 v31, $0x80;
	vm5 =	vlt.s32 v27, $0x80;
	v31 =	vld.idx.msk [tilespmem:v39+s19+$0x0], $0xffff  }
0xad2: {  	s25 =	simm.s32 $0x16270;
	vm4 =	vlt.s32 v59, $0x80;
	vm3 =	vlt.s32 v61, $0x80;
	v32 =	vld.idx.msk [tilespmem:v37+s19+$0x0], $0xffff;
	v27 =	vsel vm5, v38, v40  }
0xad3: {  	vm6 =	vlt.s32 v62, $0x80;
	vm7 =	vlt.s32 v36, $0x80;
	v63 =	vsel vm2, v43, v45;
	[tilespmem:s25+$0x0] =	vst v27;
	v33 =	vld.idx.msk [tilespmem:v44+s30+$0x0], $0xffff  }
0xad4: {  	v28 =	vand.u32 $0x7F, v36;
	vm5 =	vlt.s32 v60, $0x80;
	v27 =	vsel vm1, v41, v42;
	v34 =	vld.idx.msk [tilespmem:v44+s19+$0x0], $0xffff;
	[tilespmem:s25+$0xFFFFFFB0] =	vst v63  }
0xad5: {  	s14 =	simm.s32 $0x0;
	s26 =	simm.s32 $0x122F0;
	vm2 =	vmmov vm6;
	vm1 =	vmmov vm7;
	[tilespmem:s25+$0xFFFFFFA0] =	vst v27;
	v27 =	vor.u32 v25, v28;
	v28 =	vld.idx.msk [tilespmem:v26+s30+$0x0], $0xffff  }
.LBB2_8:
0xad6: {  	v35 =	vld [tilespmem:s26+$0x0]  }
0xad7: {  	s14 =	sadd.s32 $0x8, s14;
	v30 =	vsel vm5, v30, v31;
	v36 =	vld [tilespmem:s26+$0xFFFFFFA0]  }
0xad8: {  	p0 =	slt.u32 s14, $0x1F8;
	v29 =	vsel vm4, v29, v32;
	v31 =	vld [tilespmem:s26+$0xFFFFFFB0];
	[tilespmem:s25+$0xFFFFFF90] =	vst v30  }
0xad9: {  	v30 =	vld [tilespmem:s26+$0xFFFFFFC0];
	[tilespmem:s25+$0xFFFFFFC0] =	vst v29  }
0xada: {  	v32 =	vsel vm3, v33, v34;
	v29 =	vld [tilespmem:s26+$0xFFFFFFD0]  }
0xadb: {  	v33 =	vld [tilespmem:s26+$0xFFFFFFE0];
	v34 =	vand.u32 $0x7F, v35;
	[tilespmem:s25+$0xFFFFFFD0] =	vst v32  }
0xadc: {  	vm6 =	vlt.s32 v36, $0x80;
	v32 =	vand.u32 $0x7F, v36;
	v36 =	vld [tilespmem:s26+$0xFFFFFFF0];
	v34 =	vor.u32 v19, v34  }
0xadd: {  	v37 =	vld [tilespmem:s26+$0xFFFFFF90];
	v32 =	vor.u32 v20, v32;
	vm7 =	vlt.s32 v31, $0x80;
	v31 =	vand.u32 $0x7F, v31  }
0xade: {  	v31 =	vor.u32 v21, v31;
	vm4 =	vlt.s32 v30, $0x80;
	v30 =	vand.u32 $0x7F, v30;
	v38 =	vld.idx.msk [tilespmem:v26+s19+$0x0], $0xffff  }
0xadf: {  	v39 =	vor.u32 v22, v30;
	vm3 =	vlt.s32 v29, $0x80;
	v26 =	vand.u32 $0x7F, v29;
	v29 =	vld.idx.msk [tilespmem:v27+s30+$0x0], $0xffff  }
0xae0: {  	v40 =	vor.u32 v23, v26;
	vm8 =	vlt.s32 v33, $0x80;
	v26 =	vand.u32 $0x7F, v33;
	v30 =	vld.idx.msk [tilespmem:v27+s19+$0x0], $0xffff  }
0xae1: {  	v26 =	vor.u32 v24, v26;
	vm9 =	vlt.s32 v36, $0x80;
	v27 =	vand.u32 $0x7F, v36;
	v33 =	vld.idx.msk [tilespmem:v34+s30+$0x0], $0xffff  }
0xae2: {  	vm5 =	vlt.s32 v37, $0x80;
	v36 =	vand.u32 $0x7F, v37;
	v27 =	vor.u32 v25, v27;
	v34 =	vld.idx.msk [tilespmem:v34+s19+$0x0], $0xffff  }
0xae3: {  	v36 =	vor.u32 v18, v36;
	v37 =	vld.idx.msk [tilespmem:v32+s30+$0x0], $0xffff  }
0xae4: {  	v28 =	vsel vm2, v28, v38;
	vm2 =	vmmov vm8;
	v32 =	vld.idx.msk [tilespmem:v32+s19+$0x0], $0xffff  }
0xae5: {  	v38 =	vld.idx.msk [tilespmem:v31+s30+$0x0], $0xffff;
	[tilespmem:s25+$0xFFFFFFE0] =	vst v28  }
0xae6: {  	v30 =	vsel vm1, v29, v30;
	vm1 =	vmmov vm9;
	v28 =	vld.idx.msk [tilespmem:v31+s19+$0x0], $0xffff  }
0xae7: {  	vm8 =	vlt.s32 v35, $0x80;
	v29 =	vld.idx.msk [tilespmem:v39+s30+$0x0], $0xffff;
	[tilespmem:s25+$0xFFFFFFF0] =	vst v30  }
0xae8: {  	v33 =	vsel vm8, v33, v34;
	s25 =	sadd.s32 $0x80, s25;
	v30 =	vld.idx.msk [tilespmem:v36+s30+$0x0], $0xffff  }
.Ltmp3:
0xae9: {  	v31 =	vld.idx.msk [tilespmem:v36+s19+$0x0], $0xffff;
	[tilespmem:s25+$0x0] =	vst v33;
	(pc) =	sbr.rel @p0 .LBB2_8-.Ltmp3, $4  }
0xaea: {  	v33 =	vsel vm6, v37, v32;
	v32 =	vld.idx.msk [tilespmem:v39+s19+$0x0], $0xffff  }
0xaeb: {  	[tilespmem:s25+$0xFFFFFFA0] =	vst v33;
	v33 =	vld.idx.msk [tilespmem:v40+s30+$0x0], $0xffff  }
0xaec: {  	v28 =	vsel vm7, v38, v28;
	v34 =	vld.idx.msk [tilespmem:v40+s19+$0x0], $0xffff  }
0xaed: {  	s26 =	sadd.s32 $0x80, s26;
	[tilespmem:s25+$0xFFFFFFB0] =	vst v28;
	v28 =	vld.idx.msk [tilespmem:v26+s30+$0x0], $0xffff  }
0xaee: {  	_ =	sdelay $0x3  }
0xaef: {  	v18 =	vld.idx.msk [tilespmem:v26+s19+$0x0], $0xffff  }
0xaf0: {  	v19 =	vld.idx.msk [tilespmem:v27+s30+$0x0], $0xffff  }
0xaf1: {  	v20 =	vld.idx.msk [tilespmem:v27+s19+$0x0], $0xffff  }
0xaf2: {  	v21 =	vsel vm5, v30, v31  }
0xaf3: {  	[tilespmem:s25+$0xFFFFFF90] =	vst v21;
	v62 =	vsel vm4, v29, v32  }
0xaf4: {  	[tilespmem:s25+$0xFFFFFFC0] =	vst v62;
	v63 =	vsel vm3, v33, v34  }
0xaf5: {  	[tilespmem:s25+$0xFFFFFFD0] =	vst v63;
	v18 =	vsel vm2, v28, v18  }
0xaf6: {  	[tilespmem:s25+$0xFFFFFFE0] =	vst v18;
	v18 =	vsel vm1, v19, v20  }
0xaf7: {  	[tilespmem:s25+$0xFFFFFFF0] =	vst v18  }
0xaf8: {  	s14 =	rddreg [dreg:$0xd]  }
0xaf9: {  	[hbm4b:s14+s20] =	stream.strided.scatter [tilespmem:s12], [sflag:$0x2], $0x2000, s31, s20, $0x38;
	[tilespmem:$0x18200] =	vst v63  }
0xafa: {  	_ =	swait.ge [sflag:s24], $0x2000  }
0xafb: {  	[sflag:s24] =	ssyncset.done $0x0  }
0xafc: {  	[sflag:s24] =	ssyncadd.s32 $0xFFFFE000  }
0xafd: {  	_ =	swait.ge [sflag:s24], $0x2000  }
0xafe: {  	s13 =	sadd.s32 $0x1, s13;
	s26 =	rddreg [dreg:$0xe]  }
0xaff: {  	p0 =	sne.s32 s13, s26  }
.Ltmp4:
0xb00: {  	_ = 	snop;
	(pc) =	sbr.rel @p0 .LBB2_1-.Ltmp4, $3  }
0xb01: {  	_ =	sdelay $0x1  }
0xb02: {  	[sflag:s24] =	ssyncset.done $0x0  }
0xb03: {  	[sflag:s24] =	ssyncadd.s32 $0xFFFFE000  }
0xb04: {  	_ =	sfence.sel $0x180000  }
0xb05: {  	[bflag:$0x0] =	sbarrier.arrive $0xFFFF  }
0xb06: {  	_ =	strace $0x90000047  }
0xb07: {  	s0 =	stileid.u32;
	[bflag:$0x2] =	sbarrier.arrive $0xFFFF  }
0xb08: {  	p0 =	sne.s32 s0, $0x0;
	s0 =	rddreg [dreg:$0x4]  }
0xb09: {  	s0 =	sadd.s32 @!p0 $0x100000, s0  }
0xb0a: {  	[sflag:s0] =	ssyncadd.tile.s32 @!p0 $0x1;
	_ =	shalt  }
.Lfunc_end2:
_tile_overlayer_lowered:
.L_overlay_start_2:
0xb0b: {  	(tag) =	ssettag $0x2  }
0xb0c: {  	s0 =	rddreg [dreg:$0x0];
	s2 =	stileid.u32  }
0xb0d: {  	s1 =	rddreg [dreg:$0x1];
	p0 =	sne.s32 s2, $0x0  }
0xb0e: {  	s3 =	rddreg [dreg:$0x2];
	[bflag:$0x3] =	sbarrier.arrive $0xFFFF;
	s2 =	simm.s32 @!p0 $0x1C03  }
0xb0f: {  	[timem:s3], [sflag:s2] =	dma.local @!p0 [hbm:s0], s1  }
0xb10: {  	s0 =	simm.s32 @!p0 $0x3  }
0xb11: {  	_ =	swait.ge @!p0 [sflag:s0], s1  }
0xb12: {  	s1 =	ssub.s32 @!p0 $0x0, s1;
	[sflag:s0] =	ssyncset.done @!p0 $0x0  }
0xb13: {  	[sflag:s0] =	ssyncadd.s32 @!p0 s1  }
0xb14: {  	[bflag:$0x3] =	sbarrier.arrive $0xFFFF  }
0xb15: {  	_ =	shalt  }

</sc_bundles>
